<compile_context>
chip_gen: v7x
topology: tpu7x:2x2x1
jax: 0.10.2.dev20260603
libtpu: 0.0.44.dev20260713+nightly
codegen_flags: <defaults>
</compile_context>

<pallas_src>
import functools

import jax
import jax.numpy as jnp
import numpy as np
from jax import lax
from jax.experimental import pallas as pl
from jax.experimental.pallas import tpu as pltpu
from jax.experimental.pallas import tpu_sc as plsc

N, F = 65536, 256
SMOOTHNESS_WEIGHT = 0.01
DERIV_MIN = 0.1
DERIV_MAX = 10.0
DERIV_BOUND_WEIGHT = 1.0

NW = 32
COLS_PER_W = F // NW
NQ = 4
QLEN = N // NQ
CHUNK = 4096
NWIN = QLEN // CHUNK
NB = 2048
I32_MIN = np.int32(-2147483648)


def _keys_body(x_ref, k_ref):
    bits = lax.bitcast_convert_type(x_ref[...], jnp.int32)
    m = lax.shift_right_arithmetic(bits, 31)
    keys = bits ^ (m | I32_MIN)
    k_ref[...] = keys.T


def _make_keys(x):
    return pl.pallas_call(
        _keys_body,
        grid=(32,),
        in_specs=[pl.BlockSpec((N // 32, F), lambda i: (i, 0))],
        out_specs=pl.BlockSpec((F, N // 32), lambda i: (0, i)),
        out_shape=jax.ShapeDtypeStruct((F, N), jnp.int32),
    )(x)


def _sc_sort(keys, a, b, c):
    mesh = plsc.VectorSubcoreMesh(core_axis_name="c", subcore_axis_name="s")

    @functools.partial(
        pl.kernel,
        mesh=mesh,
        compiler_params=pltpu.CompilerParams(needs_layout_passes=False),
        out_type=(
            jax.ShapeDtypeStruct((N * F,), jnp.int32),
        ),
        scratch_types=(
            pltpu.VMEM((N + 16,), jnp.int32),
            pltpu.VMEM((NQ * CHUNK,), jnp.int32),
            pltpu.VMEM((NQ * NB,), jnp.int32),
            pltpu.VMEM((NB,), jnp.int32),
            pltpu.VMEM((NB,), jnp.int32),
            pltpu.VMEM((NB,), jnp.int32),
            pltpu.VMEM((NB,), jnp.int32),
        ),
    )
    def sort_kernel(keys_hbm, tmp_hbm,
                    out_v, in_v, hist_v, bq0, bq1, bq2, bq3):
        cid = lax.axis_index("c")
        sid = lax.axis_index("s")
        wid = cid * 16 + sid
        base_refs = (bq0, bq1, bq2, bq3)

        def zero_hist(_k, _):
            hist_v[pl.ds(_k * 16, 16)] = jnp.zeros((16,), jnp.int32)
            return 0

        def prefix_to_bases(_k, carry):
            h0 = hist_v[pl.ds(_k * 16, 16)]
            h1 = hist_v[pl.ds(NB + _k * 16, 16)]
            h2 = hist_v[pl.ds(2 * NB + _k * 16, 16)]
            h3 = hist_v[pl.ds(3 * NB + _k * 16, 16)]
            tot = h0 + h1 + h2 + h3
            s = plsc.cumsum(tot)
            gb = carry + s - tot
            bq0[pl.ds(_k * 16, 16)] = gb
            bq1[pl.ds(_k * 16, 16)] = gb + h0
            bq2[pl.ds(_k * 16, 16)] = gb + h0 + h1
            bq3[pl.ds(_k * 16, 16)] = gb + h0 + h1 + h2
            return carry + jnp.sum(tot, axis=0)

        def hist_add(hd):
            cnt, last = plsc.scan_count(hd)
            plsc.addupdate_scatter(hist_v, [hd], cnt, mask=last)

        def scatter_one(v, d, bref):
            cnt, last = plsc.scan_count(d)
            bse = plsc.load_gather(bref, [d])
            pos = bse + cnt - 1
            plsc.store_scatter(out_v, [pos], v)
            plsc.addupdate_scatter(bref, [d], cnt, mask=last)
            return pos

        def digit0(v):
            return v & 2047

        def digit1(v):
            return lax.shift_right_logical(v, 11) & 2047

        def digit2(v):
            return lax.shift_right_logical(v, 22)

        def stream_window(src_hbm, src0, w):
            for q in range(NQ):
                pltpu.sync_copy(
                    src_hbm.at[pl.ds(src0 + q * QLEN + w * CHUNK, CHUNK)],
                    in_v.at[pl.ds(q * CHUNK, CHUNK)])

        def do_column(j, _):
            col = wid * COLS_PER_W + j
            src0 = col * N

            lax.fori_loop(0, NQ * NB // 16, zero_hist, 0, unroll=8)

            def histA_win(w, _):
                stream_window(keys_hbm, src0, w)

                @plsc.parallel_loop(0, CHUNK // 16, unroll=4)
                def body(k):
                    for q in range(NQ):
                        v = in_v[pl.ds(q * CHUNK + k * 16, 16)]
                        hist_add(digit0(v) + (q * NB))
                return 0
            lax.fori_loop(0, NWIN, histA_win, 0)

            def make_scatter_pass(src_hbm, dig):
                def pass_win(w, _):
                    stream_window(src_hbm, src0, w)

                    def body(k, _):
                        vs = [in_v[pl.ds(q * CHUNK + k * 16, 16)]
                              for q in range(NQ)]
                        for q in range(NQ):
                            scatter_one(vs[q], dig(vs[q]), base_refs[q])
                        return 0
                    lax.fori_loop(0, CHUNK // 16, body, 0, unroll=8)
                    return 0
                return pass_win

            def hist_resident(dig):
                lax.fori_loop(0, NQ * NB // 16, zero_hist, 0, unroll=8)

                @plsc.parallel_loop(0, N // 16, unroll=4)
                def _hist(k):
                    v = out_v[pl.ds(k * 16, 16)]
                    qb = lax.shift_right_logical(k, 10) * NB
                    hist_add(qb + dig(v))

            lax.fori_loop(0, NB // 16, prefix_to_bases, jnp.int32(0))
            lax.fori_loop(0, NWIN, make_scatter_pass(keys_hbm, digit0), 0)
            hist_resident(digit1)
            pltpu.sync_copy(out_v.at[pl.ds(0, N)], tmp_hbm.at[pl.ds(src0, N)])

            lax.fori_loop(0, NB // 16, prefix_to_bases, jnp.int32(0))
            lax.fori_loop(0, NWIN, make_scatter_pass(tmp_hbm, digit1), 0)
            hist_resident(digit2)
            pltpu.sync_copy(out_v.at[pl.ds(0, N)], tmp_hbm.at[pl.ds(src0, N)])

            lax.fori_loop(0, NB // 16, prefix_to_bases, jnp.int32(0))
            lax.fori_loop(0, NWIN, make_scatter_pass(tmp_hbm, digit2), 0)

            pltpu.sync_copy(out_v.at[pl.ds(0, N)], tmp_hbm.at[pl.ds(src0, N)])
            return 0

        lax.fori_loop(0, COLS_PER_W, do_column, 0)

    return sort_kernel(keys)


def _loss_body(k_ref, a_ref, b_ref, c_ref, o_ref):
    v = k_ref[...]
    bits = jnp.where(v < 0, v ^ I32_MIN, ~v)
    x = lax.bitcast_convert_type(bits, jnp.float32)
    av = a_ref[...].reshape(F // 32, 1)
    bv = b_ref[...].reshape(F // 32, 1)
    cv = c_ref[...].reshape(F // 32, 1)
    t = jnp.tanh(cv * x)
    g = av + bv * cv * (1.0 - t * t)
    x_hi = pltpu.roll(x, N - 1, 1)
    g_hi = pltpu.roll(g, N - 1, 1)
    d2 = (g_hi - g) / (x_hi - x + 1e-08)
    valid = lax.broadcasted_iota(jnp.int32, v.shape, 1) < (N - 1)
    smooth_part = jnp.sum(jnp.where(valid, d2 * d2, 0.0))
    bm = jnp.maximum(DERIV_MIN - g, 0.0)
    am = jnp.maximum(g - DERIV_MAX, 0.0)
    bound_part = jnp.sum(bm * bm + am * am)
    part = (SMOOTHNESS_WEIGHT * smooth_part / jnp.float32((N - 1) * F)
            + DERIV_BOUND_WEIGHT * bound_part / jnp.float32(N * F))

    @pl.when(pl.program_id(0) == 0)
    def _():
        o_ref[...] = jnp.zeros((1,), jnp.float32)

    o_ref[...] += part * jnp.ones((1,), jnp.float32)


def kernel(x_samples, a, b, c):
    keys = _make_keys(x_samples)
    keys1d = keys.reshape(N * F)
    (sorted1d,) = _sc_sort(keys1d, a, b, c)
    skeys = sorted1d.reshape(F, N)
    out = pl.pallas_call(
        _loss_body,
        grid=(32,),
        in_specs=[
            pl.BlockSpec((F // 32, N), lambda i: (i, 0)),
            pl.BlockSpec((1, 1, F // 32), lambda i: (i, 0, 0)),
            pl.BlockSpec((1, 1, F // 32), lambda i: (i, 0, 0)),
            pl.BlockSpec((1, 1, F // 32), lambda i: (i, 0, 0)),
        ],
        out_specs=pl.BlockSpec((1,), lambda i: (0,)),
        out_shape=jax.ShapeDtypeStruct((1,), jnp.float32),
    )(skeys, a.reshape(32, 1, F // 32), b.reshape(32, 1, F // 32), c.reshape(32, 1, F // 32))
    return out[0]

# --- scband reference (transcript-rebuilt; emitter-appended) ---
"""Pipeline reference for scband-transform-regularization-85839216378450 (READ-ONLY COPY).

The authoritative reference and input builder live on the scoring server;
editing this copy changes nothing except your own understanding.
"""

import jax, jax.numpy as jnp
import numpy as np

N, F = 65536, 256
SMOOTHNESS_WEIGHT = 0.01
DERIV_MIN = 0.1
DERIV_MAX = 10.0
DERIV_BOUND_WEIGHT = 1.0


def setup_inputs(seed: int = 0) -> dict:
    key = jax.random.key(seed)
    k1, k2, k3, k4 = jax.random.split(key, 4)
    x_samples = jax.random.normal(k1, (N, F), dtype=jnp.float32) * 2.0
    # learned parameters of the concrete transform T(x) = a*x + b*tanh(c*x)
    a = jax.random.uniform(k2, (F,), dtype=jnp.float32, minval=0.5, maxval=2.0)
    b = jax.random.normal(k3, (F,), dtype=jnp.float32) * 0.5
    c = jax.random.normal(k4, (F,), dtype=jnp.float32) * 0.5 + 1.0
    return {"x_samples": x_samples, "a": a, "b": b, "c": c}


def _transform_derivative(x, a, b, c):
    # T(x) = a*x + b*tanh(c*x)  =>  T'(x) = a + b*c*(1 - tanh(c*x)^2)
    t = jnp.tanh(c[None, :] * x)
    return a[None, :] + b[None, :] * c[None, :] * (1.0 - t * t)


def reference(x_samples, a, b, c):
    derivs = _transform_derivative(x_samples, a, b, c)  # [N, F]

    # --- smoothness penalty (per-feature sorted second-difference) ---
    # vectorized over features: argsort each column, gather, finite-difference
    sorted_idx = jnp.argsort(x_samples, axis=0)                      # [N, F]
    x_sorted = jnp.take_along_axis(x_samples, sorted_idx, axis=0)    # gather
    d_sorted = jnp.take_along_axis(derivs, sorted_idx, axis=0)       # gather
    dx = x_sorted[1:] - x_sorted[:-1] + 1e-08
    d2 = (d_sorted[1:] - d_sorted[:-1]) / dx
    # per-feature mean of d2^2, then averaged over features (matches torch loop / F)
    smooth = jnp.mean(jnp.mean(d2 ** 2, axis=0))

    # --- derivative bound penalty ---
    below_min = jax.nn.relu(DERIV_MIN - derivs)
    above_max = jax.nn.relu(derivs - DERIV_MAX)
    bound = jnp.mean(below_min ** 2 + above_max ** 2)

    # proximity penalty skipped: prev_params is None right after __init__
    loss = SMOOTHNESS_WEIGHT * smooth + DERIV_BOUND_WEIGHT * bound
    return loss

if __name__ == "__main__":
    import jax
    _d = setup_inputs()
    print(jax.jit(kernel)(*tuple(_d.values())))

</pallas_src>

<mosaic_0001>
#map = affine_map<(d0, d1) -> (0)>
module attributes {stable_mosaic.version = 14 : i64} {
  func.func @sort_kernel(%arg0: i32, %arg1: i32, %arg2: memref<16777216xi32, #tpu.memory_space<hbm>>, %arg3: memref<16777216xi32, #tpu.memory_space<hbm>>, %arg4: memref<65552xi32, #tpu.memory_space<vmem>>, %arg5: memref<16384xi32, #tpu.memory_space<vmem>>, %arg6: memref<8192xi32, #tpu.memory_space<vmem>>, %arg7: memref<2048xi32, #tpu.memory_space<vmem>>, %arg8: memref<2048xi32, #tpu.memory_space<vmem>>, %arg9: memref<2048xi32, #tpu.memory_space<vmem>>, %arg10: memref<2048xi32, #tpu.memory_space<vmem>>) attributes {dimension_semantics = [#tpu.dimension_semantics<core_parallel>, #tpu.dimension_semantics<subcore_parallel>], iteration_bounds = array<i64: 2, 16>, scalar_prefetch = 0 : i64, scratch_operands = 7 : i64, tpu.core_type = #tpu.core_type<sc_vector_subcore>, window_params = [{transform_indices = #map}, {transform_indices = #map}]} {
    %mul3A = arith.constant 16 : i32
    %mul3A_0 = arith.muli %arg0, %mul3A : i32
    %add3A = arith.addi %mul3A_0, %arg1 : i32
    %scan3A = arith.constant 0 : i32
    %scan3A_1 = arith.constant 0 : i32
    %scan3A_2 = arith.constant 8 : i32
    %scan3A_3 = arith.addi %scan3A_1, %scan3A_2 : i32
    %scan3A_4 = arith.constant 1 : i32
    %scan3A_5 = scf.for %scan3A_7 = %scan3A_1 to %scan3A_3 step %scan3A_4 iter_args(%scan3A_8 = %scan3A) -> (i32)  : i32 {
      %mul3A_9 = arith.constant 8 : i32
      %mul3A_10 = arith.muli %add3A, %mul3A_9 : i32
      %add3A_11 = arith.addi %mul3A_10, %scan3A_7 : i32
      %mul3A_12 = arith.constant 65536 : i32
      %mul3A_13 = arith.muli %add3A_11, %mul3A_12 : i32
      %scan3A_14 = arith.constant 0 : i32
      %scan3A_15 = arith.constant 0 : i32
      %scan3A_16 = arith.constant 512 : i32
      %scan3A_17 = arith.addi %scan3A_15, %scan3A_16 : i32
      %scan3A_18 = arith.constant 8 : i32
      %scan3A_19 = scf.for %scan3A_90 = %scan3A_15 to %scan3A_17 step %scan3A_18 iter_args(%scan3A_91 = %scan3A_14) -> (i32)  : i32 {
        %broadcast_in_dim3A = arith.constant 0 : i32
        %broadcast_in_dim3A_92 = vector.broadcast %broadcast_in_dim3A : i32 to vector<16xi32>
        %mul3A_93 = arith.constant 16 : i32
        %mul3A_94 = arith.muli %scan3A_90, %mul3A_93 : i32
        %swap3A = arith.index_cast %mul3A_94 : i32 to index
        %swap3A_95 = tpu.vector_load %arg6[%swap3A] {strides = array<i32>} : memref<8192xi32, #tpu.memory_space<vmem>>, vector<16xi32>,
        tpu.vector_store %arg6[%swap3A], %broadcast_in_dim3A_92 {strides = array<i32>} : memref<8192xi32, #tpu.memory_space<vmem>>, vector<16xi32>,
        %scan3A_96 = arith.constant 0 : i32
        %scan3A_97 = arith.constant 1 : i32
        %scan3A_98 = arith.addi %scan3A_90, %scan3A_97 : i32
        %broadcast_in_dim3A_99 = arith.constant 0 : i32
        %broadcast_in_dim3A_100 = vector.broadcast %broadcast_in_dim3A_99 : i32 to vector<16xi32>
        %mul3A_101 = arith.constant 16 : i32
        %mul3A_102 = arith.muli %scan3A_98, %mul3A_101 : i32
        %swap3A_103 = arith.index_cast %mul3A_102 : i32 to index
        %swap3A_104 = tpu.vector_load %arg6[%swap3A_103] {strides = array<i32>} : memref<8192xi32, #tpu.memory_space<vmem>>, vector<16xi32>,
        tpu.vector_store %arg6[%swap3A_103], %broadcast_in_dim3A_100 {strides = array<i32>} : memref<8192xi32, #tpu.memory_space<vmem>>, vector<16xi32>,
        %scan3A_105 = arith.constant 0 : i32
        %scan3A_106 = arith.constant 2 : i32
        %scan3A_107 = arith.addi %scan3A_90, %scan3A_106 : i32
        %broadcast_in_dim3A_108 = arith.constant 0 : i32
        %broadcast_in_dim3A_109 = vector.broadcast %broadcast_in_dim3A_108 : i32 to vector<16xi32>
        %mul3A_110 = arith.constant 16 : i32
        %mul3A_111 = arith.muli %scan3A_107, %mul3A_110 : i32
        %swap3A_112 = arith.index_cast %mul3A_111 : i32 to index
        %swap3A_113 = tpu.vector_load %arg6[%swap3A_112] {strides = array<i32>} : memref<8192xi32, #tpu.memory_space<vmem>>, vector<16xi32>,
        tpu.vector_store %arg6[%swap3A_112], %broadcast_in_dim3A_109 {strides = array<i32>} : memref<8192xi32, #tpu.memory_space<vmem>>, vector<16xi32>,
        %scan3A_114 = arith.constant 0 : i32
        %scan3A_115 = arith.constant 3 : i32
        %scan3A_116 = arith.addi %scan3A_90, %scan3A_115 : i32
        %broadcast_in_dim3A_117 = arith.constant 0 : i32
        %broadcast_in_dim3A_118 = vector.broadcast %broadcast_in_dim3A_117 : i32 to vector<16xi32>
        %mul3A_119 = arith.constant 16 : i32
        %mul3A_120 = arith.muli %scan3A_116, %mul3A_119 : i32
        %swap3A_121 = arith.index_cast %mul3A_120 : i32 to index
        %swap3A_122 = tpu.vector_load %arg6[%swap3A_121] {strides = array<i32>} : memref<8192xi32, #tpu.memory_space<vmem>>, vector<16xi32>,
        tpu.vector_store %arg6[%swap3A_121], %broadcast_in_dim3A_118 {strides = array<i32>} : memref<8192xi32, #tpu.memory_space<vmem>>, vector<16xi32>,
        %scan3A_123 = arith.constant 0 : i32
        %scan3A_124 = arith.constant 4 : i32
        %scan3A_125 = arith.addi %scan3A_90, %scan3A_124 : i32
        %broadcast_in_dim3A_126 = arith.constant 0 : i32
        %broadcast_in_dim3A_127 = vector.broadcast %broadcast_in_dim3A_126 : i32 to vector<16xi32>
        %mul3A_128 = arith.constant 16 : i32
        %mul3A_129 = arith.muli %scan3A_125, %mul3A_128 : i32
        %swap3A_130 = arith.index_cast %mul3A_129 : i32 to index
        %swap3A_131 = tpu.vector_load %arg6[%swap3A_130] {strides = array<i32>} : memref<8192xi32, #tpu.memory_space<vmem>>, vector<16xi32>,
        tpu.vector_store %arg6[%swap3A_130], %broadcast_in_dim3A_127 {strides = array<i32>} : memref<8192xi32, #tpu.memory_space<vmem>>, vector<16xi32>,
        %scan3A_132 = arith.constant 0 : i32
        %scan3A_133 = arith.constant 5 : i32
        %scan3A_134 = arith.addi %scan3A_90, %scan3A_133 : i32
        %broadcast_in_dim3A_135 = arith.constant 0 : i32
        %broadcast_in_dim3A_136 = vector.broadcast %broadcast_in_dim3A_135 : i32 to vector<16xi32>
        %mul3A_137 = arith.constant 16 : i32
        %mul3A_138 = arith.muli %scan3A_134, %mul3A_137 : i32
        %swap3A_139 = arith.index_cast %mul3A_138 : i32 to index
        %swap3A_140 = tpu.vector_load %arg6[%swap3A_139] {strides = array<i32>} : memref<8192xi32, #tpu.memory_space<vmem>>, vector<16xi32>,
        tpu.vector_store %arg6[%swap3A_139], %broadcast_in_dim3A_136 {strides = array<i32>} : memref<8192xi32, #tpu.memory_space<vmem>>, vector<16xi32>,
        %scan3A_141 = arith.constant 0 : i32
        %scan3A_142 = arith.constant 6 : i32
        %scan3A_143 = arith.addi %scan3A_90, %scan3A_142 : i32
        %broadcast_in_dim3A_144 = arith.constant 0 : i32
        %broadcast_in_dim3A_145 = vector.broadcast %broadcast_in_dim3A_144 : i32 to vector<16xi32>
        %mul3A_146 = arith.constant 16 : i32
        %mul3A_147 = arith.muli %scan3A_143, %mul3A_146 : i32
        %swap3A_148 = arith.index_cast %mul3A_147 : i32 to index
        %swap3A_149 = tpu.vector_load %arg6[%swap3A_148] {strides = array<i32>} : memref<8192xi32, #tpu.memory_space<vmem>>, vector<16xi32>,
        tpu.vector_store %arg6[%swap3A_148], %broadcast_in_dim3A_145 {strides = array<i32>} : memref<8192xi32, #tpu.memory_space<vmem>>, vector<16xi32>,
        %scan3A_150 = arith.constant 0 : i32
        %scan3A_151 = arith.constant 7 : i32
        %scan3A_152 = arith.addi %scan3A_90, %scan3A_151 : i32
        %broadcast_in_dim3A_153 = arith.constant 0 : i32
        %broadcast_in_dim3A_154 = vector.broadcast %broadcast_in_dim3A_153 : i32 to vector<16xi32>
        %mul3A_155 = arith.constant 16 : i32
        %mul3A_156 = arith.muli %scan3A_152, %mul3A_155 : i32
        %swap3A_157 = arith.index_cast %mul3A_156 : i32 to index
        %swap3A_158 = tpu.vector_load %arg6[%swap3A_157] {strides = array<i32>} : memref<8192xi32, #tpu.memory_space<vmem>>, vector<16xi32>,
        tpu.vector_store %arg6[%swap3A_157], %broadcast_in_dim3A_154 {strides = array<i32>} : memref<8192xi32, #tpu.memory_space<vmem>>, vector<16xi32>,
        %scan3A_159 = arith.constant 0 : i32
        scf.yield %scan3A_159 : i32
      }
      %scan3A_20 = arith.constant 512 : i32
      %scan3A_21 = arith.constant 0 : i32
      %scan3A_22 = arith.constant 0 : i32
      %scan3A_23 = arith.constant 4 : i32
      %scan3A_24 = arith.addi %scan3A_22, %scan3A_23 : i32
      %scan3A_25 = arith.constant 1 : i32
      %scan3A_26 = scf.for %scan3A_90 = %scan3A_22 to %scan3A_24 step %scan3A_25 iter_args(%scan3A_91 = %scan3A_21) -> (i32)  : i32 {
        %add3A_92 = arith.constant 0 : i32
        %add3A_93 = arith.addi %mul3A_13, %add3A_92 : i32
        %mul3A_94 = arith.constant 4096 : i32
        %mul3A_95 = arith.muli %scan3A_90, %mul3A_94 : i32
        %add3A_96 = arith.addi %add3A_93, %mul3A_95 : i32
        "tpu.region"() ({
          %run_scoped3A = tpu.sem_alloc : memref<!tpu.dma_semaphore, #tpu.memory_space<semaphore_mem>>
          %dma_start3A = arith.constant 0 : i32
          %dma_start3A_116 = tpu.memref_slice %arg5[%dma_start3A] : memref<16384xi32, #tpu.memory_space<vmem>> -> memref<4096xi32, #tpu.memory_space<vmem>>
          %dma_start3A_117 = tpu.memref_slice %arg2[%add3A_96] : memref<16777216xi32, #tpu.memory_space<hbm>> -> memref<4096xi32, #tpu.memory_space<hbm>>
          %dma_start3A_118 = arith.constant 0 : i32
          %dma_start3A_119 = tpu.memref_slice %arg5[%dma_start3A_118] : memref<16384xi32, #tpu.memory_space<vmem>> -> memref<4096xi32, #tpu.memory_space<vmem>>
          %dma_start3A_120 = tpu.memref_slice %arg2[%add3A_96] : memref<16777216xi32, #tpu.memory_space<hbm>> -> memref<4096xi32, #tpu.memory_space<hbm>>
          tpu.enqueue_dma source(%dma_start3A_120 : memref<4096xi32, #tpu.memory_space<hbm>>) target(%dma_start3A_119 : memref<4096xi32, #tpu.memory_space<vmem>>) target_semaphore(%run_scoped3A : memref<!tpu.dma_semaphore, #tpu.memory_space<semaphore_mem>>)
          %dma_wait3A = arith.constant 0 : i32
          %dma_wait3A_121 = tpu.memref_slice %arg5[%dma_wait3A] : memref<16384xi32, #tpu.memory_space<vmem>> -> memref<4096xi32, #tpu.memory_space<vmem>>
          %dma_wait3A_122 = tpu.memref_slice %arg2[%add3A_96] : memref<16777216xi32, #tpu.memory_space<hbm>> -> memref<4096xi32, #tpu.memory_space<hbm>>
          %dma_wait3A_123 = arith.constant 0 : i32
          %dma_wait3A_124 = tpu.memref_slice %arg5[%dma_wait3A_123] : memref<16384xi32, #tpu.memory_space<vmem>> -> memref<4096xi32, #tpu.memory_space<vmem>>
          %dma_wait3A_125 = tpu.memref_slice %arg2[%add3A_96] : memref<16777216xi32, #tpu.memory_space<hbm>> -> memref<4096xi32, #tpu.memory_space<hbm>>
          tpu.wait_dma2 semaphore(%run_scoped3A : memref<!tpu.dma_semaphore, #tpu.memory_space<semaphore_mem>>) src(%dma_wait3A_125 : memref<4096xi32, #tpu.memory_space<hbm>>) dst(%dma_wait3A_124 : memref<4096xi32, #tpu.memory_space<vmem>>)
          tpu.yield
        }) : () -> ()
        %add3A_97 = arith.constant 16384 : i32
        %add3A_98 = arith.addi %mul3A_13, %add3A_97 : i32
        %mul3A_99 = arith.constant 4096 : i32
        %mul3A_100 = arith.muli %scan3A_90, %mul3A_99 : i32
        %add3A_101 = arith.addi %add3A_98, %mul3A_100 : i32
        "tpu.region"() ({
          %run_scoped3A = tpu.sem_alloc : memref<!tpu.dma_semaphore, #tpu.memory_space<semaphore_mem>>
          %dma_start3A = arith.constant 4096 : i32
          %dma_start3A_116 = tpu.memref_slice %arg5[%dma_start3A] : memref<16384xi32, #tpu.memory_space<vmem>> -> memref<4096xi32, #tpu.memory_space<vmem>>
          %dma_start3A_117 = tpu.memref_slice %arg2[%add3A_101] : memref<16777216xi32, #tpu.memory_space<hbm>> -> memref<4096xi32, #tpu.memory_space<hbm>>
          %dma_start3A_118 = arith.constant 4096 : i32
          %dma_start3A_119 = tpu.memref_slice %arg5[%dma_start3A_118] : memref<16384xi32, #tpu.memory_space<vmem>> -> memref<4096xi32, #tpu.memory_space<vmem>>
          %dma_start3A_120 = tpu.memref_slice %arg2[%add3A_101] : memref<16777216xi32, #tpu.memory_space<hbm>> -> memref<4096xi32, #tpu.memory_space<hbm>>
          tpu.enqueue_dma source(%dma_start3A_120 : memref<4096xi32, #tpu.memory_space<hbm>>) target(%dma_start3A_119 : memref<4096xi32, #tpu.memory_space<vmem>>) target_semaphore(%run_scoped3A : memref<!tpu.dma_semaphore, #tpu.memory_space<semaphore_mem>>)
          %dma_wait3A = arith.constant 4096 : i32
          %dma_wait3A_121 = tpu.memref_slice %arg5[%dma_wait3A] : memref<16384xi32, #tpu.memory_space<vmem>> -> memref<4096xi32, #tpu.memory_space<vmem>>
          %dma_wait3A_122 = tpu.memref_slice %arg2[%add3A_101] : memref<16777216xi32, #tpu.memory_space<hbm>> -> memref<4096xi32, #tpu.memory_space<hbm>>
          %dma_wait3A_123 = arith.constant 4096 : i32
          %dma_wait3A_124 = tpu.memref_slice %arg5[%dma_wait3A_123] : memref<16384xi32, #tpu.memory_space<vmem>> -> memref<4096xi32, #tpu.memory_space<vmem>>
          %dma_wait3A_125 = tpu.memref_slice %arg2[%add3A_101] : memref<16777216xi32, #tpu.memory_space<hbm>> -> memref<4096xi32, #tpu.memory_space<hbm>>
          tpu.wait_dma2 semaphore(%run_scoped3A : memref<!tpu.dma_semaphore, #tpu.memory_space<semaphore_mem>>) src(%dma_wait3A_125 : memref<4096xi32, #tpu.memory_space<hbm>>) dst(%dma_wait3A_124 : memref<4096xi32, #tpu.memory_space<vmem>>)
          tpu.yield
        }) : () -> ()
        %add3A_102 = arith.constant 32768 : i32
        %add3A_103 = arith.addi %mul3A_13, %add3A_102 : i32
        %mul3A_104 = arith.constant 4096 : i32
        %mul3A_105 = arith.muli %scan3A_90, %mul3A_104 : i32
        %add3A_106 = arith.addi %add3A_103, %mul3A_105 : i32
        "tpu.region"() ({
          %run_scoped3A = tpu.sem_alloc : memref<!tpu.dma_semaphore, #tpu.memory_space<semaphore_mem>>
          %dma_start3A = arith.constant 8192 : i32
          %dma_start3A_116 = tpu.memref_slice %arg5[%dma_start3A] : memref<16384xi32, #tpu.memory_space<vmem>> -> memref<4096xi32, #tpu.memory_space<vmem>>
          %dma_start3A_117 = tpu.memref_slice %arg2[%add3A_106] : memref<16777216xi32, #tpu.memory_space<hbm>> -> memref<4096xi32, #tpu.memory_space<hbm>>
          %dma_start3A_118 = arith.constant 8192 : i32
          %dma_start3A_119 = tpu.memref_slice %arg5[%dma_start3A_118] : memref<16384xi32, #tpu.memory_space<vmem>> -> memref<4096xi32, #tpu.memory_space<vmem>>
          %dma_start3A_120 = tpu.memref_slice %arg2[%add3A_106] : memref<16777216xi32, #tpu.memory_space<hbm>> -> memref<4096xi32, #tpu.memory_space<hbm>>
          tpu.enqueue_dma source(%dma_start3A_120 : memref<4096xi32, #tpu.memory_space<hbm>>) target(%dma_start3A_119 : memref<4096xi32, #tpu.memory_space<vmem>>) target_semaphore(%run_scoped3A : memref<!tpu.dma_semaphore, #tpu.memory_space<semaphore_mem>>)
          %dma_wait3A = arith.constant 8192 : i32
          %dma_wait3A_121 = tpu.memref_slice %arg5[%dma_wait3A] : memref<16384xi32, #tpu.memory_space<vmem>> -> memref<4096xi32, #tpu.memory_space<vmem>>
          %dma_wait3A_122 = tpu.memref_slice %arg2[%add3A_106] : memref<16777216xi32, #tpu.memory_space<hbm>> -> memref<4096xi32, #tpu.memory_space<hbm>>
          %dma_wait3A_123 = arith.constant 8192 : i32
          %dma_wait3A_124 = tpu.memref_slice %arg5[%dma_wait3A_123] : memref<16384xi32, #tpu.memory_space<vmem>> -> memref<4096xi32, #tpu.memory_space<vmem>>
          %dma_wait3A_125 = tpu.memref_slice %arg2[%add3A_106] : memref<16777216xi32, #tpu.memory_space<hbm>> -> memref<4096xi32, #tpu.memory_space<hbm>>
          tpu.wait_dma2 semaphore(%run_scoped3A : memref<!tpu.dma_semaphore, #tpu.memory_space<semaphore_mem>>) src(%dma_wait3A_125 : memref<4096xi32, #tpu.memory_space<hbm>>) dst(%dma_wait3A_124 : memref<4096xi32, #tpu.memory_space<vmem>>)
          tpu.yield
        }) : () -> ()
        %add3A_107 = arith.constant 49152 : i32
        %add3A_108 = arith.addi %mul3A_13, %add3A_107 : i32
        %mul3A_109 = arith.constant 4096 : i32
        %mul3A_110 = arith.muli %scan3A_90, %mul3A_109 : i32
        %add3A_111 = arith.addi %add3A_108, %mul3A_110 : i32
        "tpu.region"() ({
          %run_scoped3A = tpu.sem_alloc : memref<!tpu.dma_semaphore, #tpu.memory_space<semaphore_mem>>
          %dma_start3A = arith.constant 12288 : i32
          %dma_start3A_116 = tpu.memref_slice %arg5[%dma_start3A] : memref<16384xi32, #tpu.memory_space<vmem>> -> memref<4096xi32, #tpu.memory_space<vmem>>
          %dma_start3A_117 = tpu.memref_slice %arg2[%add3A_111] : memref<16777216xi32, #tpu.memory_space<hbm>> -> memref<4096xi32, #tpu.memory_space<hbm>>
          %dma_start3A_118 = arith.constant 12288 : i32
          %dma_start3A_119 = tpu.memref_slice %arg5[%dma_start3A_118] : memref<16384xi32, #tpu.memory_space<vmem>> -> memref<4096xi32, #tpu.memory_space<vmem>>
          %dma_start3A_120 = tpu.memref_slice %arg2[%add3A_111] : memref<16777216xi32, #tpu.memory_space<hbm>> -> memref<4096xi32, #tpu.memory_space<hbm>>
          tpu.enqueue_dma source(%dma_start3A_120 : memref<4096xi32, #tpu.memory_space<hbm>>) target(%dma_start3A_119 : memref<4096xi32, #tpu.memory_space<vmem>>) target_semaphore(%run_scoped3A : memref<!tpu.dma_semaphore, #tpu.memory_space<semaphore_mem>>)
          %dma_wait3A = arith.constant 12288 : i32
          %dma_wait3A_121 = tpu.memref_slice %arg5[%dma_wait3A] : memref<16384xi32, #tpu.memory_space<vmem>> -> memref<4096xi32, #tpu.memory_space<vmem>>
          %dma_wait3A_122 = tpu.memref_slice %arg2[%add3A_111] : memref<16777216xi32, #tpu.memory_space<hbm>> -> memref<4096xi32, #tpu.memory_space<hbm>>
          %dma_wait3A_123 = arith.constant 12288 : i32
          %dma_wait3A_124 = tpu.memref_slice %arg5[%dma_wait3A_123] : memref<16384xi32, #tpu.memory_space<vmem>> -> memref<4096xi32, #tpu.memory_space<vmem>>
          %dma_wait3A_125 = tpu.memref_slice %arg2[%add3A_111] : memref<16777216xi32, #tpu.memory_space<hbm>> -> memref<4096xi32, #tpu.memory_space<hbm>>
          tpu.wait_dma2 semaphore(%run_scoped3A : memref<!tpu.dma_semaphore, #tpu.memory_space<semaphore_mem>>) src(%dma_wait3A_125 : memref<4096xi32, #tpu.memory_space<hbm>>) dst(%dma_wait3A_124 : memref<4096xi32, #tpu.memory_space<vmem>>)
          tpu.yield
        }) : () -> ()
        %parallel_loop3A_112 = arith.constant 0 : i32
        %parallel_loop3A_113 = arith.constant 256 : i32
        %parallel_loop3A_114 = arith.constant 1 : i32
        scf.for %parallel_loop3A_116 = %parallel_loop3A_112 to %parallel_loop3A_113 step %parallel_loop3A_114  : i32 {
          %parallel_loop3A_117 = arith.constant 16 : i32
          %parallel_loop3A_118 = arith.muli %parallel_loop3A_116, %parallel_loop3A_117 : i32
          %parallel_loop3A_119 = arith.constant 0 : i32
          %parallel_loop3A_120 = arith.addi %parallel_loop3A_119, %parallel_loop3A_118 : i32
          %parallel_loop3A_121 = arith.index_cast %parallel_loop3A_120 : i32 to index
          %parallel_loop3A_122 = tpu.vector_load %arg5[%parallel_loop3A_121] {strides = array<i32>} : memref<16384xi32, #tpu.memory_space<vmem>>, vector<16xi32>,
          %parallel_loop3A_123 = arith.constant 2047 : i32
          %parallel_loop3A_124 = vector.broadcast %parallel_loop3A_123 : i32 to vector<16xi32>
          %parallel_loop3A_125 = arith.andi %parallel_loop3A_122, %parallel_loop3A_124 : vector<16xi32>
          %parallel_loop3A_126 = arith.constant 0 : i32
          %parallel_loop3A_127 = vector.broadcast %parallel_loop3A_126 : i32 to vector<16xi32>
          %parallel_loop3A_128 = arith.addi %parallel_loop3A_125, %parallel_loop3A_127 : vector<16xi32>
          %parallel_loop3A_129 = arith.constant true
          %parallel_loop3A_130 = vector.broadcast %parallel_loop3A_129 : i1 to vector<16xi1>
          %parallel_loop3A_131, %parallel_loop3A_132 = tpu.scan_count mask(%parallel_loop3A_130 : vector<16xi1>) value(%parallel_loop3A_128 : vector<16xi32>) : vector<16xi1>, vector<16xi32>
          tpu.vector_store_idx %arg6[%parallel_loop3A_128], %parallel_loop3A_132 masked %parallel_loop3A_131 {add = true} : memref<8192xi32, #tpu.memory_space<vmem>>[vector<16xi32>], vector<16xi32>, vector<16xi1>
          %parallel_loop3A_133 = arith.constant 16 : i32
          %parallel_loop3A_134 = arith.muli %parallel_loop3A_116, %parallel_loop3A_133 : i32
          %parallel_loop3A_135 = arith.constant 4096 : i32
          %parallel_loop3A_136 = arith.addi %parallel_loop3A_135, %parallel_loop3A_134 : i32
          %parallel_loop3A_137 = arith.index_cast %parallel_loop3A_136 : i32 to index
          %parallel_loop3A_138 = tpu.vector_load %arg5[%parallel_loop3A_137] {strides = array<i32>} : memref<16384xi32, #tpu.memory_space<vmem>>, vector<16xi32>,
          %parallel_loop3A_139 = arith.constant 2047 : i32
          %parallel_loop3A_140 = vector.broadcast %parallel_loop3A_139 : i32 to vector<16xi32>
          %parallel_loop3A_141 = arith.andi %parallel_loop3A_138, %parallel_loop3A_140 : vector<16xi32>
          %parallel_loop3A_142 = arith.constant 2048 : i32
          %parallel_loop3A_143 = vector.broadcast %parallel_loop3A_142 : i32 to vector<16xi32>
          %parallel_loop3A_144 = arith.addi %parallel_loop3A_141, %parallel_loop3A_143 : vector<16xi32>
          %parallel_loop3A_145 = arith.constant true
          %parallel_loop3A_146 = vector.broadcast %parallel_loop3A_145 : i1 to vector<16xi1>
          %parallel_loop3A_147, %parallel_loop3A_148 = tpu.scan_count mask(%parallel_loop3A_146 : vector<16xi1>) value(%parallel_loop3A_144 : vector<16xi32>) : vector<16xi1>, vector<16xi32>
          tpu.vector_store_idx %arg6[%parallel_loop3A_144], %parallel_loop3A_148 masked %parallel_loop3A_147 {add = true} : memref<8192xi32, #tpu.memory_space<vmem>>[vector<16xi32>], vector<16xi32>, vector<16xi1>
          %parallel_loop3A_149 = arith.constant 16 : i32
          %parallel_loop3A_150 = arith.muli %parallel_loop3A_116, %parallel_loop3A_149 : i32
          %parallel_loop3A_151 = arith.constant 8192 : i32
          %parallel_loop3A_152 = arith.addi %parallel_loop3A_151, %parallel_loop3A_150 : i32
          %parallel_loop3A_153 = arith.index_cast %parallel_loop3A_152 : i32 to index
          %parallel_loop3A_154 = tpu.vector_load %arg5[%parallel_loop3A_153] {strides = array<i32>} : memref<16384xi32, #tpu.memory_space<vmem>>, vector<16xi32>,
          %parallel_loop3A_155 = arith.constant 2047 : i32
          %parallel_loop3A_156 = vector.broadcast %parallel_loop3A_155 : i32 to vector<16xi32>
          %parallel_loop3A_157 = arith.andi %parallel_loop3A_154, %parallel_loop3A_156 : vector<16xi32>
          %parallel_loop3A_158 = arith.constant 4096 : i32
          %parallel_loop3A_159 = vector.broadcast %parallel_loop3A_158 : i32 to vector<16xi32>
          %parallel_loop3A_160 = arith.addi %parallel_loop3A_157, %parallel_loop3A_159 : vector<16xi32>
          %parallel_loop3A_161 = arith.constant true
          %parallel_loop3A_162 = vector.broadcast %parallel_loop3A_161 : i1 to vector<16xi1>
          %parallel_loop3A_163, %parallel_loop3A_164 = tpu.scan_count mask(%parallel_loop3A_162 : vector<16xi1>) value(%parallel_loop3A_160 : vector<16xi32>) : vector<16xi1>, vector<16xi32>
          tpu.vector_store_idx %arg6[%parallel_loop3A_160], %parallel_loop3A_164 masked %parallel_loop3A_163 {add = true} : memref<8192xi32, #tpu.memory_space<vmem>>[vector<16xi32>], vector<16xi32>, vector<16xi1>
          %parallel_loop3A_165 = arith.constant 16 : i32
          %parallel_loop3A_166 = arith.muli %parallel_loop3A_116, %parallel_loop3A_165 : i32
          %parallel_loop3A_167 = arith.constant 12288 : i32
          %parallel_loop3A_168 = arith.addi %parallel_loop3A_167, %parallel_loop3A_166 : i32
          %parallel_loop3A_169 = arith.index_cast %parallel_loop3A_168 : i32 to index
          %parallel_loop3A_170 = tpu.vector_load %arg5[%parallel_loop3A_169] {strides = array<i32>} : memref<16384xi32, #tpu.memory_space<vmem>>, vector<16xi32>,
          %parallel_loop3A_171 = arith.constant 2047 : i32
          %parallel_loop3A_172 = vector.broadcast %parallel_loop3A_171 : i32 to vector<16xi32>
          %parallel_loop3A_173 = arith.andi %parallel_loop3A_170, %parallel_loop3A_172 : vector<16xi32>
          %parallel_loop3A_174 = arith.constant 6144 : i32
          %parallel_loop3A_175 = vector.broadcast %parallel_loop3A_174 : i32 to vector<16xi32>
          %parallel_loop3A_176 = arith.addi %parallel_loop3A_173, %parallel_loop3A_175 : vector<16xi32>
          %parallel_loop3A_177 = arith.constant true
          %parallel_loop3A_178 = vector.broadcast %parallel_loop3A_177 : i1 to vector<16xi1>
          %parallel_loop3A_179, %parallel_loop3A_180 = tpu.scan_count mask(%parallel_loop3A_178 : vector<16xi1>) value(%parallel_loop3A_176 : vector<16xi32>) : vector<16xi1>, vector<16xi32>
          tpu.vector_store_idx %arg6[%parallel_loop3A_176], %parallel_loop3A_180 masked %parallel_loop3A_179 {add = true} : memref<8192xi32, #tpu.memory_space<vmem>>[vector<16xi32>], vector<16xi32>, vector<16xi1>
        } {sc.loop_unroll_factor = 4 : i64, sc.parallel_access}
        %scan3A_115 = arith.constant 0 : i32
        scf.yield %scan3A_115 : i32
      }
      %scan3A_27 = arith.constant 4 : i32
      %scan3A_28 = arith.constant 0 : i32
      %scan3A_29 = arith.constant 0 : i32
      %scan3A_30 = arith.constant 128 : i32
      %scan3A_31 = arith.addi %scan3A_29, %scan3A_30 : i32
      %scan3A_32 = arith.constant 1 : i32
      %scan3A_33 = scf.for %scan3A_90 = %scan3A_29 to %scan3A_31 step %scan3A_32 iter_args(%scan3A_91 = %scan3A_28) -> (i32)  : i32 {
        %mul3A_92 = arith.constant 16 : i32
        %mul3A_93 = arith.muli %scan3A_90, %mul3A_92 : i32
        %get3A = arith.index_cast %mul3A_93 : i32 to index
        %get3A_94 = tpu.vector_load %arg6[%get3A] {strides = array<i32>} : memref<8192xi32, #tpu.memory_space<vmem>>, vector<16xi32>,
        %mul3A_95 = arith.constant 16 : i32
        %mul3A_96 = arith.muli %scan3A_90, %mul3A_95 : i32
        %add3A_97 = arith.constant 2048 : i32
        %add3A_98 = arith.addi %add3A_97, %mul3A_96 : i32
        %get3A_99 = arith.index_cast %add3A_98 : i32 to index
        %get3A_100 = tpu.vector_load %arg6[%get3A_99] {strides = array<i32>} : memref<8192xi32, #tpu.memory_space<vmem>>, vector<16xi32>,
        %mul3A_101 = arith.constant 16 : i32
        %mul3A_102 = arith.muli %scan3A_90, %mul3A_101 : i32
        %add3A_103 = arith.constant 4096 : i32
        %add3A_104 = arith.addi %add3A_103, %mul3A_102 : i32
        %get3A_105 = arith.index_cast %add3A_104 : i32 to index
        %get3A_106 = tpu.vector_load %arg6[%get3A_105] {strides = array<i32>} : memref<8192xi32, #tpu.memory_space<vmem>>, vector<16xi32>,
        %mul3A_107 = arith.constant 16 : i32
        %mul3A_108 = arith.muli %scan3A_90, %mul3A_107 : i32
        %add3A_109 = arith.constant 6144 : i32
        %add3A_110 = arith.addi %add3A_109, %mul3A_108 : i32
        %get3A_111 = arith.index_cast %add3A_110 : i32 to index
        %get3A_112 = tpu.vector_load %arg6[%get3A_111] {strides = array<i32>} : memref<8192xi32, #tpu.memory_space<vmem>>, vector<16xi32>,
        %add3A_113 = arith.addi %get3A_94, %get3A_100 : vector<16xi32>
        %add3A_114 = arith.addi %add3A_113, %get3A_106 : vector<16xi32>
        %add3A_115 = arith.addi %add3A_114, %get3A_112 : vector<16xi32>
        %broadcast_in_dim3A = arith.constant true
        %broadcast_in_dim3A_116 = vector.broadcast %broadcast_in_dim3A : i1 to vector<16xi1>
        %masked_cumsum3A = tpu.scan <sum>, %add3A_115 masked %broadcast_in_dim3A_116 : vector<16xi32>, vector<16xi1> -> vector<16xi32>
        %add3A_117 = vector.broadcast %scan3A_91 : i32 to vector<16xi32>
        %add3A_118 = arith.addi %add3A_117, %masked_cumsum3A : vector<16xi32>
        %sub3A = arith.subi %add3A_118, %add3A_115 : vector<16xi32>
        %mul3A_119 = arith.constant 16 : i32
        %mul3A_120 = arith.muli %scan3A_90, %mul3A_119 : i32
        %swap3A = arith.index_cast %mul3A_120 : i32 to index
        %swap3A_121 = tpu.vector_load %arg7[%swap3A] {strides = array<i32>} : memref<2048xi32, #tpu.memory_space<vmem>>, vector<16xi32>,
        tpu.vector_store %arg7[%swap3A], %sub3A {strides = array<i32>} : memref<2048xi32, #tpu.memory_space<vmem>>, vector<16xi32>,
        %add3A_122 = arith.addi %sub3A, %get3A_94 : vector<16xi32>
        %mul3A_123 = arith.constant 16 : i32
        %mul3A_124 = arith.muli %scan3A_90, %mul3A_123 : i32
        %swap3A_125 = arith.index_cast %mul3A_124 : i32 to index
        %swap3A_126 = tpu.vector_load %arg8[%swap3A_125] {strides = array<i32>} : memref<2048xi32, #tpu.memory_space<vmem>>, vector<16xi32>,
        tpu.vector_store %arg8[%swap3A_125], %add3A_122 {strides = array<i32>} : memref<2048xi32, #tpu.memory_space<vmem>>, vector<16xi32>,
        %add3A_127 = arith.addi %sub3A, %get3A_94 : vector<16xi32>
        %add3A_128 = arith.addi %add3A_127, %get3A_100 : vector<16xi32>
        %mul3A_129 = arith.constant 16 : i32
        %mul3A_130 = arith.muli %scan3A_90, %mul3A_129 : i32
        %swap3A_131 = arith.index_cast %mul3A_130 : i32 to index
        %swap3A_132 = tpu.vector_load %arg9[%swap3A_131] {strides = array<i32>} : memref<2048xi32, #tpu.memory_space<vmem>>, vector<16xi32>,
        tpu.vector_store %arg9[%swap3A_131], %add3A_128 {strides = array<i32>} : memref<2048xi32, #tpu.memory_space<vmem>>, vector<16xi32>,
        %add3A_133 = arith.addi %sub3A, %get3A_94 : vector<16xi32>
        %add3A_134 = arith.addi %add3A_133, %get3A_100 : vector<16xi32>
        %add3A_135 = arith.addi %add3A_134, %get3A_106 : vector<16xi32>
        %mul3A_136 = arith.constant 16 : i32
        %mul3A_137 = arith.muli %scan3A_90, %mul3A_136 : i32
        %swap3A_138 = arith.index_cast %mul3A_137 : i32 to index
        %swap3A_139 = tpu.vector_load %arg10[%swap3A_138] {strides = array<i32>} : memref<2048xi32, #tpu.memory_space<vmem>>, vector<16xi32>,
        tpu.vector_store %arg10[%swap3A_138], %add3A_135 {strides = array<i32>} : memref<2048xi32, #tpu.memory_space<vmem>>, vector<16xi32>,
        %reduce_sum3A = arith.constant true
        %reduce_sum3A_140 = vector.broadcast %reduce_sum3A : i1 to vector<16xi1>
        %reduce_sum3A_141 = tpu.scan <sum>, %add3A_115 masked %reduce_sum3A_140 : vector<16xi32>, vector<16xi1> -> vector<16xi32>
        %reduce_sum3A_142 = vector.extract %reduce_sum3A_141[15] : i32 from vector<16xi32>
        %add3A_143 = arith.addi %scan3A_91, %reduce_sum3A_142 : i32
        scf.yield %add3A_143 : i32
      }
      %scan3A_34 = arith.constant 128 : i32
      %scan3A_35 = arith.constant 0 : i32
      %scan3A_36 = arith.constant 0 : i32
      %scan3A_37 = arith.constant 4 : i32
      %scan3A_38 = arith.addi %scan3A_36, %scan3A_37 : i32
      %scan3A_39 = arith.constant 1 : i32
      %scan3A_40 = scf.for %scan3A_90 = %scan3A_36 to %scan3A_38 step %scan3A_39 iter_args(%scan3A_91 = %scan3A_35) -> (i32)  : i32 {
        %add3A_92 = arith.constant 0 : i32
        %add3A_93 = arith.addi %mul3A_13, %add3A_92 : i32
        %mul3A_94 = arith.constant 4096 : i32
        %mul3A_95 = arith.muli %scan3A_90, %mul3A_94 : i32
        %add3A_96 = arith.addi %add3A_93, %mul3A_95 : i32
        "tpu.region"() ({
          %run_scoped3A = tpu.sem_alloc : memref<!tpu.dma_semaphore, #tpu.memory_space<semaphore_mem>>
          %dma_start3A = arith.constant 0 : i32
          %dma_start3A_120 = tpu.memref_slice %arg5[%dma_start3A] : memref<16384xi32, #tpu.memory_space<vmem>> -> memref<4096xi32, #tpu.memory_space<vmem>>
          %dma_start3A_121 = tpu.memref_slice %arg2[%add3A_96] : memref<16777216xi32, #tpu.memory_space<hbm>> -> memref<4096xi32, #tpu.memory_space<hbm>>
          %dma_start3A_122 = arith.constant 0 : i32
          %dma_start3A_123 = tpu.memref_slice %arg5[%dma_start3A_122] : memref<16384xi32, #tpu.memory_space<vmem>> -> memref<4096xi32, #tpu.memory_space<vmem>>
          %dma_start3A_124 = tpu.memref_slice %arg2[%add3A_96] : memref<16777216xi32, #tpu.memory_space<hbm>> -> memref<4096xi32, #tpu.memory_space<hbm>>
          tpu.enqueue_dma source(%dma_start3A_124 : memref<4096xi32, #tpu.memory_space<hbm>>) target(%dma_start3A_123 : memref<4096xi32, #tpu.memory_space<vmem>>) target_semaphore(%run_scoped3A : memref<!tpu.dma_semaphore, #tpu.memory_space<semaphore_mem>>)
          %dma_wait3A = arith.constant 0 : i32
          %dma_wait3A_125 = tpu.memref_slice %arg5[%dma_wait3A] : memref<16384xi32, #tpu.memory_space<vmem>> -> memref<4096xi32, #tpu.memory_space<vmem>>
          %dma_wait3A_126 = tpu.memref_slice %arg2[%add3A_96] : memref<16777216xi32, #tpu.memory_space<hbm>> -> memref<4096xi32, #tpu.memory_space<hbm>>
          %dma_wait3A_127 = arith.constant 0 : i32
          %dma_wait3A_128 = tpu.memref_slice %arg5[%dma_wait3A_127] : memref<16384xi32, #tpu.memory_space<vmem>> -> memref<4096xi32, #tpu.memory_space<vmem>>
          %dma_wait3A_129 = tpu.memref_slice %arg2[%add3A_96] : memref<16777216xi32, #tpu.memory_space<hbm>> -> memref<4096xi32, #tpu.memory_space<hbm>>
          tpu.wait_dma2 semaphore(%run_scoped3A : memref<!tpu.dma_semaphore, #tpu.memory_space<semaphore_mem>>) src(%dma_wait3A_129 : memref<4096xi32, #tpu.memory_space<hbm>>) dst(%dma_wait3A_128 : memref<4096xi32, #tpu.memory_space<vmem>>)
          tpu.yield
        }) : () -> ()
        %add3A_97 = arith.constant 16384 : i32
        %add3A_98 = arith.addi %mul3A_13, %add3A_97 : i32
        %mul3A_99 = arith.constant 4096 : i32
        %mul3A_100 = arith.muli %scan3A_90, %mul3A_99 : i32
        %add3A_101 = arith.addi %add3A_98, %mul3A_100 : i32
        "tpu.region"() ({
          %run_scoped3A = tpu.sem_alloc : memref<!tpu.dma_semaphore, #tpu.memory_space<semaphore_mem>>
          %dma_start3A = arith.constant 4096 : i32
          %dma_start3A_120 = tpu.memref_slice %arg5[%dma_start3A] : memref<16384xi32, #tpu.memory_space<vmem>> -> memref<4096xi32, #tpu.memory_space<vmem>>
          %dma_start3A_121 = tpu.memref_slice %arg2[%add3A_101] : memref<16777216xi32, #tpu.memory_space<hbm>> -> memref<4096xi32, #tpu.memory_space<hbm>>
          %dma_start3A_122 = arith.constant 4096 : i32
          %dma_start3A_123 = tpu.memref_slice %arg5[%dma_start3A_122] : memref<16384xi32, #tpu.memory_space<vmem>> -> memref<4096xi32, #tpu.memory_space<vmem>>
          %dma_start3A_124 = tpu.memref_slice %arg2[%add3A_101] : memref<16777216xi32, #tpu.memory_space<hbm>> -> memref<4096xi32, #tpu.memory_space<hbm>>
          tpu.enqueue_dma source(%dma_start3A_124 : memref<4096xi32, #tpu.memory_space<hbm>>) target(%dma_start3A_123 : memref<4096xi32, #tpu.memory_space<vmem>>) target_semaphore(%run_scoped3A : memref<!tpu.dma_semaphore, #tpu.memory_space<semaphore_mem>>)
          %dma_wait3A = arith.constant 4096 : i32
          %dma_wait3A_125 = tpu.memref_slice %arg5[%dma_wait3A] : memref<16384xi32, #tpu.memory_space<vmem>> -> memref<4096xi32, #tpu.memory_space<vmem>>
          %dma_wait3A_126 = tpu.memref_slice %arg2[%add3A_101] : memref<16777216xi32, #tpu.memory_space<hbm>> -> memref<4096xi32, #tpu.memory_space<hbm>>
          %dma_wait3A_127 = arith.constant 4096 : i32
          %dma_wait3A_128 = tpu.memref_slice %arg5[%dma_wait3A_127] : memref<16384xi32, #tpu.memory_space<vmem>> -> memref<4096xi32, #tpu.memory_space<vmem>>
          %dma_wait3A_129 = tpu.memref_slice %arg2[%add3A_101] : memref<16777216xi32, #tpu.memory_space<hbm>> -> memref<4096xi32, #tpu.memory_space<hbm>>
          tpu.wait_dma2 semaphore(%run_scoped3A : memref<!tpu.dma_semaphore, #tpu.memory_space<semaphore_mem>>) src(%dma_wait3A_129 : memref<4096xi32, #tpu.memory_space<hbm>>) dst(%dma_wait3A_128 : memref<4096xi32, #tpu.memory_space<vmem>>)
          tpu.yield
        }) : () -> ()
        %add3A_102 = arith.constant 32768 : i32
        %add3A_103 = arith.addi %mul3A_13, %add3A_102 : i32
        %mul3A_104 = arith.constant 4096 : i32
        %mul3A_105 = arith.muli %scan3A_90, %mul3A_104 : i32
        %add3A_106 = arith.addi %add3A_103, %mul3A_105 : i32
        "tpu.region"() ({
          %run_scoped3A = tpu.sem_alloc : memref<!tpu.dma_semaphore, #tpu.memory_space<semaphore_mem>>
          %dma_start3A = arith.constant 8192 : i32
          %dma_start3A_120 = tpu.memref_slice %arg5[%dma_start3A] : memref<16384xi32, #tpu.memory_space<vmem>> -> memref<4096xi32, #tpu.memory_space<vmem>>
          %dma_start3A_121 = tpu.memref_slice %arg2[%add3A_106] : memref<16777216xi32, #tpu.memory_space<hbm>> -> memref<4096xi32, #tpu.memory_space<hbm>>
          %dma_start3A_122 = arith.constant 8192 : i32
          %dma_start3A_123 = tpu.memref_slice %arg5[%dma_start3A_122] : memref<16384xi32, #tpu.memory_space<vmem>> -> memref<4096xi32, #tpu.memory_space<vmem>>
          %dma_start3A_124 = tpu.memref_slice %arg2[%add3A_106] : memref<16777216xi32, #tpu.memory_space<hbm>> -> memref<4096xi32, #tpu.memory_space<hbm>>
          tpu.enqueue_dma source(%dma_start3A_124 : memref<4096xi32, #tpu.memory_space<hbm>>) target(%dma_start3A_123 : memref<4096xi32, #tpu.memory_space<vmem>>) target_semaphore(%run_scoped3A : memref<!tpu.dma_semaphore, #tpu.memory_space<semaphore_mem>>)
          %dma_wait3A = arith.constant 8192 : i32
          %dma_wait3A_125 = tpu.memref_slice %arg5[%dma_wait3A] : memref<16384xi32, #tpu.memory_space<vmem>> -> memref<4096xi32, #tpu.memory_space<vmem>>
          %dma_wait3A_126 = tpu.memref_slice %arg2[%add3A_106] : memref<16777216xi32, #tpu.memory_space<hbm>> -> memref<4096xi32, #tpu.memory_space<hbm>>
          %dma_wait3A_127 = arith.constant 8192 : i32
          %dma_wait3A_128 = tpu.memref_slice %arg5[%dma_wait3A_127] : memref<16384xi32, #tpu.memory_space<vmem>> -> memref<4096xi32, #tpu.memory_space<vmem>>
          %dma_wait3A_129 = tpu.memref_slice %arg2[%add3A_106] : memref<16777216xi32, #tpu.memory_space<hbm>> -> memref<4096xi32, #tpu.memory_space<hbm>>
          tpu.wait_dma2 semaphore(%run_scoped3A : memref<!tpu.dma_semaphore, #tpu.memory_space<semaphore_mem>>) src(%dma_wait3A_129 : memref<4096xi32, #tpu.memory_space<hbm>>) dst(%dma_wait3A_128 : memref<4096xi32, #tpu.memory_space<vmem>>)
          tpu.yield
        }) : () -> ()
        %add3A_107 = arith.constant 49152 : i32
        %add3A_108 = arith.addi %mul3A_13, %add3A_107 : i32
        %mul3A_109 = arith.constant 4096 : i32
        %mul3A_110 = arith.muli %scan3A_90, %mul3A_109 : i32
        %add3A_111 = arith.addi %add3A_108, %mul3A_110 : i32
        "tpu.region"() ({
          %run_scoped3A = tpu.sem_alloc : memref<!tpu.dma_semaphore, #tpu.memory_space<semaphore_mem>>
          %dma_start3A = arith.constant 12288 : i32
          %dma_start3A_120 = tpu.memref_slice %arg5[%dma_start3A] : memref<16384xi32, #tpu.memory_space<vmem>> -> memref<4096xi32, #tpu.memory_space<vmem>>
          %dma_start3A_121 = tpu.memref_slice %arg2[%add3A_111] : memref<16777216xi32, #tpu.memory_space<hbm>> -> memref<4096xi32, #tpu.memory_space<hbm>>
          %dma_start3A_122 = arith.constant 12288 : i32
          %dma_start3A_123 = tpu.memref_slice %arg5[%dma_start3A_122] : memref<16384xi32, #tpu.memory_space<vmem>> -> memref<4096xi32, #tpu.memory_space<vmem>>
          %dma_start3A_124 = tpu.memref_slice %arg2[%add3A_111] : memref<16777216xi32, #tpu.memory_space<hbm>> -> memref<4096xi32, #tpu.memory_space<hbm>>
          tpu.enqueue_dma source(%dma_start3A_124 : memref<4096xi32, #tpu.memory_space<hbm>>) target(%dma_start3A_123 : memref<4096xi32, #tpu.memory_space<vmem>>) target_semaphore(%run_scoped3A : memref<!tpu.dma_semaphore, #tpu.memory_space<semaphore_mem>>)
          %dma_wait3A = arith.constant 12288 : i32
          %dma_wait3A_125 = tpu.memref_slice %arg5[%dma_wait3A] : memref<16384xi32, #tpu.memory_space<vmem>> -> memref<4096xi32, #tpu.memory_space<vmem>>
          %dma_wait3A_126 = tpu.memref_slice %arg2[%add3A_111] : memref<16777216xi32, #tpu.memory_space<hbm>> -> memref<4096xi32, #tpu.memory_space<hbm>>
          %dma_wait3A_127 = arith.constant 12288 : i32
          %dma_wait3A_128 = tpu.memref_slice %arg5[%dma_wait3A_127] : memref<16384xi32, #tpu.memory_space<vmem>> -> memref<4096xi32, #tpu.memory_space<vmem>>
          %dma_wait3A_129 = tpu.memref_slice %arg2[%add3A_111] : memref<16777216xi32, #tpu.memory_space<hbm>> -> memref<4096xi32, #tpu.memory_space<hbm>>
          tpu.wait_dma2 semaphore(%run_scoped3A : memref<!tpu.dma_semaphore, #tpu.memory_space<semaphore_mem>>) src(%dma_wait3A_129 : memref<4096xi32, #tpu.memory_space<hbm>>) dst(%dma_wait3A_128 : memref<4096xi32, #tpu.memory_space<vmem>>)
          tpu.yield
        }) : () -> ()
        %scan3A_112 = arith.constant 0 : i32
        %scan3A_113 = arith.constant 0 : i32
        %scan3A_114 = arith.constant 256 : i32
        %scan3A_115 = arith.addi %scan3A_113, %scan3A_114 : i32
        %scan3A_116 = arith.constant 8 : i32
        %scan3A_117 = scf.for %scan3A_120 = %scan3A_113 to %scan3A_115 step %scan3A_116 iter_args(%scan3A_121 = %scan3A_112) -> (i32)  : i32 {
          %mul3A_122 = arith.constant 16 : i32
          %mul3A_123 = arith.muli %scan3A_120, %mul3A_122 : i32
          %add3A_124 = arith.constant 0 : i32
          %add3A_125 = arith.addi %add3A_124, %mul3A_123 : i32
          %get3A = arith.index_cast %add3A_125 : i32 to index
          %get3A_126 = tpu.vector_load %arg5[%get3A] {strides = array<i32>} : memref<16384xi32, #tpu.memory_space<vmem>>, vector<16xi32>,
          %mul3A_127 = arith.constant 16 : i32
          %mul3A_128 = arith.muli %scan3A_120, %mul3A_127 : i32
          %add3A_129 = arith.constant 4096 : i32
          %add3A_130 = arith.addi %add3A_129, %mul3A_128 : i32
          %get3A_131 = arith.index_cast %add3A_130 : i32 to index
          %get3A_132 = tpu.vector_load %arg5[%get3A_131] {strides = array<i32>} : memref<16384xi32, #tpu.memory_space<vmem>>, vector<16xi32>,
          %mul3A_133 = arith.constant 16 : i32
          %mul3A_134 = arith.muli %scan3A_120, %mul3A_133 : i32
          %add3A_135 = arith.constant 8192 : i32
          %add3A_136 = arith.addi %add3A_135, %mul3A_134 : i32
          %get3A_137 = arith.index_cast %add3A_136 : i32 to index
          %get3A_138 = tpu.vector_load %arg5[%get3A_137] {strides = array<i32>} : memref<16384xi32, #tpu.memory_space<vmem>>, vector<16xi32>,
          %mul3A_139 = arith.constant 16 : i32
          %mul3A_140 = arith.muli %scan3A_120, %mul3A_139 : i32
          %add3A_141 = arith.constant 12288 : i32
          %add3A_142 = arith.addi %add3A_141, %mul3A_140 : i32
          %get3A_143 = arith.index_cast %add3A_142 : i32 to index
          %get3A_144 = tpu.vector_load %arg5[%get3A_143] {strides = array<i32>} : memref<16384xi32, #tpu.memory_space<vmem>>, vector<16xi32>,
          %and3A = arith.constant 2047 : i32
          %and3A_145 = vector.broadcast %and3A : i32 to vector<16xi32>
          %and3A_146 = arith.andi %get3A_126, %and3A_145 : vector<16xi32>
          %broadcast_in_dim3A = arith.constant true
          %broadcast_in_dim3A_147 = vector.broadcast %broadcast_in_dim3A : i1 to vector<16xi1>
          %unique3A, %unique3A_148 = tpu.scan_count mask(%broadcast_in_dim3A_147 : vector<16xi1>) value(%and3A_146 : vector<16xi32>) : vector<16xi1>, vector<16xi32>
          %gather3A = tpu.vector_load_idx %arg7[%and3A_146] : memref<2048xi32, #tpu.memory_space<vmem>>[vector<16xi32>], vector<16xi32>,
          %add3A_149 = arith.addi %gather3A, %unique3A_148 : vector<16xi32>
          %sub3A = arith.constant 1 : i32
          %sub3A_150 = vector.broadcast %sub3A : i32 to vector<16xi32>
          %sub3A_151 = arith.subi %add3A_149, %sub3A_150 : vector<16xi32>
          tpu.vector_store_idx %arg4[%sub3A_151], %get3A_126 : memref<65552xi32, #tpu.memory_space<vmem>>[vector<16xi32>], vector<16xi32>,
          tpu.vector_store_idx %arg7[%and3A_146], %unique3A_148 masked %unique3A {add = true} : memref<2048xi32, #tpu.memory_space<vmem>>[vector<16xi32>], vector<16xi32>, vector<16xi1>
          %and3A_152 = arith.constant 2047 : i32
          %and3A_153 = vector.broadcast %and3A_152 : i32 to vector<16xi32>
          %and3A_154 = arith.andi %get3A_132, %and3A_153 : vector<16xi32>
          %broadcast_in_dim3A_155 = arith.constant true
          %broadcast_in_dim3A_156 = vector.broadcast %broadcast_in_dim3A_155 : i1 to vector<16xi1>
          %unique3A_157, %unique3A_158 = tpu.scan_count mask(%broadcast_in_dim3A_156 : vector<16xi1>) value(%and3A_154 : vector<16xi32>) : vector<16xi1>, vector<16xi32>
          %gather3A_159 = tpu.vector_load_idx %arg8[%and3A_154] : memref<2048xi32, #tpu.memory_space<vmem>>[vector<16xi32>], vector<16xi32>,
          %add3A_160 = arith.addi %gather3A_159, %unique3A_158 : vector<16xi32>
          %sub3A_161 = arith.constant 1 : i32
          %sub3A_162 = vector.broadcast %sub3A_161 : i32 to vector<16xi32>
          %sub3A_163 = arith.subi %add3A_160, %sub3A_162 : vector<16xi32>
          tpu.vector_store_idx %arg4[%sub3A_163], %get3A_132 : memref<65552xi32, #tpu.memory_space<vmem>>[vector<16xi32>], vector<16xi32>,
          tpu.vector_store_idx %arg8[%and3A_154], %unique3A_158 masked %unique3A_157 {add = true} : memref<2048xi32, #tpu.memory_space<vmem>>[vector<16xi32>], vector<16xi32>, vector<16xi1>
          %and3A_164 = arith.constant 2047 : i32
          %and3A_165 = vector.broadcast %and3A_164 : i32 to vector<16xi32>
          %and3A_166 = arith.andi %get3A_138, %and3A_165 : vector<16xi32>
          %broadcast_in_dim3A_167 = arith.constant true
          %broadcast_in_dim3A_168 = vector.broadcast %broadcast_in_dim3A_167 : i1 to vector<16xi1>
          %unique3A_169, %unique3A_170 = tpu.scan_count mask(%broadcast_in_dim3A_168 : vector<16xi1>) value(%and3A_166 : vector<16xi32>) : vector<16xi1>, vector<16xi32>
          %gather3A_171 = tpu.vector_load_idx %arg9[%and3A_166] : memref<2048xi32, #tpu.memory_space<vmem>>[vector<16xi32>], vector<16xi32>,
          %add3A_172 = arith.addi %gather3A_171, %unique3A_170 : vector<16xi32>
          %sub3A_173 = arith.constant 1 : i32
          %sub3A_174 = vector.broadcast %sub3A_173 : i32 to vector<16xi32>
          %sub3A_175 = arith.subi %add3A_172, %sub3A_174 : vector<16xi32>
          tpu.vector_store_idx %arg4[%sub3A_175], %get3A_138 : memref<65552xi32, #tpu.memory_space<vmem>>[vector<16xi32>], vector<16xi32>,
          tpu.vector_store_idx %arg9[%and3A_166], %unique3A_170 masked %unique3A_169 {add = true} : memref<2048xi32, #tpu.memory_space<vmem>>[vector<16xi32>], vector<16xi32>, vector<16xi1>
          %and3A_176 = arith.constant 2047 : i32
          %and3A_177 = vector.broadcast %and3A_176 : i32 to vector<16xi32>
          %and3A_178 = arith.andi %get3A_144, %and3A_177 : vector<16xi32>
          %broadcast_in_dim3A_179 = arith.constant true
          %broadcast_in_dim3A_180 = vector.broadcast %broadcast_in_dim3A_179 : i1 to vector<16xi1>
          %unique3A_181, %unique3A_182 = tpu.scan_count mask(%broadcast_in_dim3A_180 : vector<16xi1>) value(%and3A_178 : vector<16xi32>) : vector<16xi1>, vector<16xi32>
          %gather3A_183 = tpu.vector_load_idx %arg10[%and3A_178] : memref<2048xi32, #tpu.memory_space<vmem>>[vector<16xi32>], vector<16xi32>,
          %add3A_184 = arith.addi %gather3A_183, %unique3A_182 : vector<16xi32>
          %sub3A_185 = arith.constant 1 : i32
          %sub3A_186 = vector.broadcast %sub3A_185 : i32 to vector<16xi32>
          %sub3A_187 = arith.subi %add3A_184, %sub3A_186 : vector<16xi32>
          tpu.vector_store_idx %arg4[%sub3A_187], %get3A_144 : memref<65552xi32, #tpu.memory_space<vmem>>[vector<16xi32>], vector<16xi32>,
          tpu.vector_store_idx %arg10[%and3A_178], %unique3A_182 masked %unique3A_181 {add = true} : memref<2048xi32, #tpu.memory_space<vmem>>[vector<16xi32>], vector<16xi32>, vector<16xi1>
          %scan3A_188 = arith.constant 0 : i32
          %scan3A_189 = arith.constant 1 : i32
          %scan3A_190 = arith.addi %scan3A_120, %scan3A_189 : i32
          %mul3A_191 = arith.constant 16 : i32
          %mul3A_192 = arith.muli %scan3A_190, %mul3A_191 : i32
          %add3A_193 = arith.constant 0 : i32
          %add3A_194 = arith.addi %add3A_193, %mul3A_192 : i32
          %get3A_195 = arith.index_cast %add3A_194 : i32 to index
          %get3A_196 = tpu.vector_load %arg5[%get3A_195] {strides = array<i32>} : memref<16384xi32, #tpu.memory_space<vmem>>, vector<16xi32>,
          %mul3A_197 = arith.constant 16 : i32
          %mul3A_198 = arith.muli %scan3A_190, %mul3A_197 : i32
          %add3A_199 = arith.constant 4096 : i32
          %add3A_200 = arith.addi %add3A_199, %mul3A_198 : i32
          %get3A_201 = arith.index_cast %add3A_200 : i32 to index
          %get3A_202 = tpu.vector_load %arg5[%get3A_201] {strides = array<i32>} : memref<16384xi32, #tpu.memory_space<vmem>>, vector<16xi32>,
          %mul3A_203 = arith.constant 16 : i32
          %mul3A_204 = arith.muli %scan3A_190, %mul3A_203 : i32
          %add3A_205 = arith.constant 8192 : i32
          %add3A_206 = arith.addi %add3A_205, %mul3A_204 : i32
          %get3A_207 = arith.index_cast %add3A_206 : i32 to index
          %get3A_208 = tpu.vector_load %arg5[%get3A_207] {strides = array<i32>} : memref<16384xi32, #tpu.memory_space<vmem>>, vector<16xi32>,
          %mul3A_209 = arith.constant 16 : i32
          %mul3A_210 = arith.muli %scan3A_190, %mul3A_209 : i32
          %add3A_211 = arith.constant 12288 : i32
          %add3A_212 = arith.addi %add3A_211, %mul3A_210 : i32
          %get3A_213 = arith.index_cast %add3A_212 : i32 to index
          %get3A_214 = tpu.vector_load %arg5[%get3A_213] {strides = array<i32>} : memref<16384xi32, #tpu.memory_space<vmem>>, vector<16xi32>,
          %and3A_215 = arith.constant 2047 : i32
          %and3A_216 = vector.broadcast %and3A_215 : i32 to vector<16xi32>
          %and3A_217 = arith.andi %get3A_196, %and3A_216 : vector<16xi32>
          %broadcast_in_dim3A_218 = arith.constant true
          %broadcast_in_dim3A_219 = vector.broadcast %broadcast_in_dim3A_218 : i1 to vector<16xi1>
          %unique3A_220, %unique3A_221 = tpu.scan_count mask(%broadcast_in_dim3A_219 : vector<16xi1>) value(%and3A_217 : vector<16xi32>) : vector<16xi1>, vector<16xi32>
          %gather3A_222 = tpu.vector_load_idx %arg7[%and3A_217] : memref<2048xi32, #tpu.memory_space<vmem>>[vector<16xi32>], vector<16xi32>,
          %add3A_223 = arith.addi %gather3A_222, %unique3A_221 : vector<16xi32>
          %sub3A_224 = arith.constant 1 : i32
          %sub3A_225 = vector.broadcast %sub3A_224 : i32 to vector<16xi32>
          %sub3A_226 = arith.subi %add3A_223, %sub3A_225 : vector<16xi32>
          tpu.vector_store_idx %arg4[%sub3A_226], %get3A_196 : memref<65552xi32, #tpu.memory_space<vmem>>[vector<16xi32>], vector<16xi32>,
          tpu.vector_store_idx %arg7[%and3A_217], %unique3A_221 masked %unique3A_220 {add = true} : memref<2048xi32, #tpu.memory_space<vmem>>[vector<16xi32>], vector<16xi32>, vector<16xi1>
          %and3A_227 = arith.constant 2047 : i32
          %and3A_228 = vector.broadcast %and3A_227 : i32 to vector<16xi32>
          %and3A_229 = arith.andi %get3A_202, %and3A_228 : vector<16xi32>
          %broadcast_in_dim3A_230 = arith.constant true
          %broadcast_in_dim3A_231 = vector.broadcast %broadcast_in_dim3A_230 : i1 to vector<16xi1>
          %unique3A_232, %unique3A_233 = tpu.scan_count mask(%broadcast_in_dim3A_231 : vector<16xi1>) value(%and3A_229 : vector<16xi32>) : vector<16xi1>, vector<16xi32>
          %gather3A_234 = tpu.vector_load_idx %arg8[%and3A_229] : memref<2048xi32, #tpu.memory_space<vmem>>[vector<16xi32>], vector<16xi32>,
          %add3A_235 = arith.addi %gather3A_234, %unique3A_233 : vector<16xi32>
          %sub3A_236 = arith.constant 1 : i32
          %sub3A_237 = vector.broadcast %sub3A_236 : i32 to vector<16xi32>
          %sub3A_238 = arith.subi %add3A_235, %sub3A_237 : vector<16xi32>
          tpu.vector_store_idx %arg4[%sub3A_238], %get3A_202 : memref<65552xi32, #tpu.memory_space<vmem>>[vector<16xi32>], vector<16xi32>,
          tpu.vector_store_idx %arg8[%and3A_229], %unique3A_233 masked %unique3A_232 {add = true} : memref<2048xi32, #tpu.memory_space<vmem>>[vector<16xi32>], vector<16xi32>, vector<16xi1>
          %and3A_239 = arith.constant 2047 : i32
          %and3A_240 = vector.broadcast %and3A_239 : i32 to vector<16xi32>
          %and3A_241 = arith.andi %get3A_208, %and3A_240 : vector<16xi32>
          %broadcast_in_dim3A_242 = arith.constant true
          %broadcast_in_dim3A_243 = vector.broadcast %broadcast_in_dim3A_242 : i1 to vector<16xi1>
          %unique3A_244, %unique3A_245 = tpu.scan_count mask(%broadcast_in_dim3A_243 : vector<16xi1>) value(%and3A_241 : vector<16xi32>) : vector<16xi1>, vector<16xi32>
          %gather3A_246 = tpu.vector_load_idx %arg9[%and3A_241] : memref<2048xi32, #tpu.memory_space<vmem>>[vector<16xi32>], vector<16xi32>,
          %add3A_247 = arith.addi %gather3A_246, %unique3A_245 : vector<16xi32>
          %sub3A_248 = arith.constant 1 : i32
          %sub3A_249 = vector.broadcast %sub3A_248 : i32 to vector<16xi32>
          %sub3A_250 = arith.subi %add3A_247, %sub3A_249 : vector<16xi32>
          tpu.vector_store_idx %arg4[%sub3A_250], %get3A_208 : memref<65552xi32, #tpu.memory_space<vmem>>[vector<16xi32>], vector<16xi32>,
          tpu.vector_store_idx %arg9[%and3A_241], %unique3A_245 masked %unique3A_244 {add = true} : memref<2048xi32, #tpu.memory_space<vmem>>[vector<16xi32>], vector<16xi32>, vector<16xi1>
          %and3A_251 = arith.constant 2047 : i32
          %and3A_252 = vector.broadcast %and3A_251 : i32 to vector<16xi32>
          %and3A_253 = arith.andi %get3A_214, %and3A_252 : vector<16xi32>
          %broadcast_in_dim3A_254 = arith.constant true
          %broadcast_in_dim3A_255 = vector.broadcast %broadcast_in_dim3A_254 : i1 to vector<16xi1>
          %unique3A_256, %unique3A_257 = tpu.scan_count mask(%broadcast_in_dim3A_255 : vector<16xi1>) value(%and3A_253 : vector<16xi32>) : vector<16xi1>, vector<16xi32>
          %gather3A_258 = tpu.vector_load_idx %arg10[%and3A_253] : memref<2048xi32, #tpu.memory_space<vmem>>[vector<16xi32>], vector<16xi32>,
          %add3A_259 = arith.addi %gather3A_258, %unique3A_257 : vector<16xi32>
          %sub3A_260 = arith.constant 1 : i32
          %sub3A_261 = vector.broadcast %sub3A_260 : i32 to vector<16xi32>
          %sub3A_262 = arith.subi %add3A_259, %sub3A_261 : vector<16xi32>
          tpu.vector_store_idx %arg4[%sub3A_262], %get3A_214 : memref<65552xi32, #tpu.memory_space<vmem>>[vector<16xi32>], vector<16xi32>,
          tpu.vector_store_idx %arg10[%and3A_253], %unique3A_257 masked %unique3A_256 {add = true} : memref<2048xi32, #tpu.memory_space<vmem>>[vector<16xi32>], vector<16xi32>, vector<16xi1>
          %scan3A_263 = arith.constant 0 : i32
          %scan3A_264 = arith.constant 2 : i32
          %scan3A_265 = arith.addi %scan3A_120, %scan3A_264 : i32
          %mul3A_266 = arith.constant 16 : i32
          %mul3A_267 = arith.muli %scan3A_265, %mul3A_266 : i32
          %add3A_268 = arith.constant 0 : i32
          %add3A_269 = arith.addi %add3A_268, %mul3A_267 : i32
          %get3A_270 = arith.index_cast %add3A_269 : i32 to index
          %get3A_271 = tpu.vector_load %arg5[%get3A_270] {strides = array<i32>} : memref<16384xi32, #tpu.memory_space<vmem>>, vector<16xi32>,
          %mul3A_272 = arith.constant 16 : i32
          %mul3A_273 = arith.muli %scan3A_265, %mul3A_272 : i32
          %add3A_274 = arith.constant 4096 : i32
          %add3A_275 = arith.addi %add3A_274, %mul3A_273 : i32
          %get3A_276 = arith.index_cast %add3A_275 : i32 to index
          %get3A_277 = tpu.vector_load %arg5[%get3A_276] {strides = array<i32>} : memref<16384xi32, #tpu.memory_space<vmem>>, vector<16xi32>,
          %mul3A_278 = arith.constant 16 : i32
          %mul3A_279 = arith.muli %scan3A_265, %mul3A_278 : i32
          %add3A_280 = arith.constant 8192 : i32
          %add3A_281 = arith.addi %add3A_280, %mul3A_279 : i32
          %get3A_282 = arith.index_cast %add3A_281 : i32 to index
          %get3A_283 = tpu.vector_load %arg5[%get3A_282] {strides = array<i32>} : memref<16384xi32, #tpu.memory_space<vmem>>, vector<16xi32>,
          %mul3A_284 = arith.constant 16 : i32
          %mul3A_285 = arith.muli %scan3A_265, %mul3A_284 : i32
          %add3A_286 = arith.constant 12288 : i32
          %add3A_287 = arith.addi %add3A_286, %mul3A_285 : i32
          %get3A_288 = arith.index_cast %add3A_287 : i32 to index
          %get3A_289 = tpu.vector_load %arg5[%get3A_288] {strides = array<i32>} : memref<16384xi32, #tpu.memory_space<vmem>>, vector<16xi32>,
          %and3A_290 = arith.constant 2047 : i32
          %and3A_291 = vector.broadcast %and3A_290 : i32 to vector<16xi32>
          %and3A_292 = arith.andi %get3A_271, %and3A_291 : vector<16xi32>
          %broadcast_in_dim3A_293 = arith.constant true
          %broadcast_in_dim3A_294 = vector.broadcast %broadcast_in_dim3A_293 : i1 to vector<16xi1>
          %unique3A_295, %unique3A_296 = tpu.scan_count mask(%broadcast_in_dim3A_294 : vector<16xi1>) value(%and3A_292 : vector<16xi32>) : vector<16xi1>, vector<16xi32>
          %gather3A_297 = tpu.vector_load_idx %arg7[%and3A_292] : memref<2048xi32, #tpu.memory_space<vmem>>[vector<16xi32>], vector<16xi32>,
          %add3A_298 = arith.addi %gather3A_297, %unique3A_296 : vector<16xi32>
          %sub3A_299 = arith.constant 1 : i32
          %sub3A_300 = vector.broadcast %sub3A_299 : i32 to vector<16xi32>
          %sub3A_301 = arith.subi %add3A_298, %sub3A_300 : vector<16xi32>
          tpu.vector_store_idx %arg4[%sub3A_301], %get3A_271 : memref<65552xi32, #tpu.memory_space<vmem>>[vector<16xi32>], vector<16xi32>,
          tpu.vector_store_idx %arg7[%and3A_292], %unique3A_296 masked %unique3A_295 {add = true} : memref<2048xi32, #tpu.memory_space<vmem>>[vector<16xi32>], vector<16xi32>, vector<16xi1>
          %and3A_302 = arith.constant 2047 : i32
          %and3A_303 = vector.broadcast %and3A_302 : i32 to vector<16xi32>
          %and3A_304 = arith.andi %get3A_277, %and3A_303 : vector<16xi32>
          %broadcast_in_dim3A_305 = arith.constant true
          %broadcast_in_dim3A_306 = vector.broadcast %broadcast_in_dim3A_305 : i1 to vector<16xi1>
          %unique3A_307, %unique3A_308 = tpu.scan_count mask(%broadcast_in_dim3A_306 : vector<16xi1>) value(%and3A_304 : vector<16xi32>) : vector<16xi1>, vector<16xi32>
          %gather3A_309 = tpu.vector_load_idx %arg8[%and3A_304] : memref<2048xi32, #tpu.memory_space<vmem>>[vector<16xi32>], vector<16xi32>,
          %add3A_310 = arith.addi %gather3A_309, %unique3A_308 : vector<16xi32>
          %sub3A_311 = arith.constant 1 : i32
          %sub3A_312 = vector.broadcast %sub3A_311 : i32 to vector<16xi32>
          %sub3A_313 = arith.subi %add3A_310, %sub3A_312 : vector<16xi32>
          tpu.vector_store_idx %arg4[%sub3A_313], %get3A_277 : memref<65552xi32, #tpu.memory_space<vmem>>[vector<16xi32>], vector<16xi32>,
          tpu.vector_store_idx %arg8[%and3A_304], %unique3A_308 masked %unique3A_307 {add = true} : memref<2048xi32, #tpu.memory_space<vmem>>[vector<16xi32>], vector<16xi32>, vector<16xi1>
          %and3A_314 = arith.constant 2047 : i32
          %and3A_315 = vector.broadcast %and3A_314 : i32 to vector<16xi32>
          %and3A_316 = arith.andi %get3A_283, %and3A_315 : vector<16xi32>
          %broadcast_in_dim3A_317 = arith.constant true
          %broadcast_in_dim3A_318 = vector.broadcast %broadcast_in_dim3A_317 : i1 to vector<16xi1>
          %unique3A_319, %unique3A_320 = tpu.scan_count mask(%broadcast_in_dim3A_318 : vector<16xi1>) value(%and3A_316 : vector<16xi32>) : vector<16xi1>, vector<16xi32>
          %gather3A_321 = tpu.vector_load_idx %arg9[%and3A_316] : memref<2048xi32, #tpu.memory_space<vmem>>[vector<16xi32>], vector<16xi32>,
          %add3A_322 = arith.addi %gather3A_321, %unique3A_320 : vector<16xi32>
          %sub3A_323 = arith.constant 1 : i32
          %sub3A_324 = vector.broadcast %sub3A_323 : i32 to vector<16xi32>
          %sub3A_325 = arith.subi %add3A_322, %sub3A_324 : vector<16xi32>
          tpu.vector_store_idx %arg4[%sub3A_325], %get3A_283 : memref<65552xi32, #tpu.memory_space<vmem>>[vector<16xi32>], vector<16xi32>,
          tpu.vector_store_idx %arg9[%and3A_316], %unique3A_320 masked %unique3A_319 {add = true} : memref<2048xi32, #tpu.memory_space<vmem>>[vector<16xi32>], vector<16xi32>, vector<16xi1>
          %and3A_326 = arith.constant 2047 : i32
          %and3A_327 = vector.broadcast %and3A_326 : i32 to vector<16xi32>
          %and3A_328 = arith.andi %get3A_289, %and3A_327 : vector<16xi32>
          %broadcast_in_dim3A_329 = arith.constant true
          %broadcast_in_dim3A_330 = vector.broadcast %broadcast_in_dim3A_329 : i1 to vector<16xi1>
          %unique3A_331, %unique3A_332 = tpu.scan_count mask(%broadcast_in_dim3A_330 : vector<16xi1>) value(%and3A_328 : vector<16xi32>) : vector<16xi1>, vector<16xi32>
          %gather3A_333 = tpu.vector_load_idx %arg10[%and3A_328] : memref<2048xi32, #tpu.memory_space<vmem>>[vector<16xi32>], vector<16xi32>,
          %add3A_334 = arith.addi %gather3A_333, %unique3A_332 : vector<16xi32>
          %sub3A_335 = arith.constant 1 : i32
          %sub3A_336 = vector.broadcast %sub3A_335 : i32 to vector<16xi32>
          %sub3A_337 = arith.subi %add3A_334, %sub3A_336 : vector<16xi32>
          tpu.vector_store_idx %arg4[%sub3A_337], %get3A_289 : memref<65552xi32, #tpu.memory_space<vmem>>[vector<16xi32>], vector<16xi32>,
          tpu.vector_store_idx %arg10[%and3A_328], %unique3A_332 masked %unique3A_331 {add = true} : memref<2048xi32, #tpu.memory_space<vmem>>[vector<16xi32>], vector<16xi32>, vector<16xi1>
          %scan3A_338 = arith.constant 0 : i32
          %scan3A_339 = arith.constant 3 : i32
          %scan3A_340 = arith.addi %scan3A_120, %scan3A_339 : i32
          %mul3A_341 = arith.constant 16 : i32
          %mul3A_342 = arith.muli %scan3A_340, %mul3A_341 : i32
          %add3A_343 = arith.constant 0 : i32
          %add3A_344 = arith.addi %add3A_343, %mul3A_342 : i32
          %get3A_345 = arith.index_cast %add3A_344 : i32 to index
          %get3A_346 = tpu.vector_load %arg5[%get3A_345] {strides = array<i32>} : memref<16384xi32, #tpu.memory_space<vmem>>, vector<16xi32>,
          %mul3A_347 = arith.constant 16 : i32
          %mul3A_348 = arith.muli %scan3A_340, %mul3A_347 : i32
          %add3A_349 = arith.constant 4096 : i32
          %add3A_350 = arith.addi %add3A_349, %mul3A_348 : i32
          %get3A_351 = arith.index_cast %add3A_350 : i32 to index
          %get3A_352 = tpu.vector_load %arg5[%get3A_351] {strides = array<i32>} : memref<16384xi32, #tpu.memory_space<vmem>>, vector<16xi32>,
          %mul3A_353 = arith.constant 16 : i32
          %mul3A_354 = arith.muli %scan3A_340, %mul3A_353 : i32
          %add3A_355 = arith.constant 8192 : i32
          %add3A_356 = arith.addi %add3A_355, %mul3A_354 : i32
          %get3A_357 = arith.index_cast %add3A_356 : i32 to index
          %get3A_358 = tpu.vector_load %arg5[%get3A_357] {strides = array<i32>} : memref<16384xi32, #tpu.memory_space<vmem>>, vector<16xi32>,
          %mul3A_359 = arith.constant 16 : i32
          %mul3A_360 = arith.muli %scan3A_340, %mul3A_359 : i32
          %add3A_361 = arith.constant 12288 : i32
          %add3A_362 = arith.addi %add3A_361, %mul3A_360 : i32
          %get3A_363 = arith.index_cast %add3A_362 : i32 to index
          %get3A_364 = tpu.vector_load %arg5[%get3A_363] {strides = array<i32>} : memref<16384xi32, #tpu.memory_space<vmem>>, vector<16xi32>,
          %and3A_365 = arith.constant 2047 : i32
          %and3A_366 = vector.broadcast %and3A_365 : i32 to vector<16xi32>
          %and3A_367 = arith.andi %get3A_346, %and3A_366 : vector<16xi32>
          %broadcast_in_dim3A_368 = arith.constant true
          %broadcast_in_dim3A_369 = vector.broadcast %broadcast_in_dim3A_368 : i1 to vector<16xi1>
          %unique3A_370, %unique3A_371 = tpu.scan_count mask(%broadcast_in_dim3A_369 : vector<16xi1>) value(%and3A_367 : vector<16xi32>) : vector<16xi1>, vector<16xi32>
          %gather3A_372 = tpu.vector_load_idx %arg7[%and3A_367] : memref<2048xi32, #tpu.memory_space<vmem>>[vector<16xi32>], vector<16xi32>,
          %add3A_373 = arith.addi %gather3A_372, %unique3A_371 : vector<16xi32>
          %sub3A_374 = arith.constant 1 : i32
          %sub3A_375 = vector.broadcast %sub3A_374 : i32 to vector<16xi32>
          %sub3A_376 = arith.subi %add3A_373, %sub3A_375 : vector<16xi32>
          tpu.vector_store_idx %arg4[%sub3A_376], %get3A_346 : memref<65552xi32, #tpu.memory_space<vmem>>[vector<16xi32>], vector<16xi32>,
          tpu.vector_store_idx %arg7[%and3A_367], %unique3A_371 masked %unique3A_370 {add = true} : memref<2048xi32, #tpu.memory_space<vmem>>[vector<16xi32>], vector<16xi32>, vector<16xi1>
          %and3A_377 = arith.constant 2047 : i32
          %and3A_378 = vector.broadcast %and3A_377 : i32 to vector<16xi32>
          %and3A_379 = arith.andi %get3A_352, %and3A_378 : vector<16xi32>
          %broadcast_in_dim3A_380 = arith.constant true
          %broadcast_in_dim3A_381 = vector.broadcast %broadcast_in_dim3A_380 : i1 to vector<16xi1>
          %unique3A_382, %unique3A_383 = tpu.scan_count mask(%broadcast_in_dim3A_381 : vector<16xi1>) value(%and3A_379 : vector<16xi32>) : vector<16xi1>, vector<16xi32>
          %gather3A_384 = tpu.vector_load_idx %arg8[%and3A_379] : memref<2048xi32, #tpu.memory_space<vmem>>[vector<16xi32>], vector<16xi32>,
          %add3A_385 = arith.addi %gather3A_384, %unique3A_383 : vector<16xi32>
          %sub3A_386 = arith.constant 1 : i32
          %sub3A_387 = vector.broadcast %sub3A_386 : i32 to vector<16xi32>
          %sub3A_388 = arith.subi %add3A_385, %sub3A_387 : vector<16xi32>
          tpu.vector_store_idx %arg4[%sub3A_388], %get3A_352 : memref<65552xi32, #tpu.memory_space<vmem>>[vector<16xi32>], vector<16xi32>,
          tpu.vector_store_idx %arg8[%and3A_379], %unique3A_383 masked %unique3A_382 {add = true} : memref<2048xi32, #tpu.memory_space<vmem>>[vector<16xi32>], vector<16xi32>, vector<16xi1>
          %and3A_389 = arith.constant 2047 : i32
          %and3A_390 = vector.broadcast %and3A_389 : i32 to vector<16xi32>
          %and3A_391 = arith.andi %get3A_358, %and3A_390 : vector<16xi32>
          %broadcast_in_dim3A_392 = arith.constant true
          %broadcast_in_dim3A_393 = vector.broadcast %broadcast_in_dim3A_392 : i1 to vector<16xi1>
          %unique3A_394, %unique3A_395 = tpu.scan_count mask(%broadcast_in_dim3A_393 : vector<16xi1>) value(%and3A_391 : vector<16xi32>) : vector<16xi1>, vector<16xi32>
          %gather3A_396 = tpu.vector_load_idx %arg9[%and3A_391] : memref<2048xi32, #tpu.memory_space<vmem>>[vector<16xi32>], vector<16xi32>,
          %add3A_397 = arith.addi %gather3A_396, %unique3A_395 : vector<16xi32>
          %sub3A_398 = arith.constant 1 : i32
          %sub3A_399 = vector.broadcast %sub3A_398 : i32 to vector<16xi32>
          %sub3A_400 = arith.subi %add3A_397, %sub3A_399 : vector<16xi32>
          tpu.vector_store_idx %arg4[%sub3A_400], %get3A_358 : memref<65552xi32, #tpu.memory_space<vmem>>[vector<16xi32>], vector<16xi32>,
          tpu.vector_store_idx %arg9[%and3A_391], %unique3A_395 masked %unique3A_394 {add = true} : memref<2048xi32, #tpu.memory_space<vmem>>[vector<16xi32>], vector<16xi32>, vector<16xi1>
          %and3A_401 = arith.constant 2047 : i32
          %and3A_402 = vector.broadcast %and3A_401 : i32 to vector<16xi32>
          %and3A_403 = arith.andi %get3A_364, %and3A_402 : vector<16xi32>
          %broadcast_in_dim3A_404 = arith.constant true
          %broadcast_in_dim3A_405 = vector.broadcast %broadcast_in_dim3A_404 : i1 to vector<16xi1>
          %unique3A_406, %unique3A_407 = tpu.scan_count mask(%broadcast_in_dim3A_405 : vector<16xi1>) value(%and3A_403 : vector<16xi32>) : vector<16xi1>, vector<16xi32>
          %gather3A_408 = tpu.vector_load_idx %arg10[%and3A_403] : memref<2048xi32, #tpu.memory_space<vmem>>[vector<16xi32>], vector<16xi32>,
          %add3A_409 = arith.addi %gather3A_408, %unique3A_407 : vector<16xi32>
          %sub3A_410 = arith.constant 1 : i32
          %sub3A_411 = vector.broadcast %sub3A_410 : i32 to vector<16xi32>
          %sub3A_412 = arith.subi %add3A_409, %sub3A_411 : vector<16xi32>
          tpu.vector_store_idx %arg4[%sub3A_412], %get3A_364 : memref<65552xi32, #tpu.memory_space<vmem>>[vector<16xi32>], vector<16xi32>,
          tpu.vector_store_idx %arg10[%and3A_403], %unique3A_407 masked %unique3A_406 {add = true} : memref<2048xi32, #tpu.memory_space<vmem>>[vector<16xi32>], vector<16xi32>, vector<16xi1>
          %scan3A_413 = arith.constant 0 : i32
          %scan3A_414 = arith.constant 4 : i32
          %scan3A_415 = arith.addi %scan3A_120, %scan3A_414 : i32
          %mul3A_416 = arith.constant 16 : i32
          %mul3A_417 = arith.muli %scan3A_415, %mul3A_416 : i32
          %add3A_418 = arith.constant 0 : i32
          %add3A_419 = arith.addi %add3A_418, %mul3A_417 : i32
          %get3A_420 = arith.index_cast %add3A_419 : i32 to index
          %get3A_421 = tpu.vector_load %arg5[%get3A_420] {strides = array<i32>} : memref<16384xi32, #tpu.memory_space<vmem>>, vector<16xi32>,
          %mul3A_422 = arith.constant 16 : i32
          %mul3A_423 = arith.muli %scan3A_415, %mul3A_422 : i32
          %add3A_424 = arith.constant 4096 : i32
          %add3A_425 = arith.addi %add3A_424, %mul3A_423 : i32
          %get3A_426 = arith.index_cast %add3A_425 : i32 to index
          %get3A_427 = tpu.vector_load %arg5[%get3A_426] {strides = array<i32>} : memref<16384xi32, #tpu.memory_space<vmem>>, vector<16xi32>,
          %mul3A_428 = arith.constant 16 : i32
          %mul3A_429 = arith.muli %scan3A_415, %mul3A_428 : i32
          %add3A_430 = arith.constant 8192 : i32
          %add3A_431 = arith.addi %add3A_430, %mul3A_429 : i32
          %get3A_432 = arith.index_cast %add3A_431 : i32 to index
          %get3A_433 = tpu.vector_load %arg5[%get3A_432] {strides = array<i32>} : memref<16384xi32, #tpu.memory_space<vmem>>, vector<16xi32>,
          %mul3A_434 = arith.constant 16 : i32
          %mul3A_435 = arith.muli %scan3A_415, %mul3A_434 : i32
          %add3A_436 = arith.constant 12288 : i32
          %add3A_437 = arith.addi %add3A_436, %mul3A_435 : i32
          %get3A_438 = arith.index_cast %add3A_437 : i32 to index
          %get3A_439 = tpu.vector_load %arg5[%get3A_438] {strides = array<i32>} : memref<16384xi32, #tpu.memory_space<vmem>>, vector<16xi32>,
          %and3A_440 = arith.constant 2047 : i32
          %and3A_441 = vector.broadcast %and3A_440 : i32 to vector<16xi32>
          %and3A_442 = arith.andi %get3A_421, %and3A_441 : vector<16xi32>
          %broadcast_in_dim3A_443 = arith.constant true
          %broadcast_in_dim3A_444 = vector.broadcast %broadcast_in_dim3A_443 : i1 to vector<16xi1>
          %unique3A_445, %unique3A_446 = tpu.scan_count mask(%broadcast_in_dim3A_444 : vector<16xi1>) value(%and3A_442 : vector<16xi32>) : vector<16xi1>, vector<16xi32>
          %gather3A_447 = tpu.vector_load_idx %arg7[%and3A_442] : memref<2048xi32, #tpu.memory_space<vmem>>[vector<16xi32>], vector<16xi32>,
          %add3A_448 = arith.addi %gather3A_447, %unique3A_446 : vector<16xi32>
          %sub3A_449 = arith.constant 1 : i32
          %sub3A_450 = vector.broadcast %sub3A_449 : i32 to vector<16xi32>
          %sub3A_451 = arith.subi %add3A_448, %sub3A_450 : vector<16xi32>
          tpu.vector_store_idx %arg4[%sub3A_451], %get3A_421 : memref<65552xi32, #tpu.memory_space<vmem>>[vector<16xi32>], vector<16xi32>,
          tpu.vector_store_idx %arg7[%and3A_442], %unique3A_446 masked %unique3A_445 {add = true} : memref<2048xi32, #tpu.memory_space<vmem>>[vector<16xi32>], vector<16xi32>, vector<16xi1>
          %and3A_452 = arith.constant 2047 : i32
          %and3A_453 = vector.broadcast %and3A_452 : i32 to vector<16xi32>
          %and3A_454 = arith.andi %get3A_427, %and3A_453 : vector<16xi32>
          %broadcast_in_dim3A_455 = arith.constant true
          %broadcast_in_dim3A_456 = vector.broadcast %broadcast_in_dim3A_455 : i1 to vector<16xi1>
          %unique3A_457, %unique3A_458 = tpu.scan_count mask(%broadcast_in_dim3A_456 : vector<16xi1>) value(%and3A_454 : vector<16xi32>) : vector<16xi1>, vector<16xi32>
          %gather3A_459 = tpu.vector_load_idx %arg8[%and3A_454] : memref<2048xi32, #tpu.memory_space<vmem>>[vector<16xi32>], vector<16xi32>,
          %add3A_460 = arith.addi %gather3A_459, %unique3A_458 : vector<16xi32>
          %sub3A_461 = arith.constant 1 : i32
          %sub3A_462 = vector.broadcast %sub3A_461 : i32 to vector<16xi32>
          %sub3A_463 = arith.subi %add3A_460, %sub3A_462 : vector<16xi32>
          tpu.vector_store_idx %arg4[%sub3A_463], %get3A_427 : memref<65552xi32, #tpu.memory_space<vmem>>[vector<16xi32>], vector<16xi32>,
          tpu.vector_store_idx %arg8[%and3A_454], %unique3A_458 masked %unique3A_457 {add = true} : memref<2048xi32, #tpu.memory_space<vmem>>[vector<16xi32>], vector<16xi32>, vector<16xi1>
          %and3A_464 = arith.constant 2047 : i32
          %and3A_465 = vector.broadcast %and3A_464 : i32 to vector<16xi32>
          %and3A_466 = arith.andi %get3A_433, %and3A_465 : vector<16xi32>
          %broadcast_in_dim3A_467 = arith.constant true
          %broadcast_in_dim3A_468 = vector.broadcast %broadcast_in_dim3A_467 : i1 to vector<16xi1>
          %unique3A_469, %unique3A_470 = tpu.scan_count mask(%broadcast_in_dim3A_468 : vector<16xi1>) value(%and3A_466 : vector<16xi32>) : vector<16xi1>, vector<16xi32>
          %gather3A_471 = tpu.vector_load_idx %arg9[%and3A_466] : memref<2048xi32, #tpu.memory_space<vmem>>[vector<16xi32>], vector<16xi32>,
          %add3A_472 = arith.addi %gather3A_471, %unique3A_470 : vector<16xi32>
          %sub3A_473 = arith.constant 1 : i32
          %sub3A_474 = vector.broadcast %sub3A_473 : i32 to vector<16xi32>
          %sub3A_475 = arith.subi %add3A_472, %sub3A_474 : vector<16xi32>
          tpu.vector_store_idx %arg4[%sub3A_475], %get3A_433 : memref<65552xi32, #tpu.memory_space<vmem>>[vector<16xi32>], vector<16xi32>,
          tpu.vector_store_idx %arg9[%and3A_466], %unique3A_470 masked %unique3A_469 {add = true} : memref<2048xi32, #tpu.memory_space<vmem>>[vector<16xi32>], vector<16xi32>, vector<16xi1>
          %and3A_476 = arith.constant 2047 : i32
          %and3A_477 = vector.broadcast %and3A_476 : i32 to vector<16xi32>
          %and3A_478 = arith.andi %get3A_439, %and3A_477 : vector<16xi32>
          %broadcast_in_dim3A_479 = arith.constant true
          %broadcast_in_dim3A_480 = vector.broadcast %broadcast_in_dim3A_479 : i1 to vector<16xi1>
          %unique3A_481, %unique3A_482 = tpu.scan_count mask(%broadcast_in_dim3A_480 : vector<16xi1>) value(%and3A_478 : vector<16xi32>) : vector<16xi1>, vector<16xi32>
          %gather3A_483 = tpu.vector_load_idx %arg10[%and3A_478] : memref<2048xi32, #tpu.memory_space<vmem>>[vector<16xi32>], vector<16xi32>,
          %add3A_484 = arith.addi %gather3A_483, %unique3A_482 : vector<16xi32>
          %sub3A_485 = arith.constant 1 : i32
          %sub3A_486 = vector.broadcast %sub3A_485 : i32 to vector<16xi32>
          %sub3A_487 = arith.subi %add3A_484, %sub3A_486 : vector<16xi32>
          tpu.vector_store_idx %arg4[%sub3A_487], %get3A_439 : memref<65552xi32, #tpu.memory_space<vmem>>[vector<16xi32>], vector<16xi32>,
          tpu.vector_store_idx %arg10[%and3A_478], %unique3A_482 masked %unique3A_481 {add = true} : memref<2048xi32, #tpu.memory_space<vmem>>[vector<16xi32>], vector<16xi32>, vector<16xi1>
          %scan3A_488 = arith.constant 0 : i32
          %scan3A_489 = arith.constant 5 : i32
          %scan3A_490 = arith.addi %scan3A_120, %scan3A_489 : i32
          %mul3A_491 = arith.constant 16 : i32
          %mul3A_492 = arith.muli %scan3A_490, %mul3A_491 : i32
          %add3A_493 = arith.constant 0 : i32
          %add3A_494 = arith.addi %add3A_493, %mul3A_492 : i32
          %get3A_495 = arith.index_cast %add3A_494 : i32 to index
          %get3A_496 = tpu.vector_load %arg5[%get3A_495] {strides = array<i32>} : memref<16384xi32, #tpu.memory_space<vmem>>, vector<16xi32>,
          %mul3A_497 = arith.constant 16 : i32
          %mul3A_498 = arith.muli %scan3A_490, %mul3A_497 : i32
          %add3A_499 = arith.constant 4096 : i32
          %add3A_500 = arith.addi %add3A_499, %mul3A_498 : i32
          %get3A_501 = arith.index_cast %add3A_500 : i32 to index
          %get3A_502 = tpu.vector_load %arg5[%get3A_501] {strides = array<i32>} : memref<16384xi32, #tpu.memory_space<vmem>>, vector<16xi32>,
          %mul3A_503 = arith.constant 16 : i32
          %mul3A_504 = arith.muli %scan3A_490, %mul3A_503 : i32
          %add3A_505 = arith.constant 8192 : i32
          %add3A_506 = arith.addi %add3A_505, %mul3A_504 : i32
          %get3A_507 = arith.index_cast %add3A_506 : i32 to index
          %get3A_508 = tpu.vector_load %arg5[%get3A_507] {strides = array<i32>} : memref<16384xi32, #tpu.memory_space<vmem>>, vector<16xi32>,
          %mul3A_509 = arith.constant 16 : i32
          %mul3A_510 = arith.muli %scan3A_490, %mul3A_509 : i32
          %add3A_511 = arith.constant 12288 : i32
          %add3A_512 = arith.addi %add3A_511, %mul3A_510 : i32
          %get3A_513 = arith.index_cast %add3A_512 : i32 to index
          %get3A_514 = tpu.vector_load %arg5[%get3A_513] {strides = array<i32>} : memref<16384xi32, #tpu.memory_space<vmem>>, vector<16xi32>,
          %and3A_515 = arith.constant 2047 : i32
          %and3A_516 = vector.broadcast %and3A_515 : i32 to vector<16xi32>
          %and3A_517 = arith.andi %get3A_496, %and3A_516 : vector<16xi32>
          %broadcast_in_dim3A_518 = arith.constant true
          %broadcast_in_dim3A_519 = vector.broadcast %broadcast_in_dim3A_518 : i1 to vector<16xi1>
          %unique3A_520, %unique3A_521 = tpu.scan_count mask(%broadcast_in_dim3A_519 : vector<16xi1>) value(%and3A_517 : vector<16xi32>) : vector<16xi1>, vector<16xi32>
          %gather3A_522 = tpu.vector_load_idx %arg7[%and3A_517] : memref<2048xi32, #tpu.memory_space<vmem>>[vector<16xi32>], vector<16xi32>,
          %add3A_523 = arith.addi %gather3A_522, %unique3A_521 : vector<16xi32>
          %sub3A_524 = arith.constant 1 : i32
          %sub3A_525 = vector.broadcast %sub3A_524 : i32 to vector<16xi32>
          %sub3A_526 = arith.subi %add3A_523, %sub3A_525 : vector<16xi32>
          tpu.vector_store_idx %arg4[%sub3A_526], %get3A_496 : memref<65552xi32, #tpu.memory_space<vmem>>[vector<16xi32>], vector<16xi32>,
          tpu.vector_store_idx %arg7[%and3A_517], %unique3A_521 masked %unique3A_520 {add = true} : memref<2048xi32, #tpu.memory_space<vmem>>[vector<16xi32>], vector<16xi32>, vector<16xi1>
          %and3A_527 = arith.constant 2047 : i32
          %and3A_528 = vector.broadcast %and3A_527 : i32 to vector<16xi32>
          %and3A_529 = arith.andi %get3A_502, %and3A_528 : vector<16xi32>
          %broadcast_in_dim3A_530 = arith.constant true
          %broadcast_in_dim3A_531 = vector.broadcast %broadcast_in_dim3A_530 : i1 to vector<16xi1>
          %unique3A_532, %unique3A_533 = tpu.scan_count mask(%broadcast_in_dim3A_531 : vector<16xi1>) value(%and3A_529 : vector<16xi32>) : vector<16xi1>, vector<16xi32>
          %gather3A_534 = tpu.vector_load_idx %arg8[%and3A_529] : memref<2048xi32, #tpu.memory_space<vmem>>[vector<16xi32>], vector<16xi32>,
          %add3A_535 = arith.addi %gather3A_534, %unique3A_533 : vector<16xi32>
          %sub3A_536 = arith.constant 1 : i32
          %sub3A_537 = vector.broadcast %sub3A_536 : i32 to vector<16xi32>
          %sub3A_538 = arith.subi %add3A_535, %sub3A_537 : vector<16xi32>
          tpu.vector_store_idx %arg4[%sub3A_538], %get3A_502 : memref<65552xi32, #tpu.memory_space<vmem>>[vector<16xi32>], vector<16xi32>,
          tpu.vector_store_idx %arg8[%and3A_529], %unique3A_533 masked %unique3A_532 {add = true} : memref<2048xi32, #tpu.memory_space<vmem>>[vector<16xi32>], vector<16xi32>, vector<16xi1>
          %and3A_539 = arith.constant 2047 : i32
          %and3A_540 = vector.broadcast %and3A_539 : i32 to vector<16xi32>
          %and3A_541 = arith.andi %get3A_508, %and3A_540 : vector<16xi32>
          %broadcast_in_dim3A_542 = arith.constant true
          %broadcast_in_dim3A_543 = vector.broadcast %broadcast_in_dim3A_542 : i1 to vector<16xi1>
          %unique3A_544, %unique3A_545 = tpu.scan_count mask(%broadcast_in_dim3A_543 : vector<16xi1>) value(%and3A_541 : vector<16xi32>) : vector<16xi1>, vector<16xi32>
          %gather3A_546 = tpu.vector_load_idx %arg9[%and3A_541] : memref<2048xi32, #tpu.memory_space<vmem>>[vector<16xi32>], vector<16xi32>,
          %add3A_547 = arith.addi %gather3A_546, %unique3A_545 : vector<16xi32>
          %sub3A_548 = arith.constant 1 : i32
          %sub3A_549 = vector.broadcast %sub3A_548 : i32 to vector<16xi32>
          %sub3A_550 = arith.subi %add3A_547, %sub3A_549 : vector<16xi32>
          tpu.vector_store_idx %arg4[%sub3A_550], %get3A_508 : memref<65552xi32, #tpu.memory_space<vmem>>[vector<16xi32>], vector<16xi32>,
          tpu.vector_store_idx %arg9[%and3A_541], %unique3A_545 masked %unique3A_544 {add = true} : memref<2048xi32, #tpu.memory_space<vmem>>[vector<16xi32>], vector<16xi32>, vector<16xi1>
          %and3A_551 = arith.constant 2047 : i32
          %and3A_552 = vector.broadcast %and3A_551 : i32 to vector<16xi32>
          %and3A_553 = arith.andi %get3A_514, %and3A_552 : vector<16xi32>
          %broadcast_in_dim3A_554 = arith.constant true
          %broadcast_in_dim3A_555 = vector.broadcast %broadcast_in_dim3A_554 : i1 to vector<16xi1>
          %unique3A_556, %unique3A_557 = tpu.scan_count mask(%broadcast_in_dim3A_555 : vector<16xi1>) value(%and3A_553 : vector<16xi32>) : vector<16xi1>, vector<16xi32>
          %gather3A_558 = tpu.vector_load_idx %arg10[%and3A_553] : memref<2048xi32, #tpu.memory_space<vmem>>[vector<16xi32>], vector<16xi32>,
          %add3A_559 = arith.addi %gather3A_558, %unique3A_557 : vector<16xi32>
          %sub3A_560 = arith.constant 1 : i32
          %sub3A_561 = vector.broadcast %sub3A_560 : i32 to vector<16xi32>
          %sub3A_562 = arith.subi %add3A_559, %sub3A_561 : vector<16xi32>
          tpu.vector_store_idx %arg4[%sub3A_562], %get3A_514 : memref<65552xi32, #tpu.memory_space<vmem>>[vector<16xi32>], vector<16xi32>,
          tpu.vector_store_idx %arg10[%and3A_553], %unique3A_557 masked %unique3A_556 {add = true} : memref<2048xi32, #tpu.memory_space<vmem>>[vector<16xi32>], vector<16xi32>, vector<16xi1>
          %scan3A_563 = arith.constant 0 : i32
          %scan3A_564 = arith.constant 6 : i32
          %scan3A_565 = arith.addi %scan3A_120, %scan3A_564 : i32
          %mul3A_566 = arith.constant 16 : i32
          %mul3A_567 = arith.muli %scan3A_565, %mul3A_566 : i32
          %add3A_568 = arith.constant 0 : i32
          %add3A_569 = arith.addi %add3A_568, %mul3A_567 : i32
          %get3A_570 = arith.index_cast %add3A_569 : i32 to index
          %get3A_571 = tpu.vector_load %arg5[%get3A_570] {strides = array<i32>} : memref<16384xi32, #tpu.memory_space<vmem>>, vector<16xi32>,
          %mul3A_572 = arith.constant 16 : i32
          %mul3A_573 = arith.muli %scan3A_565, %mul3A_572 : i32
          %add3A_574 = arith.constant 4096 : i32
          %add3A_575 = arith.addi %add3A_574, %mul3A_573 : i32
          %get3A_576 = arith.index_cast %add3A_575 : i32 to index
          %get3A_577 = tpu.vector_load %arg5[%get3A_576] {strides = array<i32>} : memref<16384xi32, #tpu.memory_space<vmem>>, vector<16xi32>,
          %mul3A_578 = arith.constant 16 : i32
          %mul3A_579 = arith.muli %scan3A_565, %mul3A_578 : i32
          %add3A_580 = arith.constant 8192 : i32
          %add3A_581 = arith.addi %add3A_580, %mul3A_579 : i32
          %get3A_582 = arith.index_cast %add3A_581 : i32 to index
          %get3A_583 = tpu.vector_load %arg5[%get3A_582] {strides = array<i32>} : memref<16384xi32, #tpu.memory_space<vmem>>, vector<16xi32>,
          %mul3A_584 = arith.constant 16 : i32
          %mul3A_585 = arith.muli %scan3A_565, %mul3A_584 : i32
          %add3A_586 = arith.constant 12288 : i32
          %add3A_587 = arith.addi %add3A_586, %mul3A_585 : i32
          %get3A_588 = arith.index_cast %add3A_587 : i32 to index
          %get3A_589 = tpu.vector_load %arg5[%get3A_588] {strides = array<i32>} : memref<16384xi32, #tpu.memory_space<vmem>>, vector<16xi32>,
          %and3A_590 = arith.constant 2047 : i32
          %and3A_591 = vector.broadcast %and3A_590 : i32 to vector<16xi32>
          %and3A_592 = arith.andi %get3A_571, %and3A_591 : vector<16xi32>
          %broadcast_in_dim3A_593 = arith.constant true
          %broadcast_in_dim3A_594 = vector.broadcast %broadcast_in_dim3A_593 : i1 to vector<16xi1>
          %unique3A_595, %unique3A_596 = tpu.scan_count mask(%broadcast_in_dim3A_594 : vector<16xi1>) value(%and3A_592 : vector<16xi32>) : vector<16xi1>, vector<16xi32>
          %gather3A_597 = tpu.vector_load_idx %arg7[%and3A_592] : memref<2048xi32, #tpu.memory_space<vmem>>[vector<16xi32>], vector<16xi32>,
          %add3A_598 = arith.addi %gather3A_597, %unique3A_596 : vector<16xi32>
          %sub3A_599 = arith.constant 1 : i32
          %sub3A_600 = vector.broadcast %sub3A_599 : i32 to vector<16xi32>
          %sub3A_601 = arith.subi %add3A_598, %sub3A_600 : vector<16xi32>
          tpu.vector_store_idx %arg4[%sub3A_601], %get3A_571 : memref<65552xi32, #tpu.memory_space<vmem>>[vector<16xi32>], vector<16xi32>,
          tpu.vector_store_idx %arg7[%and3A_592], %unique3A_596 masked %unique3A_595 {add = true} : memref<2048xi32, #tpu.memory_space<vmem>>[vector<16xi32>], vector<16xi32>, vector<16xi1>
          %and3A_602 = arith.constant 2047 : i32
          %and3A_603 = vector.broadcast %and3A_602 : i32 to vector<16xi32>
          %and3A_604 = arith.andi %get3A_577, %and3A_603 : vector<16xi32>
          %broadcast_in_dim3A_605 = arith.constant true
          %broadcast_in_dim3A_606 = vector.broadcast %broadcast_in_dim3A_605 : i1 to vector<16xi1>
          %unique3A_607, %unique3A_608 = tpu.scan_count mask(%broadcast_in_dim3A_606 : vector<16xi1>) value(%and3A_604 : vector<16xi32>) : vector<16xi1>, vector<16xi32>
          %gather3A_609 = tpu.vector_load_idx %arg8[%and3A_604] : memref<2048xi32, #tpu.memory_space<vmem>>[vector<16xi32>], vector<16xi32>,
          %add3A_610 = arith.addi %gather3A_609, %unique3A_608 : vector<16xi32>
          %sub3A_611 = arith.constant 1 : i32
          %sub3A_612 = vector.broadcast %sub3A_611 : i32 to vector<16xi32>
          %sub3A_613 = arith.subi %add3A_610, %sub3A_612 : vector<16xi32>
          tpu.vector_store_idx %arg4[%sub3A_613], %get3A_577 : memref<65552xi32, #tpu.memory_space<vmem>>[vector<16xi32>], vector<16xi32>,
          tpu.vector_store_idx %arg8[%and3A_604], %unique3A_608 masked %unique3A_607 {add = true} : memref<2048xi32, #tpu.memory_space<vmem>>[vector<16xi32>], vector<16xi32>, vector<16xi1>
          %and3A_614 = arith.constant 2047 : i32
          %and3A_615 = vector.broadcast %and3A_614 : i32 to vector<16xi32>
          %and3A_616 = arith.andi %get3A_583, %and3A_615 : vector<16xi32>
          %broadcast_in_dim3A_617 = arith.constant true
          %broadcast_in_dim3A_618 = vector.broadcast %broadcast_in_dim3A_617 : i1 to vector<16xi1>
          %unique3A_619, %unique3A_620 = tpu.scan_count mask(%broadcast_in_dim3A_618 : vector<16xi1>) value(%and3A_616 : vector<16xi32>) : vector<16xi1>, vector<16xi32>
          %gather3A_621 = tpu.vector_load_idx %arg9[%and3A_616] : memref<2048xi32, #tpu.memory_space<vmem>>[vector<16xi32>], vector<16xi32>,
          %add3A_622 = arith.addi %gather3A_621, %unique3A_620 : vector<16xi32>
          %sub3A_623 = arith.constant 1 : i32
          %sub3A_624 = vector.broadcast %sub3A_623 : i32 to vector<16xi32>
          %sub3A_625 = arith.subi %add3A_622, %sub3A_624 : vector<16xi32>
          tpu.vector_store_idx %arg4[%sub3A_625], %get3A_583 : memref<65552xi32, #tpu.memory_space<vmem>>[vector<16xi32>], vector<16xi32>,
          tpu.vector_store_idx %arg9[%and3A_616], %unique3A_620 masked %unique3A_619 {add = true} : memref<2048xi32, #tpu.memory_space<vmem>>[vector<16xi32>], vector<16xi32>, vector<16xi1>
          %and3A_626 = arith.constant 2047 : i32
          %and3A_627 = vector.broadcast %and3A_626 : i32 to vector<16xi32>
          %and3A_628 = arith.andi %get3A_589, %and3A_627 : vector<16xi32>
          %broadcast_in_dim3A_629 = arith.constant true
          %broadcast_in_dim3A_630 = vector.broadcast %broadcast_in_dim3A_629 : i1 to vector<16xi1>
          %unique3A_631, %unique3A_632 = tpu.scan_count mask(%broadcast_in_dim3A_630 : vector<16xi1>) value(%and3A_628 : vector<16xi32>) : vector<16xi1>, vector<16xi32>
          %gather3A_633 = tpu.vector_load_idx %arg10[%and3A_628] : memref<2048xi32, #tpu.memory_space<vmem>>[vector<16xi32>], vector<16xi32>,
          %add3A_634 = arith.addi %gather3A_633, %unique3A_632 : vector<16xi32>
          %sub3A_635 = arith.constant 1 : i32
          %sub3A_636 = vector.broadcast %sub3A_635 : i32 to vector<16xi32>
          %sub3A_637 = arith.subi %add3A_634, %sub3A_636 : vector<16xi32>
          tpu.vector_store_idx %arg4[%sub3A_637], %get3A_589 : memref<65552xi32, #tpu.memory_space<vmem>>[vector<16xi32>], vector<16xi32>,
          tpu.vector_store_idx %arg10[%and3A_628], %unique3A_632 masked %unique3A_631 {add = true} : memref<2048xi32, #tpu.memory_space<vmem>>[vector<16xi32>], vector<16xi32>, vector<16xi1>
          %scan3A_638 = arith.constant 0 : i32
          %scan3A_639 = arith.constant 7 : i32
          %scan3A_640 = arith.addi %scan3A_120, %scan3A_639 : i32
          %mul3A_641 = arith.constant 16 : i32
          %mul3A_642 = arith.muli %scan3A_640, %mul3A_641 : i32
          %add3A_643 = arith.constant 0 : i32
          %add3A_644 = arith.addi %add3A_643, %mul3A_642 : i32
          %get3A_645 = arith.index_cast %add3A_644 : i32 to index
          %get3A_646 = tpu.vector_load %arg5[%get3A_645] {strides = array<i32>} : memref<16384xi32, #tpu.memory_space<vmem>>, vector<16xi32>,
          %mul3A_647 = arith.constant 16 : i32
          %mul3A_648 = arith.muli %scan3A_640, %mul3A_647 : i32
          %add3A_649 = arith.constant 4096 : i32
          %add3A_650 = arith.addi %add3A_649, %mul3A_648 : i32
          %get3A_651 = arith.index_cast %add3A_650 : i32 to index
          %get3A_652 = tpu.vector_load %arg5[%get3A_651] {strides = array<i32>} : memref<16384xi32, #tpu.memory_space<vmem>>, vector<16xi32>,
          %mul3A_653 = arith.constant 16 : i32
          %mul3A_654 = arith.muli %scan3A_640, %mul3A_653 : i32
          %add3A_655 = arith.constant 8192 : i32
          %add3A_656 = arith.addi %add3A_655, %mul3A_654 : i32
          %get3A_657 = arith.index_cast %add3A_656 : i32 to index
          %get3A_658 = tpu.vector_load %arg5[%get3A_657] {strides = array<i32>} : memref<16384xi32, #tpu.memory_space<vmem>>, vector<16xi32>,
          %mul3A_659 = arith.constant 16 : i32
          %mul3A_660 = arith.muli %scan3A_640, %mul3A_659 : i32
          %add3A_661 = arith.constant 12288 : i32
          %add3A_662 = arith.addi %add3A_661, %mul3A_660 : i32
          %get3A_663 = arith.index_cast %add3A_662 : i32 to index
          %get3A_664 = tpu.vector_load %arg5[%get3A_663] {strides = array<i32>} : memref<16384xi32, #tpu.memory_space<vmem>>, vector<16xi32>,
          %and3A_665 = arith.constant 2047 : i32
          %and3A_666 = vector.broadcast %and3A_665 : i32 to vector<16xi32>
          %and3A_667 = arith.andi %get3A_646, %and3A_666 : vector<16xi32>
          %broadcast_in_dim3A_668 = arith.constant true
          %broadcast_in_dim3A_669 = vector.broadcast %broadcast_in_dim3A_668 : i1 to vector<16xi1>
          %unique3A_670, %unique3A_671 = tpu.scan_count mask(%broadcast_in_dim3A_669 : vector<16xi1>) value(%and3A_667 : vector<16xi32>) : vector<16xi1>, vector<16xi32>
          %gather3A_672 = tpu.vector_load_idx %arg7[%and3A_667] : memref<2048xi32, #tpu.memory_space<vmem>>[vector<16xi32>], vector<16xi32>,
          %add3A_673 = arith.addi %gather3A_672, %unique3A_671 : vector<16xi32>
          %sub3A_674 = arith.constant 1 : i32
          %sub3A_675 = vector.broadcast %sub3A_674 : i32 to vector<16xi32>
          %sub3A_676 = arith.subi %add3A_673, %sub3A_675 : vector<16xi32>
          tpu.vector_store_idx %arg4[%sub3A_676], %get3A_646 : memref<65552xi32, #tpu.memory_space<vmem>>[vector<16xi32>], vector<16xi32>,
          tpu.vector_store_idx %arg7[%and3A_667], %unique3A_671 masked %unique3A_670 {add = true} : memref<2048xi32, #tpu.memory_space<vmem>>[vector<16xi32>], vector<16xi32>, vector<16xi1>
          %and3A_677 = arith.constant 2047 : i32
          %and3A_678 = vector.broadcast %and3A_677 : i32 to vector<16xi32>
          %and3A_679 = arith.andi %get3A_652, %and3A_678 : vector<16xi32>
          %broadcast_in_dim3A_680 = arith.constant true
          %broadcast_in_dim3A_681 = vector.broadcast %broadcast_in_dim3A_680 : i1 to vector<16xi1>
          %unique3A_682, %unique3A_683 = tpu.scan_count mask(%broadcast_in_dim3A_681 : vector<16xi1>) value(%and3A_679 : vector<16xi32>) : vector<16xi1>, vector<16xi32>
          %gather3A_684 = tpu.vector_load_idx %arg8[%and3A_679] : memref<2048xi32, #tpu.memory_space<vmem>>[vector<16xi32>], vector<16xi32>,
          %add3A_685 = arith.addi %gather3A_684, %unique3A_683 : vector<16xi32>
          %sub3A_686 = arith.constant 1 : i32
          %sub3A_687 = vector.broadcast %sub3A_686 : i32 to vector<16xi32>
          %sub3A_688 = arith.subi %add3A_685, %sub3A_687 : vector<16xi32>
          tpu.vector_store_idx %arg4[%sub3A_688], %get3A_652 : memref<65552xi32, #tpu.memory_space<vmem>>[vector<16xi32>], vector<16xi32>,
          tpu.vector_store_idx %arg8[%and3A_679], %unique3A_683 masked %unique3A_682 {add = true} : memref<2048xi32, #tpu.memory_space<vmem>>[vector<16xi32>], vector<16xi32>, vector<16xi1>
          %and3A_689 = arith.constant 2047 : i32
          %and3A_690 = vector.broadcast %and3A_689 : i32 to vector<16xi32>
          %and3A_691 = arith.andi %get3A_658, %and3A_690 : vector<16xi32>
          %broadcast_in_dim3A_692 = arith.constant true
          %broadcast_in_dim3A_693 = vector.broadcast %broadcast_in_dim3A_692 : i1 to vector<16xi1>
          %unique3A_694, %unique3A_695 = tpu.scan_count mask(%broadcast_in_dim3A_693 : vector<16xi1>) value(%and3A_691 : vector<16xi32>) : vector<16xi1>, vector<16xi32>
          %gather3A_696 = tpu.vector_load_idx %arg9[%and3A_691] : memref<2048xi32, #tpu.memory_space<vmem>>[vector<16xi32>], vector<16xi32>,
          %add3A_697 = arith.addi %gather3A_696, %unique3A_695 : vector<16xi32>
          %sub3A_698 = arith.constant 1 : i32
          %sub3A_699 = vector.broadcast %sub3A_698 : i32 to vector<16xi32>
          %sub3A_700 = arith.subi %add3A_697, %sub3A_699 : vector<16xi32>
          tpu.vector_store_idx %arg4[%sub3A_700], %get3A_658 : memref<65552xi32, #tpu.memory_space<vmem>>[vector<16xi32>], vector<16xi32>,
          tpu.vector_store_idx %arg9[%and3A_691], %unique3A_695 masked %unique3A_694 {add = true} : memref<2048xi32, #tpu.memory_space<vmem>>[vector<16xi32>], vector<16xi32>, vector<16xi1>
          %and3A_701 = arith.constant 2047 : i32
          %and3A_702 = vector.broadcast %and3A_701 : i32 to vector<16xi32>
          %and3A_703 = arith.andi %get3A_664, %and3A_702 : vector<16xi32>
          %broadcast_in_dim3A_704 = arith.constant true
          %broadcast_in_dim3A_705 = vector.broadcast %broadcast_in_dim3A_704 : i1 to vector<16xi1>
          %unique3A_706, %unique3A_707 = tpu.scan_count mask(%broadcast_in_dim3A_705 : vector<16xi1>) value(%and3A_703 : vector<16xi32>) : vector<16xi1>, vector<16xi32>
          %gather3A_708 = tpu.vector_load_idx %arg10[%and3A_703] : memref<2048xi32, #tpu.memory_space<vmem>>[vector<16xi32>], vector<16xi32>,
          %add3A_709 = arith.addi %gather3A_708, %unique3A_707 : vector<16xi32>
          %sub3A_710 = arith.constant 1 : i32
          %sub3A_711 = vector.broadcast %sub3A_710 : i32 to vector<16xi32>
          %sub3A_712 = arith.subi %add3A_709, %sub3A_711 : vector<16xi32>
          tpu.vector_store_idx %arg4[%sub3A_712], %get3A_664 : memref<65552xi32, #tpu.memory_space<vmem>>[vector<16xi32>], vector<16xi32>,
          tpu.vector_store_idx %arg10[%and3A_703], %unique3A_707 masked %unique3A_706 {add = true} : memref<2048xi32, #tpu.memory_space<vmem>>[vector<16xi32>], vector<16xi32>, vector<16xi1>
          %scan3A_713 = arith.constant 0 : i32
          scf.yield %scan3A_713 : i32
        }
        %scan3A_118 = arith.constant 256 : i32
        %scan3A_119 = arith.constant 0 : i32
        scf.yield %scan3A_119 : i32
      }
      %scan3A_41 = arith.constant 4 : i32
      %scan3A_42 = arith.constant 0 : i32
      %scan3A_43 = arith.constant 0 : i32
      %scan3A_44 = arith.constant 512 : i32
      %scan3A_45 = arith.addi %scan3A_43, %scan3A_44 : i32
      %scan3A_46 = arith.constant 8 : i32
      %scan3A_47 = scf.for %scan3A_90 = %scan3A_43 to %scan3A_45 step %scan3A_46 iter_args(%scan3A_91 = %scan3A_42) -> (i32)  : i32 {
        %broadcast_in_dim3A = arith.constant 0 : i32
        %broadcast_in_dim3A_92 = vector.broadcast %broadcast_in_dim3A : i32 to vector<16xi32>
        %mul3A_93 = arith.constant 16 : i32
        %mul3A_94 = arith.muli %scan3A_90, %mul3A_93 : i32
        %swap3A = arith.index_cast %mul3A_94 : i32 to index
        %swap3A_95 = tpu.vector_load %arg6[%swap3A] {strides = array<i32>} : memref<8192xi32, #tpu.memory_space<vmem>>, vector<16xi32>,
        tpu.vector_store %arg6[%swap3A], %broadcast_in_dim3A_92 {strides = array<i32>} : memref<8192xi32, #tpu.memory_space<vmem>>, vector<16xi32>,
        %scan3A_96 = arith.constant 0 : i32
        %scan3A_97 = arith.constant 1 : i32
        %scan3A_98 = arith.addi %scan3A_90, %scan3A_97 : i32
        %broadcast_in_dim3A_99 = arith.constant 0 : i32
        %broadcast_in_dim3A_100 = vector.broadcast %broadcast_in_dim3A_99 : i32 to vector<16xi32>
        %mul3A_101 = arith.constant 16 : i32
        %mul3A_102 = arith.muli %scan3A_98, %mul3A_101 : i32
        %swap3A_103 = arith.index_cast %mul3A_102 : i32 to index
        %swap3A_104 = tpu.vector_load %arg6[%swap3A_103] {strides = array<i32>} : memref<8192xi32, #tpu.memory_space<vmem>>, vector<16xi32>,
        tpu.vector_store %arg6[%swap3A_103], %broadcast_in_dim3A_100 {strides = array<i32>} : memref<8192xi32, #tpu.memory_space<vmem>>, vector<16xi32>,
        %scan3A_105 = arith.constant 0 : i32
        %scan3A_106 = arith.constant 2 : i32
        %scan3A_107 = arith.addi %scan3A_90, %scan3A_106 : i32
        %broadcast_in_dim3A_108 = arith.constant 0 : i32
        %broadcast_in_dim3A_109 = vector.broadcast %broadcast_in_dim3A_108 : i32 to vector<16xi32>
        %mul3A_110 = arith.constant 16 : i32
        %mul3A_111 = arith.muli %scan3A_107, %mul3A_110 : i32
        %swap3A_112 = arith.index_cast %mul3A_111 : i32 to index
        %swap3A_113 = tpu.vector_load %arg6[%swap3A_112] {strides = array<i32>} : memref<8192xi32, #tpu.memory_space<vmem>>, vector<16xi32>,
        tpu.vector_store %arg6[%swap3A_112], %broadcast_in_dim3A_109 {strides = array<i32>} : memref<8192xi32, #tpu.memory_space<vmem>>, vector<16xi32>,
        %scan3A_114 = arith.constant 0 : i32
        %scan3A_115 = arith.constant 3 : i32
        %scan3A_116 = arith.addi %scan3A_90, %scan3A_115 : i32
        %broadcast_in_dim3A_117 = arith.constant 0 : i32
        %broadcast_in_dim3A_118 = vector.broadcast %broadcast_in_dim3A_117 : i32 to vector<16xi32>
        %mul3A_119 = arith.constant 16 : i32
        %mul3A_120 = arith.muli %scan3A_116, %mul3A_119 : i32
        %swap3A_121 = arith.index_cast %mul3A_120 : i32 to index
        %swap3A_122 = tpu.vector_load %arg6[%swap3A_121] {strides = array<i32>} : memref<8192xi32, #tpu.memory_space<vmem>>, vector<16xi32>,
        tpu.vector_store %arg6[%swap3A_121], %broadcast_in_dim3A_118 {strides = array<i32>} : memref<8192xi32, #tpu.memory_space<vmem>>, vector<16xi32>,
        %scan3A_123 = arith.constant 0 : i32
        %scan3A_124 = arith.constant 4 : i32
        %scan3A_125 = arith.addi %scan3A_90, %scan3A_124 : i32
        %broadcast_in_dim3A_126 = arith.constant 0 : i32
        %broadcast_in_dim3A_127 = vector.broadcast %broadcast_in_dim3A_126 : i32 to vector<16xi32>
        %mul3A_128 = arith.constant 16 : i32
        %mul3A_129 = arith.muli %scan3A_125, %mul3A_128 : i32
        %swap3A_130 = arith.index_cast %mul3A_129 : i32 to index
        %swap3A_131 = tpu.vector_load %arg6[%swap3A_130] {strides = array<i32>} : memref<8192xi32, #tpu.memory_space<vmem>>, vector<16xi32>,
        tpu.vector_store %arg6[%swap3A_130], %broadcast_in_dim3A_127 {strides = array<i32>} : memref<8192xi32, #tpu.memory_space<vmem>>, vector<16xi32>,
        %scan3A_132 = arith.constant 0 : i32
        %scan3A_133 = arith.constant 5 : i32
        %scan3A_134 = arith.addi %scan3A_90, %scan3A_133 : i32
        %broadcast_in_dim3A_135 = arith.constant 0 : i32
        %broadcast_in_dim3A_136 = vector.broadcast %broadcast_in_dim3A_135 : i32 to vector<16xi32>
        %mul3A_137 = arith.constant 16 : i32
        %mul3A_138 = arith.muli %scan3A_134, %mul3A_137 : i32
        %swap3A_139 = arith.index_cast %mul3A_138 : i32 to index
        %swap3A_140 = tpu.vector_load %arg6[%swap3A_139] {strides = array<i32>} : memref<8192xi32, #tpu.memory_space<vmem>>, vector<16xi32>,
        tpu.vector_store %arg6[%swap3A_139], %broadcast_in_dim3A_136 {strides = array<i32>} : memref<8192xi32, #tpu.memory_space<vmem>>, vector<16xi32>,
        %scan3A_141 = arith.constant 0 : i32
        %scan3A_142 = arith.constant 6 : i32
        %scan3A_143 = arith.addi %scan3A_90, %scan3A_142 : i32
        %broadcast_in_dim3A_144 = arith.constant 0 : i32
        %broadcast_in_dim3A_145 = vector.broadcast %broadcast_in_dim3A_144 : i32 to vector<16xi32>
        %mul3A_146 = arith.constant 16 : i32
        %mul3A_147 = arith.muli %scan3A_143, %mul3A_146 : i32
        %swap3A_148 = arith.index_cast %mul3A_147 : i32 to index
        %swap3A_149 = tpu.vector_load %arg6[%swap3A_148] {strides = array<i32>} : memref<8192xi32, #tpu.memory_space<vmem>>, vector<16xi32>,
        tpu.vector_store %arg6[%swap3A_148], %broadcast_in_dim3A_145 {strides = array<i32>} : memref<8192xi32, #tpu.memory_space<vmem>>, vector<16xi32>,
        %scan3A_150 = arith.constant 0 : i32
        %scan3A_151 = arith.constant 7 : i32
        %scan3A_152 = arith.addi %scan3A_90, %scan3A_151 : i32
        %broadcast_in_dim3A_153 = arith.constant 0 : i32
        %broadcast_in_dim3A_154 = vector.broadcast %broadcast_in_dim3A_153 : i32 to vector<16xi32>
        %mul3A_155 = arith.constant 16 : i32
        %mul3A_156 = arith.muli %scan3A_152, %mul3A_155 : i32
        %swap3A_157 = arith.index_cast %mul3A_156 : i32 to index
        %swap3A_158 = tpu.vector_load %arg6[%swap3A_157] {strides = array<i32>} : memref<8192xi32, #tpu.memory_space<vmem>>, vector<16xi32>,
        tpu.vector_store %arg6[%swap3A_157], %broadcast_in_dim3A_154 {strides = array<i32>} : memref<8192xi32, #tpu.memory_space<vmem>>, vector<16xi32>,
        %scan3A_159 = arith.constant 0 : i32
        scf.yield %scan3A_159 : i32
      }
      %scan3A_48 = arith.constant 512 : i32
      %parallel_loop3A = arith.constant 0 : i32
      %parallel_loop3A_49 = arith.constant 4096 : i32
      %parallel_loop3A_50 = arith.constant 1 : i32
      scf.for %parallel_loop3A_90 = %parallel_loop3A to %parallel_loop3A_49 step %parallel_loop3A_50  : i32 {
        %parallel_loop3A_91 = arith.constant 16 : i32
        %parallel_loop3A_92 = arith.muli %parallel_loop3A_90, %parallel_loop3A_91 : i32
        %parallel_loop3A_93 = arith.index_cast %parallel_loop3A_92 : i32 to index
        %parallel_loop3A_94 = tpu.vector_load %arg4[%parallel_loop3A_93] {strides = array<i32>} : memref<65552xi32, #tpu.memory_space<vmem>>, vector<16xi32>,
        %parallel_loop3A_95 = arith.constant 10 : i32
        %parallel_loop3A_96 = arith.shrui %parallel_loop3A_90, %parallel_loop3A_95 : i32
        %parallel_loop3A_97 = arith.constant 2048 : i32
        %parallel_loop3A_98 = arith.muli %parallel_loop3A_96, %parallel_loop3A_97 : i32
        %parallel_loop3A_99 = arith.constant 11 : i32
        %parallel_loop3A_100 = vector.broadcast %parallel_loop3A_99 : i32 to vector<16xi32>
        %parallel_loop3A_101 = arith.shrui %parallel_loop3A_94, %parallel_loop3A_100 : vector<16xi32>
        %parallel_loop3A_102 = arith.constant 2047 : i32
        %parallel_loop3A_103 = vector.broadcast %parallel_loop3A_102 : i32 to vector<16xi32>
        %parallel_loop3A_104 = arith.andi %parallel_loop3A_101, %parallel_loop3A_103 : vector<16xi32>
        %parallel_loop3A_105 = vector.broadcast %parallel_loop3A_98 : i32 to vector<16xi32>
        %parallel_loop3A_106 = arith.addi %parallel_loop3A_105, %parallel_loop3A_104 : vector<16xi32>
        %parallel_loop3A_107 = arith.constant true
        %parallel_loop3A_108 = vector.broadcast %parallel_loop3A_107 : i1 to vector<16xi1>
        %parallel_loop3A_109, %parallel_loop3A_110 = tpu.scan_count mask(%parallel_loop3A_108 : vector<16xi1>) value(%parallel_loop3A_106 : vector<16xi32>) : vector<16xi1>, vector<16xi32>
        tpu.vector_store_idx %arg6[%parallel_loop3A_106], %parallel_loop3A_110 masked %parallel_loop3A_109 {add = true} : memref<8192xi32, #tpu.memory_space<vmem>>[vector<16xi32>], vector<16xi32>, vector<16xi1>
      } {sc.loop_unroll_factor = 4 : i64, sc.parallel_access}
      "tpu.region"() ({
        %run_scoped3A = tpu.sem_alloc : memref<!tpu.dma_semaphore, #tpu.memory_space<semaphore_mem>>
        %dma_start3A = arith.constant 0 : i32
        %dma_start3A_90 = tpu.memref_slice %arg4[%dma_start3A] : memref<65552xi32, #tpu.memory_space<vmem>> -> memref<65536xi32, #tpu.memory_space<vmem>>
        %dma_start3A_91 = tpu.memref_slice %arg3[%mul3A_13] : memref<16777216xi32, #tpu.memory_space<hbm>> -> memref<65536xi32, #tpu.memory_space<hbm>>
        %dma_start3A_92 = tpu.memref_slice %arg3[%mul3A_13] : memref<16777216xi32, #tpu.memory_space<hbm>> -> memref<65536xi32, #tpu.memory_space<hbm>>
        %dma_start3A_93 = arith.constant 0 : i32
        %dma_start3A_94 = tpu.memref_slice %arg4[%dma_start3A_93] : memref<65552xi32, #tpu.memory_space<vmem>> -> memref<65536xi32, #tpu.memory_space<vmem>>
        tpu.enqueue_dma source(%dma_start3A_94 : memref<65536xi32, #tpu.memory_space<vmem>>) target(%dma_start3A_92 : memref<65536xi32, #tpu.memory_space<hbm>>) target_semaphore(%run_scoped3A : memref<!tpu.dma_semaphore, #tpu.memory_space<semaphore_mem>>)
        %dma_wait3A = arith.constant 0 : i32
        %dma_wait3A_95 = tpu.memref_slice %arg4[%dma_wait3A] : memref<65552xi32, #tpu.memory_space<vmem>> -> memref<65536xi32, #tpu.memory_space<vmem>>
        %dma_wait3A_96 = tpu.memref_slice %arg3[%mul3A_13] : memref<16777216xi32, #tpu.memory_space<hbm>> -> memref<65536xi32, #tpu.memory_space<hbm>>
        %dma_wait3A_97 = tpu.memref_slice %arg3[%mul3A_13] : memref<16777216xi32, #tpu.memory_space<hbm>> -> memref<65536xi32, #tpu.memory_space<hbm>>
        %dma_wait3A_98 = arith.constant 0 : i32
        %dma_wait3A_99 = tpu.memref_slice %arg4[%dma_wait3A_98] : memref<65552xi32, #tpu.memory_space<vmem>> -> memref<65536xi32, #tpu.memory_space<vmem>>
        tpu.wait_dma2 semaphore(%run_scoped3A : memref<!tpu.dma_semaphore, #tpu.memory_space<semaphore_mem>>) src(%dma_wait3A_99 : memref<65536xi32, #tpu.memory_space<vmem>>) dst(%dma_wait3A_97 : memref<65536xi32, #tpu.memory_space<hbm>>)
        tpu.yield
      }) : () -> ()
      %scan3A_51 = arith.constant 0 : i32
      %scan3A_52 = arith.constant 0 : i32
      %scan3A_53 = arith.constant 128 : i32
      %scan3A_54 = arith.addi %scan3A_52, %scan3A_53 : i32
      %scan3A_55 = arith.constant 1 : i32
      %scan3A_56 = scf.for %scan3A_90 = %scan3A_52 to %scan3A_54 step %scan3A_55 iter_args(%scan3A_91 = %scan3A_51) -> (i32)  : i32 {
        %mul3A_92 = arith.constant 16 : i32
        %mul3A_93 = arith.muli %scan3A_90, %mul3A_92 : i32
        %get3A = arith.index_cast %mul3A_93 : i32 to index
        %get3A_94 = tpu.vector_load %arg6[%get3A] {strides = array<i32>} : memref<8192xi32, #tpu.memory_space<vmem>>, vector<16xi32>,
        %mul3A_95 = arith.constant 16 : i32
        %mul3A_96 = arith.muli %scan3A_90, %mul3A_95 : i32
        %add3A_97 = arith.constant 2048 : i32
        %add3A_98 = arith.addi %add3A_97, %mul3A_96 : i32
        %get3A_99 = arith.index_cast %add3A_98 : i32 to index
        %get3A_100 = tpu.vector_load %arg6[%get3A_99] {strides = array<i32>} : memref<8192xi32, #tpu.memory_space<vmem>>, vector<16xi32>,
        %mul3A_101 = arith.constant 16 : i32
        %mul3A_102 = arith.muli %scan3A_90, %mul3A_101 : i32
        %add3A_103 = arith.constant 4096 : i32
        %add3A_104 = arith.addi %add3A_103, %mul3A_102 : i32
        %get3A_105 = arith.index_cast %add3A_104 : i32 to index
        %get3A_106 = tpu.vector_load %arg6[%get3A_105] {strides = array<i32>} : memref<8192xi32, #tpu.memory_space<vmem>>, vector<16xi32>,
        %mul3A_107 = arith.constant 16 : i32
        %mul3A_108 = arith.muli %scan3A_90, %mul3A_107 : i32
        %add3A_109 = arith.constant 6144 : i32
        %add3A_110 = arith.addi %add3A_109, %mul3A_108 : i32
        %get3A_111 = arith.index_cast %add3A_110 : i32 to index
        %get3A_112 = tpu.vector_load %arg6[%get3A_111] {strides = array<i32>} : memref<8192xi32, #tpu.memory_space<vmem>>, vector<16xi32>,
        %add3A_113 = arith.addi %get3A_94, %get3A_100 : vector<16xi32>
        %add3A_114 = arith.addi %add3A_113, %get3A_106 : vector<16xi32>
        %add3A_115 = arith.addi %add3A_114, %get3A_112 : vector<16xi32>
        %broadcast_in_dim3A = arith.constant true
        %broadcast_in_dim3A_116 = vector.broadcast %broadcast_in_dim3A : i1 to vector<16xi1>
        %masked_cumsum3A = tpu.scan <sum>, %add3A_115 masked %broadcast_in_dim3A_116 : vector<16xi32>, vector<16xi1> -> vector<16xi32>
        %add3A_117 = vector.broadcast %scan3A_91 : i32 to vector<16xi32>
        %add3A_118 = arith.addi %add3A_117, %masked_cumsum3A : vector<16xi32>
        %sub3A = arith.subi %add3A_118, %add3A_115 : vector<16xi32>
        %mul3A_119 = arith.constant 16 : i32
        %mul3A_120 = arith.muli %scan3A_90, %mul3A_119 : i32
        %swap3A = arith.index_cast %mul3A_120 : i32 to index
        %swap3A_121 = tpu.vector_load %arg7[%swap3A] {strides = array<i32>} : memref<2048xi32, #tpu.memory_space<vmem>>, vector<16xi32>,
        tpu.vector_store %arg7[%swap3A], %sub3A {strides = array<i32>} : memref<2048xi32, #tpu.memory_space<vmem>>, vector<16xi32>,
        %add3A_122 = arith.addi %sub3A, %get3A_94 : vector<16xi32>
        %mul3A_123 = arith.constant 16 : i32
        %mul3A_124 = arith.muli %scan3A_90, %mul3A_123 : i32
        %swap3A_125 = arith.index_cast %mul3A_124 : i32 to index
        %swap3A_126 = tpu.vector_load %arg8[%swap3A_125] {strides = array<i32>} : memref<2048xi32, #tpu.memory_space<vmem>>, vector<16xi32>,
        tpu.vector_store %arg8[%swap3A_125], %add3A_122 {strides = array<i32>} : memref<2048xi32, #tpu.memory_space<vmem>>, vector<16xi32>,
        %add3A_127 = arith.addi %sub3A, %get3A_94 : vector<16xi32>
        %add3A_128 = arith.addi %add3A_127, %get3A_100 : vector<16xi32>
        %mul3A_129 = arith.constant 16 : i32
        %mul3A_130 = arith.muli %scan3A_90, %mul3A_129 : i32
        %swap3A_131 = arith.index_cast %mul3A_130 : i32 to index
        %swap3A_132 = tpu.vector_load %arg9[%swap3A_131] {strides = array<i32>} : memref<2048xi32, #tpu.memory_space<vmem>>, vector<16xi32>,
        tpu.vector_store %arg9[%swap3A_131], %add3A_128 {strides = array<i32>} : memref<2048xi32, #tpu.memory_space<vmem>>, vector<16xi32>,
        %add3A_133 = arith.addi %sub3A, %get3A_94 : vector<16xi32>
        %add3A_134 = arith.addi %add3A_133, %get3A_100 : vector<16xi32>
        %add3A_135 = arith.addi %add3A_134, %get3A_106 : vector<16xi32>
        %mul3A_136 = arith.constant 16 : i32
        %mul3A_137 = arith.muli %scan3A_90, %mul3A_136 : i32
        %swap3A_138 = arith.index_cast %mul3A_137 : i32 to index
        %swap3A_139 = tpu.vector_load %arg10[%swap3A_138] {strides = array<i32>} : memref<2048xi32, #tpu.memory_space<vmem>>, vector<16xi32>,
        tpu.vector_store %arg10[%swap3A_138], %add3A_135 {strides = array<i32>} : memref<2048xi32, #tpu.memory_space<vmem>>, vector<16xi32>,
        %reduce_sum3A = arith.constant true
        %reduce_sum3A_140 = vector.broadcast %reduce_sum3A : i1 to vector<16xi1>
        %reduce_sum3A_141 = tpu.scan <sum>, %add3A_115 masked %reduce_sum3A_140 : vector<16xi32>, vector<16xi1> -> vector<16xi32>
        %reduce_sum3A_142 = vector.extract %reduce_sum3A_141[15] : i32 from vector<16xi32>
        %add3A_143 = arith.addi %scan3A_91, %reduce_sum3A_142 : i32
        scf.yield %add3A_143 : i32
      }
      %scan3A_57 = arith.constant 128 : i32
      %scan3A_58 = arith.constant 0 : i32
      %scan3A_59 = arith.constant 0 : i32
      %scan3A_60 = arith.constant 4 : i32
      %scan3A_61 = arith.addi %scan3A_59, %scan3A_60 : i32
      %scan3A_62 = arith.constant 1 : i32
      %scan3A_63 = scf.for %scan3A_90 = %scan3A_59 to %scan3A_61 step %scan3A_62 iter_args(%scan3A_91 = %scan3A_58) -> (i32)  : i32 {
        %add3A_92 = arith.constant 0 : i32
        %add3A_93 = arith.addi %mul3A_13, %add3A_92 : i32
        %mul3A_94 = arith.constant 4096 : i32
        %mul3A_95 = arith.muli %scan3A_90, %mul3A_94 : i32
        %add3A_96 = arith.addi %add3A_93, %mul3A_95 : i32
        "tpu.region"() ({
          %run_scoped3A = tpu.sem_alloc : memref<!tpu.dma_semaphore, #tpu.memory_space<semaphore_mem>>
          %dma_start3A = arith.constant 0 : i32
          %dma_start3A_120 = tpu.memref_slice %arg5[%dma_start3A] : memref<16384xi32, #tpu.memory_space<vmem>> -> memref<4096xi32, #tpu.memory_space<vmem>>
          %dma_start3A_121 = tpu.memref_slice %arg3[%add3A_96] : memref<16777216xi32, #tpu.memory_space<hbm>> -> memref<4096xi32, #tpu.memory_space<hbm>>
          %dma_start3A_122 = arith.constant 0 : i32
          %dma_start3A_123 = tpu.memref_slice %arg5[%dma_start3A_122] : memref<16384xi32, #tpu.memory_space<vmem>> -> memref<4096xi32, #tpu.memory_space<vmem>>
          %dma_start3A_124 = tpu.memref_slice %arg3[%add3A_96] : memref<16777216xi32, #tpu.memory_space<hbm>> -> memref<4096xi32, #tpu.memory_space<hbm>>
          tpu.enqueue_dma source(%dma_start3A_124 : memref<4096xi32, #tpu.memory_space<hbm>>) target(%dma_start3A_123 : memref<4096xi32, #tpu.memory_space<vmem>>) target_semaphore(%run_scoped3A : memref<!tpu.dma_semaphore, #tpu.memory_space<semaphore_mem>>)
          %dma_wait3A = arith.constant 0 : i32
          %dma_wait3A_125 = tpu.memref_slice %arg5[%dma_wait3A] : memref<16384xi32, #tpu.memory_space<vmem>> -> memref<4096xi32, #tpu.memory_space<vmem>>
          %dma_wait3A_126 = tpu.memref_slice %arg3[%add3A_96] : memref<16777216xi32, #tpu.memory_space<hbm>> -> memref<4096xi32, #tpu.memory_space<hbm>>
          %dma_wait3A_127 = arith.constant 0 : i32
          %dma_wait3A_128 = tpu.memref_slice %arg5[%dma_wait3A_127] : memref<16384xi32, #tpu.memory_space<vmem>> -> memref<4096xi32, #tpu.memory_space<vmem>>
          %dma_wait3A_129 = tpu.memref_slice %arg3[%add3A_96] : memref<16777216xi32, #tpu.memory_space<hbm>> -> memref<4096xi32, #tpu.memory_space<hbm>>
          tpu.wait_dma2 semaphore(%run_scoped3A : memref<!tpu.dma_semaphore, #tpu.memory_space<semaphore_mem>>) src(%dma_wait3A_129 : memref<4096xi32, #tpu.memory_space<hbm>>) dst(%dma_wait3A_128 : memref<4096xi32, #tpu.memory_space<vmem>>)
          tpu.yield
        }) : () -> ()
        %add3A_97 = arith.constant 16384 : i32
        %add3A_98 = arith.addi %mul3A_13, %add3A_97 : i32
        %mul3A_99 = arith.constant 4096 : i32
        %mul3A_100 = arith.muli %scan3A_90, %mul3A_99 : i32
        %add3A_101 = arith.addi %add3A_98, %mul3A_100 : i32
        "tpu.region"() ({
          %run_scoped3A = tpu.sem_alloc : memref<!tpu.dma_semaphore, #tpu.memory_space<semaphore_mem>>
          %dma_start3A = arith.constant 4096 : i32
          %dma_start3A_120 = tpu.memref_slice %arg5[%dma_start3A] : memref<16384xi32, #tpu.memory_space<vmem>> -> memref<4096xi32, #tpu.memory_space<vmem>>
          %dma_start3A_121 = tpu.memref_slice %arg3[%add3A_101] : memref<16777216xi32, #tpu.memory_space<hbm>> -> memref<4096xi32, #tpu.memory_space<hbm>>
          %dma_start3A_122 = arith.constant 4096 : i32
          %dma_start3A_123 = tpu.memref_slice %arg5[%dma_start3A_122] : memref<16384xi32, #tpu.memory_space<vmem>> -> memref<4096xi32, #tpu.memory_space<vmem>>
          %dma_start3A_124 = tpu.memref_slice %arg3[%add3A_101] : memref<16777216xi32, #tpu.memory_space<hbm>> -> memref<4096xi32, #tpu.memory_space<hbm>>
          tpu.enqueue_dma source(%dma_start3A_124 : memref<4096xi32, #tpu.memory_space<hbm>>) target(%dma_start3A_123 : memref<4096xi32, #tpu.memory_space<vmem>>) target_semaphore(%run_scoped3A : memref<!tpu.dma_semaphore, #tpu.memory_space<semaphore_mem>>)
          %dma_wait3A = arith.constant 4096 : i32
          %dma_wait3A_125 = tpu.memref_slice %arg5[%dma_wait3A] : memref<16384xi32, #tpu.memory_space<vmem>> -> memref<4096xi32, #tpu.memory_space<vmem>>
          %dma_wait3A_126 = tpu.memref_slice %arg3[%add3A_101] : memref<16777216xi32, #tpu.memory_space<hbm>> -> memref<4096xi32, #tpu.memory_space<hbm>>
          %dma_wait3A_127 = arith.constant 4096 : i32
          %dma_wait3A_128 = tpu.memref_slice %arg5[%dma_wait3A_127] : memref<16384xi32, #tpu.memory_space<vmem>> -> memref<4096xi32, #tpu.memory_space<vmem>>
          %dma_wait3A_129 = tpu.memref_slice %arg3[%add3A_101] : memref<16777216xi32, #tpu.memory_space<hbm>> -> memref<4096xi32, #tpu.memory_space<hbm>>
          tpu.wait_dma2 semaphore(%run_scoped3A : memref<!tpu.dma_semaphore, #tpu.memory_space<semaphore_mem>>) src(%dma_wait3A_129 : memref<4096xi32, #tpu.memory_space<hbm>>) dst(%dma_wait3A_128 : memref<4096xi32, #tpu.memory_space<vmem>>)
          tpu.yield
        }) : () -> ()
        %add3A_102 = arith.constant 32768 : i32
        %add3A_103 = arith.addi %mul3A_13, %add3A_102 : i32
        %mul3A_104 = arith.constant 4096 : i32
        %mul3A_105 = arith.muli %scan3A_90, %mul3A_104 : i32
        %add3A_106 = arith.addi %add3A_103, %mul3A_105 : i32
        "tpu.region"() ({
          %run_scoped3A = tpu.sem_alloc : memref<!tpu.dma_semaphore, #tpu.memory_space<semaphore_mem>>
          %dma_start3A = arith.constant 8192 : i32
          %dma_start3A_120 = tpu.memref_slice %arg5[%dma_start3A] : memref<16384xi32, #tpu.memory_space<vmem>> -> memref<4096xi32, #tpu.memory_space<vmem>>
          %dma_start3A_121 = tpu.memref_slice %arg3[%add3A_106] : memref<16777216xi32, #tpu.memory_space<hbm>> -> memref<4096xi32, #tpu.memory_space<hbm>>
          %dma_start3A_122 = arith.constant 8192 : i32
          %dma_start3A_123 = tpu.memref_slice %arg5[%dma_start3A_122] : memref<16384xi32, #tpu.memory_space<vmem>> -> memref<4096xi32, #tpu.memory_space<vmem>>
          %dma_start3A_124 = tpu.memref_slice %arg3[%add3A_106] : memref<16777216xi32, #tpu.memory_space<hbm>> -> memref<4096xi32, #tpu.memory_space<hbm>>
          tpu.enqueue_dma source(%dma_start3A_124 : memref<4096xi32, #tpu.memory_space<hbm>>) target(%dma_start3A_123 : memref<4096xi32, #tpu.memory_space<vmem>>) target_semaphore(%run_scoped3A : memref<!tpu.dma_semaphore, #tpu.memory_space<semaphore_mem>>)
          %dma_wait3A = arith.constant 8192 : i32
          %dma_wait3A_125 = tpu.memref_slice %arg5[%dma_wait3A] : memref<16384xi32, #tpu.memory_space<vmem>> -> memref<4096xi32, #tpu.memory_space<vmem>>
          %dma_wait3A_126 = tpu.memref_slice %arg3[%add3A_106] : memref<16777216xi32, #tpu.memory_space<hbm>> -> memref<4096xi32, #tpu.memory_space<hbm>>
          %dma_wait3A_127 = arith.constant 8192 : i32
          %dma_wait3A_128 = tpu.memref_slice %arg5[%dma_wait3A_127] : memref<16384xi32, #tpu.memory_space<vmem>> -> memref<4096xi32, #tpu.memory_space<vmem>>
          %dma_wait3A_129 = tpu.memref_slice %arg3[%add3A_106] : memref<16777216xi32, #tpu.memory_space<hbm>> -> memref<4096xi32, #tpu.memory_space<hbm>>
          tpu.wait_dma2 semaphore(%run_scoped3A : memref<!tpu.dma_semaphore, #tpu.memory_space<semaphore_mem>>) src(%dma_wait3A_129 : memref<4096xi32, #tpu.memory_space<hbm>>) dst(%dma_wait3A_128 : memref<4096xi32, #tpu.memory_space<vmem>>)
          tpu.yield
        }) : () -> ()
        %add3A_107 = arith.constant 49152 : i32
        %add3A_108 = arith.addi %mul3A_13, %add3A_107 : i32
        %mul3A_109 = arith.constant 4096 : i32
        %mul3A_110 = arith.muli %scan3A_90, %mul3A_109 : i32
        %add3A_111 = arith.addi %add3A_108, %mul3A_110 : i32
        "tpu.region"() ({
          %run_scoped3A = tpu.sem_alloc : memref<!tpu.dma_semaphore, #tpu.memory_space<semaphore_mem>>
          %dma_start3A = arith.constant 12288 : i32
          %dma_start3A_120 = tpu.memref_slice %arg5[%dma_start3A] : memref<16384xi32, #tpu.memory_space<vmem>> -> memref<4096xi32, #tpu.memory_space<vmem>>
          %dma_start3A_121 = tpu.memref_slice %arg3[%add3A_111] : memref<16777216xi32, #tpu.memory_space<hbm>> -> memref<4096xi32, #tpu.memory_space<hbm>>
          %dma_start3A_122 = arith.constant 12288 : i32
          %dma_start3A_123 = tpu.memref_slice %arg5[%dma_start3A_122] : memref<16384xi32, #tpu.memory_space<vmem>> -> memref<4096xi32, #tpu.memory_space<vmem>>
          %dma_start3A_124 = tpu.memref_slice %arg3[%add3A_111] : memref<16777216xi32, #tpu.memory_space<hbm>> -> memref<4096xi32, #tpu.memory_space<hbm>>
          tpu.enqueue_dma source(%dma_start3A_124 : memref<4096xi32, #tpu.memory_space<hbm>>) target(%dma_start3A_123 : memref<4096xi32, #tpu.memory_space<vmem>>) target_semaphore(%run_scoped3A : memref<!tpu.dma_semaphore, #tpu.memory_space<semaphore_mem>>)
          %dma_wait3A = arith.constant 12288 : i32
          %dma_wait3A_125 = tpu.memref_slice %arg5[%dma_wait3A] : memref<16384xi32, #tpu.memory_space<vmem>> -> memref<4096xi32, #tpu.memory_space<vmem>>
          %dma_wait3A_126 = tpu.memref_slice %arg3[%add3A_111] : memref<16777216xi32, #tpu.memory_space<hbm>> -> memref<4096xi32, #tpu.memory_space<hbm>>
          %dma_wait3A_127 = arith.constant 12288 : i32
          %dma_wait3A_128 = tpu.memref_slice %arg5[%dma_wait3A_127] : memref<16384xi32, #tpu.memory_space<vmem>> -> memref<4096xi32, #tpu.memory_space<vmem>>
          %dma_wait3A_129 = tpu.memref_slice %arg3[%add3A_111] : memref<16777216xi32, #tpu.memory_space<hbm>> -> memref<4096xi32, #tpu.memory_space<hbm>>
          tpu.wait_dma2 semaphore(%run_scoped3A : memref<!tpu.dma_semaphore, #tpu.memory_space<semaphore_mem>>) src(%dma_wait3A_129 : memref<4096xi32, #tpu.memory_space<hbm>>) dst(%dma_wait3A_128 : memref<4096xi32, #tpu.memory_space<vmem>>)
          tpu.yield
        }) : () -> ()
        %scan3A_112 = arith.constant 0 : i32
        %scan3A_113 = arith.constant 0 : i32
        %scan3A_114 = arith.constant 256 : i32
        %scan3A_115 = arith.addi %scan3A_113, %scan3A_114 : i32
        %scan3A_116 = arith.constant 8 : i32
        %scan3A_117 = scf.for %scan3A_120 = %scan3A_113 to %scan3A_115 step %scan3A_116 iter_args(%scan3A_121 = %scan3A_112) -> (i32)  : i32 {
          %mul3A_122 = arith.constant 16 : i32
          %mul3A_123 = arith.muli %scan3A_120, %mul3A_122 : i32
          %add3A_124 = arith.constant 0 : i32
          %add3A_125 = arith.addi %add3A_124, %mul3A_123 : i32
          %get3A = arith.index_cast %add3A_125 : i32 to index
          %get3A_126 = tpu.vector_load %arg5[%get3A] {strides = array<i32>} : memref<16384xi32, #tpu.memory_space<vmem>>, vector<16xi32>,
          %mul3A_127 = arith.constant 16 : i32
          %mul3A_128 = arith.muli %scan3A_120, %mul3A_127 : i32
          %add3A_129 = arith.constant 4096 : i32
          %add3A_130 = arith.addi %add3A_129, %mul3A_128 : i32
          %get3A_131 = arith.index_cast %add3A_130 : i32 to index
          %get3A_132 = tpu.vector_load %arg5[%get3A_131] {strides = array<i32>} : memref<16384xi32, #tpu.memory_space<vmem>>, vector<16xi32>,
          %mul3A_133 = arith.constant 16 : i32
          %mul3A_134 = arith.muli %scan3A_120, %mul3A_133 : i32
          %add3A_135 = arith.constant 8192 : i32
          %add3A_136 = arith.addi %add3A_135, %mul3A_134 : i32
          %get3A_137 = arith.index_cast %add3A_136 : i32 to index
          %get3A_138 = tpu.vector_load %arg5[%get3A_137] {strides = array<i32>} : memref<16384xi32, #tpu.memory_space<vmem>>, vector<16xi32>,
          %mul3A_139 = arith.constant 16 : i32
          %mul3A_140 = arith.muli %scan3A_120, %mul3A_139 : i32
          %add3A_141 = arith.constant 12288 : i32
          %add3A_142 = arith.addi %add3A_141, %mul3A_140 : i32
          %get3A_143 = arith.index_cast %add3A_142 : i32 to index
          %get3A_144 = tpu.vector_load %arg5[%get3A_143] {strides = array<i32>} : memref<16384xi32, #tpu.memory_space<vmem>>, vector<16xi32>,
          %shift_right_logical3A = arith.constant 11 : i32
          %shift_right_logical3A_145 = vector.broadcast %shift_right_logical3A : i32 to vector<16xi32>
          %shift_right_logical3A_146 = arith.shrui %get3A_126, %shift_right_logical3A_145 : vector<16xi32>
          %and3A = arith.constant 2047 : i32
          %and3A_147 = vector.broadcast %and3A : i32 to vector<16xi32>
          %and3A_148 = arith.andi %shift_right_logical3A_146, %and3A_147 : vector<16xi32>
          %broadcast_in_dim3A = arith.constant true
          %broadcast_in_dim3A_149 = vector.broadcast %broadcast_in_dim3A : i1 to vector<16xi1>
          %unique3A, %unique3A_150 = tpu.scan_count mask(%broadcast_in_dim3A_149 : vector<16xi1>) value(%and3A_148 : vector<16xi32>) : vector<16xi1>, vector<16xi32>
          %gather3A = tpu.vector_load_idx %arg7[%and3A_148] : memref<2048xi32, #tpu.memory_space<vmem>>[vector<16xi32>], vector<16xi32>,
          %add3A_151 = arith.addi %gather3A, %unique3A_150 : vector<16xi32>
          %sub3A = arith.constant 1 : i32
          %sub3A_152 = vector.broadcast %sub3A : i32 to vector<16xi32>
          %sub3A_153 = arith.subi %add3A_151, %sub3A_152 : vector<16xi32>
          tpu.vector_store_idx %arg4[%sub3A_153], %get3A_126 : memref<65552xi32, #tpu.memory_space<vmem>>[vector<16xi32>], vector<16xi32>,
          tpu.vector_store_idx %arg7[%and3A_148], %unique3A_150 masked %unique3A {add = true} : memref<2048xi32, #tpu.memory_space<vmem>>[vector<16xi32>], vector<16xi32>, vector<16xi1>
          %shift_right_logical3A_154 = arith.constant 11 : i32
          %shift_right_logical3A_155 = vector.broadcast %shift_right_logical3A_154 : i32 to vector<16xi32>
          %shift_right_logical3A_156 = arith.shrui %get3A_132, %shift_right_logical3A_155 : vector<16xi32>
          %and3A_157 = arith.constant 2047 : i32
          %and3A_158 = vector.broadcast %and3A_157 : i32 to vector<16xi32>
          %and3A_159 = arith.andi %shift_right_logical3A_156, %and3A_158 : vector<16xi32>
          %broadcast_in_dim3A_160 = arith.constant true
          %broadcast_in_dim3A_161 = vector.broadcast %broadcast_in_dim3A_160 : i1 to vector<16xi1>
          %unique3A_162, %unique3A_163 = tpu.scan_count mask(%broadcast_in_dim3A_161 : vector<16xi1>) value(%and3A_159 : vector<16xi32>) : vector<16xi1>, vector<16xi32>
          %gather3A_164 = tpu.vector_load_idx %arg8[%and3A_159] : memref<2048xi32, #tpu.memory_space<vmem>>[vector<16xi32>], vector<16xi32>,
          %add3A_165 = arith.addi %gather3A_164, %unique3A_163 : vector<16xi32>
          %sub3A_166 = arith.constant 1 : i32
          %sub3A_167 = vector.broadcast %sub3A_166 : i32 to vector<16xi32>
          %sub3A_168 = arith.subi %add3A_165, %sub3A_167 : vector<16xi32>
          tpu.vector_store_idx %arg4[%sub3A_168], %get3A_132 : memref<65552xi32, #tpu.memory_space<vmem>>[vector<16xi32>], vector<16xi32>,
          tpu.vector_store_idx %arg8[%and3A_159], %unique3A_163 masked %unique3A_162 {add = true} : memref<2048xi32, #tpu.memory_space<vmem>>[vector<16xi32>], vector<16xi32>, vector<16xi1>
          %shift_right_logical3A_169 = arith.constant 11 : i32
          %shift_right_logical3A_170 = vector.broadcast %shift_right_logical3A_169 : i32 to vector<16xi32>
          %shift_right_logical3A_171 = arith.shrui %get3A_138, %shift_right_logical3A_170 : vector<16xi32>
          %and3A_172 = arith.constant 2047 : i32
          %and3A_173 = vector.broadcast %and3A_172 : i32 to vector<16xi32>
          %and3A_174 = arith.andi %shift_right_logical3A_171, %and3A_173 : vector<16xi32>
          %broadcast_in_dim3A_175 = arith.constant true
          %broadcast_in_dim3A_176 = vector.broadcast %broadcast_in_dim3A_175 : i1 to vector<16xi1>
          %unique3A_177, %unique3A_178 = tpu.scan_count mask(%broadcast_in_dim3A_176 : vector<16xi1>) value(%and3A_174 : vector<16xi32>) : vector<16xi1>, vector<16xi32>
          %gather3A_179 = tpu.vector_load_idx %arg9[%and3A_174] : memref<2048xi32, #tpu.memory_space<vmem>>[vector<16xi32>], vector<16xi32>,
          %add3A_180 = arith.addi %gather3A_179, %unique3A_178 : vector<16xi32>
          %sub3A_181 = arith.constant 1 : i32
          %sub3A_182 = vector.broadcast %sub3A_181 : i32 to vector<16xi32>
          %sub3A_183 = arith.subi %add3A_180, %sub3A_182 : vector<16xi32>
          tpu.vector_store_idx %arg4[%sub3A_183], %get3A_138 : memref<65552xi32, #tpu.memory_space<vmem>>[vector<16xi32>], vector<16xi32>,
          tpu.vector_store_idx %arg9[%and3A_174], %unique3A_178 masked %unique3A_177 {add = true} : memref<2048xi32, #tpu.memory_space<vmem>>[vector<16xi32>], vector<16xi32>, vector<16xi1>
          %shift_right_logical3A_184 = arith.constant 11 : i32
          %shift_right_logical3A_185 = vector.broadcast %shift_right_logical3A_184 : i32 to vector<16xi32>
          %shift_right_logical3A_186 = arith.shrui %get3A_144, %shift_right_logical3A_185 : vector<16xi32>
          %and3A_187 = arith.constant 2047 : i32
          %and3A_188 = vector.broadcast %and3A_187 : i32 to vector<16xi32>
          %and3A_189 = arith.andi %shift_right_logical3A_186, %and3A_188 : vector<16xi32>
          %broadcast_in_dim3A_190 = arith.constant true
          %broadcast_in_dim3A_191 = vector.broadcast %broadcast_in_dim3A_190 : i1 to vector<16xi1>
          %unique3A_192, %unique3A_193 = tpu.scan_count mask(%broadcast_in_dim3A_191 : vector<16xi1>) value(%and3A_189 : vector<16xi32>) : vector<16xi1>, vector<16xi32>
          %gather3A_194 = tpu.vector_load_idx %arg10[%and3A_189] : memref<2048xi32, #tpu.memory_space<vmem>>[vector<16xi32>], vector<16xi32>,
          %add3A_195 = arith.addi %gather3A_194, %unique3A_193 : vector<16xi32>
          %sub3A_196 = arith.constant 1 : i32
          %sub3A_197 = vector.broadcast %sub3A_196 : i32 to vector<16xi32>
          %sub3A_198 = arith.subi %add3A_195, %sub3A_197 : vector<16xi32>
          tpu.vector_store_idx %arg4[%sub3A_198], %get3A_144 : memref<65552xi32, #tpu.memory_space<vmem>>[vector<16xi32>], vector<16xi32>,
          tpu.vector_store_idx %arg10[%and3A_189], %unique3A_193 masked %unique3A_192 {add = true} : memref<2048xi32, #tpu.memory_space<vmem>>[vector<16xi32>], vector<16xi32>, vector<16xi1>
          %scan3A_199 = arith.constant 0 : i32
          %scan3A_200 = arith.constant 1 : i32
          %scan3A_201 = arith.addi %scan3A_120, %scan3A_200 : i32
          %mul3A_202 = arith.constant 16 : i32
          %mul3A_203 = arith.muli %scan3A_201, %mul3A_202 : i32
          %add3A_204 = arith.constant 0 : i32
          %add3A_205 = arith.addi %add3A_204, %mul3A_203 : i32
          %get3A_206 = arith.index_cast %add3A_205 : i32 to index
          %get3A_207 = tpu.vector_load %arg5[%get3A_206] {strides = array<i32>} : memref<16384xi32, #tpu.memory_space<vmem>>, vector<16xi32>,
          %mul3A_208 = arith.constant 16 : i32
          %mul3A_209 = arith.muli %scan3A_201, %mul3A_208 : i32
          %add3A_210 = arith.constant 4096 : i32
          %add3A_211 = arith.addi %add3A_210, %mul3A_209 : i32
          %get3A_212 = arith.index_cast %add3A_211 : i32 to index
          %get3A_213 = tpu.vector_load %arg5[%get3A_212] {strides = array<i32>} : memref<16384xi32, #tpu.memory_space<vmem>>, vector<16xi32>,
          %mul3A_214 = arith.constant 16 : i32
          %mul3A_215 = arith.muli %scan3A_201, %mul3A_214 : i32
          %add3A_216 = arith.constant 8192 : i32
          %add3A_217 = arith.addi %add3A_216, %mul3A_215 : i32
          %get3A_218 = arith.index_cast %add3A_217 : i32 to index
          %get3A_219 = tpu.vector_load %arg5[%get3A_218] {strides = array<i32>} : memref<16384xi32, #tpu.memory_space<vmem>>, vector<16xi32>,
          %mul3A_220 = arith.constant 16 : i32
          %mul3A_221 = arith.muli %scan3A_201, %mul3A_220 : i32
          %add3A_222 = arith.constant 12288 : i32
          %add3A_223 = arith.addi %add3A_222, %mul3A_221 : i32
          %get3A_224 = arith.index_cast %add3A_223 : i32 to index
          %get3A_225 = tpu.vector_load %arg5[%get3A_224] {strides = array<i32>} : memref<16384xi32, #tpu.memory_space<vmem>>, vector<16xi32>,
          %shift_right_logical3A_226 = arith.constant 11 : i32
          %shift_right_logical3A_227 = vector.broadcast %shift_right_logical3A_226 : i32 to vector<16xi32>
          %shift_right_logical3A_228 = arith.shrui %get3A_207, %shift_right_logical3A_227 : vector<16xi32>
          %and3A_229 = arith.constant 2047 : i32
          %and3A_230 = vector.broadcast %and3A_229 : i32 to vector<16xi32>
          %and3A_231 = arith.andi %shift_right_logical3A_228, %and3A_230 : vector<16xi32>
          %broadcast_in_dim3A_232 = arith.constant true
          %broadcast_in_dim3A_233 = vector.broadcast %broadcast_in_dim3A_232 : i1 to vector<16xi1>
          %unique3A_234, %unique3A_235 = tpu.scan_count mask(%broadcast_in_dim3A_233 : vector<16xi1>) value(%and3A_231 : vector<16xi32>) : vector<16xi1>, vector<16xi32>
          %gather3A_236 = tpu.vector_load_idx %arg7[%and3A_231] : memref<2048xi32, #tpu.memory_space<vmem>>[vector<16xi32>], vector<16xi32>,
          %add3A_237 = arith.addi %gather3A_236, %unique3A_235 : vector<16xi32>
          %sub3A_238 = arith.constant 1 : i32
          %sub3A_239 = vector.broadcast %sub3A_238 : i32 to vector<16xi32>
          %sub3A_240 = arith.subi %add3A_237, %sub3A_239 : vector<16xi32>
          tpu.vector_store_idx %arg4[%sub3A_240], %get3A_207 : memref<65552xi32, #tpu.memory_space<vmem>>[vector<16xi32>], vector<16xi32>,
          tpu.vector_store_idx %arg7[%and3A_231], %unique3A_235 masked %unique3A_234 {add = true} : memref<2048xi32, #tpu.memory_space<vmem>>[vector<16xi32>], vector<16xi32>, vector<16xi1>
          %shift_right_logical3A_241 = arith.constant 11 : i32
          %shift_right_logical3A_242 = vector.broadcast %shift_right_logical3A_241 : i32 to vector<16xi32>
          %shift_right_logical3A_243 = arith.shrui %get3A_213, %shift_right_logical3A_242 : vector<16xi32>
          %and3A_244 = arith.constant 2047 : i32
          %and3A_245 = vector.broadcast %and3A_244 : i32 to vector<16xi32>
          %and3A_246 = arith.andi %shift_right_logical3A_243, %and3A_245 : vector<16xi32>
          %broadcast_in_dim3A_247 = arith.constant true
          %broadcast_in_dim3A_248 = vector.broadcast %broadcast_in_dim3A_247 : i1 to vector<16xi1>
          %unique3A_249, %unique3A_250 = tpu.scan_count mask(%broadcast_in_dim3A_248 : vector<16xi1>) value(%and3A_246 : vector<16xi32>) : vector<16xi1>, vector<16xi32>
          %gather3A_251 = tpu.vector_load_idx %arg8[%and3A_246] : memref<2048xi32, #tpu.memory_space<vmem>>[vector<16xi32>], vector<16xi32>,
          %add3A_252 = arith.addi %gather3A_251, %unique3A_250 : vector<16xi32>
          %sub3A_253 = arith.constant 1 : i32
          %sub3A_254 = vector.broadcast %sub3A_253 : i32 to vector<16xi32>
          %sub3A_255 = arith.subi %add3A_252, %sub3A_254 : vector<16xi32>
          tpu.vector_store_idx %arg4[%sub3A_255], %get3A_213 : memref<65552xi32, #tpu.memory_space<vmem>>[vector<16xi32>], vector<16xi32>,
          tpu.vector_store_idx %arg8[%and3A_246], %unique3A_250 masked %unique3A_249 {add = true} : memref<2048xi32, #tpu.memory_space<vmem>>[vector<16xi32>], vector<16xi32>, vector<16xi1>
          %shift_right_logical3A_256 = arith.constant 11 : i32
          %shift_right_logical3A_257 = vector.broadcast %shift_right_logical3A_256 : i32 to vector<16xi32>
          %shift_right_logical3A_258 = arith.shrui %get3A_219, %shift_right_logical3A_257 : vector<16xi32>
          %and3A_259 = arith.constant 2047 : i32
          %and3A_260 = vector.broadcast %and3A_259 : i32 to vector<16xi32>
          %and3A_261 = arith.andi %shift_right_logical3A_258, %and3A_260 : vector<16xi32>
          %broadcast_in_dim3A_262 = arith.constant true
          %broadcast_in_dim3A_263 = vector.broadcast %broadcast_in_dim3A_262 : i1 to vector<16xi1>
          %unique3A_264, %unique3A_265 = tpu.scan_count mask(%broadcast_in_dim3A_263 : vector<16xi1>) value(%and3A_261 : vector<16xi32>) : vector<16xi1>, vector<16xi32>
          %gather3A_266 = tpu.vector_load_idx %arg9[%and3A_261] : memref<2048xi32, #tpu.memory_space<vmem>>[vector<16xi32>], vector<16xi32>,
          %add3A_267 = arith.addi %gather3A_266, %unique3A_265 : vector<16xi32>
          %sub3A_268 = arith.constant 1 : i32
          %sub3A_269 = vector.broadcast %sub3A_268 : i32 to vector<16xi32>
          %sub3A_270 = arith.subi %add3A_267, %sub3A_269 : vector<16xi32>
          tpu.vector_store_idx %arg4[%sub3A_270], %get3A_219 : memref<65552xi32, #tpu.memory_space<vmem>>[vector<16xi32>], vector<16xi32>,
          tpu.vector_store_idx %arg9[%and3A_261], %unique3A_265 masked %unique3A_264 {add = true} : memref<2048xi32, #tpu.memory_space<vmem>>[vector<16xi32>], vector<16xi32>, vector<16xi1>
          %shift_right_logical3A_271 = arith.constant 11 : i32
          %shift_right_logical3A_272 = vector.broadcast %shift_right_logical3A_271 : i32 to vector<16xi32>
          %shift_right_logical3A_273 = arith.shrui %get3A_225, %shift_right_logical3A_272 : vector<16xi32>
          %and3A_274 = arith.constant 2047 : i32
          %and3A_275 = vector.broadcast %and3A_274 : i32 to vector<16xi32>
          %and3A_276 = arith.andi %shift_right_logical3A_273, %and3A_275 : vector<16xi32>
          %broadcast_in_dim3A_277 = arith.constant true
          %broadcast_in_dim3A_278 = vector.broadcast %broadcast_in_dim3A_277 : i1 to vector<16xi1>
          %unique3A_279, %unique3A_280 = tpu.scan_count mask(%broadcast_in_dim3A_278 : vector<16xi1>) value(%and3A_276 : vector<16xi32>) : vector<16xi1>, vector<16xi32>
          %gather3A_281 = tpu.vector_load_idx %arg10[%and3A_276] : memref<2048xi32, #tpu.memory_space<vmem>>[vector<16xi32>], vector<16xi32>,
          %add3A_282 = arith.addi %gather3A_281, %unique3A_280 : vector<16xi32>
          %sub3A_283 = arith.constant 1 : i32
          %sub3A_284 = vector.broadcast %sub3A_283 : i32 to vector<16xi32>
          %sub3A_285 = arith.subi %add3A_282, %sub3A_284 : vector<16xi32>
          tpu.vector_store_idx %arg4[%sub3A_285], %get3A_225 : memref<65552xi32, #tpu.memory_space<vmem>>[vector<16xi32>], vector<16xi32>,
          tpu.vector_store_idx %arg10[%and3A_276], %unique3A_280 masked %unique3A_279 {add = true} : memref<2048xi32, #tpu.memory_space<vmem>>[vector<16xi32>], vector<16xi32>, vector<16xi1>
          %scan3A_286 = arith.constant 0 : i32
          %scan3A_287 = arith.constant 2 : i32
          %scan3A_288 = arith.addi %scan3A_120, %scan3A_287 : i32
          %mul3A_289 = arith.constant 16 : i32
          %mul3A_290 = arith.muli %scan3A_288, %mul3A_289 : i32
          %add3A_291 = arith.constant 0 : i32
          %add3A_292 = arith.addi %add3A_291, %mul3A_290 : i32
          %get3A_293 = arith.index_cast %add3A_292 : i32 to index
          %get3A_294 = tpu.vector_load %arg5[%get3A_293] {strides = array<i32>} : memref<16384xi32, #tpu.memory_space<vmem>>, vector<16xi32>,
          %mul3A_295 = arith.constant 16 : i32
          %mul3A_296 = arith.muli %scan3A_288, %mul3A_295 : i32
          %add3A_297 = arith.constant 4096 : i32
          %add3A_298 = arith.addi %add3A_297, %mul3A_296 : i32
          %get3A_299 = arith.index_cast %add3A_298 : i32 to index
          %get3A_300 = tpu.vector_load %arg5[%get3A_299] {strides = array<i32>} : memref<16384xi32, #tpu.memory_space<vmem>>, vector<16xi32>,
          %mul3A_301 = arith.constant 16 : i32
          %mul3A_302 = arith.muli %scan3A_288, %mul3A_301 : i32
          %add3A_303 = arith.constant 8192 : i32
          %add3A_304 = arith.addi %add3A_303, %mul3A_302 : i32
          %get3A_305 = arith.index_cast %add3A_304 : i32 to index
          %get3A_306 = tpu.vector_load %arg5[%get3A_305] {strides = array<i32>} : memref<16384xi32, #tpu.memory_space<vmem>>, vector<16xi32>,
          %mul3A_307 = arith.constant 16 : i32
          %mul3A_308 = arith.muli %scan3A_288, %mul3A_307 : i32
          %add3A_309 = arith.constant 12288 : i32
          %add3A_310 = arith.addi %add3A_309, %mul3A_308 : i32
          %get3A_311 = arith.index_cast %add3A_310 : i32 to index
          %get3A_312 = tpu.vector_load %arg5[%get3A_311] {strides = array<i32>} : memref<16384xi32, #tpu.memory_space<vmem>>, vector<16xi32>,
          %shift_right_logical3A_313 = arith.constant 11 : i32
          %shift_right_logical3A_314 = vector.broadcast %shift_right_logical3A_313 : i32 to vector<16xi32>
          %shift_right_logical3A_315 = arith.shrui %get3A_294, %shift_right_logical3A_314 : vector<16xi32>
          %and3A_316 = arith.constant 2047 : i32
          %and3A_317 = vector.broadcast %and3A_316 : i32 to vector<16xi32>
          %and3A_318 = arith.andi %shift_right_logical3A_315, %and3A_317 : vector<16xi32>
          %broadcast_in_dim3A_319 = arith.constant true
          %broadcast_in_dim3A_320 = vector.broadcast %broadcast_in_dim3A_319 : i1 to vector<16xi1>
          %unique3A_321, %unique3A_322 = tpu.scan_count mask(%broadcast_in_dim3A_320 : vector<16xi1>) value(%and3A_318 : vector<16xi32>) : vector<16xi1>, vector<16xi32>
          %gather3A_323 = tpu.vector_load_idx %arg7[%and3A_318] : memref<2048xi32, #tpu.memory_space<vmem>>[vector<16xi32>], vector<16xi32>,
          %add3A_324 = arith.addi %gather3A_323, %unique3A_322 : vector<16xi32>
          %sub3A_325 = arith.constant 1 : i32
          %sub3A_326 = vector.broadcast %sub3A_325 : i32 to vector<16xi32>
          %sub3A_327 = arith.subi %add3A_324, %sub3A_326 : vector<16xi32>
          tpu.vector_store_idx %arg4[%sub3A_327], %get3A_294 : memref<65552xi32, #tpu.memory_space<vmem>>[vector<16xi32>], vector<16xi32>,
          tpu.vector_store_idx %arg7[%and3A_318], %unique3A_322 masked %unique3A_321 {add = true} : memref<2048xi32, #tpu.memory_space<vmem>>[vector<16xi32>], vector<16xi32>, vector<16xi1>
          %shift_right_logical3A_328 = arith.constant 11 : i32
          %shift_right_logical3A_329 = vector.broadcast %shift_right_logical3A_328 : i32 to vector<16xi32>
          %shift_right_logical3A_330 = arith.shrui %get3A_300, %shift_right_logical3A_329 : vector<16xi32>
          %and3A_331 = arith.constant 2047 : i32
          %and3A_332 = vector.broadcast %and3A_331 : i32 to vector<16xi32>
          %and3A_333 = arith.andi %shift_right_logical3A_330, %and3A_332 : vector<16xi32>
          %broadcast_in_dim3A_334 = arith.constant true
          %broadcast_in_dim3A_335 = vector.broadcast %broadcast_in_dim3A_334 : i1 to vector<16xi1>
          %unique3A_336, %unique3A_337 = tpu.scan_count mask(%broadcast_in_dim3A_335 : vector<16xi1>) value(%and3A_333 : vector<16xi32>) : vector<16xi1>, vector<16xi32>
          %gather3A_338 = tpu.vector_load_idx %arg8[%and3A_333] : memref<2048xi32, #tpu.memory_space<vmem>>[vector<16xi32>], vector<16xi32>,
          %add3A_339 = arith.addi %gather3A_338, %unique3A_337 : vector<16xi32>
          %sub3A_340 = arith.constant 1 : i32
          %sub3A_341 = vector.broadcast %sub3A_340 : i32 to vector<16xi32>
          %sub3A_342 = arith.subi %add3A_339, %sub3A_341 : vector<16xi32>
          tpu.vector_store_idx %arg4[%sub3A_342], %get3A_300 : memref<65552xi32, #tpu.memory_space<vmem>>[vector<16xi32>], vector<16xi32>,
          tpu.vector_store_idx %arg8[%and3A_333], %unique3A_337 masked %unique3A_336 {add = true} : memref<2048xi32, #tpu.memory_space<vmem>>[vector<16xi32>], vector<16xi32>, vector<16xi1>
          %shift_right_logical3A_343 = arith.constant 11 : i32
          %shift_right_logical3A_344 = vector.broadcast %shift_right_logical3A_343 : i32 to vector<16xi32>
          %shift_right_logical3A_345 = arith.shrui %get3A_306, %shift_right_logical3A_344 : vector<16xi32>
          %and3A_346 = arith.constant 2047 : i32
          %and3A_347 = vector.broadcast %and3A_346 : i32 to vector<16xi32>
          %and3A_348 = arith.andi %shift_right_logical3A_345, %and3A_347 : vector<16xi32>
          %broadcast_in_dim3A_349 = arith.constant true
          %broadcast_in_dim3A_350 = vector.broadcast %broadcast_in_dim3A_349 : i1 to vector<16xi1>
          %unique3A_351, %unique3A_352 = tpu.scan_count mask(%broadcast_in_dim3A_350 : vector<16xi1>) value(%and3A_348 : vector<16xi32>) : vector<16xi1>, vector<16xi32>
          %gather3A_353 = tpu.vector_load_idx %arg9[%and3A_348] : memref<2048xi32, #tpu.memory_space<vmem>>[vector<16xi32>], vector<16xi32>,
          %add3A_354 = arith.addi %gather3A_353, %unique3A_352 : vector<16xi32>
          %sub3A_355 = arith.constant 1 : i32
          %sub3A_356 = vector.broadcast %sub3A_355 : i32 to vector<16xi32>
          %sub3A_357 = arith.subi %add3A_354, %sub3A_356 : vector<16xi32>
          tpu.vector_store_idx %arg4[%sub3A_357], %get3A_306 : memref<65552xi32, #tpu.memory_space<vmem>>[vector<16xi32>], vector<16xi32>,
          tpu.vector_store_idx %arg9[%and3A_348], %unique3A_352 masked %unique3A_351 {add = true} : memref<2048xi32, #tpu.memory_space<vmem>>[vector<16xi32>], vector<16xi32>, vector<16xi1>
          %shift_right_logical3A_358 = arith.constant 11 : i32
          %shift_right_logical3A_359 = vector.broadcast %shift_right_logical3A_358 : i32 to vector<16xi32>
          %shift_right_logical3A_360 = arith.shrui %get3A_312, %shift_right_logical3A_359 : vector<16xi32>
          %and3A_361 = arith.constant 2047 : i32
          %and3A_362 = vector.broadcast %and3A_361 : i32 to vector<16xi32>
          %and3A_363 = arith.andi %shift_right_logical3A_360, %and3A_362 : vector<16xi32>
          %broadcast_in_dim3A_364 = arith.constant true
          %broadcast_in_dim3A_365 = vector.broadcast %broadcast_in_dim3A_364 : i1 to vector<16xi1>
          %unique3A_366, %unique3A_367 = tpu.scan_count mask(%broadcast_in_dim3A_365 : vector<16xi1>) value(%and3A_363 : vector<16xi32>) : vector<16xi1>, vector<16xi32>
          %gather3A_368 = tpu.vector_load_idx %arg10[%and3A_363] : memref<2048xi32, #tpu.memory_space<vmem>>[vector<16xi32>], vector<16xi32>,
          %add3A_369 = arith.addi %gather3A_368, %unique3A_367 : vector<16xi32>
          %sub3A_370 = arith.constant 1 : i32
          %sub3A_371 = vector.broadcast %sub3A_370 : i32 to vector<16xi32>
          %sub3A_372 = arith.subi %add3A_369, %sub3A_371 : vector<16xi32>
          tpu.vector_store_idx %arg4[%sub3A_372], %get3A_312 : memref<65552xi32, #tpu.memory_space<vmem>>[vector<16xi32>], vector<16xi32>,
          tpu.vector_store_idx %arg10[%and3A_363], %unique3A_367 masked %unique3A_366 {add = true} : memref<2048xi32, #tpu.memory_space<vmem>>[vector<16xi32>], vector<16xi32>, vector<16xi1>
          %scan3A_373 = arith.constant 0 : i32
          %scan3A_374 = arith.constant 3 : i32
          %scan3A_375 = arith.addi %scan3A_120, %scan3A_374 : i32
          %mul3A_376 = arith.constant 16 : i32
          %mul3A_377 = arith.muli %scan3A_375, %mul3A_376 : i32
          %add3A_378 = arith.constant 0 : i32
          %add3A_379 = arith.addi %add3A_378, %mul3A_377 : i32
          %get3A_380 = arith.index_cast %add3A_379 : i32 to index
          %get3A_381 = tpu.vector_load %arg5[%get3A_380] {strides = array<i32>} : memref<16384xi32, #tpu.memory_space<vmem>>, vector<16xi32>,
          %mul3A_382 = arith.constant 16 : i32
          %mul3A_383 = arith.muli %scan3A_375, %mul3A_382 : i32
          %add3A_384 = arith.constant 4096 : i32
          %add3A_385 = arith.addi %add3A_384, %mul3A_383 : i32
          %get3A_386 = arith.index_cast %add3A_385 : i32 to index
          %get3A_387 = tpu.vector_load %arg5[%get3A_386] {strides = array<i32>} : memref<16384xi32, #tpu.memory_space<vmem>>, vector<16xi32>,
          %mul3A_388 = arith.constant 16 : i32
          %mul3A_389 = arith.muli %scan3A_375, %mul3A_388 : i32
          %add3A_390 = arith.constant 8192 : i32
          %add3A_391 = arith.addi %add3A_390, %mul3A_389 : i32
          %get3A_392 = arith.index_cast %add3A_391 : i32 to index
          %get3A_393 = tpu.vector_load %arg5[%get3A_392] {strides = array<i32>} : memref<16384xi32, #tpu.memory_space<vmem>>, vector<16xi32>,
          %mul3A_394 = arith.constant 16 : i32
          %mul3A_395 = arith.muli %scan3A_375, %mul3A_394 : i32
          %add3A_396 = arith.constant 12288 : i32
          %add3A_397 = arith.addi %add3A_396, %mul3A_395 : i32
          %get3A_398 = arith.index_cast %add3A_397 : i32 to index
          %get3A_399 = tpu.vector_load %arg5[%get3A_398] {strides = array<i32>} : memref<16384xi32, #tpu.memory_space<vmem>>, vector<16xi32>,
          %shift_right_logical3A_400 = arith.constant 11 : i32
          %shift_right_logical3A_401 = vector.broadcast %shift_right_logical3A_400 : i32 to vector<16xi32>
          %shift_right_logical3A_402 = arith.shrui %get3A_381, %shift_right_logical3A_401 : vector<16xi32>
          %and3A_403 = arith.constant 2047 : i32
          %and3A_404 = vector.broadcast %and3A_403 : i32 to vector<16xi32>
          %and3A_405 = arith.andi %shift_right_logical3A_402, %and3A_404 : vector<16xi32>
          %broadcast_in_dim3A_406 = arith.constant true
          %broadcast_in_dim3A_407 = vector.broadcast %broadcast_in_dim3A_406 : i1 to vector<16xi1>
          %unique3A_408, %unique3A_409 = tpu.scan_count mask(%broadcast_in_dim3A_407 : vector<16xi1>) value(%and3A_405 : vector<16xi32>) : vector<16xi1>, vector<16xi32>
          %gather3A_410 = tpu.vector_load_idx %arg7[%and3A_405] : memref<2048xi32, #tpu.memory_space<vmem>>[vector<16xi32>], vector<16xi32>,
          %add3A_411 = arith.addi %gather3A_410, %unique3A_409 : vector<16xi32>
          %sub3A_412 = arith.constant 1 : i32
          %sub3A_413 = vector.broadcast %sub3A_412 : i32 to vector<16xi32>
          %sub3A_414 = arith.subi %add3A_411, %sub3A_413 : vector<16xi32>
          tpu.vector_store_idx %arg4[%sub3A_414], %get3A_381 : memref<65552xi32, #tpu.memory_space<vmem>>[vector<16xi32>], vector<16xi32>,
          tpu.vector_store_idx %arg7[%and3A_405], %unique3A_409 masked %unique3A_408 {add = true} : memref<2048xi32, #tpu.memory_space<vmem>>[vector<16xi32>], vector<16xi32>, vector<16xi1>
          %shift_right_logical3A_415 = arith.constant 11 : i32
          %shift_right_logical3A_416 = vector.broadcast %shift_right_logical3A_415 : i32 to vector<16xi32>
          %shift_right_logical3A_417 = arith.shrui %get3A_387, %shift_right_logical3A_416 : vector<16xi32>
          %and3A_418 = arith.constant 2047 : i32
          %and3A_419 = vector.broadcast %and3A_418 : i32 to vector<16xi32>
          %and3A_420 = arith.andi %shift_right_logical3A_417, %and3A_419 : vector<16xi32>
          %broadcast_in_dim3A_421 = arith.constant true
          %broadcast_in_dim3A_422 = vector.broadcast %broadcast_in_dim3A_421 : i1 to vector<16xi1>
          %unique3A_423, %unique3A_424 = tpu.scan_count mask(%broadcast_in_dim3A_422 : vector<16xi1>) value(%and3A_420 : vector<16xi32>) : vector<16xi1>, vector<16xi32>
          %gather3A_425 = tpu.vector_load_idx %arg8[%and3A_420] : memref<2048xi32, #tpu.memory_space<vmem>>[vector<16xi32>], vector<16xi32>,
          %add3A_426 = arith.addi %gather3A_425, %unique3A_424 : vector<16xi32>
          %sub3A_427 = arith.constant 1 : i32
          %sub3A_428 = vector.broadcast %sub3A_427 : i32 to vector<16xi32>
          %sub3A_429 = arith.subi %add3A_426, %sub3A_428 : vector<16xi32>
          tpu.vector_store_idx %arg4[%sub3A_429], %get3A_387 : memref<65552xi32, #tpu.memory_space<vmem>>[vector<16xi32>], vector<16xi32>,
          tpu.vector_store_idx %arg8[%and3A_420], %unique3A_424 masked %unique3A_423 {add = true} : memref<2048xi32, #tpu.memory_space<vmem>>[vector<16xi32>], vector<16xi32>, vector<16xi1>
          %shift_right_logical3A_430 = arith.constant 11 : i32
          %shift_right_logical3A_431 = vector.broadcast %shift_right_logical3A_430 : i32 to vector<16xi32>
          %shift_right_logical3A_432 = arith.shrui %get3A_393, %shift_right_logical3A_431 : vector<16xi32>
          %and3A_433 = arith.constant 2047 : i32
          %and3A_434 = vector.broadcast %and3A_433 : i32 to vector<16xi32>
          %and3A_435 = arith.andi %shift_right_logical3A_432, %and3A_434 : vector<16xi32>
          %broadcast_in_dim3A_436 = arith.constant true
          %broadcast_in_dim3A_437 = vector.broadcast %broadcast_in_dim3A_436 : i1 to vector<16xi1>
          %unique3A_438, %unique3A_439 = tpu.scan_count mask(%broadcast_in_dim3A_437 : vector<16xi1>) value(%and3A_435 : vector<16xi32>) : vector<16xi1>, vector<16xi32>
          %gather3A_440 = tpu.vector_load_idx %arg9[%and3A_435] : memref<2048xi32, #tpu.memory_space<vmem>>[vector<16xi32>], vector<16xi32>,
          %add3A_441 = arith.addi %gather3A_440, %unique3A_439 : vector<16xi32>
          %sub3A_442 = arith.constant 1 : i32
          %sub3A_443 = vector.broadcast %sub3A_442 : i32 to vector<16xi32>
          %sub3A_444 = arith.subi %add3A_441, %sub3A_443 : vector<16xi32>
          tpu.vector_store_idx %arg4[%sub3A_444], %get3A_393 : memref<65552xi32, #tpu.memory_space<vmem>>[vector<16xi32>], vector<16xi32>,
          tpu.vector_store_idx %arg9[%and3A_435], %unique3A_439 masked %unique3A_438 {add = true} : memref<2048xi32, #tpu.memory_space<vmem>>[vector<16xi32>], vector<16xi32>, vector<16xi1>
          %shift_right_logical3A_445 = arith.constant 11 : i32
          %shift_right_logical3A_446 = vector.broadcast %shift_right_logical3A_445 : i32 to vector<16xi32>
          %shift_right_logical3A_447 = arith.shrui %get3A_399, %shift_right_logical3A_446 : vector<16xi32>
          %and3A_448 = arith.constant 2047 : i32
          %and3A_449 = vector.broadcast %and3A_448 : i32 to vector<16xi32>
          %and3A_450 = arith.andi %shift_right_logical3A_447, %and3A_449 : vector<16xi32>
          %broadcast_in_dim3A_451 = arith.constant true
          %broadcast_in_dim3A_452 = vector.broadcast %broadcast_in_dim3A_451 : i1 to vector<16xi1>
          %unique3A_453, %unique3A_454 = tpu.scan_count mask(%broadcast_in_dim3A_452 : vector<16xi1>) value(%and3A_450 : vector<16xi32>) : vector<16xi1>, vector<16xi32>
          %gather3A_455 = tpu.vector_load_idx %arg10[%and3A_450] : memref<2048xi32, #tpu.memory_space<vmem>>[vector<16xi32>], vector<16xi32>,
          %add3A_456 = arith.addi %gather3A_455, %unique3A_454 : vector<16xi32>
          %sub3A_457 = arith.constant 1 : i32
          %sub3A_458 = vector.broadcast %sub3A_457 : i32 to vector<16xi32>
          %sub3A_459 = arith.subi %add3A_456, %sub3A_458 : vector<16xi32>
          tpu.vector_store_idx %arg4[%sub3A_459], %get3A_399 : memref<65552xi32, #tpu.memory_space<vmem>>[vector<16xi32>], vector<16xi32>,
          tpu.vector_store_idx %arg10[%and3A_450], %unique3A_454 masked %unique3A_453 {add = true} : memref<2048xi32, #tpu.memory_space<vmem>>[vector<16xi32>], vector<16xi32>, vector<16xi1>
          %scan3A_460 = arith.constant 0 : i32
          %scan3A_461 = arith.constant 4 : i32
          %scan3A_462 = arith.addi %scan3A_120, %scan3A_461 : i32
          %mul3A_463 = arith.constant 16 : i32
          %mul3A_464 = arith.muli %scan3A_462, %mul3A_463 : i32
          %add3A_465 = arith.constant 0 : i32
          %add3A_466 = arith.addi %add3A_465, %mul3A_464 : i32
          %get3A_467 = arith.index_cast %add3A_466 : i32 to index
          %get3A_468 = tpu.vector_load %arg5[%get3A_467] {strides = array<i32>} : memref<16384xi32, #tpu.memory_space<vmem>>, vector<16xi32>,
          %mul3A_469 = arith.constant 16 : i32
          %mul3A_470 = arith.muli %scan3A_462, %mul3A_469 : i32
          %add3A_471 = arith.constant 4096 : i32
          %add3A_472 = arith.addi %add3A_471, %mul3A_470 : i32
          %get3A_473 = arith.index_cast %add3A_472 : i32 to index
          %get3A_474 = tpu.vector_load %arg5[%get3A_473] {strides = array<i32>} : memref<16384xi32, #tpu.memory_space<vmem>>, vector<16xi32>,
          %mul3A_475 = arith.constant 16 : i32
          %mul3A_476 = arith.muli %scan3A_462, %mul3A_475 : i32
          %add3A_477 = arith.constant 8192 : i32
          %add3A_478 = arith.addi %add3A_477, %mul3A_476 : i32
          %get3A_479 = arith.index_cast %add3A_478 : i32 to index
          %get3A_480 = tpu.vector_load %arg5[%get3A_479] {strides = array<i32>} : memref<16384xi32, #tpu.memory_space<vmem>>, vector<16xi32>,
          %mul3A_481 = arith.constant 16 : i32
          %mul3A_482 = arith.muli %scan3A_462, %mul3A_481 : i32
          %add3A_483 = arith.constant 12288 : i32
          %add3A_484 = arith.addi %add3A_483, %mul3A_482 : i32
          %get3A_485 = arith.index_cast %add3A_484 : i32 to index
          %get3A_486 = tpu.vector_load %arg5[%get3A_485] {strides = array<i32>} : memref<16384xi32, #tpu.memory_space<vmem>>, vector<16xi32>,
          %shift_right_logical3A_487 = arith.constant 11 : i32
          %shift_right_logical3A_488 = vector.broadcast %shift_right_logical3A_487 : i32 to vector<16xi32>
          %shift_right_logical3A_489 = arith.shrui %get3A_468, %shift_right_logical3A_488 : vector<16xi32>
          %and3A_490 = arith.constant 2047 : i32
          %and3A_491 = vector.broadcast %and3A_490 : i32 to vector<16xi32>
          %and3A_492 = arith.andi %shift_right_logical3A_489, %and3A_491 : vector<16xi32>
          %broadcast_in_dim3A_493 = arith.constant true
          %broadcast_in_dim3A_494 = vector.broadcast %broadcast_in_dim3A_493 : i1 to vector<16xi1>
          %unique3A_495, %unique3A_496 = tpu.scan_count mask(%broadcast_in_dim3A_494 : vector<16xi1>) value(%and3A_492 : vector<16xi32>) : vector<16xi1>, vector<16xi32>
          %gather3A_497 = tpu.vector_load_idx %arg7[%and3A_492] : memref<2048xi32, #tpu.memory_space<vmem>>[vector<16xi32>], vector<16xi32>,
          %add3A_498 = arith.addi %gather3A_497, %unique3A_496 : vector<16xi32>
          %sub3A_499 = arith.constant 1 : i32
          %sub3A_500 = vector.broadcast %sub3A_499 : i32 to vector<16xi32>
          %sub3A_501 = arith.subi %add3A_498, %sub3A_500 : vector<16xi32>
          tpu.vector_store_idx %arg4[%sub3A_501], %get3A_468 : memref<65552xi32, #tpu.memory_space<vmem>>[vector<16xi32>], vector<16xi32>,
          tpu.vector_store_idx %arg7[%and3A_492], %unique3A_496 masked %unique3A_495 {add = true} : memref<2048xi32, #tpu.memory_space<vmem>>[vector<16xi32>], vector<16xi32>, vector<16xi1>
          %shift_right_logical3A_502 = arith.constant 11 : i32
          %shift_right_logical3A_503 = vector.broadcast %shift_right_logical3A_502 : i32 to vector<16xi32>
          %shift_right_logical3A_504 = arith.shrui %get3A_474, %shift_right_logical3A_503 : vector<16xi32>
          %and3A_505 = arith.constant 2047 : i32
          %and3A_506 = vector.broadcast %and3A_505 : i32 to vector<16xi32>
          %and3A_507 = arith.andi %shift_right_logical3A_504, %and3A_506 : vector<16xi32>
          %broadcast_in_dim3A_508 = arith.constant true
          %broadcast_in_dim3A_509 = vector.broadcast %broadcast_in_dim3A_508 : i1 to vector<16xi1>
          %unique3A_510, %unique3A_511 = tpu.scan_count mask(%broadcast_in_dim3A_509 : vector<16xi1>) value(%and3A_507 : vector<16xi32>) : vector<16xi1>, vector<16xi32>
          %gather3A_512 = tpu.vector_load_idx %arg8[%and3A_507] : memref<2048xi32, #tpu.memory_space<vmem>>[vector<16xi32>], vector<16xi32>,
          %add3A_513 = arith.addi %gather3A_512, %unique3A_511 : vector<16xi32>
          %sub3A_514 = arith.constant 1 : i32
          %sub3A_515 = vector.broadcast %sub3A_514 : i32 to vector<16xi32>
          %sub3A_516 = arith.subi %add3A_513, %sub3A_515 : vector<16xi32>
          tpu.vector_store_idx %arg4[%sub3A_516], %get3A_474 : memref<65552xi32, #tpu.memory_space<vmem>>[vector<16xi32>], vector<16xi32>,
          tpu.vector_store_idx %arg8[%and3A_507], %unique3A_511 masked %unique3A_510 {add = true} : memref<2048xi32, #tpu.memory_space<vmem>>[vector<16xi32>], vector<16xi32>, vector<16xi1>
          %shift_right_logical3A_517 = arith.constant 11 : i32
          %shift_right_logical3A_518 = vector.broadcast %shift_right_logical3A_517 : i32 to vector<16xi32>
          %shift_right_logical3A_519 = arith.shrui %get3A_480, %shift_right_logical3A_518 : vector<16xi32>
          %and3A_520 = arith.constant 2047 : i32
          %and3A_521 = vector.broadcast %and3A_520 : i32 to vector<16xi32>
          %and3A_522 = arith.andi %shift_right_logical3A_519, %and3A_521 : vector<16xi32>
          %broadcast_in_dim3A_523 = arith.constant true
          %broadcast_in_dim3A_524 = vector.broadcast %broadcast_in_dim3A_523 : i1 to vector<16xi1>
          %unique3A_525, %unique3A_526 = tpu.scan_count mask(%broadcast_in_dim3A_524 : vector<16xi1>) value(%and3A_522 : vector<16xi32>) : vector<16xi1>, vector<16xi32>
          %gather3A_527 = tpu.vector_load_idx %arg9[%and3A_522] : memref<2048xi32, #tpu.memory_space<vmem>>[vector<16xi32>], vector<16xi32>,
          %add3A_528 = arith.addi %gather3A_527, %unique3A_526 : vector<16xi32>
          %sub3A_529 = arith.constant 1 : i32
          %sub3A_530 = vector.broadcast %sub3A_529 : i32 to vector<16xi32>
          %sub3A_531 = arith.subi %add3A_528, %sub3A_530 : vector<16xi32>
          tpu.vector_store_idx %arg4[%sub3A_531], %get3A_480 : memref<65552xi32, #tpu.memory_space<vmem>>[vector<16xi32>], vector<16xi32>,
          tpu.vector_store_idx %arg9[%and3A_522], %unique3A_526 masked %unique3A_525 {add = true} : memref<2048xi32, #tpu.memory_space<vmem>>[vector<16xi32>], vector<16xi32>, vector<16xi1>
          %shift_right_logical3A_532 = arith.constant 11 : i32
          %shift_right_logical3A_533 = vector.broadcast %shift_right_logical3A_532 : i32 to vector<16xi32>
          %shift_right_logical3A_534 = arith.shrui %get3A_486, %shift_right_logical3A_533 : vector<16xi32>
          %and3A_535 = arith.constant 2047 : i32
          %and3A_536 = vector.broadcast %and3A_535 : i32 to vector<16xi32>
          %and3A_537 = arith.andi %shift_right_logical3A_534, %and3A_536 : vector<16xi32>
          %broadcast_in_dim3A_538 = arith.constant true
          %broadcast_in_dim3A_539 = vector.broadcast %broadcast_in_dim3A_538 : i1 to vector<16xi1>
          %unique3A_540, %unique3A_541 = tpu.scan_count mask(%broadcast_in_dim3A_539 : vector<16xi1>) value(%and3A_537 : vector<16xi32>) : vector<16xi1>, vector<16xi32>
          %gather3A_542 = tpu.vector_load_idx %arg10[%and3A_537] : memref<2048xi32, #tpu.memory_space<vmem>>[vector<16xi32>], vector<16xi32>,
          %add3A_543 = arith.addi %gather3A_542, %unique3A_541 : vector<16xi32>
          %sub3A_544 = arith.constant 1 : i32
          %sub3A_545 = vector.broadcast %sub3A_544 : i32 to vector<16xi32>
          %sub3A_546 = arith.subi %add3A_543, %sub3A_545 : vector<16xi32>
          tpu.vector_store_idx %arg4[%sub3A_546], %get3A_486 : memref<65552xi32, #tpu.memory_space<vmem>>[vector<16xi32>], vector<16xi32>,
          tpu.vector_store_idx %arg10[%and3A_537], %unique3A_541 masked %unique3A_540 {add = true} : memref<2048xi32, #tpu.memory_space<vmem>>[vector<16xi32>], vector<16xi32>, vector<16xi1>
          %scan3A_547 = arith.constant 0 : i32
          %scan3A_548 = arith.constant 5 : i32
          %scan3A_549 = arith.addi %scan3A_120, %scan3A_548 : i32
          %mul3A_550 = arith.constant 16 : i32
          %mul3A_551 = arith.muli %scan3A_549, %mul3A_550 : i32
          %add3A_552 = arith.constant 0 : i32
          %add3A_553 = arith.addi %add3A_552, %mul3A_551 : i32
          %get3A_554 = arith.index_cast %add3A_553 : i32 to index
          %get3A_555 = tpu.vector_load %arg5[%get3A_554] {strides = array<i32>} : memref<16384xi32, #tpu.memory_space<vmem>>, vector<16xi32>,
          %mul3A_556 = arith.constant 16 : i32
          %mul3A_557 = arith.muli %scan3A_549, %mul3A_556 : i32
          %add3A_558 = arith.constant 4096 : i32
          %add3A_559 = arith.addi %add3A_558, %mul3A_557 : i32
          %get3A_560 = arith.index_cast %add3A_559 : i32 to index
          %get3A_561 = tpu.vector_load %arg5[%get3A_560] {strides = array<i32>} : memref<16384xi32, #tpu.memory_space<vmem>>, vector<16xi32>,
          %mul3A_562 = arith.constant 16 : i32
          %mul3A_563 = arith.muli %scan3A_549, %mul3A_562 : i32
          %add3A_564 = arith.constant 8192 : i32
          %add3A_565 = arith.addi %add3A_564, %mul3A_563 : i32
          %get3A_566 = arith.index_cast %add3A_565 : i32 to index
          %get3A_567 = tpu.vector_load %arg5[%get3A_566] {strides = array<i32>} : memref<16384xi32, #tpu.memory_space<vmem>>, vector<16xi32>,
          %mul3A_568 = arith.constant 16 : i32
          %mul3A_569 = arith.muli %scan3A_549, %mul3A_568 : i32
          %add3A_570 = arith.constant 12288 : i32
          %add3A_571 = arith.addi %add3A_570, %mul3A_569 : i32
          %get3A_572 = arith.index_cast %add3A_571 : i32 to index
          %get3A_573 = tpu.vector_load %arg5[%get3A_572] {strides = array<i32>} : memref<16384xi32, #tpu.memory_space<vmem>>, vector<16xi32>,
          %shift_right_logical3A_574 = arith.constant 11 : i32
          %shift_right_logical3A_575 = vector.broadcast %shift_right_logical3A_574 : i32 to vector<16xi32>
          %shift_right_logical3A_576 = arith.shrui %get3A_555, %shift_right_logical3A_575 : vector<16xi32>
          %and3A_577 = arith.constant 2047 : i32
          %and3A_578 = vector.broadcast %and3A_577 : i32 to vector<16xi32>
          %and3A_579 = arith.andi %shift_right_logical3A_576, %and3A_578 : vector<16xi32>
          %broadcast_in_dim3A_580 = arith.constant true
          %broadcast_in_dim3A_581 = vector.broadcast %broadcast_in_dim3A_580 : i1 to vector<16xi1>
          %unique3A_582, %unique3A_583 = tpu.scan_count mask(%broadcast_in_dim3A_581 : vector<16xi1>) value(%and3A_579 : vector<16xi32>) : vector<16xi1>, vector<16xi32>
          %gather3A_584 = tpu.vector_load_idx %arg7[%and3A_579] : memref<2048xi32, #tpu.memory_space<vmem>>[vector<16xi32>], vector<16xi32>,
          %add3A_585 = arith.addi %gather3A_584, %unique3A_583 : vector<16xi32>
          %sub3A_586 = arith.constant 1 : i32
          %sub3A_587 = vector.broadcast %sub3A_586 : i32 to vector<16xi32>
          %sub3A_588 = arith.subi %add3A_585, %sub3A_587 : vector<16xi32>
          tpu.vector_store_idx %arg4[%sub3A_588], %get3A_555 : memref<65552xi32, #tpu.memory_space<vmem>>[vector<16xi32>], vector<16xi32>,
          tpu.vector_store_idx %arg7[%and3A_579], %unique3A_583 masked %unique3A_582 {add = true} : memref<2048xi32, #tpu.memory_space<vmem>>[vector<16xi32>], vector<16xi32>, vector<16xi1>
          %shift_right_logical3A_589 = arith.constant 11 : i32
          %shift_right_logical3A_590 = vector.broadcast %shift_right_logical3A_589 : i32 to vector<16xi32>
          %shift_right_logical3A_591 = arith.shrui %get3A_561, %shift_right_logical3A_590 : vector<16xi32>
          %and3A_592 = arith.constant 2047 : i32
          %and3A_593 = vector.broadcast %and3A_592 : i32 to vector<16xi32>
          %and3A_594 = arith.andi %shift_right_logical3A_591, %and3A_593 : vector<16xi32>
          %broadcast_in_dim3A_595 = arith.constant true
          %broadcast_in_dim3A_596 = vector.broadcast %broadcast_in_dim3A_595 : i1 to vector<16xi1>
          %unique3A_597, %unique3A_598 = tpu.scan_count mask(%broadcast_in_dim3A_596 : vector<16xi1>) value(%and3A_594 : vector<16xi32>) : vector<16xi1>, vector<16xi32>
          %gather3A_599 = tpu.vector_load_idx %arg8[%and3A_594] : memref<2048xi32, #tpu.memory_space<vmem>>[vector<16xi32>], vector<16xi32>,
          %add3A_600 = arith.addi %gather3A_599, %unique3A_598 : vector<16xi32>
          %sub3A_601 = arith.constant 1 : i32
          %sub3A_602 = vector.broadcast %sub3A_601 : i32 to vector<16xi32>
          %sub3A_603 = arith.subi %add3A_600, %sub3A_602 : vector<16xi32>
          tpu.vector_store_idx %arg4[%sub3A_603], %get3A_561 : memref<65552xi32, #tpu.memory_space<vmem>>[vector<16xi32>], vector<16xi32>,
          tpu.vector_store_idx %arg8[%and3A_594], %unique3A_598 masked %unique3A_597 {add = true} : memref<2048xi32, #tpu.memory_space<vmem>>[vector<16xi32>], vector<16xi32>, vector<16xi1>
          %shift_right_logical3A_604 = arith.constant 11 : i32
          %shift_right_logical3A_605 = vector.broadcast %shift_right_logical3A_604 : i32 to vector<16xi32>
          %shift_right_logical3A_606 = arith.shrui %get3A_567, %shift_right_logical3A_605 : vector<16xi32>
          %and3A_607 = arith.constant 2047 : i32
          %and3A_608 = vector.broadcast %and3A_607 : i32 to vector<16xi32>
          %and3A_609 = arith.andi %shift_right_logical3A_606, %and3A_608 : vector<16xi32>
          %broadcast_in_dim3A_610 = arith.constant true
          %broadcast_in_dim3A_611 = vector.broadcast %broadcast_in_dim3A_610 : i1 to vector<16xi1>
          %unique3A_612, %unique3A_613 = tpu.scan_count mask(%broadcast_in_dim3A_611 : vector<16xi1>) value(%and3A_609 : vector<16xi32>) : vector<16xi1>, vector<16xi32>
          %gather3A_614 = tpu.vector_load_idx %arg9[%and3A_609] : memref<2048xi32, #tpu.memory_space<vmem>>[vector<16xi32>], vector<16xi32>,
          %add3A_615 = arith.addi %gather3A_614, %unique3A_613 : vector<16xi32>
          %sub3A_616 = arith.constant 1 : i32
          %sub3A_617 = vector.broadcast %sub3A_616 : i32 to vector<16xi32>
          %sub3A_618 = arith.subi %add3A_615, %sub3A_617 : vector<16xi32>
          tpu.vector_store_idx %arg4[%sub3A_618], %get3A_567 : memref<65552xi32, #tpu.memory_space<vmem>>[vector<16xi32>], vector<16xi32>,
          tpu.vector_store_idx %arg9[%and3A_609], %unique3A_613 masked %unique3A_612 {add = true} : memref<2048xi32, #tpu.memory_space<vmem>>[vector<16xi32>], vector<16xi32>, vector<16xi1>
          %shift_right_logical3A_619 = arith.constant 11 : i32
          %shift_right_logical3A_620 = vector.broadcast %shift_right_logical3A_619 : i32 to vector<16xi32>
          %shift_right_logical3A_621 = arith.shrui %get3A_573, %shift_right_logical3A_620 : vector<16xi32>
          %and3A_622 = arith.constant 2047 : i32
          %and3A_623 = vector.broadcast %and3A_622 : i32 to vector<16xi32>
          %and3A_624 = arith.andi %shift_right_logical3A_621, %and3A_623 : vector<16xi32>
          %broadcast_in_dim3A_625 = arith.constant true
          %broadcast_in_dim3A_626 = vector.broadcast %broadcast_in_dim3A_625 : i1 to vector<16xi1>
          %unique3A_627, %unique3A_628 = tpu.scan_count mask(%broadcast_in_dim3A_626 : vector<16xi1>) value(%and3A_624 : vector<16xi32>) : vector<16xi1>, vector<16xi32>
          %gather3A_629 = tpu.vector_load_idx %arg10[%and3A_624] : memref<2048xi32, #tpu.memory_space<vmem>>[vector<16xi32>], vector<16xi32>,
          %add3A_630 = arith.addi %gather3A_629, %unique3A_628 : vector<16xi32>
          %sub3A_631 = arith.constant 1 : i32
          %sub3A_632 = vector.broadcast %sub3A_631 : i32 to vector<16xi32>
          %sub3A_633 = arith.subi %add3A_630, %sub3A_632 : vector<16xi32>
          tpu.vector_store_idx %arg4[%sub3A_633], %get3A_573 : memref<65552xi32, #tpu.memory_space<vmem>>[vector<16xi32>], vector<16xi32>,
          tpu.vector_store_idx %arg10[%and3A_624], %unique3A_628 masked %unique3A_627 {add = true} : memref<2048xi32, #tpu.memory_space<vmem>>[vector<16xi32>], vector<16xi32>, vector<16xi1>
          %scan3A_634 = arith.constant 0 : i32
          %scan3A_635 = arith.constant 6 : i32
          %scan3A_636 = arith.addi %scan3A_120, %scan3A_635 : i32
          %mul3A_637 = arith.constant 16 : i32
          %mul3A_638 = arith.muli %scan3A_636, %mul3A_637 : i32
          %add3A_639 = arith.constant 0 : i32
          %add3A_640 = arith.addi %add3A_639, %mul3A_638 : i32
          %get3A_641 = arith.index_cast %add3A_640 : i32 to index
          %get3A_642 = tpu.vector_load %arg5[%get3A_641] {strides = array<i32>} : memref<16384xi32, #tpu.memory_space<vmem>>, vector<16xi32>,
          %mul3A_643 = arith.constant 16 : i32
          %mul3A_644 = arith.muli %scan3A_636, %mul3A_643 : i32
          %add3A_645 = arith.constant 4096 : i32
          %add3A_646 = arith.addi %add3A_645, %mul3A_644 : i32
          %get3A_647 = arith.index_cast %add3A_646 : i32 to index
          %get3A_648 = tpu.vector_load %arg5[%get3A_647] {strides = array<i32>} : memref<16384xi32, #tpu.memory_space<vmem>>, vector<16xi32>,
          %mul3A_649 = arith.constant 16 : i32
          %mul3A_650 = arith.muli %scan3A_636, %mul3A_649 : i32
          %add3A_651 = arith.constant 8192 : i32
          %add3A_652 = arith.addi %add3A_651, %mul3A_650 : i32
          %get3A_653 = arith.index_cast %add3A_652 : i32 to index
          %get3A_654 = tpu.vector_load %arg5[%get3A_653] {strides = array<i32>} : memref<16384xi32, #tpu.memory_space<vmem>>, vector<16xi32>,
          %mul3A_655 = arith.constant 16 : i32
          %mul3A_656 = arith.muli %scan3A_636, %mul3A_655 : i32
          %add3A_657 = arith.constant 12288 : i32
          %add3A_658 = arith.addi %add3A_657, %mul3A_656 : i32
          %get3A_659 = arith.index_cast %add3A_658 : i32 to index
          %get3A_660 = tpu.vector_load %arg5[%get3A_659] {strides = array<i32>} : memref<16384xi32, #tpu.memory_space<vmem>>, vector<16xi32>,
          %shift_right_logical3A_661 = arith.constant 11 : i32
          %shift_right_logical3A_662 = vector.broadcast %shift_right_logical3A_661 : i32 to vector<16xi32>
          %shift_right_logical3A_663 = arith.shrui %get3A_642, %shift_right_logical3A_662 : vector<16xi32>
          %and3A_664 = arith.constant 2047 : i32
          %and3A_665 = vector.broadcast %and3A_664 : i32 to vector<16xi32>
          %and3A_666 = arith.andi %shift_right_logical3A_663, %and3A_665 : vector<16xi32>
          %broadcast_in_dim3A_667 = arith.constant true
          %broadcast_in_dim3A_668 = vector.broadcast %broadcast_in_dim3A_667 : i1 to vector<16xi1>
          %unique3A_669, %unique3A_670 = tpu.scan_count mask(%broadcast_in_dim3A_668 : vector<16xi1>) value(%and3A_666 : vector<16xi32>) : vector<16xi1>, vector<16xi32>
          %gather3A_671 = tpu.vector_load_idx %arg7[%and3A_666] : memref<2048xi32, #tpu.memory_space<vmem>>[vector<16xi32>], vector<16xi32>,
          %add3A_672 = arith.addi %gather3A_671, %unique3A_670 : vector<16xi32>
          %sub3A_673 = arith.constant 1 : i32
          %sub3A_674 = vector.broadcast %sub3A_673 : i32 to vector<16xi32>
          %sub3A_675 = arith.subi %add3A_672, %sub3A_674 : vector<16xi32>
          tpu.vector_store_idx %arg4[%sub3A_675], %get3A_642 : memref<65552xi32, #tpu.memory_space<vmem>>[vector<16xi32>], vector<16xi32>,
          tpu.vector_store_idx %arg7[%and3A_666], %unique3A_670 masked %unique3A_669 {add = true} : memref<2048xi32, #tpu.memory_space<vmem>>[vector<16xi32>], vector<16xi32>, vector<16xi1>
          %shift_right_logical3A_676 = arith.constant 11 : i32
          %shift_right_logical3A_677 = vector.broadcast %shift_right_logical3A_676 : i32 to vector<16xi32>
          %shift_right_logical3A_678 = arith.shrui %get3A_648, %shift_right_logical3A_677 : vector<16xi32>
          %and3A_679 = arith.constant 2047 : i32
          %and3A_680 = vector.broadcast %and3A_679 : i32 to vector<16xi32>
          %and3A_681 = arith.andi %shift_right_logical3A_678, %and3A_680 : vector<16xi32>
          %broadcast_in_dim3A_682 = arith.constant true
          %broadcast_in_dim3A_683 = vector.broadcast %broadcast_in_dim3A_682 : i1 to vector<16xi1>
          %unique3A_684, %unique3A_685 = tpu.scan_count mask(%broadcast_in_dim3A_683 : vector<16xi1>) value(%and3A_681 : vector<16xi32>) : vector<16xi1>, vector<16xi32>
          %gather3A_686 = tpu.vector_load_idx %arg8[%and3A_681] : memref<2048xi32, #tpu.memory_space<vmem>>[vector<16xi32>], vector<16xi32>,
          %add3A_687 = arith.addi %gather3A_686, %unique3A_685 : vector<16xi32>
          %sub3A_688 = arith.constant 1 : i32
          %sub3A_689 = vector.broadcast %sub3A_688 : i32 to vector<16xi32>
          %sub3A_690 = arith.subi %add3A_687, %sub3A_689 : vector<16xi32>
          tpu.vector_store_idx %arg4[%sub3A_690], %get3A_648 : memref<65552xi32, #tpu.memory_space<vmem>>[vector<16xi32>], vector<16xi32>,
          tpu.vector_store_idx %arg8[%and3A_681], %unique3A_685 masked %unique3A_684 {add = true} : memref<2048xi32, #tpu.memory_space<vmem>>[vector<16xi32>], vector<16xi32>, vector<16xi1>
          %shift_right_logical3A_691 = arith.constant 11 : i32
          %shift_right_logical3A_692 = vector.broadcast %shift_right_logical3A_691 : i32 to vector<16xi32>
          %shift_right_logical3A_693 = arith.shrui %get3A_654, %shift_right_logical3A_692 : vector<16xi32>
          %and3A_694 = arith.constant 2047 : i32
          %and3A_695 = vector.broadcast %and3A_694 : i32 to vector<16xi32>
          %and3A_696 = arith.andi %shift_right_logical3A_693, %and3A_695 : vector<16xi32>
          %broadcast_in_dim3A_697 = arith.constant true
          %broadcast_in_dim3A_698 = vector.broadcast %broadcast_in_dim3A_697 : i1 to vector<16xi1>
          %unique3A_699, %unique3A_700 = tpu.scan_count mask(%broadcast_in_dim3A_698 : vector<16xi1>) value(%and3A_696 : vector<16xi32>) : vector<16xi1>, vector<16xi32>
          %gather3A_701 = tpu.vector_load_idx %arg9[%and3A_696] : memref<2048xi32, #tpu.memory_space<vmem>>[vector<16xi32>], vector<16xi32>,
          %add3A_702 = arith.addi %gather3A_701, %unique3A_700 : vector<16xi32>
          %sub3A_703 = arith.constant 1 : i32
          %sub3A_704 = vector.broadcast %sub3A_703 : i32 to vector<16xi32>
          %sub3A_705 = arith.subi %add3A_702, %sub3A_704 : vector<16xi32>
          tpu.vector_store_idx %arg4[%sub3A_705], %get3A_654 : memref<65552xi32, #tpu.memory_space<vmem>>[vector<16xi32>], vector<16xi32>,
          tpu.vector_store_idx %arg9[%and3A_696], %unique3A_700 masked %unique3A_699 {add = true} : memref<2048xi32, #tpu.memory_space<vmem>>[vector<16xi32>], vector<16xi32>, vector<16xi1>
          %shift_right_logical3A_706 = arith.constant 11 : i32
          %shift_right_logical3A_707 = vector.broadcast %shift_right_logical3A_706 : i32 to vector<16xi32>
          %shift_right_logical3A_708 = arith.shrui %get3A_660, %shift_right_logical3A_707 : vector<16xi32>
          %and3A_709 = arith.constant 2047 : i32
          %and3A_710 = vector.broadcast %and3A_709 : i32 to vector<16xi32>
          %and3A_711 = arith.andi %shift_right_logical3A_708, %and3A_710 : vector<16xi32>
          %broadcast_in_dim3A_712 = arith.constant true
          %broadcast_in_dim3A_713 = vector.broadcast %broadcast_in_dim3A_712 : i1 to vector<16xi1>
          %unique3A_714, %unique3A_715 = tpu.scan_count mask(%broadcast_in_dim3A_713 : vector<16xi1>) value(%and3A_711 : vector<16xi32>) : vector<16xi1>, vector<16xi32>
          %gather3A_716 = tpu.vector_load_idx %arg10[%and3A_711] : memref<2048xi32, #tpu.memory_space<vmem>>[vector<16xi32>], vector<16xi32>,
          %add3A_717 = arith.addi %gather3A_716, %unique3A_715 : vector<16xi32>
          %sub3A_718 = arith.constant 1 : i32
          %sub3A_719 = vector.broadcast %sub3A_718 : i32 to vector<16xi32>
          %sub3A_720 = arith.subi %add3A_717, %sub3A_719 : vector<16xi32>
          tpu.vector_store_idx %arg4[%sub3A_720], %get3A_660 : memref<65552xi32, #tpu.memory_space<vmem>>[vector<16xi32>], vector<16xi32>,
          tpu.vector_store_idx %arg10[%and3A_711], %unique3A_715 masked %unique3A_714 {add = true} : memref<2048xi32, #tpu.memory_space<vmem>>[vector<16xi32>], vector<16xi32>, vector<16xi1>
          %scan3A_721 = arith.constant 0 : i32
          %scan3A_722 = arith.constant 7 : i32
          %scan3A_723 = arith.addi %scan3A_120, %scan3A_722 : i32
          %mul3A_724 = arith.constant 16 : i32
          %mul3A_725 = arith.muli %scan3A_723, %mul3A_724 : i32
          %add3A_726 = arith.constant 0 : i32
          %add3A_727 = arith.addi %add3A_726, %mul3A_725 : i32
          %get3A_728 = arith.index_cast %add3A_727 : i32 to index
          %get3A_729 = tpu.vector_load %arg5[%get3A_728] {strides = array<i32>} : memref<16384xi32, #tpu.memory_space<vmem>>, vector<16xi32>,
          %mul3A_730 = arith.constant 16 : i32
          %mul3A_731 = arith.muli %scan3A_723, %mul3A_730 : i32
          %add3A_732 = arith.constant 4096 : i32
          %add3A_733 = arith.addi %add3A_732, %mul3A_731 : i32
          %get3A_734 = arith.index_cast %add3A_733 : i32 to index
          %get3A_735 = tpu.vector_load %arg5[%get3A_734] {strides = array<i32>} : memref<16384xi32, #tpu.memory_space<vmem>>, vector<16xi32>,
          %mul3A_736 = arith.constant 16 : i32
          %mul3A_737 = arith.muli %scan3A_723, %mul3A_736 : i32
          %add3A_738 = arith.constant 8192 : i32
          %add3A_739 = arith.addi %add3A_738, %mul3A_737 : i32
          %get3A_740 = arith.index_cast %add3A_739 : i32 to index
          %get3A_741 = tpu.vector_load %arg5[%get3A_740] {strides = array<i32>} : memref<16384xi32, #tpu.memory_space<vmem>>, vector<16xi32>,
          %mul3A_742 = arith.constant 16 : i32
          %mul3A_743 = arith.muli %scan3A_723, %mul3A_742 : i32
          %add3A_744 = arith.constant 12288 : i32
          %add3A_745 = arith.addi %add3A_744, %mul3A_743 : i32
          %get3A_746 = arith.index_cast %add3A_745 : i32 to index
          %get3A_747 = tpu.vector_load %arg5[%get3A_746] {strides = array<i32>} : memref<16384xi32, #tpu.memory_space<vmem>>, vector<16xi32>,
          %shift_right_logical3A_748 = arith.constant 11 : i32
          %shift_right_logical3A_749 = vector.broadcast %shift_right_logical3A_748 : i32 to vector<16xi32>
          %shift_right_logical3A_750 = arith.shrui %get3A_729, %shift_right_logical3A_749 : vector<16xi32>
          %and3A_751 = arith.constant 2047 : i32
          %and3A_752 = vector.broadcast %and3A_751 : i32 to vector<16xi32>
          %and3A_753 = arith.andi %shift_right_logical3A_750, %and3A_752 : vector<16xi32>
          %broadcast_in_dim3A_754 = arith.constant true
          %broadcast_in_dim3A_755 = vector.broadcast %broadcast_in_dim3A_754 : i1 to vector<16xi1>
          %unique3A_756, %unique3A_757 = tpu.scan_count mask(%broadcast_in_dim3A_755 : vector<16xi1>) value(%and3A_753 : vector<16xi32>) : vector<16xi1>, vector<16xi32>
          %gather3A_758 = tpu.vector_load_idx %arg7[%and3A_753] : memref<2048xi32, #tpu.memory_space<vmem>>[vector<16xi32>], vector<16xi32>,
          %add3A_759 = arith.addi %gather3A_758, %unique3A_757 : vector<16xi32>
          %sub3A_760 = arith.constant 1 : i32
          %sub3A_761 = vector.broadcast %sub3A_760 : i32 to vector<16xi32>
          %sub3A_762 = arith.subi %add3A_759, %sub3A_761 : vector<16xi32>
          tpu.vector_store_idx %arg4[%sub3A_762], %get3A_729 : memref<65552xi32, #tpu.memory_space<vmem>>[vector<16xi32>], vector<16xi32>,
          tpu.vector_store_idx %arg7[%and3A_753], %unique3A_757 masked %unique3A_756 {add = true} : memref<2048xi32, #tpu.memory_space<vmem>>[vector<16xi32>], vector<16xi32>, vector<16xi1>
          %shift_right_logical3A_763 = arith.constant 11 : i32
          %shift_right_logical3A_764 = vector.broadcast %shift_right_logical3A_763 : i32 to vector<16xi32>
          %shift_right_logical3A_765 = arith.shrui %get3A_735, %shift_right_logical3A_764 : vector<16xi32>
          %and3A_766 = arith.constant 2047 : i32
          %and3A_767 = vector.broadcast %and3A_766 : i32 to vector<16xi32>
          %and3A_768 = arith.andi %shift_right_logical3A_765, %and3A_767 : vector<16xi32>
          %broadcast_in_dim3A_769 = arith.constant true
          %broadcast_in_dim3A_770 = vector.broadcast %broadcast_in_dim3A_769 : i1 to vector<16xi1>
          %unique3A_771, %unique3A_772 = tpu.scan_count mask(%broadcast_in_dim3A_770 : vector<16xi1>) value(%and3A_768 : vector<16xi32>) : vector<16xi1>, vector<16xi32>
          %gather3A_773 = tpu.vector_load_idx %arg8[%and3A_768] : memref<2048xi32, #tpu.memory_space<vmem>>[vector<16xi32>], vector<16xi32>,
          %add3A_774 = arith.addi %gather3A_773, %unique3A_772 : vector<16xi32>
          %sub3A_775 = arith.constant 1 : i32
          %sub3A_776 = vector.broadcast %sub3A_775 : i32 to vector<16xi32>
          %sub3A_777 = arith.subi %add3A_774, %sub3A_776 : vector<16xi32>
          tpu.vector_store_idx %arg4[%sub3A_777], %get3A_735 : memref<65552xi32, #tpu.memory_space<vmem>>[vector<16xi32>], vector<16xi32>,
          tpu.vector_store_idx %arg8[%and3A_768], %unique3A_772 masked %unique3A_771 {add = true} : memref<2048xi32, #tpu.memory_space<vmem>>[vector<16xi32>], vector<16xi32>, vector<16xi1>
          %shift_right_logical3A_778 = arith.constant 11 : i32
          %shift_right_logical3A_779 = vector.broadcast %shift_right_logical3A_778 : i32 to vector<16xi32>
          %shift_right_logical3A_780 = arith.shrui %get3A_741, %shift_right_logical3A_779 : vector<16xi32>
          %and3A_781 = arith.constant 2047 : i32
          %and3A_782 = vector.broadcast %and3A_781 : i32 to vector<16xi32>
          %and3A_783 = arith.andi %shift_right_logical3A_780, %and3A_782 : vector<16xi32>
          %broadcast_in_dim3A_784 = arith.constant true
          %broadcast_in_dim3A_785 = vector.broadcast %broadcast_in_dim3A_784 : i1 to vector<16xi1>
          %unique3A_786, %unique3A_787 = tpu.scan_count mask(%broadcast_in_dim3A_785 : vector<16xi1>) value(%and3A_783 : vector<16xi32>) : vector<16xi1>, vector<16xi32>
          %gather3A_788 = tpu.vector_load_idx %arg9[%and3A_783] : memref<2048xi32, #tpu.memory_space<vmem>>[vector<16xi32>], vector<16xi32>,
          %add3A_789 = arith.addi %gather3A_788, %unique3A_787 : vector<16xi32>
          %sub3A_790 = arith.constant 1 : i32
          %sub3A_791 = vector.broadcast %sub3A_790 : i32 to vector<16xi32>
          %sub3A_792 = arith.subi %add3A_789, %sub3A_791 : vector<16xi32>
          tpu.vector_store_idx %arg4[%sub3A_792], %get3A_741 : memref<65552xi32, #tpu.memory_space<vmem>>[vector<16xi32>], vector<16xi32>,
          tpu.vector_store_idx %arg9[%and3A_783], %unique3A_787 masked %unique3A_786 {add = true} : memref<2048xi32, #tpu.memory_space<vmem>>[vector<16xi32>], vector<16xi32>, vector<16xi1>
          %shift_right_logical3A_793 = arith.constant 11 : i32
          %shift_right_logical3A_794 = vector.broadcast %shift_right_logical3A_793 : i32 to vector<16xi32>
          %shift_right_logical3A_795 = arith.shrui %get3A_747, %shift_right_logical3A_794 : vector<16xi32>
          %and3A_796 = arith.constant 2047 : i32
          %and3A_797 = vector.broadcast %and3A_796 : i32 to vector<16xi32>
          %and3A_798 = arith.andi %shift_right_logical3A_795, %and3A_797 : vector<16xi32>
          %broadcast_in_dim3A_799 = arith.constant true
          %broadcast_in_dim3A_800 = vector.broadcast %broadcast_in_dim3A_799 : i1 to vector<16xi1>
          %unique3A_801, %unique3A_802 = tpu.scan_count mask(%broadcast_in_dim3A_800 : vector<16xi1>) value(%and3A_798 : vector<16xi32>) : vector<16xi1>, vector<16xi32>
          %gather3A_803 = tpu.vector_load_idx %arg10[%and3A_798] : memref<2048xi32, #tpu.memory_space<vmem>>[vector<16xi32>], vector<16xi32>,
          %add3A_804 = arith.addi %gather3A_803, %unique3A_802 : vector<16xi32>
          %sub3A_805 = arith.constant 1 : i32
          %sub3A_806 = vector.broadcast %sub3A_805 : i32 to vector<16xi32>
          %sub3A_807 = arith.subi %add3A_804, %sub3A_806 : vector<16xi32>
          tpu.vector_store_idx %arg4[%sub3A_807], %get3A_747 : memref<65552xi32, #tpu.memory_space<vmem>>[vector<16xi32>], vector<16xi32>,
          tpu.vector_store_idx %arg10[%and3A_798], %unique3A_802 masked %unique3A_801 {add = true} : memref<2048xi32, #tpu.memory_space<vmem>>[vector<16xi32>], vector<16xi32>, vector<16xi1>
          %scan3A_808 = arith.constant 0 : i32
          scf.yield %scan3A_808 : i32
        }
        %scan3A_118 = arith.constant 256 : i32
        %scan3A_119 = arith.constant 0 : i32
        scf.yield %scan3A_119 : i32
      }
      %scan3A_64 = arith.constant 4 : i32
      %scan3A_65 = arith.constant 0 : i32
      %scan3A_66 = arith.constant 0 : i32
      %scan3A_67 = arith.constant 512 : i32
      %scan3A_68 = arith.addi %scan3A_66, %scan3A_67 : i32
      %scan3A_69 = arith.constant 8 : i32
      %scan3A_70 = scf.for %scan3A_90 = %scan3A_66 to %scan3A_68 step %scan3A_69 iter_args(%scan3A_91 = %scan3A_65) -> (i32)  : i32 {
        %broadcast_in_dim3A = arith.constant 0 : i32
        %broadcast_in_dim3A_92 = vector.broadcast %broadcast_in_dim3A : i32 to vector<16xi32>
        %mul3A_93 = arith.constant 16 : i32
        %mul3A_94 = arith.muli %scan3A_90, %mul3A_93 : i32
        %swap3A = arith.index_cast %mul3A_94 : i32 to index
        %swap3A_95 = tpu.vector_load %arg6[%swap3A] {strides = array<i32>} : memref<8192xi32, #tpu.memory_space<vmem>>, vector<16xi32>,
        tpu.vector_store %arg6[%swap3A], %broadcast_in_dim3A_92 {strides = array<i32>} : memref<8192xi32, #tpu.memory_space<vmem>>, vector<16xi32>,
        %scan3A_96 = arith.constant 0 : i32
        %scan3A_97 = arith.constant 1 : i32
        %scan3A_98 = arith.addi %scan3A_90, %scan3A_97 : i32
        %broadcast_in_dim3A_99 = arith.constant 0 : i32
        %broadcast_in_dim3A_100 = vector.broadcast %broadcast_in_dim3A_99 : i32 to vector<16xi32>
        %mul3A_101 = arith.constant 16 : i32
        %mul3A_102 = arith.muli %scan3A_98, %mul3A_101 : i32
        %swap3A_103 = arith.index_cast %mul3A_102 : i32 to index
        %swap3A_104 = tpu.vector_load %arg6[%swap3A_103] {strides = array<i32>} : memref<8192xi32, #tpu.memory_space<vmem>>, vector<16xi32>,
        tpu.vector_store %arg6[%swap3A_103], %broadcast_in_dim3A_100 {strides = array<i32>} : memref<8192xi32, #tpu.memory_space<vmem>>, vector<16xi32>,
        %scan3A_105 = arith.constant 0 : i32
        %scan3A_106 = arith.constant 2 : i32
        %scan3A_107 = arith.addi %scan3A_90, %scan3A_106 : i32
        %broadcast_in_dim3A_108 = arith.constant 0 : i32
        %broadcast_in_dim3A_109 = vector.broadcast %broadcast_in_dim3A_108 : i32 to vector<16xi32>
        %mul3A_110 = arith.constant 16 : i32
        %mul3A_111 = arith.muli %scan3A_107, %mul3A_110 : i32
        %swap3A_112 = arith.index_cast %mul3A_111 : i32 to index
        %swap3A_113 = tpu.vector_load %arg6[%swap3A_112] {strides = array<i32>} : memref<8192xi32, #tpu.memory_space<vmem>>, vector<16xi32>,
        tpu.vector_store %arg6[%swap3A_112], %broadcast_in_dim3A_109 {strides = array<i32>} : memref<8192xi32, #tpu.memory_space<vmem>>, vector<16xi32>,
        %scan3A_114 = arith.constant 0 : i32
        %scan3A_115 = arith.constant 3 : i32
        %scan3A_116 = arith.addi %scan3A_90, %scan3A_115 : i32
        %broadcast_in_dim3A_117 = arith.constant 0 : i32
        %broadcast_in_dim3A_118 = vector.broadcast %broadcast_in_dim3A_117 : i32 to vector<16xi32>
        %mul3A_119 = arith.constant 16 : i32
        %mul3A_120 = arith.muli %scan3A_116, %mul3A_119 : i32
        %swap3A_121 = arith.index_cast %mul3A_120 : i32 to index
        %swap3A_122 = tpu.vector_load %arg6[%swap3A_121] {strides = array<i32>} : memref<8192xi32, #tpu.memory_space<vmem>>, vector<16xi32>,
        tpu.vector_store %arg6[%swap3A_121], %broadcast_in_dim3A_118 {strides = array<i32>} : memref<8192xi32, #tpu.memory_space<vmem>>, vector<16xi32>,
        %scan3A_123 = arith.constant 0 : i32
        %scan3A_124 = arith.constant 4 : i32
        %scan3A_125 = arith.addi %scan3A_90, %scan3A_124 : i32
        %broadcast_in_dim3A_126 = arith.constant 0 : i32
        %broadcast_in_dim3A_127 = vector.broadcast %broadcast_in_dim3A_126 : i32 to vector<16xi32>
        %mul3A_128 = arith.constant 16 : i32
        %mul3A_129 = arith.muli %scan3A_125, %mul3A_128 : i32
        %swap3A_130 = arith.index_cast %mul3A_129 : i32 to index
        %swap3A_131 = tpu.vector_load %arg6[%swap3A_130] {strides = array<i32>} : memref<8192xi32, #tpu.memory_space<vmem>>, vector<16xi32>,
        tpu.vector_store %arg6[%swap3A_130], %broadcast_in_dim3A_127 {strides = array<i32>} : memref<8192xi32, #tpu.memory_space<vmem>>, vector<16xi32>,
        %scan3A_132 = arith.constant 0 : i32
        %scan3A_133 = arith.constant 5 : i32
        %scan3A_134 = arith.addi %scan3A_90, %scan3A_133 : i32
        %broadcast_in_dim3A_135 = arith.constant 0 : i32
        %broadcast_in_dim3A_136 = vector.broadcast %broadcast_in_dim3A_135 : i32 to vector<16xi32>
        %mul3A_137 = arith.constant 16 : i32
        %mul3A_138 = arith.muli %scan3A_134, %mul3A_137 : i32
        %swap3A_139 = arith.index_cast %mul3A_138 : i32 to index
        %swap3A_140 = tpu.vector_load %arg6[%swap3A_139] {strides = array<i32>} : memref<8192xi32, #tpu.memory_space<vmem>>, vector<16xi32>,
        tpu.vector_store %arg6[%swap3A_139], %broadcast_in_dim3A_136 {strides = array<i32>} : memref<8192xi32, #tpu.memory_space<vmem>>, vector<16xi32>,
        %scan3A_141 = arith.constant 0 : i32
        %scan3A_142 = arith.constant 6 : i32
        %scan3A_143 = arith.addi %scan3A_90, %scan3A_142 : i32
        %broadcast_in_dim3A_144 = arith.constant 0 : i32
        %broadcast_in_dim3A_145 = vector.broadcast %broadcast_in_dim3A_144 : i32 to vector<16xi32>
        %mul3A_146 = arith.constant 16 : i32
        %mul3A_147 = arith.muli %scan3A_143, %mul3A_146 : i32
        %swap3A_148 = arith.index_cast %mul3A_147 : i32 to index
        %swap3A_149 = tpu.vector_load %arg6[%swap3A_148] {strides = array<i32>} : memref<8192xi32, #tpu.memory_space<vmem>>, vector<16xi32>,
        tpu.vector_store %arg6[%swap3A_148], %broadcast_in_dim3A_145 {strides = array<i32>} : memref<8192xi32, #tpu.memory_space<vmem>>, vector<16xi32>,
        %scan3A_150 = arith.constant 0 : i32
        %scan3A_151 = arith.constant 7 : i32
        %scan3A_152 = arith.addi %scan3A_90, %scan3A_151 : i32
        %broadcast_in_dim3A_153 = arith.constant 0 : i32
        %broadcast_in_dim3A_154 = vector.broadcast %broadcast_in_dim3A_153 : i32 to vector<16xi32>
        %mul3A_155 = arith.constant 16 : i32
        %mul3A_156 = arith.muli %scan3A_152, %mul3A_155 : i32
        %swap3A_157 = arith.index_cast %mul3A_156 : i32 to index
        %swap3A_158 = tpu.vector_load %arg6[%swap3A_157] {strides = array<i32>} : memref<8192xi32, #tpu.memory_space<vmem>>, vector<16xi32>,
        tpu.vector_store %arg6[%swap3A_157], %broadcast_in_dim3A_154 {strides = array<i32>} : memref<8192xi32, #tpu.memory_space<vmem>>, vector<16xi32>,
        %scan3A_159 = arith.constant 0 : i32
        scf.yield %scan3A_159 : i32
      }
      %scan3A_71 = arith.constant 512 : i32
      %parallel_loop3A_72 = arith.constant 0 : i32
      %parallel_loop3A_73 = arith.constant 4096 : i32
      %parallel_loop3A_74 = arith.constant 1 : i32
      scf.for %parallel_loop3A_90 = %parallel_loop3A_72 to %parallel_loop3A_73 step %parallel_loop3A_74  : i32 {
        %parallel_loop3A_91 = arith.constant 16 : i32
        %parallel_loop3A_92 = arith.muli %parallel_loop3A_90, %parallel_loop3A_91 : i32
        %parallel_loop3A_93 = arith.index_cast %parallel_loop3A_92 : i32 to index
        %parallel_loop3A_94 = tpu.vector_load %arg4[%parallel_loop3A_93] {strides = array<i32>} : memref<65552xi32, #tpu.memory_space<vmem>>, vector<16xi32>,
        %parallel_loop3A_95 = arith.constant 10 : i32
        %parallel_loop3A_96 = arith.shrui %parallel_loop3A_90, %parallel_loop3A_95 : i32
        %parallel_loop3A_97 = arith.constant 2048 : i32
        %parallel_loop3A_98 = arith.muli %parallel_loop3A_96, %parallel_loop3A_97 : i32
        %parallel_loop3A_99 = arith.constant 22 : i32
        %parallel_loop3A_100 = vector.broadcast %parallel_loop3A_99 : i32 to vector<16xi32>
        %parallel_loop3A_101 = arith.shrui %parallel_loop3A_94, %parallel_loop3A_100 : vector<16xi32>
        %parallel_loop3A_102 = vector.broadcast %parallel_loop3A_98 : i32 to vector<16xi32>
        %parallel_loop3A_103 = arith.addi %parallel_loop3A_102, %parallel_loop3A_101 : vector<16xi32>
        %parallel_loop3A_104 = arith.constant true
        %parallel_loop3A_105 = vector.broadcast %parallel_loop3A_104 : i1 to vector<16xi1>
        %parallel_loop3A_106, %parallel_loop3A_107 = tpu.scan_count mask(%parallel_loop3A_105 : vector<16xi1>) value(%parallel_loop3A_103 : vector<16xi32>) : vector<16xi1>, vector<16xi32>
        tpu.vector_store_idx %arg6[%parallel_loop3A_103], %parallel_loop3A_107 masked %parallel_loop3A_106 {add = true} : memref<8192xi32, #tpu.memory_space<vmem>>[vector<16xi32>], vector<16xi32>, vector<16xi1>
      } {sc.loop_unroll_factor = 4 : i64, sc.parallel_access}
      "tpu.region"() ({
        %run_scoped3A = tpu.sem_alloc : memref<!tpu.dma_semaphore, #tpu.memory_space<semaphore_mem>>
        %dma_start3A = arith.constant 0 : i32
        %dma_start3A_90 = tpu.memref_slice %arg4[%dma_start3A] : memref<65552xi32, #tpu.memory_space<vmem>> -> memref<65536xi32, #tpu.memory_space<vmem>>
        %dma_start3A_91 = tpu.memref_slice %arg3[%mul3A_13] : memref<16777216xi32, #tpu.memory_space<hbm>> -> memref<65536xi32, #tpu.memory_space<hbm>>
        %dma_start3A_92 = tpu.memref_slice %arg3[%mul3A_13] : memref<16777216xi32, #tpu.memory_space<hbm>> -> memref<65536xi32, #tpu.memory_space<hbm>>
        %dma_start3A_93 = arith.constant 0 : i32
        %dma_start3A_94 = tpu.memref_slice %arg4[%dma_start3A_93] : memref<65552xi32, #tpu.memory_space<vmem>> -> memref<65536xi32, #tpu.memory_space<vmem>>
        tpu.enqueue_dma source(%dma_start3A_94 : memref<65536xi32, #tpu.memory_space<vmem>>) target(%dma_start3A_92 : memref<65536xi32, #tpu.memory_space<hbm>>) target_semaphore(%run_scoped3A : memref<!tpu.dma_semaphore, #tpu.memory_space<semaphore_mem>>)
        %dma_wait3A = arith.constant 0 : i32
        %dma_wait3A_95 = tpu.memref_slice %arg4[%dma_wait3A] : memref<65552xi32, #tpu.memory_space<vmem>> -> memref<65536xi32, #tpu.memory_space<vmem>>
        %dma_wait3A_96 = tpu.memref_slice %arg3[%mul3A_13] : memref<16777216xi32, #tpu.memory_space<hbm>> -> memref<65536xi32, #tpu.memory_space<hbm>>
        %dma_wait3A_97 = tpu.memref_slice %arg3[%mul3A_13] : memref<16777216xi32, #tpu.memory_space<hbm>> -> memref<65536xi32, #tpu.memory_space<hbm>>
        %dma_wait3A_98 = arith.constant 0 : i32
        %dma_wait3A_99 = tpu.memref_slice %arg4[%dma_wait3A_98] : memref<65552xi32, #tpu.memory_space<vmem>> -> memref<65536xi32, #tpu.memory_space<vmem>>
        tpu.wait_dma2 semaphore(%run_scoped3A : memref<!tpu.dma_semaphore, #tpu.memory_space<semaphore_mem>>) src(%dma_wait3A_99 : memref<65536xi32, #tpu.memory_space<vmem>>) dst(%dma_wait3A_97 : memref<65536xi32, #tpu.memory_space<hbm>>)
        tpu.yield
      }) : () -> ()
      %scan3A_75 = arith.constant 0 : i32
      %scan3A_76 = arith.constant 0 : i32
      %scan3A_77 = arith.constant 128 : i32
      %scan3A_78 = arith.addi %scan3A_76, %scan3A_77 : i32
      %scan3A_79 = arith.constant 1 : i32
      %scan3A_80 = scf.for %scan3A_90 = %scan3A_76 to %scan3A_78 step %scan3A_79 iter_args(%scan3A_91 = %scan3A_75) -> (i32)  : i32 {
        %mul3A_92 = arith.constant 16 : i32
        %mul3A_93 = arith.muli %scan3A_90, %mul3A_92 : i32
        %get3A = arith.index_cast %mul3A_93 : i32 to index
        %get3A_94 = tpu.vector_load %arg6[%get3A] {strides = array<i32>} : memref<8192xi32, #tpu.memory_space<vmem>>, vector<16xi32>,
        %mul3A_95 = arith.constant 16 : i32
        %mul3A_96 = arith.muli %scan3A_90, %mul3A_95 : i32
        %add3A_97 = arith.constant 2048 : i32
        %add3A_98 = arith.addi %add3A_97, %mul3A_96 : i32
        %get3A_99 = arith.index_cast %add3A_98 : i32 to index
        %get3A_100 = tpu.vector_load %arg6[%get3A_99] {strides = array<i32>} : memref<8192xi32, #tpu.memory_space<vmem>>, vector<16xi32>,
        %mul3A_101 = arith.constant 16 : i32
        %mul3A_102 = arith.muli %scan3A_90, %mul3A_101 : i32
        %add3A_103 = arith.constant 4096 : i32
        %add3A_104 = arith.addi %add3A_103, %mul3A_102 : i32
        %get3A_105 = arith.index_cast %add3A_104 : i32 to index
        %get3A_106 = tpu.vector_load %arg6[%get3A_105] {strides = array<i32>} : memref<8192xi32, #tpu.memory_space<vmem>>, vector<16xi32>,
        %mul3A_107 = arith.constant 16 : i32
        %mul3A_108 = arith.muli %scan3A_90, %mul3A_107 : i32
        %add3A_109 = arith.constant 6144 : i32
        %add3A_110 = arith.addi %add3A_109, %mul3A_108 : i32
        %get3A_111 = arith.index_cast %add3A_110 : i32 to index
        %get3A_112 = tpu.vector_load %arg6[%get3A_111] {strides = array<i32>} : memref<8192xi32, #tpu.memory_space<vmem>>, vector<16xi32>,
        %add3A_113 = arith.addi %get3A_94, %get3A_100 : vector<16xi32>
        %add3A_114 = arith.addi %add3A_113, %get3A_106 : vector<16xi32>
        %add3A_115 = arith.addi %add3A_114, %get3A_112 : vector<16xi32>
        %broadcast_in_dim3A = arith.constant true
        %broadcast_in_dim3A_116 = vector.broadcast %broadcast_in_dim3A : i1 to vector<16xi1>
        %masked_cumsum3A = tpu.scan <sum>, %add3A_115 masked %broadcast_in_dim3A_116 : vector<16xi32>, vector<16xi1> -> vector<16xi32>
        %add3A_117 = vector.broadcast %scan3A_91 : i32 to vector<16xi32>
        %add3A_118 = arith.addi %add3A_117, %masked_cumsum3A : vector<16xi32>
        %sub3A = arith.subi %add3A_118, %add3A_115 : vector<16xi32>
        %mul3A_119 = arith.constant 16 : i32
        %mul3A_120 = arith.muli %scan3A_90, %mul3A_119 : i32
        %swap3A = arith.index_cast %mul3A_120 : i32 to index
        %swap3A_121 = tpu.vector_load %arg7[%swap3A] {strides = array<i32>} : memref<2048xi32, #tpu.memory_space<vmem>>, vector<16xi32>,
        tpu.vector_store %arg7[%swap3A], %sub3A {strides = array<i32>} : memref<2048xi32, #tpu.memory_space<vmem>>, vector<16xi32>,
        %add3A_122 = arith.addi %sub3A, %get3A_94 : vector<16xi32>
        %mul3A_123 = arith.constant 16 : i32
        %mul3A_124 = arith.muli %scan3A_90, %mul3A_123 : i32
        %swap3A_125 = arith.index_cast %mul3A_124 : i32 to index
        %swap3A_126 = tpu.vector_load %arg8[%swap3A_125] {strides = array<i32>} : memref<2048xi32, #tpu.memory_space<vmem>>, vector<16xi32>,
        tpu.vector_store %arg8[%swap3A_125], %add3A_122 {strides = array<i32>} : memref<2048xi32, #tpu.memory_space<vmem>>, vector<16xi32>,
        %add3A_127 = arith.addi %sub3A, %get3A_94 : vector<16xi32>
        %add3A_128 = arith.addi %add3A_127, %get3A_100 : vector<16xi32>
        %mul3A_129 = arith.constant 16 : i32
        %mul3A_130 = arith.muli %scan3A_90, %mul3A_129 : i32
        %swap3A_131 = arith.index_cast %mul3A_130 : i32 to index
        %swap3A_132 = tpu.vector_load %arg9[%swap3A_131] {strides = array<i32>} : memref<2048xi32, #tpu.memory_space<vmem>>, vector<16xi32>,
        tpu.vector_store %arg9[%swap3A_131], %add3A_128 {strides = array<i32>} : memref<2048xi32, #tpu.memory_space<vmem>>, vector<16xi32>,
        %add3A_133 = arith.addi %sub3A, %get3A_94 : vector<16xi32>
        %add3A_134 = arith.addi %add3A_133, %get3A_100 : vector<16xi32>
        %add3A_135 = arith.addi %add3A_134, %get3A_106 : vector<16xi32>
        %mul3A_136 = arith.constant 16 : i32
        %mul3A_137 = arith.muli %scan3A_90, %mul3A_136 : i32
        %swap3A_138 = arith.index_cast %mul3A_137 : i32 to index
        %swap3A_139 = tpu.vector_load %arg10[%swap3A_138] {strides = array<i32>} : memref<2048xi32, #tpu.memory_space<vmem>>, vector<16xi32>,
        tpu.vector_store %arg10[%swap3A_138], %add3A_135 {strides = array<i32>} : memref<2048xi32, #tpu.memory_space<vmem>>, vector<16xi32>,
        %reduce_sum3A = arith.constant true
        %reduce_sum3A_140 = vector.broadcast %reduce_sum3A : i1 to vector<16xi1>
        %reduce_sum3A_141 = tpu.scan <sum>, %add3A_115 masked %reduce_sum3A_140 : vector<16xi32>, vector<16xi1> -> vector<16xi32>
        %reduce_sum3A_142 = vector.extract %reduce_sum3A_141[15] : i32 from vector<16xi32>
        %add3A_143 = arith.addi %scan3A_91, %reduce_sum3A_142 : i32
        scf.yield %add3A_143 : i32
      }
      %scan3A_81 = arith.constant 128 : i32
      %scan3A_82 = arith.constant 0 : i32
      %scan3A_83 = arith.constant 0 : i32
      %scan3A_84 = arith.constant 4 : i32
      %scan3A_85 = arith.addi %scan3A_83, %scan3A_84 : i32
      %scan3A_86 = arith.constant 1 : i32
      %scan3A_87 = scf.for %scan3A_90 = %scan3A_83 to %scan3A_85 step %scan3A_86 iter_args(%scan3A_91 = %scan3A_82) -> (i32)  : i32 {
        %add3A_92 = arith.constant 0 : i32
        %add3A_93 = arith.addi %mul3A_13, %add3A_92 : i32
        %mul3A_94 = arith.constant 4096 : i32
        %mul3A_95 = arith.muli %scan3A_90, %mul3A_94 : i32
        %add3A_96 = arith.addi %add3A_93, %mul3A_95 : i32
        "tpu.region"() ({
          %run_scoped3A = tpu.sem_alloc : memref<!tpu.dma_semaphore, #tpu.memory_space<semaphore_mem>>
          %dma_start3A = arith.constant 0 : i32
          %dma_start3A_120 = tpu.memref_slice %arg5[%dma_start3A] : memref<16384xi32, #tpu.memory_space<vmem>> -> memref<4096xi32, #tpu.memory_space<vmem>>
          %dma_start3A_121 = tpu.memref_slice %arg3[%add3A_96] : memref<16777216xi32, #tpu.memory_space<hbm>> -> memref<4096xi32, #tpu.memory_space<hbm>>
          %dma_start3A_122 = arith.constant 0 : i32
          %dma_start3A_123 = tpu.memref_slice %arg5[%dma_start3A_122] : memref<16384xi32, #tpu.memory_space<vmem>> -> memref<4096xi32, #tpu.memory_space<vmem>>
          %dma_start3A_124 = tpu.memref_slice %arg3[%add3A_96] : memref<16777216xi32, #tpu.memory_space<hbm>> -> memref<4096xi32, #tpu.memory_space<hbm>>
          tpu.enqueue_dma source(%dma_start3A_124 : memref<4096xi32, #tpu.memory_space<hbm>>) target(%dma_start3A_123 : memref<4096xi32, #tpu.memory_space<vmem>>) target_semaphore(%run_scoped3A : memref<!tpu.dma_semaphore, #tpu.memory_space<semaphore_mem>>)
          %dma_wait3A = arith.constant 0 : i32
          %dma_wait3A_125 = tpu.memref_slice %arg5[%dma_wait3A] : memref<16384xi32, #tpu.memory_space<vmem>> -> memref<4096xi32, #tpu.memory_space<vmem>>
          %dma_wait3A_126 = tpu.memref_slice %arg3[%add3A_96] : memref<16777216xi32, #tpu.memory_space<hbm>> -> memref<4096xi32, #tpu.memory_space<hbm>>
          %dma_wait3A_127 = arith.constant 0 : i32
          %dma_wait3A_128 = tpu.memref_slice %arg5[%dma_wait3A_127] : memref<16384xi32, #tpu.memory_space<vmem>> -> memref<4096xi32, #tpu.memory_space<vmem>>
          %dma_wait3A_129 = tpu.memref_slice %arg3[%add3A_96] : memref<16777216xi32, #tpu.memory_space<hbm>> -> memref<4096xi32, #tpu.memory_space<hbm>>
          tpu.wait_dma2 semaphore(%run_scoped3A : memref<!tpu.dma_semaphore, #tpu.memory_space<semaphore_mem>>) src(%dma_wait3A_129 : memref<4096xi32, #tpu.memory_space<hbm>>) dst(%dma_wait3A_128 : memref<4096xi32, #tpu.memory_space<vmem>>)
          tpu.yield
        }) : () -> ()
        %add3A_97 = arith.constant 16384 : i32
        %add3A_98 = arith.addi %mul3A_13, %add3A_97 : i32
        %mul3A_99 = arith.constant 4096 : i32
        %mul3A_100 = arith.muli %scan3A_90, %mul3A_99 : i32
        %add3A_101 = arith.addi %add3A_98, %mul3A_100 : i32
        "tpu.region"() ({
          %run_scoped3A = tpu.sem_alloc : memref<!tpu.dma_semaphore, #tpu.memory_space<semaphore_mem>>
          %dma_start3A = arith.constant 4096 : i32
          %dma_start3A_120 = tpu.memref_slice %arg5[%dma_start3A] : memref<16384xi32, #tpu.memory_space<vmem>> -> memref<4096xi32, #tpu.memory_space<vmem>>
          %dma_start3A_121 = tpu.memref_slice %arg3[%add3A_101] : memref<16777216xi32, #tpu.memory_space<hbm>> -> memref<4096xi32, #tpu.memory_space<hbm>>
          %dma_start3A_122 = arith.constant 4096 : i32
          %dma_start3A_123 = tpu.memref_slice %arg5[%dma_start3A_122] : memref<16384xi32, #tpu.memory_space<vmem>> -> memref<4096xi32, #tpu.memory_space<vmem>>
          %dma_start3A_124 = tpu.memref_slice %arg3[%add3A_101] : memref<16777216xi32, #tpu.memory_space<hbm>> -> memref<4096xi32, #tpu.memory_space<hbm>>
          tpu.enqueue_dma source(%dma_start3A_124 : memref<4096xi32, #tpu.memory_space<hbm>>) target(%dma_start3A_123 : memref<4096xi32, #tpu.memory_space<vmem>>) target_semaphore(%run_scoped3A : memref<!tpu.dma_semaphore, #tpu.memory_space<semaphore_mem>>)
          %dma_wait3A = arith.constant 4096 : i32
          %dma_wait3A_125 = tpu.memref_slice %arg5[%dma_wait3A] : memref<16384xi32, #tpu.memory_space<vmem>> -> memref<4096xi32, #tpu.memory_space<vmem>>
          %dma_wait3A_126 = tpu.memref_slice %arg3[%add3A_101] : memref<16777216xi32, #tpu.memory_space<hbm>> -> memref<4096xi32, #tpu.memory_space<hbm>>
          %dma_wait3A_127 = arith.constant 4096 : i32
          %dma_wait3A_128 = tpu.memref_slice %arg5[%dma_wait3A_127] : memref<16384xi32, #tpu.memory_space<vmem>> -> memref<4096xi32, #tpu.memory_space<vmem>>
          %dma_wait3A_129 = tpu.memref_slice %arg3[%add3A_101] : memref<16777216xi32, #tpu.memory_space<hbm>> -> memref<4096xi32, #tpu.memory_space<hbm>>
          tpu.wait_dma2 semaphore(%run_scoped3A : memref<!tpu.dma_semaphore, #tpu.memory_space<semaphore_mem>>) src(%dma_wait3A_129 : memref<4096xi32, #tpu.memory_space<hbm>>) dst(%dma_wait3A_128 : memref<4096xi32, #tpu.memory_space<vmem>>)
          tpu.yield
        }) : () -> ()
        %add3A_102 = arith.constant 32768 : i32
        %add3A_103 = arith.addi %mul3A_13, %add3A_102 : i32
        %mul3A_104 = arith.constant 4096 : i32
        %mul3A_105 = arith.muli %scan3A_90, %mul3A_104 : i32
        %add3A_106 = arith.addi %add3A_103, %mul3A_105 : i32
        "tpu.region"() ({
          %run_scoped3A = tpu.sem_alloc : memref<!tpu.dma_semaphore, #tpu.memory_space<semaphore_mem>>
          %dma_start3A = arith.constant 8192 : i32
          %dma_start3A_120 = tpu.memref_slice %arg5[%dma_start3A] : memref<16384xi32, #tpu.memory_space<vmem>> -> memref<4096xi32, #tpu.memory_space<vmem>>
          %dma_start3A_121 = tpu.memref_slice %arg3[%add3A_106] : memref<16777216xi32, #tpu.memory_space<hbm>> -> memref<4096xi32, #tpu.memory_space<hbm>>
          %dma_start3A_122 = arith.constant 8192 : i32
          %dma_start3A_123 = tpu.memref_slice %arg5[%dma_start3A_122] : memref<16384xi32, #tpu.memory_space<vmem>> -> memref<4096xi32, #tpu.memory_space<vmem>>
          %dma_start3A_124 = tpu.memref_slice %arg3[%add3A_106] : memref<16777216xi32, #tpu.memory_space<hbm>> -> memref<4096xi32, #tpu.memory_space<hbm>>
          tpu.enqueue_dma source(%dma_start3A_124 : memref<4096xi32, #tpu.memory_space<hbm>>) target(%dma_start3A_123 : memref<4096xi32, #tpu.memory_space<vmem>>) target_semaphore(%run_scoped3A : memref<!tpu.dma_semaphore, #tpu.memory_space<semaphore_mem>>)
          %dma_wait3A = arith.constant 8192 : i32
          %dma_wait3A_125 = tpu.memref_slice %arg5[%dma_wait3A] : memref<16384xi32, #tpu.memory_space<vmem>> -> memref<4096xi32, #tpu.memory_space<vmem>>
          %dma_wait3A_126 = tpu.memref_slice %arg3[%add3A_106] : memref<16777216xi32, #tpu.memory_space<hbm>> -> memref<4096xi32, #tpu.memory_space<hbm>>
          %dma_wait3A_127 = arith.constant 8192 : i32
          %dma_wait3A_128 = tpu.memref_slice %arg5[%dma_wait3A_127] : memref<16384xi32, #tpu.memory_space<vmem>> -> memref<4096xi32, #tpu.memory_space<vmem>>
          %dma_wait3A_129 = tpu.memref_slice %arg3[%add3A_106] : memref<16777216xi32, #tpu.memory_space<hbm>> -> memref<4096xi32, #tpu.memory_space<hbm>>
          tpu.wait_dma2 semaphore(%run_scoped3A : memref<!tpu.dma_semaphore, #tpu.memory_space<semaphore_mem>>) src(%dma_wait3A_129 : memref<4096xi32, #tpu.memory_space<hbm>>) dst(%dma_wait3A_128 : memref<4096xi32, #tpu.memory_space<vmem>>)
          tpu.yield
        }) : () -> ()
        %add3A_107 = arith.constant 49152 : i32
        %add3A_108 = arith.addi %mul3A_13, %add3A_107 : i32
        %mul3A_109 = arith.constant 4096 : i32
        %mul3A_110 = arith.muli %scan3A_90, %mul3A_109 : i32
        %add3A_111 = arith.addi %add3A_108, %mul3A_110 : i32
        "tpu.region"() ({
          %run_scoped3A = tpu.sem_alloc : memref<!tpu.dma_semaphore, #tpu.memory_space<semaphore_mem>>
          %dma_start3A = arith.constant 12288 : i32
          %dma_start3A_120 = tpu.memref_slice %arg5[%dma_start3A] : memref<16384xi32, #tpu.memory_space<vmem>> -> memref<4096xi32, #tpu.memory_space<vmem>>
          %dma_start3A_121 = tpu.memref_slice %arg3[%add3A_111] : memref<16777216xi32, #tpu.memory_space<hbm>> -> memref<4096xi32, #tpu.memory_space<hbm>>
          %dma_start3A_122 = arith.constant 12288 : i32
          %dma_start3A_123 = tpu.memref_slice %arg5[%dma_start3A_122] : memref<16384xi32, #tpu.memory_space<vmem>> -> memref<4096xi32, #tpu.memory_space<vmem>>
          %dma_start3A_124 = tpu.memref_slice %arg3[%add3A_111] : memref<16777216xi32, #tpu.memory_space<hbm>> -> memref<4096xi32, #tpu.memory_space<hbm>>
          tpu.enqueue_dma source(%dma_start3A_124 : memref<4096xi32, #tpu.memory_space<hbm>>) target(%dma_start3A_123 : memref<4096xi32, #tpu.memory_space<vmem>>) target_semaphore(%run_scoped3A : memref<!tpu.dma_semaphore, #tpu.memory_space<semaphore_mem>>)
          %dma_wait3A = arith.constant 12288 : i32
          %dma_wait3A_125 = tpu.memref_slice %arg5[%dma_wait3A] : memref<16384xi32, #tpu.memory_space<vmem>> -> memref<4096xi32, #tpu.memory_space<vmem>>
          %dma_wait3A_126 = tpu.memref_slice %arg3[%add3A_111] : memref<16777216xi32, #tpu.memory_space<hbm>> -> memref<4096xi32, #tpu.memory_space<hbm>>
          %dma_wait3A_127 = arith.constant 12288 : i32
          %dma_wait3A_128 = tpu.memref_slice %arg5[%dma_wait3A_127] : memref<16384xi32, #tpu.memory_space<vmem>> -> memref<4096xi32, #tpu.memory_space<vmem>>
          %dma_wait3A_129 = tpu.memref_slice %arg3[%add3A_111] : memref<16777216xi32, #tpu.memory_space<hbm>> -> memref<4096xi32, #tpu.memory_space<hbm>>
          tpu.wait_dma2 semaphore(%run_scoped3A : memref<!tpu.dma_semaphore, #tpu.memory_space<semaphore_mem>>) src(%dma_wait3A_129 : memref<4096xi32, #tpu.memory_space<hbm>>) dst(%dma_wait3A_128 : memref<4096xi32, #tpu.memory_space<vmem>>)
          tpu.yield
        }) : () -> ()
        %scan3A_112 = arith.constant 0 : i32
        %scan3A_113 = arith.constant 0 : i32
        %scan3A_114 = arith.constant 256 : i32
        %scan3A_115 = arith.addi %scan3A_113, %scan3A_114 : i32
        %scan3A_116 = arith.constant 8 : i32
        %scan3A_117 = scf.for %scan3A_120 = %scan3A_113 to %scan3A_115 step %scan3A_116 iter_args(%scan3A_121 = %scan3A_112) -> (i32)  : i32 {
          %mul3A_122 = arith.constant 16 : i32
          %mul3A_123 = arith.muli %scan3A_120, %mul3A_122 : i32
          %add3A_124 = arith.constant 0 : i32
          %add3A_125 = arith.addi %add3A_124, %mul3A_123 : i32
          %get3A = arith.index_cast %add3A_125 : i32 to index
          %get3A_126 = tpu.vector_load %arg5[%get3A] {strides = array<i32>} : memref<16384xi32, #tpu.memory_space<vmem>>, vector<16xi32>,
          %mul3A_127 = arith.constant 16 : i32
          %mul3A_128 = arith.muli %scan3A_120, %mul3A_127 : i32
          %add3A_129 = arith.constant 4096 : i32
          %add3A_130 = arith.addi %add3A_129, %mul3A_128 : i32
          %get3A_131 = arith.index_cast %add3A_130 : i32 to index
          %get3A_132 = tpu.vector_load %arg5[%get3A_131] {strides = array<i32>} : memref<16384xi32, #tpu.memory_space<vmem>>, vector<16xi32>,
          %mul3A_133 = arith.constant 16 : i32
          %mul3A_134 = arith.muli %scan3A_120, %mul3A_133 : i32
          %add3A_135 = arith.constant 8192 : i32
          %add3A_136 = arith.addi %add3A_135, %mul3A_134 : i32
          %get3A_137 = arith.index_cast %add3A_136 : i32 to index
          %get3A_138 = tpu.vector_load %arg5[%get3A_137] {strides = array<i32>} : memref<16384xi32, #tpu.memory_space<vmem>>, vector<16xi32>,
          %mul3A_139 = arith.constant 16 : i32
          %mul3A_140 = arith.muli %scan3A_120, %mul3A_139 : i32
          %add3A_141 = arith.constant 12288 : i32
          %add3A_142 = arith.addi %add3A_141, %mul3A_140 : i32
          %get3A_143 = arith.index_cast %add3A_142 : i32 to index
          %get3A_144 = tpu.vector_load %arg5[%get3A_143] {strides = array<i32>} : memref<16384xi32, #tpu.memory_space<vmem>>, vector<16xi32>,
          %shift_right_logical3A = arith.constant 22 : i32
          %shift_right_logical3A_145 = vector.broadcast %shift_right_logical3A : i32 to vector<16xi32>
          %shift_right_logical3A_146 = arith.shrui %get3A_126, %shift_right_logical3A_145 : vector<16xi32>
          %broadcast_in_dim3A = arith.constant true
          %broadcast_in_dim3A_147 = vector.broadcast %broadcast_in_dim3A : i1 to vector<16xi1>
          %unique3A, %unique3A_148 = tpu.scan_count mask(%broadcast_in_dim3A_147 : vector<16xi1>) value(%shift_right_logical3A_146 : vector<16xi32>) : vector<16xi1>, vector<16xi32>
          %gather3A = tpu.vector_load_idx %arg7[%shift_right_logical3A_146] : memref<2048xi32, #tpu.memory_space<vmem>>[vector<16xi32>], vector<16xi32>,
          %add3A_149 = arith.addi %gather3A, %unique3A_148 : vector<16xi32>
          %sub3A = arith.constant 1 : i32
          %sub3A_150 = vector.broadcast %sub3A : i32 to vector<16xi32>
          %sub3A_151 = arith.subi %add3A_149, %sub3A_150 : vector<16xi32>
          tpu.vector_store_idx %arg4[%sub3A_151], %get3A_126 : memref<65552xi32, #tpu.memory_space<vmem>>[vector<16xi32>], vector<16xi32>,
          tpu.vector_store_idx %arg7[%shift_right_logical3A_146], %unique3A_148 masked %unique3A {add = true} : memref<2048xi32, #tpu.memory_space<vmem>>[vector<16xi32>], vector<16xi32>, vector<16xi1>
          %shift_right_logical3A_152 = arith.constant 22 : i32
          %shift_right_logical3A_153 = vector.broadcast %shift_right_logical3A_152 : i32 to vector<16xi32>
          %shift_right_logical3A_154 = arith.shrui %get3A_132, %shift_right_logical3A_153 : vector<16xi32>
          %broadcast_in_dim3A_155 = arith.constant true
          %broadcast_in_dim3A_156 = vector.broadcast %broadcast_in_dim3A_155 : i1 to vector<16xi1>
          %unique3A_157, %unique3A_158 = tpu.scan_count mask(%broadcast_in_dim3A_156 : vector<16xi1>) value(%shift_right_logical3A_154 : vector<16xi32>) : vector<16xi1>, vector<16xi32>
          %gather3A_159 = tpu.vector_load_idx %arg8[%shift_right_logical3A_154] : memref<2048xi32, #tpu.memory_space<vmem>>[vector<16xi32>], vector<16xi32>,
          %add3A_160 = arith.addi %gather3A_159, %unique3A_158 : vector<16xi32>
          %sub3A_161 = arith.constant 1 : i32
          %sub3A_162 = vector.broadcast %sub3A_161 : i32 to vector<16xi32>
          %sub3A_163 = arith.subi %add3A_160, %sub3A_162 : vector<16xi32>
          tpu.vector_store_idx %arg4[%sub3A_163], %get3A_132 : memref<65552xi32, #tpu.memory_space<vmem>>[vector<16xi32>], vector<16xi32>,
          tpu.vector_store_idx %arg8[%shift_right_logical3A_154], %unique3A_158 masked %unique3A_157 {add = true} : memref<2048xi32, #tpu.memory_space<vmem>>[vector<16xi32>], vector<16xi32>, vector<16xi1>
          %shift_right_logical3A_164 = arith.constant 22 : i32
          %shift_right_logical3A_165 = vector.broadcast %shift_right_logical3A_164 : i32 to vector<16xi32>
          %shift_right_logical3A_166 = arith.shrui %get3A_138, %shift_right_logical3A_165 : vector<16xi32>
          %broadcast_in_dim3A_167 = arith.constant true
          %broadcast_in_dim3A_168 = vector.broadcast %broadcast_in_dim3A_167 : i1 to vector<16xi1>
          %unique3A_169, %unique3A_170 = tpu.scan_count mask(%broadcast_in_dim3A_168 : vector<16xi1>) value(%shift_right_logical3A_166 : vector<16xi32>) : vector<16xi1>, vector<16xi32>
          %gather3A_171 = tpu.vector_load_idx %arg9[%shift_right_logical3A_166] : memref<2048xi32, #tpu.memory_space<vmem>>[vector<16xi32>], vector<16xi32>,
          %add3A_172 = arith.addi %gather3A_171, %unique3A_170 : vector<16xi32>
          %sub3A_173 = arith.constant 1 : i32
          %sub3A_174 = vector.broadcast %sub3A_173 : i32 to vector<16xi32>
          %sub3A_175 = arith.subi %add3A_172, %sub3A_174 : vector<16xi32>
          tpu.vector_store_idx %arg4[%sub3A_175], %get3A_138 : memref<65552xi32, #tpu.memory_space<vmem>>[vector<16xi32>], vector<16xi32>,
          tpu.vector_store_idx %arg9[%shift_right_logical3A_166], %unique3A_170 masked %unique3A_169 {add = true} : memref<2048xi32, #tpu.memory_space<vmem>>[vector<16xi32>], vector<16xi32>, vector<16xi1>
          %shift_right_logical3A_176 = arith.constant 22 : i32
          %shift_right_logical3A_177 = vector.broadcast %shift_right_logical3A_176 : i32 to vector<16xi32>
          %shift_right_logical3A_178 = arith.shrui %get3A_144, %shift_right_logical3A_177 : vector<16xi32>
          %broadcast_in_dim3A_179 = arith.constant true
          %broadcast_in_dim3A_180 = vector.broadcast %broadcast_in_dim3A_179 : i1 to vector<16xi1>
          %unique3A_181, %unique3A_182 = tpu.scan_count mask(%broadcast_in_dim3A_180 : vector<16xi1>) value(%shift_right_logical3A_178 : vector<16xi32>) : vector<16xi1>, vector<16xi32>
          %gather3A_183 = tpu.vector_load_idx %arg10[%shift_right_logical3A_178] : memref<2048xi32, #tpu.memory_space<vmem>>[vector<16xi32>], vector<16xi32>,
          %add3A_184 = arith.addi %gather3A_183, %unique3A_182 : vector<16xi32>
          %sub3A_185 = arith.constant 1 : i32
          %sub3A_186 = vector.broadcast %sub3A_185 : i32 to vector<16xi32>
          %sub3A_187 = arith.subi %add3A_184, %sub3A_186 : vector<16xi32>
          tpu.vector_store_idx %arg4[%sub3A_187], %get3A_144 : memref<65552xi32, #tpu.memory_space<vmem>>[vector<16xi32>], vector<16xi32>,
          tpu.vector_store_idx %arg10[%shift_right_logical3A_178], %unique3A_182 masked %unique3A_181 {add = true} : memref<2048xi32, #tpu.memory_space<vmem>>[vector<16xi32>], vector<16xi32>, vector<16xi1>
          %scan3A_188 = arith.constant 0 : i32
          %scan3A_189 = arith.constant 1 : i32
          %scan3A_190 = arith.addi %scan3A_120, %scan3A_189 : i32
          %mul3A_191 = arith.constant 16 : i32
          %mul3A_192 = arith.muli %scan3A_190, %mul3A_191 : i32
          %add3A_193 = arith.constant 0 : i32
          %add3A_194 = arith.addi %add3A_193, %mul3A_192 : i32
          %get3A_195 = arith.index_cast %add3A_194 : i32 to index
          %get3A_196 = tpu.vector_load %arg5[%get3A_195] {strides = array<i32>} : memref<16384xi32, #tpu.memory_space<vmem>>, vector<16xi32>,
          %mul3A_197 = arith.constant 16 : i32
          %mul3A_198 = arith.muli %scan3A_190, %mul3A_197 : i32
          %add3A_199 = arith.constant 4096 : i32
          %add3A_200 = arith.addi %add3A_199, %mul3A_198 : i32
          %get3A_201 = arith.index_cast %add3A_200 : i32 to index
          %get3A_202 = tpu.vector_load %arg5[%get3A_201] {strides = array<i32>} : memref<16384xi32, #tpu.memory_space<vmem>>, vector<16xi32>,
          %mul3A_203 = arith.constant 16 : i32
          %mul3A_204 = arith.muli %scan3A_190, %mul3A_203 : i32
          %add3A_205 = arith.constant 8192 : i32
          %add3A_206 = arith.addi %add3A_205, %mul3A_204 : i32
          %get3A_207 = arith.index_cast %add3A_206 : i32 to index
          %get3A_208 = tpu.vector_load %arg5[%get3A_207] {strides = array<i32>} : memref<16384xi32, #tpu.memory_space<vmem>>, vector<16xi32>,
          %mul3A_209 = arith.constant 16 : i32
          %mul3A_210 = arith.muli %scan3A_190, %mul3A_209 : i32
          %add3A_211 = arith.constant 12288 : i32
          %add3A_212 = arith.addi %add3A_211, %mul3A_210 : i32
          %get3A_213 = arith.index_cast %add3A_212 : i32 to index
          %get3A_214 = tpu.vector_load %arg5[%get3A_213] {strides = array<i32>} : memref<16384xi32, #tpu.memory_space<vmem>>, vector<16xi32>,
          %shift_right_logical3A_215 = arith.constant 22 : i32
          %shift_right_logical3A_216 = vector.broadcast %shift_right_logical3A_215 : i32 to vector<16xi32>
          %shift_right_logical3A_217 = arith.shrui %get3A_196, %shift_right_logical3A_216 : vector<16xi32>
          %broadcast_in_dim3A_218 = arith.constant true
          %broadcast_in_dim3A_219 = vector.broadcast %broadcast_in_dim3A_218 : i1 to vector<16xi1>
          %unique3A_220, %unique3A_221 = tpu.scan_count mask(%broadcast_in_dim3A_219 : vector<16xi1>) value(%shift_right_logical3A_217 : vector<16xi32>) : vector<16xi1>, vector<16xi32>
          %gather3A_222 = tpu.vector_load_idx %arg7[%shift_right_logical3A_217] : memref<2048xi32, #tpu.memory_space<vmem>>[vector<16xi32>], vector<16xi32>,
          %add3A_223 = arith.addi %gather3A_222, %unique3A_221 : vector<16xi32>
          %sub3A_224 = arith.constant 1 : i32
          %sub3A_225 = vector.broadcast %sub3A_224 : i32 to vector<16xi32>
          %sub3A_226 = arith.subi %add3A_223, %sub3A_225 : vector<16xi32>
          tpu.vector_store_idx %arg4[%sub3A_226], %get3A_196 : memref<65552xi32, #tpu.memory_space<vmem>>[vector<16xi32>], vector<16xi32>,
          tpu.vector_store_idx %arg7[%shift_right_logical3A_217], %unique3A_221 masked %unique3A_220 {add = true} : memref<2048xi32, #tpu.memory_space<vmem>>[vector<16xi32>], vector<16xi32>, vector<16xi1>
          %shift_right_logical3A_227 = arith.constant 22 : i32
          %shift_right_logical3A_228 = vector.broadcast %shift_right_logical3A_227 : i32 to vector<16xi32>
          %shift_right_logical3A_229 = arith.shrui %get3A_202, %shift_right_logical3A_228 : vector<16xi32>
          %broadcast_in_dim3A_230 = arith.constant true
          %broadcast_in_dim3A_231 = vector.broadcast %broadcast_in_dim3A_230 : i1 to vector<16xi1>
          %unique3A_232, %unique3A_233 = tpu.scan_count mask(%broadcast_in_dim3A_231 : vector<16xi1>) value(%shift_right_logical3A_229 : vector<16xi32>) : vector<16xi1>, vector<16xi32>
          %gather3A_234 = tpu.vector_load_idx %arg8[%shift_right_logical3A_229] : memref<2048xi32, #tpu.memory_space<vmem>>[vector<16xi32>], vector<16xi32>,
          %add3A_235 = arith.addi %gather3A_234, %unique3A_233 : vector<16xi32>
          %sub3A_236 = arith.constant 1 : i32
          %sub3A_237 = vector.broadcast %sub3A_236 : i32 to vector<16xi32>
          %sub3A_238 = arith.subi %add3A_235, %sub3A_237 : vector<16xi32>
          tpu.vector_store_idx %arg4[%sub3A_238], %get3A_202 : memref<65552xi32, #tpu.memory_space<vmem>>[vector<16xi32>], vector<16xi32>,
          tpu.vector_store_idx %arg8[%shift_right_logical3A_229], %unique3A_233 masked %unique3A_232 {add = true} : memref<2048xi32, #tpu.memory_space<vmem>>[vector<16xi32>], vector<16xi32>, vector<16xi1>
          %shift_right_logical3A_239 = arith.constant 22 : i32
          %shift_right_logical3A_240 = vector.broadcast %shift_right_logical3A_239 : i32 to vector<16xi32>
          %shift_right_logical3A_241 = arith.shrui %get3A_208, %shift_right_logical3A_240 : vector<16xi32>
          %broadcast_in_dim3A_242 = arith.constant true
          %broadcast_in_dim3A_243 = vector.broadcast %broadcast_in_dim3A_242 : i1 to vector<16xi1>
          %unique3A_244, %unique3A_245 = tpu.scan_count mask(%broadcast_in_dim3A_243 : vector<16xi1>) value(%shift_right_logical3A_241 : vector<16xi32>) : vector<16xi1>, vector<16xi32>
          %gather3A_246 = tpu.vector_load_idx %arg9[%shift_right_logical3A_241] : memref<2048xi32, #tpu.memory_space<vmem>>[vector<16xi32>], vector<16xi32>,
          %add3A_247 = arith.addi %gather3A_246, %unique3A_245 : vector<16xi32>
          %sub3A_248 = arith.constant 1 : i32
          %sub3A_249 = vector.broadcast %sub3A_248 : i32 to vector<16xi32>
          %sub3A_250 = arith.subi %add3A_247, %sub3A_249 : vector<16xi32>
          tpu.vector_store_idx %arg4[%sub3A_250], %get3A_208 : memref<65552xi32, #tpu.memory_space<vmem>>[vector<16xi32>], vector<16xi32>,
          tpu.vector_store_idx %arg9[%shift_right_logical3A_241], %unique3A_245 masked %unique3A_244 {add = true} : memref<2048xi32, #tpu.memory_space<vmem>>[vector<16xi32>], vector<16xi32>, vector<16xi1>
          %shift_right_logical3A_251 = arith.constant 22 : i32
          %shift_right_logical3A_252 = vector.broadcast %shift_right_logical3A_251 : i32 to vector<16xi32>
          %shift_right_logical3A_253 = arith.shrui %get3A_214, %shift_right_logical3A_252 : vector<16xi32>
          %broadcast_in_dim3A_254 = arith.constant true
          %broadcast_in_dim3A_255 = vector.broadcast %broadcast_in_dim3A_254 : i1 to vector<16xi1>
          %unique3A_256, %unique3A_257 = tpu.scan_count mask(%broadcast_in_dim3A_255 : vector<16xi1>) value(%shift_right_logical3A_253 : vector<16xi32>) : vector<16xi1>, vector<16xi32>
          %gather3A_258 = tpu.vector_load_idx %arg10[%shift_right_logical3A_253] : memref<2048xi32, #tpu.memory_space<vmem>>[vector<16xi32>], vector<16xi32>,
          %add3A_259 = arith.addi %gather3A_258, %unique3A_257 : vector<16xi32>
          %sub3A_260 = arith.constant 1 : i32
          %sub3A_261 = vector.broadcast %sub3A_260 : i32 to vector<16xi32>
          %sub3A_262 = arith.subi %add3A_259, %sub3A_261 : vector<16xi32>
          tpu.vector_store_idx %arg4[%sub3A_262], %get3A_214 : memref<65552xi32, #tpu.memory_space<vmem>>[vector<16xi32>], vector<16xi32>,
          tpu.vector_store_idx %arg10[%shift_right_logical3A_253], %unique3A_257 masked %unique3A_256 {add = true} : memref<2048xi32, #tpu.memory_space<vmem>>[vector<16xi32>], vector<16xi32>, vector<16xi1>
          %scan3A_263 = arith.constant 0 : i32
          %scan3A_264 = arith.constant 2 : i32
          %scan3A_265 = arith.addi %scan3A_120, %scan3A_264 : i32
          %mul3A_266 = arith.constant 16 : i32
          %mul3A_267 = arith.muli %scan3A_265, %mul3A_266 : i32
          %add3A_268 = arith.constant 0 : i32
          %add3A_269 = arith.addi %add3A_268, %mul3A_267 : i32
          %get3A_270 = arith.index_cast %add3A_269 : i32 to index
          %get3A_271 = tpu.vector_load %arg5[%get3A_270] {strides = array<i32>} : memref<16384xi32, #tpu.memory_space<vmem>>, vector<16xi32>,
          %mul3A_272 = arith.constant 16 : i32
          %mul3A_273 = arith.muli %scan3A_265, %mul3A_272 : i32
          %add3A_274 = arith.constant 4096 : i32
          %add3A_275 = arith.addi %add3A_274, %mul3A_273 : i32
          %get3A_276 = arith.index_cast %add3A_275 : i32 to index
          %get3A_277 = tpu.vector_load %arg5[%get3A_276] {strides = array<i32>} : memref<16384xi32, #tpu.memory_space<vmem>>, vector<16xi32>,
          %mul3A_278 = arith.constant 16 : i32
          %mul3A_279 = arith.muli %scan3A_265, %mul3A_278 : i32
          %add3A_280 = arith.constant 8192 : i32
          %add3A_281 = arith.addi %add3A_280, %mul3A_279 : i32
          %get3A_282 = arith.index_cast %add3A_281 : i32 to index
          %get3A_283 = tpu.vector_load %arg5[%get3A_282] {strides = array<i32>} : memref<16384xi32, #tpu.memory_space<vmem>>, vector<16xi32>,
          %mul3A_284 = arith.constant 16 : i32
          %mul3A_285 = arith.muli %scan3A_265, %mul3A_284 : i32
          %add3A_286 = arith.constant 12288 : i32
          %add3A_287 = arith.addi %add3A_286, %mul3A_285 : i32
          %get3A_288 = arith.index_cast %add3A_287 : i32 to index
          %get3A_289 = tpu.vector_load %arg5[%get3A_288] {strides = array<i32>} : memref<16384xi32, #tpu.memory_space<vmem>>, vector<16xi32>,
          %shift_right_logical3A_290 = arith.constant 22 : i32
          %shift_right_logical3A_291 = vector.broadcast %shift_right_logical3A_290 : i32 to vector<16xi32>
          %shift_right_logical3A_292 = arith.shrui %get3A_271, %shift_right_logical3A_291 : vector<16xi32>
          %broadcast_in_dim3A_293 = arith.constant true
          %broadcast_in_dim3A_294 = vector.broadcast %broadcast_in_dim3A_293 : i1 to vector<16xi1>
          %unique3A_295, %unique3A_296 = tpu.scan_count mask(%broadcast_in_dim3A_294 : vector<16xi1>) value(%shift_right_logical3A_292 : vector<16xi32>) : vector<16xi1>, vector<16xi32>
          %gather3A_297 = tpu.vector_load_idx %arg7[%shift_right_logical3A_292] : memref<2048xi32, #tpu.memory_space<vmem>>[vector<16xi32>], vector<16xi32>,
          %add3A_298 = arith.addi %gather3A_297, %unique3A_296 : vector<16xi32>
          %sub3A_299 = arith.constant 1 : i32
          %sub3A_300 = vector.broadcast %sub3A_299 : i32 to vector<16xi32>
          %sub3A_301 = arith.subi %add3A_298, %sub3A_300 : vector<16xi32>
          tpu.vector_store_idx %arg4[%sub3A_301], %get3A_271 : memref<65552xi32, #tpu.memory_space<vmem>>[vector<16xi32>], vector<16xi32>,
          tpu.vector_store_idx %arg7[%shift_right_logical3A_292], %unique3A_296 masked %unique3A_295 {add = true} : memref<2048xi32, #tpu.memory_space<vmem>>[vector<16xi32>], vector<16xi32>, vector<16xi1>
          %shift_right_logical3A_302 = arith.constant 22 : i32
          %shift_right_logical3A_303 = vector.broadcast %shift_right_logical3A_302 : i32 to vector<16xi32>
          %shift_right_logical3A_304 = arith.shrui %get3A_277, %shift_right_logical3A_303 : vector<16xi32>
          %broadcast_in_dim3A_305 = arith.constant true
          %broadcast_in_dim3A_306 = vector.broadcast %broadcast_in_dim3A_305 : i1 to vector<16xi1>
          %unique3A_307, %unique3A_308 = tpu.scan_count mask(%broadcast_in_dim3A_306 : vector<16xi1>) value(%shift_right_logical3A_304 : vector<16xi32>) : vector<16xi1>, vector<16xi32>
          %gather3A_309 = tpu.vector_load_idx %arg8[%shift_right_logical3A_304] : memref<2048xi32, #tpu.memory_space<vmem>>[vector<16xi32>], vector<16xi32>,
          %add3A_310 = arith.addi %gather3A_309, %unique3A_308 : vector<16xi32>
          %sub3A_311 = arith.constant 1 : i32
          %sub3A_312 = vector.broadcast %sub3A_311 : i32 to vector<16xi32>
          %sub3A_313 = arith.subi %add3A_310, %sub3A_312 : vector<16xi32>
          tpu.vector_store_idx %arg4[%sub3A_313], %get3A_277 : memref<65552xi32, #tpu.memory_space<vmem>>[vector<16xi32>], vector<16xi32>,
          tpu.vector_store_idx %arg8[%shift_right_logical3A_304], %unique3A_308 masked %unique3A_307 {add = true} : memref<2048xi32, #tpu.memory_space<vmem>>[vector<16xi32>], vector<16xi32>, vector<16xi1>
          %shift_right_logical3A_314 = arith.constant 22 : i32
          %shift_right_logical3A_315 = vector.broadcast %shift_right_logical3A_314 : i32 to vector<16xi32>
          %shift_right_logical3A_316 = arith.shrui %get3A_283, %shift_right_logical3A_315 : vector<16xi32>
          %broadcast_in_dim3A_317 = arith.constant true
          %broadcast_in_dim3A_318 = vector.broadcast %broadcast_in_dim3A_317 : i1 to vector<16xi1>
          %unique3A_319, %unique3A_320 = tpu.scan_count mask(%broadcast_in_dim3A_318 : vector<16xi1>) value(%shift_right_logical3A_316 : vector<16xi32>) : vector<16xi1>, vector<16xi32>
          %gather3A_321 = tpu.vector_load_idx %arg9[%shift_right_logical3A_316] : memref<2048xi32, #tpu.memory_space<vmem>>[vector<16xi32>], vector<16xi32>,
          %add3A_322 = arith.addi %gather3A_321, %unique3A_320 : vector<16xi32>
          %sub3A_323 = arith.constant 1 : i32
          %sub3A_324 = vector.broadcast %sub3A_323 : i32 to vector<16xi32>
          %sub3A_325 = arith.subi %add3A_322, %sub3A_324 : vector<16xi32>
          tpu.vector_store_idx %arg4[%sub3A_325], %get3A_283 : memref<65552xi32, #tpu.memory_space<vmem>>[vector<16xi32>], vector<16xi32>,
          tpu.vector_store_idx %arg9[%shift_right_logical3A_316], %unique3A_320 masked %unique3A_319 {add = true} : memref<2048xi32, #tpu.memory_space<vmem>>[vector<16xi32>], vector<16xi32>, vector<16xi1>
          %shift_right_logical3A_326 = arith.constant 22 : i32
          %shift_right_logical3A_327 = vector.broadcast %shift_right_logical3A_326 : i32 to vector<16xi32>
          %shift_right_logical3A_328 = arith.shrui %get3A_289, %shift_right_logical3A_327 : vector<16xi32>
          %broadcast_in_dim3A_329 = arith.constant true
          %broadcast_in_dim3A_330 = vector.broadcast %broadcast_in_dim3A_329 : i1 to vector<16xi1>
          %unique3A_331, %unique3A_332 = tpu.scan_count mask(%broadcast_in_dim3A_330 : vector<16xi1>) value(%shift_right_logical3A_328 : vector<16xi32>) : vector<16xi1>, vector<16xi32>
          %gather3A_333 = tpu.vector_load_idx %arg10[%shift_right_logical3A_328] : memref<2048xi32, #tpu.memory_space<vmem>>[vector<16xi32>], vector<16xi32>,
          %add3A_334 = arith.addi %gather3A_333, %unique3A_332 : vector<16xi32>
          %sub3A_335 = arith.constant 1 : i32
          %sub3A_336 = vector.broadcast %sub3A_335 : i32 to vector<16xi32>
          %sub3A_337 = arith.subi %add3A_334, %sub3A_336 : vector<16xi32>
          tpu.vector_store_idx %arg4[%sub3A_337], %get3A_289 : memref<65552xi32, #tpu.memory_space<vmem>>[vector<16xi32>], vector<16xi32>,
          tpu.vector_store_idx %arg10[%shift_right_logical3A_328], %unique3A_332 masked %unique3A_331 {add = true} : memref<2048xi32, #tpu.memory_space<vmem>>[vector<16xi32>], vector<16xi32>, vector<16xi1>
          %scan3A_338 = arith.constant 0 : i32
          %scan3A_339 = arith.constant 3 : i32
          %scan3A_340 = arith.addi %scan3A_120, %scan3A_339 : i32
          %mul3A_341 = arith.constant 16 : i32
          %mul3A_342 = arith.muli %scan3A_340, %mul3A_341 : i32
          %add3A_343 = arith.constant 0 : i32
          %add3A_344 = arith.addi %add3A_343, %mul3A_342 : i32
          %get3A_345 = arith.index_cast %add3A_344 : i32 to index
          %get3A_346 = tpu.vector_load %arg5[%get3A_345] {strides = array<i32>} : memref<16384xi32, #tpu.memory_space<vmem>>, vector<16xi32>,
          %mul3A_347 = arith.constant 16 : i32
          %mul3A_348 = arith.muli %scan3A_340, %mul3A_347 : i32
          %add3A_349 = arith.constant 4096 : i32
          %add3A_350 = arith.addi %add3A_349, %mul3A_348 : i32
          %get3A_351 = arith.index_cast %add3A_350 : i32 to index
          %get3A_352 = tpu.vector_load %arg5[%get3A_351] {strides = array<i32>} : memref<16384xi32, #tpu.memory_space<vmem>>, vector<16xi32>,
          %mul3A_353 = arith.constant 16 : i32
          %mul3A_354 = arith.muli %scan3A_340, %mul3A_353 : i32
          %add3A_355 = arith.constant 8192 : i32
          %add3A_356 = arith.addi %add3A_355, %mul3A_354 : i32
          %get3A_357 = arith.index_cast %add3A_356 : i32 to index
          %get3A_358 = tpu.vector_load %arg5[%get3A_357] {strides = array<i32>} : memref<16384xi32, #tpu.memory_space<vmem>>, vector<16xi32>,
          %mul3A_359 = arith.constant 16 : i32
          %mul3A_360 = arith.muli %scan3A_340, %mul3A_359 : i32
          %add3A_361 = arith.constant 12288 : i32
          %add3A_362 = arith.addi %add3A_361, %mul3A_360 : i32
          %get3A_363 = arith.index_cast %add3A_362 : i32 to index
          %get3A_364 = tpu.vector_load %arg5[%get3A_363] {strides = array<i32>} : memref<16384xi32, #tpu.memory_space<vmem>>, vector<16xi32>,
          %shift_right_logical3A_365 = arith.constant 22 : i32
          %shift_right_logical3A_366 = vector.broadcast %shift_right_logical3A_365 : i32 to vector<16xi32>
          %shift_right_logical3A_367 = arith.shrui %get3A_346, %shift_right_logical3A_366 : vector<16xi32>
          %broadcast_in_dim3A_368 = arith.constant true
          %broadcast_in_dim3A_369 = vector.broadcast %broadcast_in_dim3A_368 : i1 to vector<16xi1>
          %unique3A_370, %unique3A_371 = tpu.scan_count mask(%broadcast_in_dim3A_369 : vector<16xi1>) value(%shift_right_logical3A_367 : vector<16xi32>) : vector<16xi1>, vector<16xi32>
          %gather3A_372 = tpu.vector_load_idx %arg7[%shift_right_logical3A_367] : memref<2048xi32, #tpu.memory_space<vmem>>[vector<16xi32>], vector<16xi32>,
          %add3A_373 = arith.addi %gather3A_372, %unique3A_371 : vector<16xi32>
          %sub3A_374 = arith.constant 1 : i32
          %sub3A_375 = vector.broadcast %sub3A_374 : i32 to vector<16xi32>
          %sub3A_376 = arith.subi %add3A_373, %sub3A_375 : vector<16xi32>
          tpu.vector_store_idx %arg4[%sub3A_376], %get3A_346 : memref<65552xi32, #tpu.memory_space<vmem>>[vector<16xi32>], vector<16xi32>,
          tpu.vector_store_idx %arg7[%shift_right_logical3A_367], %unique3A_371 masked %unique3A_370 {add = true} : memref<2048xi32, #tpu.memory_space<vmem>>[vector<16xi32>], vector<16xi32>, vector<16xi1>
          %shift_right_logical3A_377 = arith.constant 22 : i32
          %shift_right_logical3A_378 = vector.broadcast %shift_right_logical3A_377 : i32 to vector<16xi32>
          %shift_right_logical3A_379 = arith.shrui %get3A_352, %shift_right_logical3A_378 : vector<16xi32>
          %broadcast_in_dim3A_380 = arith.constant true
          %broadcast_in_dim3A_381 = vector.broadcast %broadcast_in_dim3A_380 : i1 to vector<16xi1>
          %unique3A_382, %unique3A_383 = tpu.scan_count mask(%broadcast_in_dim3A_381 : vector<16xi1>) value(%shift_right_logical3A_379 : vector<16xi32>) : vector<16xi1>, vector<16xi32>
          %gather3A_384 = tpu.vector_load_idx %arg8[%shift_right_logical3A_379] : memref<2048xi32, #tpu.memory_space<vmem>>[vector<16xi32>], vector<16xi32>,
          %add3A_385 = arith.addi %gather3A_384, %unique3A_383 : vector<16xi32>
          %sub3A_386 = arith.constant 1 : i32
          %sub3A_387 = vector.broadcast %sub3A_386 : i32 to vector<16xi32>
          %sub3A_388 = arith.subi %add3A_385, %sub3A_387 : vector<16xi32>
          tpu.vector_store_idx %arg4[%sub3A_388], %get3A_352 : memref<65552xi32, #tpu.memory_space<vmem>>[vector<16xi32>], vector<16xi32>,
          tpu.vector_store_idx %arg8[%shift_right_logical3A_379], %unique3A_383 masked %unique3A_382 {add = true} : memref<2048xi32, #tpu.memory_space<vmem>>[vector<16xi32>], vector<16xi32>, vector<16xi1>
          %shift_right_logical3A_389 = arith.constant 22 : i32
          %shift_right_logical3A_390 = vector.broadcast %shift_right_logical3A_389 : i32 to vector<16xi32>
          %shift_right_logical3A_391 = arith.shrui %get3A_358, %shift_right_logical3A_390 : vector<16xi32>
          %broadcast_in_dim3A_392 = arith.constant true
          %broadcast_in_dim3A_393 = vector.broadcast %broadcast_in_dim3A_392 : i1 to vector<16xi1>
          %unique3A_394, %unique3A_395 = tpu.scan_count mask(%broadcast_in_dim3A_393 : vector<16xi1>) value(%shift_right_logical3A_391 : vector<16xi32>) : vector<16xi1>, vector<16xi32>
          %gather3A_396 = tpu.vector_load_idx %arg9[%shift_right_logical3A_391] : memref<2048xi32, #tpu.memory_space<vmem>>[vector<16xi32>], vector<16xi32>,
          %add3A_397 = arith.addi %gather3A_396, %unique3A_395 : vector<16xi32>
          %sub3A_398 = arith.constant 1 : i32
          %sub3A_399 = vector.broadcast %sub3A_398 : i32 to vector<16xi32>
          %sub3A_400 = arith.subi %add3A_397, %sub3A_399 : vector<16xi32>
          tpu.vector_store_idx %arg4[%sub3A_400], %get3A_358 : memref<65552xi32, #tpu.memory_space<vmem>>[vector<16xi32>], vector<16xi32>,
          tpu.vector_store_idx %arg9[%shift_right_logical3A_391], %unique3A_395 masked %unique3A_394 {add = true} : memref<2048xi32, #tpu.memory_space<vmem>>[vector<16xi32>], vector<16xi32>, vector<16xi1>
          %shift_right_logical3A_401 = arith.constant 22 : i32
          %shift_right_logical3A_402 = vector.broadcast %shift_right_logical3A_401 : i32 to vector<16xi32>
          %shift_right_logical3A_403 = arith.shrui %get3A_364, %shift_right_logical3A_402 : vector<16xi32>
          %broadcast_in_dim3A_404 = arith.constant true
          %broadcast_in_dim3A_405 = vector.broadcast %broadcast_in_dim3A_404 : i1 to vector<16xi1>
          %unique3A_406, %unique3A_407 = tpu.scan_count mask(%broadcast_in_dim3A_405 : vector<16xi1>) value(%shift_right_logical3A_403 : vector<16xi32>) : vector<16xi1>, vector<16xi32>
          %gather3A_408 = tpu.vector_load_idx %arg10[%shift_right_logical3A_403] : memref<2048xi32, #tpu.memory_space<vmem>>[vector<16xi32>], vector<16xi32>,
          %add3A_409 = arith.addi %gather3A_408, %unique3A_407 : vector<16xi32>
          %sub3A_410 = arith.constant 1 : i32
          %sub3A_411 = vector.broadcast %sub3A_410 : i32 to vector<16xi32>
          %sub3A_412 = arith.subi %add3A_409, %sub3A_411 : vector<16xi32>
          tpu.vector_store_idx %arg4[%sub3A_412], %get3A_364 : memref<65552xi32, #tpu.memory_space<vmem>>[vector<16xi32>], vector<16xi32>,
          tpu.vector_store_idx %arg10[%shift_right_logical3A_403], %unique3A_407 masked %unique3A_406 {add = true} : memref<2048xi32, #tpu.memory_space<vmem>>[vector<16xi32>], vector<16xi32>, vector<16xi1>
          %scan3A_413 = arith.constant 0 : i32
          %scan3A_414 = arith.constant 4 : i32
          %scan3A_415 = arith.addi %scan3A_120, %scan3A_414 : i32
          %mul3A_416 = arith.constant 16 : i32
          %mul3A_417 = arith.muli %scan3A_415, %mul3A_416 : i32
          %add3A_418 = arith.constant 0 : i32
          %add3A_419 = arith.addi %add3A_418, %mul3A_417 : i32
          %get3A_420 = arith.index_cast %add3A_419 : i32 to index
          %get3A_421 = tpu.vector_load %arg5[%get3A_420] {strides = array<i32>} : memref<16384xi32, #tpu.memory_space<vmem>>, vector<16xi32>,
          %mul3A_422 = arith.constant 16 : i32
          %mul3A_423 = arith.muli %scan3A_415, %mul3A_422 : i32
          %add3A_424 = arith.constant 4096 : i32
          %add3A_425 = arith.addi %add3A_424, %mul3A_423 : i32
          %get3A_426 = arith.index_cast %add3A_425 : i32 to index
          %get3A_427 = tpu.vector_load %arg5[%get3A_426] {strides = array<i32>} : memref<16384xi32, #tpu.memory_space<vmem>>, vector<16xi32>,
          %mul3A_428 = arith.constant 16 : i32
          %mul3A_429 = arith.muli %scan3A_415, %mul3A_428 : i32
          %add3A_430 = arith.constant 8192 : i32
          %add3A_431 = arith.addi %add3A_430, %mul3A_429 : i32
          %get3A_432 = arith.index_cast %add3A_431 : i32 to index
          %get3A_433 = tpu.vector_load %arg5[%get3A_432] {strides = array<i32>} : memref<16384xi32, #tpu.memory_space<vmem>>, vector<16xi32>,
          %mul3A_434 = arith.constant 16 : i32
          %mul3A_435 = arith.muli %scan3A_415, %mul3A_434 : i32
          %add3A_436 = arith.constant 12288 : i32
          %add3A_437 = arith.addi %add3A_436, %mul3A_435 : i32
          %get3A_438 = arith.index_cast %add3A_437 : i32 to index
          %get3A_439 = tpu.vector_load %arg5[%get3A_438] {strides = array<i32>} : memref<16384xi32, #tpu.memory_space<vmem>>, vector<16xi32>,
          %shift_right_logical3A_440 = arith.constant 22 : i32
          %shift_right_logical3A_441 = vector.broadcast %shift_right_logical3A_440 : i32 to vector<16xi32>
          %shift_right_logical3A_442 = arith.shrui %get3A_421, %shift_right_logical3A_441 : vector<16xi32>
          %broadcast_in_dim3A_443 = arith.constant true
          %broadcast_in_dim3A_444 = vector.broadcast %broadcast_in_dim3A_443 : i1 to vector<16xi1>
          %unique3A_445, %unique3A_446 = tpu.scan_count mask(%broadcast_in_dim3A_444 : vector<16xi1>) value(%shift_right_logical3A_442 : vector<16xi32>) : vector<16xi1>, vector<16xi32>
          %gather3A_447 = tpu.vector_load_idx %arg7[%shift_right_logical3A_442] : memref<2048xi32, #tpu.memory_space<vmem>>[vector<16xi32>], vector<16xi32>,
          %add3A_448 = arith.addi %gather3A_447, %unique3A_446 : vector<16xi32>
          %sub3A_449 = arith.constant 1 : i32
          %sub3A_450 = vector.broadcast %sub3A_449 : i32 to vector<16xi32>
          %sub3A_451 = arith.subi %add3A_448, %sub3A_450 : vector<16xi32>
          tpu.vector_store_idx %arg4[%sub3A_451], %get3A_421 : memref<65552xi32, #tpu.memory_space<vmem>>[vector<16xi32>], vector<16xi32>,
          tpu.vector_store_idx %arg7[%shift_right_logical3A_442], %unique3A_446 masked %unique3A_445 {add = true} : memref<2048xi32, #tpu.memory_space<vmem>>[vector<16xi32>], vector<16xi32>, vector<16xi1>
          %shift_right_logical3A_452 = arith.constant 22 : i32
          %shift_right_logical3A_453 = vector.broadcast %shift_right_logical3A_452 : i32 to vector<16xi32>
          %shift_right_logical3A_454 = arith.shrui %get3A_427, %shift_right_logical3A_453 : vector<16xi32>
          %broadcast_in_dim3A_455 = arith.constant true
          %broadcast_in_dim3A_456 = vector.broadcast %broadcast_in_dim3A_455 : i1 to vector<16xi1>
          %unique3A_457, %unique3A_458 = tpu.scan_count mask(%broadcast_in_dim3A_456 : vector<16xi1>) value(%shift_right_logical3A_454 : vector<16xi32>) : vector<16xi1>, vector<16xi32>
          %gather3A_459 = tpu.vector_load_idx %arg8[%shift_right_logical3A_454] : memref<2048xi32, #tpu.memory_space<vmem>>[vector<16xi32>], vector<16xi32>,
          %add3A_460 = arith.addi %gather3A_459, %unique3A_458 : vector<16xi32>
          %sub3A_461 = arith.constant 1 : i32
          %sub3A_462 = vector.broadcast %sub3A_461 : i32 to vector<16xi32>
          %sub3A_463 = arith.subi %add3A_460, %sub3A_462 : vector<16xi32>
          tpu.vector_store_idx %arg4[%sub3A_463], %get3A_427 : memref<65552xi32, #tpu.memory_space<vmem>>[vector<16xi32>], vector<16xi32>,
          tpu.vector_store_idx %arg8[%shift_right_logical3A_454], %unique3A_458 masked %unique3A_457 {add = true} : memref<2048xi32, #tpu.memory_space<vmem>>[vector<16xi32>], vector<16xi32>, vector<16xi1>
          %shift_right_logical3A_464 = arith.constant 22 : i32
          %shift_right_logical3A_465 = vector.broadcast %shift_right_logical3A_464 : i32 to vector<16xi32>
          %shift_right_logical3A_466 = arith.shrui %get3A_433, %shift_right_logical3A_465 : vector<16xi32>
          %broadcast_in_dim3A_467 = arith.constant true
          %broadcast_in_dim3A_468 = vector.broadcast %broadcast_in_dim3A_467 : i1 to vector<16xi1>
          %unique3A_469, %unique3A_470 = tpu.scan_count mask(%broadcast_in_dim3A_468 : vector<16xi1>) value(%shift_right_logical3A_466 : vector<16xi32>) : vector<16xi1>, vector<16xi32>
          %gather3A_471 = tpu.vector_load_idx %arg9[%shift_right_logical3A_466] : memref<2048xi32, #tpu.memory_space<vmem>>[vector<16xi32>], vector<16xi32>,
          %add3A_472 = arith.addi %gather3A_471, %unique3A_470 : vector<16xi32>
          %sub3A_473 = arith.constant 1 : i32
          %sub3A_474 = vector.broadcast %sub3A_473 : i32 to vector<16xi32>
          %sub3A_475 = arith.subi %add3A_472, %sub3A_474 : vector<16xi32>
          tpu.vector_store_idx %arg4[%sub3A_475], %get3A_433 : memref<65552xi32, #tpu.memory_space<vmem>>[vector<16xi32>], vector<16xi32>,
          tpu.vector_store_idx %arg9[%shift_right_logical3A_466], %unique3A_470 masked %unique3A_469 {add = true} : memref<2048xi32, #tpu.memory_space<vmem>>[vector<16xi32>], vector<16xi32>, vector<16xi1>
          %shift_right_logical3A_476 = arith.constant 22 : i32
          %shift_right_logical3A_477 = vector.broadcast %shift_right_logical3A_476 : i32 to vector<16xi32>
          %shift_right_logical3A_478 = arith.shrui %get3A_439, %shift_right_logical3A_477 : vector<16xi32>
          %broadcast_in_dim3A_479 = arith.constant true
          %broadcast_in_dim3A_480 = vector.broadcast %broadcast_in_dim3A_479 : i1 to vector<16xi1>
          %unique3A_481, %unique3A_482 = tpu.scan_count mask(%broadcast_in_dim3A_480 : vector<16xi1>) value(%shift_right_logical3A_478 : vector<16xi32>) : vector<16xi1>, vector<16xi32>
          %gather3A_483 = tpu.vector_load_idx %arg10[%shift_right_logical3A_478] : memref<2048xi32, #tpu.memory_space<vmem>>[vector<16xi32>], vector<16xi32>,
          %add3A_484 = arith.addi %gather3A_483, %unique3A_482 : vector<16xi32>
          %sub3A_485 = arith.constant 1 : i32
          %sub3A_486 = vector.broadcast %sub3A_485 : i32 to vector<16xi32>
          %sub3A_487 = arith.subi %add3A_484, %sub3A_486 : vector<16xi32>
          tpu.vector_store_idx %arg4[%sub3A_487], %get3A_439 : memref<65552xi32, #tpu.memory_space<vmem>>[vector<16xi32>], vector<16xi32>,
          tpu.vector_store_idx %arg10[%shift_right_logical3A_478], %unique3A_482 masked %unique3A_481 {add = true} : memref<2048xi32, #tpu.memory_space<vmem>>[vector<16xi32>], vector<16xi32>, vector<16xi1>
          %scan3A_488 = arith.constant 0 : i32
          %scan3A_489 = arith.constant 5 : i32
          %scan3A_490 = arith.addi %scan3A_120, %scan3A_489 : i32
          %mul3A_491 = arith.constant 16 : i32
          %mul3A_492 = arith.muli %scan3A_490, %mul3A_491 : i32
          %add3A_493 = arith.constant 0 : i32
          %add3A_494 = arith.addi %add3A_493, %mul3A_492 : i32
          %get3A_495 = arith.index_cast %add3A_494 : i32 to index
          %get3A_496 = tpu.vector_load %arg5[%get3A_495] {strides = array<i32>} : memref<16384xi32, #tpu.memory_space<vmem>>, vector<16xi32>,
          %mul3A_497 = arith.constant 16 : i32
          %mul3A_498 = arith.muli %scan3A_490, %mul3A_497 : i32
          %add3A_499 = arith.constant 4096 : i32
          %add3A_500 = arith.addi %add3A_499, %mul3A_498 : i32
          %get3A_501 = arith.index_cast %add3A_500 : i32 to index
          %get3A_502 = tpu.vector_load %arg5[%get3A_501] {strides = array<i32>} : memref<16384xi32, #tpu.memory_space<vmem>>, vector<16xi32>,
          %mul3A_503 = arith.constant 16 : i32
          %mul3A_504 = arith.muli %scan3A_490, %mul3A_503 : i32
          %add3A_505 = arith.constant 8192 : i32
          %add3A_506 = arith.addi %add3A_505, %mul3A_504 : i32
          %get3A_507 = arith.index_cast %add3A_506 : i32 to index
          %get3A_508 = tpu.vector_load %arg5[%get3A_507] {strides = array<i32>} : memref<16384xi32, #tpu.memory_space<vmem>>, vector<16xi32>,
          %mul3A_509 = arith.constant 16 : i32
          %mul3A_510 = arith.muli %scan3A_490, %mul3A_509 : i32
          %add3A_511 = arith.constant 12288 : i32
          %add3A_512 = arith.addi %add3A_511, %mul3A_510 : i32
          %get3A_513 = arith.index_cast %add3A_512 : i32 to index
          %get3A_514 = tpu.vector_load %arg5[%get3A_513] {strides = array<i32>} : memref<16384xi32, #tpu.memory_space<vmem>>, vector<16xi32>,
          %shift_right_logical3A_515 = arith.constant 22 : i32
          %shift_right_logical3A_516 = vector.broadcast %shift_right_logical3A_515 : i32 to vector<16xi32>
          %shift_right_logical3A_517 = arith.shrui %get3A_496, %shift_right_logical3A_516 : vector<16xi32>
          %broadcast_in_dim3A_518 = arith.constant true
          %broadcast_in_dim3A_519 = vector.broadcast %broadcast_in_dim3A_518 : i1 to vector<16xi1>
          %unique3A_520, %unique3A_521 = tpu.scan_count mask(%broadcast_in_dim3A_519 : vector<16xi1>) value(%shift_right_logical3A_517 : vector<16xi32>) : vector<16xi1>, vector<16xi32>
          %gather3A_522 = tpu.vector_load_idx %arg7[%shift_right_logical3A_517] : memref<2048xi32, #tpu.memory_space<vmem>>[vector<16xi32>], vector<16xi32>,
          %add3A_523 = arith.addi %gather3A_522, %unique3A_521 : vector<16xi32>
          %sub3A_524 = arith.constant 1 : i32
          %sub3A_525 = vector.broadcast %sub3A_524 : i32 to vector<16xi32>
          %sub3A_526 = arith.subi %add3A_523, %sub3A_525 : vector<16xi32>
          tpu.vector_store_idx %arg4[%sub3A_526], %get3A_496 : memref<65552xi32, #tpu.memory_space<vmem>>[vector<16xi32>], vector<16xi32>,
          tpu.vector_store_idx %arg7[%shift_right_logical3A_517], %unique3A_521 masked %unique3A_520 {add = true} : memref<2048xi32, #tpu.memory_space<vmem>>[vector<16xi32>], vector<16xi32>, vector<16xi1>
          %shift_right_logical3A_527 = arith.constant 22 : i32
          %shift_right_logical3A_528 = vector.broadcast %shift_right_logical3A_527 : i32 to vector<16xi32>
          %shift_right_logical3A_529 = arith.shrui %get3A_502, %shift_right_logical3A_528 : vector<16xi32>
          %broadcast_in_dim3A_530 = arith.constant true
          %broadcast_in_dim3A_531 = vector.broadcast %broadcast_in_dim3A_530 : i1 to vector<16xi1>
          %unique3A_532, %unique3A_533 = tpu.scan_count mask(%broadcast_in_dim3A_531 : vector<16xi1>) value(%shift_right_logical3A_529 : vector<16xi32>) : vector<16xi1>, vector<16xi32>
          %gather3A_534 = tpu.vector_load_idx %arg8[%shift_right_logical3A_529] : memref<2048xi32, #tpu.memory_space<vmem>>[vector<16xi32>], vector<16xi32>,
          %add3A_535 = arith.addi %gather3A_534, %unique3A_533 : vector<16xi32>
          %sub3A_536 = arith.constant 1 : i32
          %sub3A_537 = vector.broadcast %sub3A_536 : i32 to vector<16xi32>
          %sub3A_538 = arith.subi %add3A_535, %sub3A_537 : vector<16xi32>
          tpu.vector_store_idx %arg4[%sub3A_538], %get3A_502 : memref<65552xi32, #tpu.memory_space<vmem>>[vector<16xi32>], vector<16xi32>,
          tpu.vector_store_idx %arg8[%shift_right_logical3A_529], %unique3A_533 masked %unique3A_532 {add = true} : memref<2048xi32, #tpu.memory_space<vmem>>[vector<16xi32>], vector<16xi32>, vector<16xi1>
          %shift_right_logical3A_539 = arith.constant 22 : i32
          %shift_right_logical3A_540 = vector.broadcast %shift_right_logical3A_539 : i32 to vector<16xi32>
          %shift_right_logical3A_541 = arith.shrui %get3A_508, %shift_right_logical3A_540 : vector<16xi32>
          %broadcast_in_dim3A_542 = arith.constant true
          %broadcast_in_dim3A_543 = vector.broadcast %broadcast_in_dim3A_542 : i1 to vector<16xi1>
          %unique3A_544, %unique3A_545 = tpu.scan_count mask(%broadcast_in_dim3A_543 : vector<16xi1>) value(%shift_right_logical3A_541 : vector<16xi32>) : vector<16xi1>, vector<16xi32>
          %gather3A_546 = tpu.vector_load_idx %arg9[%shift_right_logical3A_541] : memref<2048xi32, #tpu.memory_space<vmem>>[vector<16xi32>], vector<16xi32>,
          %add3A_547 = arith.addi %gather3A_546, %unique3A_545 : vector<16xi32>
          %sub3A_548 = arith.constant 1 : i32
          %sub3A_549 = vector.broadcast %sub3A_548 : i32 to vector<16xi32>
          %sub3A_550 = arith.subi %add3A_547, %sub3A_549 : vector<16xi32>
          tpu.vector_store_idx %arg4[%sub3A_550], %get3A_508 : memref<65552xi32, #tpu.memory_space<vmem>>[vector<16xi32>], vector<16xi32>,
          tpu.vector_store_idx %arg9[%shift_right_logical3A_541], %unique3A_545 masked %unique3A_544 {add = true} : memref<2048xi32, #tpu.memory_space<vmem>>[vector<16xi32>], vector<16xi32>, vector<16xi1>
          %shift_right_logical3A_551 = arith.constant 22 : i32
          %shift_right_logical3A_552 = vector.broadcast %shift_right_logical3A_551 : i32 to vector<16xi32>
          %shift_right_logical3A_553 = arith.shrui %get3A_514, %shift_right_logical3A_552 : vector<16xi32>
          %broadcast_in_dim3A_554 = arith.constant true
          %broadcast_in_dim3A_555 = vector.broadcast %broadcast_in_dim3A_554 : i1 to vector<16xi1>
          %unique3A_556, %unique3A_557 = tpu.scan_count mask(%broadcast_in_dim3A_555 : vector<16xi1>) value(%shift_right_logical3A_553 : vector<16xi32>) : vector<16xi1>, vector<16xi32>
          %gather3A_558 = tpu.vector_load_idx %arg10[%shift_right_logical3A_553] : memref<2048xi32, #tpu.memory_space<vmem>>[vector<16xi32>], vector<16xi32>,
          %add3A_559 = arith.addi %gather3A_558, %unique3A_557 : vector<16xi32>
          %sub3A_560 = arith.constant 1 : i32
          %sub3A_561 = vector.broadcast %sub3A_560 : i32 to vector<16xi32>
          %sub3A_562 = arith.subi %add3A_559, %sub3A_561 : vector<16xi32>
          tpu.vector_store_idx %arg4[%sub3A_562], %get3A_514 : memref<65552xi32, #tpu.memory_space<vmem>>[vector<16xi32>], vector<16xi32>,
          tpu.vector_store_idx %arg10[%shift_right_logical3A_553], %unique3A_557 masked %unique3A_556 {add = true} : memref<2048xi32, #tpu.memory_space<vmem>>[vector<16xi32>], vector<16xi32>, vector<16xi1>
          %scan3A_563 = arith.constant 0 : i32
          %scan3A_564 = arith.constant 6 : i32
          %scan3A_565 = arith.addi %scan3A_120, %scan3A_564 : i32
          %mul3A_566 = arith.constant 16 : i32
          %mul3A_567 = arith.muli %scan3A_565, %mul3A_566 : i32
          %add3A_568 = arith.constant 0 : i32
          %add3A_569 = arith.addi %add3A_568, %mul3A_567 : i32
          %get3A_570 = arith.index_cast %add3A_569 : i32 to index
          %get3A_571 = tpu.vector_load %arg5[%get3A_570] {strides = array<i32>} : memref<16384xi32, #tpu.memory_space<vmem>>, vector<16xi32>,
          %mul3A_572 = arith.constant 16 : i32
          %mul3A_573 = arith.muli %scan3A_565, %mul3A_572 : i32
          %add3A_574 = arith.constant 4096 : i32
          %add3A_575 = arith.addi %add3A_574, %mul3A_573 : i32
          %get3A_576 = arith.index_cast %add3A_575 : i32 to index
          %get3A_577 = tpu.vector_load %arg5[%get3A_576] {strides = array<i32>} : memref<16384xi32, #tpu.memory_space<vmem>>, vector<16xi32>,
          %mul3A_578 = arith.constant 16 : i32
          %mul3A_579 = arith.muli %scan3A_565, %mul3A_578 : i32
          %add3A_580 = arith.constant 8192 : i32
          %add3A_581 = arith.addi %add3A_580, %mul3A_579 : i32
          %get3A_582 = arith.index_cast %add3A_581 : i32 to index
          %get3A_583 = tpu.vector_load %arg5[%get3A_582] {strides = array<i32>} : memref<16384xi32, #tpu.memory_space<vmem>>, vector<16xi32>,
          %mul3A_584 = arith.constant 16 : i32
          %mul3A_585 = arith.muli %scan3A_565, %mul3A_584 : i32
          %add3A_586 = arith.constant 12288 : i32
          %add3A_587 = arith.addi %add3A_586, %mul3A_585 : i32
          %get3A_588 = arith.index_cast %add3A_587 : i32 to index
          %get3A_589 = tpu.vector_load %arg5[%get3A_588] {strides = array<i32>} : memref<16384xi32, #tpu.memory_space<vmem>>, vector<16xi32>,
          %shift_right_logical3A_590 = arith.constant 22 : i32
          %shift_right_logical3A_591 = vector.broadcast %shift_right_logical3A_590 : i32 to vector<16xi32>
          %shift_right_logical3A_592 = arith.shrui %get3A_571, %shift_right_logical3A_591 : vector<16xi32>
          %broadcast_in_dim3A_593 = arith.constant true
          %broadcast_in_dim3A_594 = vector.broadcast %broadcast_in_dim3A_593 : i1 to vector<16xi1>
          %unique3A_595, %unique3A_596 = tpu.scan_count mask(%broadcast_in_dim3A_594 : vector<16xi1>) value(%shift_right_logical3A_592 : vector<16xi32>) : vector<16xi1>, vector<16xi32>
          %gather3A_597 = tpu.vector_load_idx %arg7[%shift_right_logical3A_592] : memref<2048xi32, #tpu.memory_space<vmem>>[vector<16xi32>], vector<16xi32>,
          %add3A_598 = arith.addi %gather3A_597, %unique3A_596 : vector<16xi32>
          %sub3A_599 = arith.constant 1 : i32
          %sub3A_600 = vector.broadcast %sub3A_599 : i32 to vector<16xi32>
          %sub3A_601 = arith.subi %add3A_598, %sub3A_600 : vector<16xi32>
          tpu.vector_store_idx %arg4[%sub3A_601], %get3A_571 : memref<65552xi32, #tpu.memory_space<vmem>>[vector<16xi32>], vector<16xi32>,
          tpu.vector_store_idx %arg7[%shift_right_logical3A_592], %unique3A_596 masked %unique3A_595 {add = true} : memref<2048xi32, #tpu.memory_space<vmem>>[vector<16xi32>], vector<16xi32>, vector<16xi1>
          %shift_right_logical3A_602 = arith.constant 22 : i32
          %shift_right_logical3A_603 = vector.broadcast %shift_right_logical3A_602 : i32 to vector<16xi32>
          %shift_right_logical3A_604 = arith.shrui %get3A_577, %shift_right_logical3A_603 : vector<16xi32>
          %broadcast_in_dim3A_605 = arith.constant true
          %broadcast_in_dim3A_606 = vector.broadcast %broadcast_in_dim3A_605 : i1 to vector<16xi1>
          %unique3A_607, %unique3A_608 = tpu.scan_count mask(%broadcast_in_dim3A_606 : vector<16xi1>) value(%shift_right_logical3A_604 : vector<16xi32>) : vector<16xi1>, vector<16xi32>
          %gather3A_609 = tpu.vector_load_idx %arg8[%shift_right_logical3A_604] : memref<2048xi32, #tpu.memory_space<vmem>>[vector<16xi32>], vector<16xi32>,
          %add3A_610 = arith.addi %gather3A_609, %unique3A_608 : vector<16xi32>
          %sub3A_611 = arith.constant 1 : i32
          %sub3A_612 = vector.broadcast %sub3A_611 : i32 to vector<16xi32>
          %sub3A_613 = arith.subi %add3A_610, %sub3A_612 : vector<16xi32>
          tpu.vector_store_idx %arg4[%sub3A_613], %get3A_577 : memref<65552xi32, #tpu.memory_space<vmem>>[vector<16xi32>], vector<16xi32>,
          tpu.vector_store_idx %arg8[%shift_right_logical3A_604], %unique3A_608 masked %unique3A_607 {add = true} : memref<2048xi32, #tpu.memory_space<vmem>>[vector<16xi32>], vector<16xi32>, vector<16xi1>
          %shift_right_logical3A_614 = arith.constant 22 : i32
          %shift_right_logical3A_615 = vector.broadcast %shift_right_logical3A_614 : i32 to vector<16xi32>
          %shift_right_logical3A_616 = arith.shrui %get3A_583, %shift_right_logical3A_615 : vector<16xi32>
          %broadcast_in_dim3A_617 = arith.constant true
          %broadcast_in_dim3A_618 = vector.broadcast %broadcast_in_dim3A_617 : i1 to vector<16xi1>
          %unique3A_619, %unique3A_620 = tpu.scan_count mask(%broadcast_in_dim3A_618 : vector<16xi1>) value(%shift_right_logical3A_616 : vector<16xi32>) : vector<16xi1>, vector<16xi32>
          %gather3A_621 = tpu.vector_load_idx %arg9[%shift_right_logical3A_616] : memref<2048xi32, #tpu.memory_space<vmem>>[vector<16xi32>], vector<16xi32>,
          %add3A_622 = arith.addi %gather3A_621, %unique3A_620 : vector<16xi32>
          %sub3A_623 = arith.constant 1 : i32
          %sub3A_624 = vector.broadcast %sub3A_623 : i32 to vector<16xi32>
          %sub3A_625 = arith.subi %add3A_622, %sub3A_624 : vector<16xi32>
          tpu.vector_store_idx %arg4[%sub3A_625], %get3A_583 : memref<65552xi32, #tpu.memory_space<vmem>>[vector<16xi32>], vector<16xi32>,
          tpu.vector_store_idx %arg9[%shift_right_logical3A_616], %unique3A_620 masked %unique3A_619 {add = true} : memref<2048xi32, #tpu.memory_space<vmem>>[vector<16xi32>], vector<16xi32>, vector<16xi1>
          %shift_right_logical3A_626 = arith.constant 22 : i32
          %shift_right_logical3A_627 = vector.broadcast %shift_right_logical3A_626 : i32 to vector<16xi32>
          %shift_right_logical3A_628 = arith.shrui %get3A_589, %shift_right_logical3A_627 : vector<16xi32>
          %broadcast_in_dim3A_629 = arith.constant true
          %broadcast_in_dim3A_630 = vector.broadcast %broadcast_in_dim3A_629 : i1 to vector<16xi1>
          %unique3A_631, %unique3A_632 = tpu.scan_count mask(%broadcast_in_dim3A_630 : vector<16xi1>) value(%shift_right_logical3A_628 : vector<16xi32>) : vector<16xi1>, vector<16xi32>
          %gather3A_633 = tpu.vector_load_idx %arg10[%shift_right_logical3A_628] : memref<2048xi32, #tpu.memory_space<vmem>>[vector<16xi32>], vector<16xi32>,
          %add3A_634 = arith.addi %gather3A_633, %unique3A_632 : vector<16xi32>
          %sub3A_635 = arith.constant 1 : i32
          %sub3A_636 = vector.broadcast %sub3A_635 : i32 to vector<16xi32>
          %sub3A_637 = arith.subi %add3A_634, %sub3A_636 : vector<16xi32>
          tpu.vector_store_idx %arg4[%sub3A_637], %get3A_589 : memref<65552xi32, #tpu.memory_space<vmem>>[vector<16xi32>], vector<16xi32>,
          tpu.vector_store_idx %arg10[%shift_right_logical3A_628], %unique3A_632 masked %unique3A_631 {add = true} : memref<2048xi32, #tpu.memory_space<vmem>>[vector<16xi32>], vector<16xi32>, vector<16xi1>
          %scan3A_638 = arith.constant 0 : i32
          %scan3A_639 = arith.constant 7 : i32
          %scan3A_640 = arith.addi %scan3A_120, %scan3A_639 : i32
          %mul3A_641 = arith.constant 16 : i32
          %mul3A_642 = arith.muli %scan3A_640, %mul3A_641 : i32
          %add3A_643 = arith.constant 0 : i32
          %add3A_644 = arith.addi %add3A_643, %mul3A_642 : i32
          %get3A_645 = arith.index_cast %add3A_644 : i32 to index
          %get3A_646 = tpu.vector_load %arg5[%get3A_645] {strides = array<i32>} : memref<16384xi32, #tpu.memory_space<vmem>>, vector<16xi32>,
          %mul3A_647 = arith.constant 16 : i32
          %mul3A_648 = arith.muli %scan3A_640, %mul3A_647 : i32
          %add3A_649 = arith.constant 4096 : i32
          %add3A_650 = arith.addi %add3A_649, %mul3A_648 : i32
          %get3A_651 = arith.index_cast %add3A_650 : i32 to index
          %get3A_652 = tpu.vector_load %arg5[%get3A_651] {strides = array<i32>} : memref<16384xi32, #tpu.memory_space<vmem>>, vector<16xi32>,
          %mul3A_653 = arith.constant 16 : i32
          %mul3A_654 = arith.muli %scan3A_640, %mul3A_653 : i32
          %add3A_655 = arith.constant 8192 : i32
          %add3A_656 = arith.addi %add3A_655, %mul3A_654 : i32
          %get3A_657 = arith.index_cast %add3A_656 : i32 to index
          %get3A_658 = tpu.vector_load %arg5[%get3A_657] {strides = array<i32>} : memref<16384xi32, #tpu.memory_space<vmem>>, vector<16xi32>,
          %mul3A_659 = arith.constant 16 : i32
          %mul3A_660 = arith.muli %scan3A_640, %mul3A_659 : i32
          %add3A_661 = arith.constant 12288 : i32
          %add3A_662 = arith.addi %add3A_661, %mul3A_660 : i32
          %get3A_663 = arith.index_cast %add3A_662 : i32 to index
          %get3A_664 = tpu.vector_load %arg5[%get3A_663] {strides = array<i32>} : memref<16384xi32, #tpu.memory_space<vmem>>, vector<16xi32>,
          %shift_right_logical3A_665 = arith.constant 22 : i32
          %shift_right_logical3A_666 = vector.broadcast %shift_right_logical3A_665 : i32 to vector<16xi32>
          %shift_right_logical3A_667 = arith.shrui %get3A_646, %shift_right_logical3A_666 : vector<16xi32>
          %broadcast_in_dim3A_668 = arith.constant true
          %broadcast_in_dim3A_669 = vector.broadcast %broadcast_in_dim3A_668 : i1 to vector<16xi1>
          %unique3A_670, %unique3A_671 = tpu.scan_count mask(%broadcast_in_dim3A_669 : vector<16xi1>) value(%shift_right_logical3A_667 : vector<16xi32>) : vector<16xi1>, vector<16xi32>
          %gather3A_672 = tpu.vector_load_idx %arg7[%shift_right_logical3A_667] : memref<2048xi32, #tpu.memory_space<vmem>>[vector<16xi32>], vector<16xi32>,
          %add3A_673 = arith.addi %gather3A_672, %unique3A_671 : vector<16xi32>
          %sub3A_674 = arith.constant 1 : i32
          %sub3A_675 = vector.broadcast %sub3A_674 : i32 to vector<16xi32>
          %sub3A_676 = arith.subi %add3A_673, %sub3A_675 : vector<16xi32>
          tpu.vector_store_idx %arg4[%sub3A_676], %get3A_646 : memref<65552xi32, #tpu.memory_space<vmem>>[vector<16xi32>], vector<16xi32>,
          tpu.vector_store_idx %arg7[%shift_right_logical3A_667], %unique3A_671 masked %unique3A_670 {add = true} : memref<2048xi32, #tpu.memory_space<vmem>>[vector<16xi32>], vector<16xi32>, vector<16xi1>
          %shift_right_logical3A_677 = arith.constant 22 : i32
          %shift_right_logical3A_678 = vector.broadcast %shift_right_logical3A_677 : i32 to vector<16xi32>
          %shift_right_logical3A_679 = arith.shrui %get3A_652, %shift_right_logical3A_678 : vector<16xi32>
          %broadcast_in_dim3A_680 = arith.constant true
          %broadcast_in_dim3A_681 = vector.broadcast %broadcast_in_dim3A_680 : i1 to vector<16xi1>
          %unique3A_682, %unique3A_683 = tpu.scan_count mask(%broadcast_in_dim3A_681 : vector<16xi1>) value(%shift_right_logical3A_679 : vector<16xi32>) : vector<16xi1>, vector<16xi32>
          %gather3A_684 = tpu.vector_load_idx %arg8[%shift_right_logical3A_679] : memref<2048xi32, #tpu.memory_space<vmem>>[vector<16xi32>], vector<16xi32>,
          %add3A_685 = arith.addi %gather3A_684, %unique3A_683 : vector<16xi32>
          %sub3A_686 = arith.constant 1 : i32
          %sub3A_687 = vector.broadcast %sub3A_686 : i32 to vector<16xi32>
          %sub3A_688 = arith.subi %add3A_685, %sub3A_687 : vector<16xi32>
          tpu.vector_store_idx %arg4[%sub3A_688], %get3A_652 : memref<65552xi32, #tpu.memory_space<vmem>>[vector<16xi32>], vector<16xi32>,
          tpu.vector_store_idx %arg8[%shift_right_logical3A_679], %unique3A_683 masked %unique3A_682 {add = true} : memref<2048xi32, #tpu.memory_space<vmem>>[vector<16xi32>], vector<16xi32>, vector<16xi1>
          %shift_right_logical3A_689 = arith.constant 22 : i32
          %shift_right_logical3A_690 = vector.broadcast %shift_right_logical3A_689 : i32 to vector<16xi32>
          %shift_right_logical3A_691 = arith.shrui %get3A_658, %shift_right_logical3A_690 : vector<16xi32>
          %broadcast_in_dim3A_692 = arith.constant true
          %broadcast_in_dim3A_693 = vector.broadcast %broadcast_in_dim3A_692 : i1 to vector<16xi1>
          %unique3A_694, %unique3A_695 = tpu.scan_count mask(%broadcast_in_dim3A_693 : vector<16xi1>) value(%shift_right_logical3A_691 : vector<16xi32>) : vector<16xi1>, vector<16xi32>
          %gather3A_696 = tpu.vector_load_idx %arg9[%shift_right_logical3A_691] : memref<2048xi32, #tpu.memory_space<vmem>>[vector<16xi32>], vector<16xi32>,
          %add3A_697 = arith.addi %gather3A_696, %unique3A_695 : vector<16xi32>
          %sub3A_698 = arith.constant 1 : i32
          %sub3A_699 = vector.broadcast %sub3A_698 : i32 to vector<16xi32>
          %sub3A_700 = arith.subi %add3A_697, %sub3A_699 : vector<16xi32>
          tpu.vector_store_idx %arg4[%sub3A_700], %get3A_658 : memref<65552xi32, #tpu.memory_space<vmem>>[vector<16xi32>], vector<16xi32>,
          tpu.vector_store_idx %arg9[%shift_right_logical3A_691], %unique3A_695 masked %unique3A_694 {add = true} : memref<2048xi32, #tpu.memory_space<vmem>>[vector<16xi32>], vector<16xi32>, vector<16xi1>
          %shift_right_logical3A_701 = arith.constant 22 : i32
          %shift_right_logical3A_702 = vector.broadcast %shift_right_logical3A_701 : i32 to vector<16xi32>
          %shift_right_logical3A_703 = arith.shrui %get3A_664, %shift_right_logical3A_702 : vector<16xi32>
          %broadcast_in_dim3A_704 = arith.constant true
          %broadcast_in_dim3A_705 = vector.broadcast %broadcast_in_dim3A_704 : i1 to vector<16xi1>
          %unique3A_706, %unique3A_707 = tpu.scan_count mask(%broadcast_in_dim3A_705 : vector<16xi1>) value(%shift_right_logical3A_703 : vector<16xi32>) : vector<16xi1>, vector<16xi32>
          %gather3A_708 = tpu.vector_load_idx %arg10[%shift_right_logical3A_703] : memref<2048xi32, #tpu.memory_space<vmem>>[vector<16xi32>], vector<16xi32>,
          %add3A_709 = arith.addi %gather3A_708, %unique3A_707 : vector<16xi32>
          %sub3A_710 = arith.constant 1 : i32
          %sub3A_711 = vector.broadcast %sub3A_710 : i32 to vector<16xi32>
          %sub3A_712 = arith.subi %add3A_709, %sub3A_711 : vector<16xi32>
          tpu.vector_store_idx %arg4[%sub3A_712], %get3A_664 : memref<65552xi32, #tpu.memory_space<vmem>>[vector<16xi32>], vector<16xi32>,
          tpu.vector_store_idx %arg10[%shift_right_logical3A_703], %unique3A_707 masked %unique3A_706 {add = true} : memref<2048xi32, #tpu.memory_space<vmem>>[vector<16xi32>], vector<16xi32>, vector<16xi1>
          %scan3A_713 = arith.constant 0 : i32
          scf.yield %scan3A_713 : i32
        }
        %scan3A_118 = arith.constant 256 : i32
        %scan3A_119 = arith.constant 0 : i32
        scf.yield %scan3A_119 : i32
      }
      %scan3A_88 = arith.constant 4 : i32
      "tpu.region"() ({
        %run_scoped3A = tpu.sem_alloc : memref<!tpu.dma_semaphore, #tpu.memory_space<semaphore_mem>>
        %dma_start3A = arith.constant 0 : i32
        %dma_start3A_90 = tpu.memref_slice %arg4[%dma_start3A] : memref<65552xi32, #tpu.memory_space<vmem>> -> memref<65536xi32, #tpu.memory_space<vmem>>
        %dma_start3A_91 = tpu.memref_slice %arg3[%mul3A_13] : memref<16777216xi32, #tpu.memory_space<hbm>> -> memref<65536xi32, #tpu.memory_space<hbm>>
        %dma_start3A_92 = tpu.memref_slice %arg3[%mul3A_13] : memref<16777216xi32, #tpu.memory_space<hbm>> -> memref<65536xi32, #tpu.memory_space<hbm>>
        %dma_start3A_93 = arith.constant 0 : i32
        %dma_start3A_94 = tpu.memref_slice %arg4[%dma_start3A_93] : memref<65552xi32, #tpu.memory_space<vmem>> -> memref<65536xi32, #tpu.memory_space<vmem>>
        tpu.enqueue_dma source(%dma_start3A_94 : memref<65536xi32, #tpu.memory_space<vmem>>) target(%dma_start3A_92 : memref<65536xi32, #tpu.memory_space<hbm>>) target_semaphore(%run_scoped3A : memref<!tpu.dma_semaphore, #tpu.memory_space<semaphore_mem>>)
        %dma_wait3A = arith.constant 0 : i32
        %dma_wait3A_95 = tpu.memref_slice %arg4[%dma_wait3A] : memref<65552xi32, #tpu.memory_space<vmem>> -> memref<65536xi32, #tpu.memory_space<vmem>>
        %dma_wait3A_96 = tpu.memref_slice %arg3[%mul3A_13] : memref<16777216xi32, #tpu.memory_space<hbm>> -> memref<65536xi32, #tpu.memory_space<hbm>>
        %dma_wait3A_97 = tpu.memref_slice %arg3[%mul3A_13] : memref<16777216xi32, #tpu.memory_space<hbm>> -> memref<65536xi32, #tpu.memory_space<hbm>>
        %dma_wait3A_98 = arith.constant 0 : i32
        %dma_wait3A_99 = tpu.memref_slice %arg4[%dma_wait3A_98] : memref<65552xi32, #tpu.memory_space<vmem>> -> memref<65536xi32, #tpu.memory_space<vmem>>
        tpu.wait_dma2 semaphore(%run_scoped3A : memref<!tpu.dma_semaphore, #tpu.memory_space<semaphore_mem>>) src(%dma_wait3A_99 : memref<65536xi32, #tpu.memory_space<vmem>>) dst(%dma_wait3A_97 : memref<65536xi32, #tpu.memory_space<hbm>>)
        tpu.yield
      }) : () -> ()
      %scan3A_89 = arith.constant 0 : i32
      scf.yield %scan3A_89 : i32
    }
    %scan3A_6 = arith.constant 8 : i32
    return
  }
}

module attributes {stable_mosaic.version = 14 : i64} {
  func.func @_keys_body(%arg0: i32, %arg1: memref<2048x256xf32, #tpu.memory_space<vmem>>, %arg2: memref<256x2048xi32, #tpu.memory_space<vmem>>) attributes {dimension_semantics = [#tpu.dimension_semantics<arbitrary>], iteration_bounds = array<i64: 32>, scalar_prefetch = 0 : i64, scratch_operands = 0 : i64, tpu.core_type = #tpu.core_type<tc>, window_params = [{transform_indices = @transform_0, window_bounds = array<i64: 2048, 256>}, {transform_indices = @transform_1, window_bounds = array<i64: 256, 2048>}]} {
    %get3A = arith.constant 0 : index
    %get3A_0 = arith.constant 0 : index
    %get3A_1 = vector.load %arg1[%get3A, %get3A_0] : memref<2048x256xf32, #tpu.memory_space<vmem>>, vector<2048x256xf32>
    %bitcast_convert_type3A = tpu.bitcast %get3A_1 : vector<2048x256xf32> -> vector<2048x256xi32>
    %shift_right_arithmetic3A = arith.constant 31 : i32
    %shift_right_arithmetic3A_2 = vector.broadcast %shift_right_arithmetic3A : i32 to vector<2048x256xi32>
    %shift_right_arithmetic3A_3 = arith.shrsi %bitcast_convert_type3A, %shift_right_arithmetic3A_2 : vector<2048x256xi32>
    %or3A = arith.constant -2147483648 : i32
    %or3A_4 = vector.broadcast %or3A : i32 to vector<2048x256xi32>
    %or3A_5 = arith.ori %shift_right_arithmetic3A_3, %or3A_4 : vector<2048x256xi32>
    %xor3A = arith.xori %bitcast_convert_type3A, %or3A_5 : vector<2048x256xi32>
    %transpose3A = tpu.transpose %xor3A, [1, 0] : vector<2048x256xi32> -> vector<256x2048xi32>
    %swap3A = arith.constant 0 : index
    %swap3A_6 = arith.constant 0 : index
    %swap3A_7 = vector.load %arg2[%swap3A, %swap3A_6] : memref<256x2048xi32, #tpu.memory_space<vmem>>, vector<256x2048xi32>
    tpu.vector_store %arg2[%swap3A, %swap3A_6], %transpose3A {strides = array<i32>} : memref<256x2048xi32, #tpu.memory_space<vmem>>, vector<256x2048xi32>,
    return
  }
  func.func @transform_0(%arg0: i32) -> (i32, i32) {
    %c0_i32 = arith.constant 0 : i32
    %c0_i32_0 = arith.constant 0 : i32
    return %arg0, %c0_i32 : i32, i32
  }
  func.func @transform_1(%arg0: i32) -> (i32, i32) {
    %c0_i32 = arith.constant 0 : i32
    %c0_i32_0 = arith.constant 0 : i32
    return %c0_i32, %arg0 : i32, i32
  }
}

module attributes {stable_mosaic.version = 14 : i64} {
  func.func @_loss_body(%arg0: i32, %arg1: memref<8x65536xi32, #tpu.memory_space<vmem>>, %arg2: memref<1x1x8xf32, #tpu.memory_space<vmem>>, %arg3: memref<1x1x8xf32, #tpu.memory_space<vmem>>, %arg4: memref<1x1x8xf32, #tpu.memory_space<vmem>>, %arg5: memref<1xf32, #tpu.memory_space<vmem>>) attributes {dimension_semantics = [#tpu.dimension_semantics<arbitrary>], iteration_bounds = array<i64: 32>, scalar_prefetch = 0 : i64, scratch_operands = 0 : i64, tpu.core_type = #tpu.core_type<tc>, window_params = [{transform_indices = @transform_0, window_bounds = array<i64: 8, 65536>}, {transform_indices = @transform_1, window_bounds = array<i64: 1, 1, 8>}, {transform_indices = @transform_2, window_bounds = array<i64: 1, 1, 8>}, {transform_indices = @transform_3, window_bounds = array<i64: 1, 1, 8>}, {pipeline_mode = #tpu.pipeline_mode<synchronous>, transform_indices = @transform_4, window_bounds = array<i64: 1>}]} {
    %get3A = arith.constant 0 : index
    %get3A_0 = arith.constant 0 : index
    %get3A_1 = vector.load %arg1[%get3A, %get3A_0] : memref<8x65536xi32, #tpu.memory_space<vmem>>, vector<8x65536xi32>
    %lt3A = arith.constant 0 : i32
    %lt3A_2 = vector.broadcast %lt3A : i32 to vector<8x65536xi32>
    %lt3A_3 = arith.cmpi slt, %get3A_1, %lt3A_2 : vector<8x65536xi32>
    %xor3A = arith.constant -2147483648 : i32
    %xor3A_4 = vector.broadcast %xor3A : i32 to vector<8x65536xi32>
    %xor3A_5 = arith.xori %get3A_1, %xor3A_4 : vector<8x65536xi32>
    %not3A = arith.constant dense<-1> : vector<8x65536xi32>
    %not3A_6 = arith.xori %get3A_1, %not3A : vector<8x65536xi32>
    %select_n3A = arith.select %lt3A_3, %xor3A_5, %not3A_6 : vector<8x65536xi1>, vector<8x65536xi32>
    %bitcast_convert_type3A = tpu.bitcast %select_n3A : vector<8x65536xi32> -> vector<8x65536xf32>
    %get3A_7 = arith.constant 0 : index
    %get3A_8 = arith.constant 0 : index
    %get3A_9 = arith.constant 0 : index
    %get3A_10 = vector.load %arg2[%get3A_7, %get3A_8, %get3A_9] : memref<1x1x8xf32, #tpu.memory_space<vmem>>, vector<1x1x8xf32>
    %reshape3A = vector.shape_cast %get3A_10 : vector<1x1x8xf32> to vector<8x1xf32>
    %get3A_11 = arith.constant 0 : index
    %get3A_12 = arith.constant 0 : index
    %get3A_13 = arith.constant 0 : index
    %get3A_14 = vector.load %arg3[%get3A_11, %get3A_12, %get3A_13] : memref<1x1x8xf32, #tpu.memory_space<vmem>>, vector<1x1x8xf32>
    %reshape3A_15 = vector.shape_cast %get3A_14 : vector<1x1x8xf32> to vector<8x1xf32>
    %get3A_16 = arith.constant 0 : index
    %get3A_17 = arith.constant 0 : index
    %get3A_18 = arith.constant 0 : index
    %get3A_19 = vector.load %arg4[%get3A_16, %get3A_17, %get3A_18] : memref<1x1x8xf32, #tpu.memory_space<vmem>>, vector<1x1x8xf32>
    %reshape3A_20 = vector.shape_cast %get3A_19 : vector<1x1x8xf32> to vector<8x1xf32>
    %mul3A = vector.broadcast %reshape3A_20 : vector<8x1xf32> to vector<8x65536xf32>
    %mul3A_21 = arith.mulf %mul3A, %bitcast_convert_type3A : vector<8x65536xf32>
    %tanh3A = math.tanh %mul3A_21 : vector<8x65536xf32>
    %mul3A_22 = arith.mulf %reshape3A_15, %reshape3A_20 : vector<8x1xf32>
    %mul3A_23 = arith.mulf %tanh3A, %tanh3A : vector<8x65536xf32>
    %sub3A = arith.constant 1.000000e+00 : f32
    %sub3A_24 = vector.broadcast %sub3A : f32 to vector<8x65536xf32>
    %sub3A_25 = arith.subf %sub3A_24, %mul3A_23 : vector<8x65536xf32>
    %mul3A_26 = vector.broadcast %mul3A_22 : vector<8x1xf32> to vector<8x65536xf32>
    %mul3A_27 = arith.mulf %mul3A_26, %sub3A_25 : vector<8x65536xf32>
    %add3A = vector.broadcast %reshape3A : vector<8x1xf32> to vector<8x65536xf32>
    %add3A_28 = arith.addf %add3A, %mul3A_27 : vector<8x65536xf32>
    %roll3A = arith.constant 65535 : i32
    %roll3A_29 = tpu.dynamic_rotate %bitcast_convert_type3A by %roll3A dim 1 : vector<8x65536xf32>, i32 -> vector<8x65536xf32>
    %roll3A_30 = arith.constant 65535 : i32
    %roll3A_31 = tpu.dynamic_rotate %add3A_28 by %roll3A_30 dim 1 : vector<8x65536xf32>, i32 -> vector<8x65536xf32>
    %sub3A_32 = arith.subf %roll3A_31, %add3A_28 : vector<8x65536xf32>
    %sub3A_33 = arith.subf %roll3A_29, %bitcast_convert_type3A : vector<8x65536xf32>
    %add3A_34 = arith.constant 9.99999993E-9 : f32
    %add3A_35 = vector.broadcast %add3A_34 : f32 to vector<8x65536xf32>
    %add3A_36 = arith.addf %sub3A_33, %add3A_35 : vector<8x65536xf32>
    %div3A = arith.divf %sub3A_32, %add3A_36 : vector<8x65536xf32>
    %iota3A = tpu.iota {dimensions = array<i32: 1>} : vector<8x65536xi32>
    %lt3A_37 = arith.constant 65535 : i32
    %lt3A_38 = vector.broadcast %lt3A_37 : i32 to vector<8x65536xi32>
    %lt3A_39 = arith.cmpi slt, %iota3A, %lt3A_38 : vector<8x65536xi32>
    %mul3A_40 = arith.mulf %div3A, %div3A : vector<8x65536xf32>
    %jit3A = arith.constant 0.000000e+00 : f32
    %broadcast_in_dim3A = vector.broadcast %jit3A : f32 to vector<8x65536xf32>
    %select_n3A_41 = arith.select %lt3A_39, %mul3A_40, %broadcast_in_dim3A : vector<8x65536xi1>, vector<8x65536xf32>
    %reduce_sum3A = vector.shape_cast %select_n3A_41 : vector<8x65536xf32> to vector<1x8x65536xf32>
    %reduce_sum3A_42 = arith.constant dense<0.000000e+00> : vector<1xf32>
    %reduce_sum3A_43 = vector.multi_reduction <add>, %reduce_sum3A, %reduce_sum3A_42 [1, 2] : vector<1x8x65536xf32> to vector<1xf32>
    %reduce_sum3A_44 = vector.shape_cast %reduce_sum3A_43 : vector<1xf32> to vector<1x1x1xf32>
    %reduce_sum3A_45 = vector.extract %reduce_sum3A_44[0, 0, 0] : f32 from vector<1x1x1xf32>
    %sub3A_46 = arith.constant 1.000000e-01 : f32
    %sub3A_47 = vector.broadcast %sub3A_46 : f32 to vector<8x65536xf32>
    %sub3A_48 = arith.subf %sub3A_47, %add3A_28 : vector<8x65536xf32>
    %max3A = arith.constant 0.000000e+00 : f32
    %max3A_49 = vector.broadcast %max3A : f32 to vector<8x65536xf32>
    %max3A_50 = arith.maximumf %sub3A_48, %max3A_49 : vector<8x65536xf32>
    %sub3A_51 = arith.constant 1.000000e+01 : f32
    %sub3A_52 = vector.broadcast %sub3A_51 : f32 to vector<8x65536xf32>
    %sub3A_53 = arith.subf %add3A_28, %sub3A_52 : vector<8x65536xf32>
    %max3A_54 = arith.constant 0.000000e+00 : f32
    %max3A_55 = vector.broadcast %max3A_54 : f32 to vector<8x65536xf32>
    %max3A_56 = arith.maximumf %sub3A_53, %max3A_55 : vector<8x65536xf32>
    %mul3A_57 = arith.mulf %max3A_50, %max3A_50 : vector<8x65536xf32>
    %mul3A_58 = arith.mulf %max3A_56, %max3A_56 : vector<8x65536xf32>
    %add3A_59 = arith.addf %mul3A_57, %mul3A_58 : vector<8x65536xf32>
    %reduce_sum3A_60 = vector.shape_cast %add3A_59 : vector<8x65536xf32> to vector<1x8x65536xf32>
    %reduce_sum3A_61 = arith.constant dense<0.000000e+00> : vector<1xf32>
    %reduce_sum3A_62 = vector.multi_reduction <add>, %reduce_sum3A_60, %reduce_sum3A_61 [1, 2] : vector<1x8x65536xf32> to vector<1xf32>
    %reduce_sum3A_63 = vector.shape_cast %reduce_sum3A_62 : vector<1xf32> to vector<1x1x1xf32>
    %reduce_sum3A_64 = vector.extract %reduce_sum3A_63[0, 0, 0] : f32 from vector<1x1x1xf32>
    %mul3A_65 = arith.constant 0.00999999977 : f32
    %mul3A_66 = arith.mulf %mul3A_65, %reduce_sum3A_45 : f32
    %div3A_67 = arith.constant 0x4B7FFF00 : f32
    %div3A_68 = arith.divf %mul3A_66, %div3A_67 : f32
    %mul3A_69 = arith.constant 1.000000e+00 : f32
    %mul3A_70 = arith.mulf %mul3A_69, %reduce_sum3A_64 : f32
    %div3A_71 = arith.constant 0x4B800000 : f32
    %div3A_72 = arith.divf %mul3A_70, %div3A_71 : f32
    %add3A_73 = arith.addf %div3A_68, %div3A_72 : f32
    %eq3A = arith.constant 0 : i32
    %eq3A_74 = arith.cmpi eq, %arg0, %eq3A : i32
    %convert_element_type3A = arith.extui %eq3A_74 : i1 to i32
    %cond3A = arith.constant 0 : i32
    %cond3A_75 = arith.cmpi ne, %convert_element_type3A, %cond3A : i32
    scf.if %cond3A_75 {
      %broadcast_in_dim3A_84 = arith.constant 0.000000e+00 : f32
      %broadcast_in_dim3A_85 = vector.broadcast %broadcast_in_dim3A_84 : f32 to vector<1xf32>
      %swap3A_86 = arith.constant 0 : index
      %swap3A_87 = vector.load %arg5[%swap3A_86] : memref<1xf32, #tpu.memory_space<vmem>>, vector<1xf32>
      tpu.vector_store %arg5[%swap3A_86], %broadcast_in_dim3A_85 {strides = array<i32>} : memref<1xf32, #tpu.memory_space<vmem>>, vector<1xf32>,
    } else {
    }
    %get3A_76 = arith.constant 0 : index
    %get3A_77 = vector.load %arg5[%get3A_76] : memref<1xf32, #tpu.memory_space<vmem>>, vector<1xf32>
    %broadcast_in_dim3A_78 = arith.constant 1.000000e+00 : f32
    %broadcast_in_dim3A_79 = vector.broadcast %broadcast_in_dim3A_78 : f32 to vector<1xf32>
    %mul3A_80 = vector.broadcast %add3A_73 : f32 to vector<1xf32>
    %mul3A_81 = arith.mulf %mul3A_80, %broadcast_in_dim3A_79 : vector<1xf32>
    %add3A_82 = arith.addf %get3A_77, %mul3A_81 : vector<1xf32>
    %swap3A = arith.constant 0 : index
    %swap3A_83 = vector.load %arg5[%swap3A] : memref<1xf32, #tpu.memory_space<vmem>>, vector<1xf32>
    tpu.vector_store %arg5[%swap3A], %add3A_82 {strides = array<i32>} : memref<1xf32, #tpu.memory_space<vmem>>, vector<1xf32>,
    return
  }
  func.func @transform_0(%arg0: i32) -> (i32, i32) {
    %c0_i32 = arith.constant 0 : i32
    %c0_i32_0 = arith.constant 0 : i32
    return %arg0, %c0_i32 : i32, i32
  }
  func.func @transform_1(%arg0: i32) -> (i32, i32, i32) {
    %c0_i32 = arith.constant 0 : i32
    %c0_i32_0 = arith.constant 0 : i32
    %c0_i32_1 = arith.constant 0 : i32
    return %arg0, %c0_i32, %c0_i32_0 : i32, i32, i32
  }
  func.func @transform_2(%arg0: i32) -> (i32, i32, i32) {
    %c0_i32 = arith.constant 0 : i32
    %c0_i32_0 = arith.constant 0 : i32
    %c0_i32_1 = arith.constant 0 : i32
    return %arg0, %c0_i32, %c0_i32_0 : i32, i32, i32
  }
  func.func @transform_3(%arg0: i32) -> (i32, i32, i32) {
    %c0_i32 = arith.constant 0 : i32
    %c0_i32_0 = arith.constant 0 : i32
    %c0_i32_1 = arith.constant 0 : i32
    return %arg0, %c0_i32, %c0_i32_0 : i32, i32, i32
  }
  func.func @transform_4(%arg0: i32) -> i32 {
    %c0_i32 = arith.constant 0 : i32
    %c0_i32_0 = arith.constant 0 : i32
    return %c0_i32 : i32
  }
}

</mosaic_0001>

<sc_bundles>
// kernel: kernel.5.cloned.1.call-start
scs
__scs_entry_jumppad:
0x0: {  	(pc) =	sbr.rel $0x88, $3  }
0x1: {  	(tag) =	ssettag $0x0;
	lr =	simm.s32 $0x1  }
0x2: {  	[smem:$0x3F9D] =	sst lr;
	_ =	strace $0xD0000000  }
0x3: {  	_ = 	snop  }
0x4: {  	_ = 	snop  }
0x5: {  	_ = 	snop  }
0x6: {  	_ = 	snop  }
0x7: {  	_ = 	snop  }
__scs_overlays_trampoline_lowered:
0x8: {  	[smem:$0x3FAC] =	sst s0  }
0x9: {  	[smem:$0x3FAD] =	sst s1  }
0xa: {  	[smem:$0x3FAE] =	sst s2  }
0xb: {  	[smem:$0x3FAF] =	sst s3  }
0xc: {  	[smem:$0x3FB0] =	sst s4  }
0xd: {  	[smem:$0x3FB1] =	sst s5  }
0xe: {  	[smem:$0x3FB2] =	sst s6  }
0xf: {  	[smem:$0x3FB3] =	sst s7  }
0x10: {  	[smem:$0x3FB4] =	sst s8  }
0x11: {  	[smem:$0x3FB5] =	sst s9;
	s0 =	simm.s32 @!p0 $0x0  }
0x12: {  	s1 =	sld [smem:$0x3F9B];
	s0 =	simm.s32 @p0 $0x1  }
0x13: {  	[smem:$0x3FB6] =	sst s0;
	s0 =	simm.s32 @!p1 $0x0  }
0x14: {  	s2 =	sld [smem:$0x3F9A];
	s0 =	simm.s32 @p1 $0x1  }
0x15: {  	[smem:$0x3FB7] =	sst s0;
	s0 =	simm.s32 @!p2 $0x0  }
0x16: {  	s3 =	sld [smem:$0x3FDB];
	s0 =	simm.s32 @p2 $0x1  }
0x17: {  	s4 =	simm.s32 $0x1BF5;
	[smem:$0x3FB9] =	sst s0  }
0x18: {  	s0 =	sld [smem:$0x3F9C];
	_ =	swait.ge [sflag:s4], $0x0  }
0x19: {  	s7 =	sld [smem:$0x3F9D]  }
0x1a: {  	s8 =	sadd.s32 $0xFFFFE003, lr  }
0x1b: {  	s9 =	sadd.s32 $0xFFFFFEF7, lr;
	s5 =	simm.s32 $0xFFFFFFFF;
	p2 =	slt.u32 s8, $0xFFFFF086  }
0x1c: {  	p1 =	slt.u32 s9, $0xF7A;
	s5 =	simm.s32 @!p2 $0x0  }
0x1d: {  	s5 =	simm.s32 @p1 $0x1;
	p0 =	seq.s32 s7, s2  }
0x1e: {  	s7 =	smul.u32 @!p0 $0xF7A, s2;
	p2 =	seq.s32 @!p0 s5, $0x0  }
0x1f: {  	s9 =	smul.u32 $0xF7A, s1;
	s8 =	simm.s32 @!p0 $0x1BF5;
	p2 =	por !p2, p0  }
0x20: {  	[sflag:s8] =	ssyncset.s32 @!p0 $0xFFFFF086;
	s6 =	sadd.s32 @!p0 s3, s7;
	s7 =	simm.s32 @!p0 $0x108  }
0x21: {  	s3 =	sadd.s32 s3, s9;
	s6 =	sadd.s32 @!p0 $0x88, s6;
	s7 =	simm.s32 @p2 $0x1082  }
0x22: {  	[simem:s7], [sflag:s8] =	dma.local @!p0 [hbm:s6], $0xF7A  }
0x23: {  	s9 =	sor.u32 $0xD0000000, s2;
	s6 =	simm.s32 $0x108;
	_ =	swait.ge @!p0 [sflag:s8], $0x0  }
0x24: {  	s3 =	sadd.s32 $0x88, s3;
	s6 =	simm.s32 @!p1 $0x1082;
	[sflag:s4] =	ssyncset.s32 $0xFFFFF086  }
0x25: {  	[simem:s6], [sflag:s4] =	dma.local [hbm:s3], $0xF7A  }
0x26: {  	[smem:$0x3F9D] =	sst s1;
	(tag) =	ssettag s2;
	_ =	strace s9  }
0x27: {  	s1 =	sld [smem:$0x3FAD]  }
0x28: {  	s2 =	sld [smem:$0x3FAE]  }
0x29: {  	s4 =	sld [smem:$0x3FB0]  }
0x2a: {  	p0 =	seq.s32 s5, $0x0;
	s5 =	sld [smem:$0x3FB1]  }
0x2b: {  	s6 =	sld [smem:$0x3FB2]  }
0x2c: {  	s7 =	sld [smem:$0x3FB3]  }
0x2d: {  	s3 =	simm.s32 $0x108;
	s8 =	sld [smem:$0x3FB4]  }
0x2e: {  	s3 =	simm.s32 @!p0 $0x1082;
	s9 =	sld [smem:$0x3FB5]  }
0x2f: {  	lr =	sadd.s32 s0, s3;
	s0 =	sld [smem:$0x3FAC]  }
0x30: {  	s3 =	sld [smem:$0x3FAF]  }
0x31: {  	[smem:$0x3FB8] =	sst s10  }
0x32: {  	s10 =	sld [smem:$0x3FB6];
	_ =	sdelay $0x3  }
0x33: {  	p0 =	seq.s32 s10, $0x1;
	s10 =	sld [smem:$0x3FB8];
	_ =	sdelay $0x3  }
0x34: {  	[smem:$0x3FB8] =	sst s10  }
0x35: {  	s10 =	sld [smem:$0x3FB7];
	_ =	sdelay $0x3  }
0x36: {  	p1 =	seq.s32 s10, $0x1;
	s10 =	sld [smem:$0x3FB8];
	_ =	sdelay $0x3  }
0x37: {  	[smem:$0x3FB8] =	sst s10  }
0x38: {  	s10 =	sld [smem:$0x3FB9]  }
0x39: {  	_ = 	snop;
	(pc) =	sbr.ind lr, $3  }
0x3a: {  	_ = 	snop  }
0x3b: {  	_ = 	snop  }
0x3c: {  	p2 =	seq.s32 s10, $0x1;
	s10 =	sld [smem:$0x3FB8]  }
0x3d: {  	_ =	shalt  }
0x3e: {  	_ =	shalt  }
0x3f: {  	_ =	shalt  }
0x40: {  	_ =	shalt  }
0x41: {  	_ =	shalt  }
0x42: {  	_ =	shalt  }
0x43: {  	_ =	shalt  }
0x44: {  	_ =	shalt  }
0x45: {  	_ =	shalt  }
0x46: {  	_ =	shalt  }
0x47: {  	_ =	shalt  }
0x48: {  	_ =	shalt  }
0x49: {  	_ =	shalt  }
0x4a: {  	_ =	shalt  }
0x4b: {  	_ =	shalt  }
0x4c: {  	_ =	shalt  }
0x4d: {  	_ =	shalt  }
0x4e: {  	_ =	shalt  }
0x4f: {  	_ =	shalt  }
0x50: {  	_ =	shalt  }
0x51: {  	_ =	shalt  }
0x52: {  	_ =	shalt  }
0x53: {  	_ =	shalt  }
0x54: {  	_ =	shalt  }
0x55: {  	_ =	shalt  }
0x56: {  	_ =	shalt  }
0x57: {  	_ =	shalt  }
0x58: {  	_ =	shalt  }
0x59: {  	_ =	shalt  }
0x5a: {  	_ =	shalt  }
0x5b: {  	_ =	shalt  }
0x5c: {  	_ =	shalt  }
0x5d: {  	_ =	shalt  }
0x5e: {  	_ =	shalt  }
0x5f: {  	_ =	shalt  }
0x60: {  	_ =	shalt  }
0x61: {  	_ =	shalt  }
0x62: {  	_ =	shalt  }
0x63: {  	_ =	shalt  }
0x64: {  	_ =	shalt  }
0x65: {  	_ =	shalt  }
0x66: {  	_ =	shalt  }
0x67: {  	_ =	shalt  }
0x68: {  	_ =	shalt  }
0x69: {  	_ =	shalt  }
0x6a: {  	_ =	shalt  }
0x6b: {  	_ =	shalt  }
0x6c: {  	_ =	shalt  }
0x6d: {  	_ =	shalt  }
0x6e: {  	_ =	shalt  }
0x6f: {  	_ =	shalt  }
0x70: {  	_ =	shalt  }
0x71: {  	_ =	shalt  }
0x72: {  	_ =	shalt  }
0x73: {  	_ =	shalt  }
0x74: {  	_ =	shalt  }
0x75: {  	_ =	shalt  }
0x76: {  	_ =	shalt  }
0x77: {  	_ =	shalt  }
0x78: {  	_ =	shalt  }
0x79: {  	_ =	shalt  }
0x7a: {  	_ =	shalt  }
0x7b: {  	_ =	shalt  }
0x7c: {  	_ =	shalt  }
0x7d: {  	_ =	shalt  }
0x7e: {  	_ =	shalt  }
0x7f: {  	_ =	shalt  }
0x80: {  	_ =	shalt  }
0x81: {  	_ =	shalt  }
0x82: {  	_ =	shalt  }
0x83: {  	_ =	shalt  }
0x84: {  	_ =	shalt  }
0x85: {  	_ =	shalt  }
0x86: {  	_ =	shalt  }
0x87: {  	_ =	shalt  }
.Lfunc_end0:
.L_simem_size_0:
called_computation.1_lowered:
.L_overlay_start_0:
0x88: {  	s2 =	sld [smem:$0x3FD9]  }
0x89: {  	s3 =	sld [smem:$0x3FFE];
	_ =	sdelay $0x1  }
0x8a: {  	s1 =	srdreg.scid  }
0x8b: {  	s0 =	sand.u32 $0x1, s1  }
0x8c: {  	s16 =	sshll.u32 s0, $0xA;
	s2 =	sadd.s32 s3, s2  }
0x8d: {  	s2 =	sadd.s32 s2, s16  }
0x8e: {  	[smem:$0x3FC4] =	sst s2  }
0x8f: {  	_ = 	snop  }
0x90: {  	(tm) =	ssettm $0x1  }
0x91: {  	s17 =	sld [smem:$0x3FFB];
	_ =	sdelay $0x3  }
0x92: {  	_ =	strace s17  }
0x93: {  	s2 =	sld [smem:$0x3FFC];
	_ =	sdelay $0x3  }
0x94: {  	_ =	strace s2  }
0x95: {  	s2 =	sld [smem:$0x3FFD];
	_ =	sdelay $0x3  }
0x96: {  	_ =	strace s2  }
0x97: {  	_ =	strace $0x8FFFFFFF  }
0x98: {  	s18 =	sld [smem:$0x3FDB];
	_ =	sdelay $0x1  }
0x99: {  	s19 =	simm.s32 $_scs_section_size  }
0x9a: {  	s4 =	simm.s32 $_size__tile_overlayer_lowered;
	s5 =	simm.s32 $_tile_overlayer_lowered  }
0x9b: {  	s22 =	simm.s32 $0x1BFF;
	s21 =	sshll.u32 s5, $0x1;
	s2 =	sadd.s32 s19, s18  }
0x9c: {  	s6 =	simm.s32 $0x0;
	s20 =	sshll.u32 s4, $0x1;
	s4 =	sadd.s32 s21, s2  }
0x9d: {  	[timem:s6], [sflag:s22] =	dma.local [hbm:s4], s20  }
0x9e: {  	_ =	swait.ge [sflag:s22], s20  }
0x9f: {  	s3 =	ssub.s32 $0x0, s20;
	[sflag:s22] =	ssyncset.done $0x0  }
0xa0: {  	[sflag:s22] =	ssyncadd.s32 s3;
	_ =	sdelay $0x1  }
0xa1: {  	s23 =	simm.s32 $0x1B8B  }
0xa2: {  	_ =	swait.ge [sflag:s23], $0x1  }
0xa3: {  	[sflag:s23] =	ssyncset.done $0x0  }
0xa4: {  	s25 =	simm.s32 $0x1B8E;
	s24 =	sld [smem:$0x3FFE];
	[sflag:s23] =	ssyncadd.s32 $0xFFFFFFFF  }
0xa5: {  	s26 =	simm.s32 $execute0_lowered;
	[smem:$0x3FD2] =	sst s25  }
0xa6: {  	s4 =	sshll.u32 s26, $0x1;
	_ =	strace $0x80000049;
	[dreg:$0x1] =	wrdreg $0xFFFFFFFF  }
0xa7: {  	s28 =	simm.s32 $_size_execute0_lowered;
	s2 =	sadd.s32 s2, s4;
	[dreg:$0x0] =	wrdreg $0x0  }
0xa8: {  	s4 =	sshll.u32 s28, $0x1;
	[dreg:$0x2] =	wrdreg s2  }
0xa9: {  	[dreg:$0x3] =	wrdreg s4  }
0xaa: {  	[dreg:$0x4] =	wrdreg $0xC0  }
0xab: {  	_ =	task [dreg:s6], $0x5FFFF  }
0xac: {  	[dreg:$0x1] =	wrdreg $0xFFFFFFFF  }
0xad: {  	[dreg:$0x0] =	wrdreg $0x60  }
0xae: {  	[dreg:$0x2] =	wrdreg s24  }
0xaf: {  	[dreg:$0x3] =	wrdreg $0x9  }
0xb0: {  	_ =	task.clear_ibuf [dreg:s6], $0x4FFFF;
	_ =	strace $0x90000049  }
0xb1: {  	s29 =	simm.s32 $0x9;
	_ =	strace $0x8000004B  }
0xb2: {  	_ =	swait.ge [sflag:s29], $0x1  }
0xb3: {  	[sflag:s29] =	ssyncadd.s32 $0xFFFFFFFF  }
0xb4: {  	_ =	strace $0x9000004B  }
0xb5: {  	_ =	sfence  }
0xb6: {  	s30 =	sld [smem:$0x0];
	_ =	sdelay $0x2  }
0xb7: {  	s31 =	sshll.u32 s1, $0xD;
	s1 =	sshrl.u32 s1, $0x2  }
0xb8: {  	s3 =	sand.u32 $0x4000, s31;
	s1 =	sadd.s32 s1, s30  }
0xb9: {  	s0 =	sor.u32 s3, s0;
	s1 =	sshll.u32 s1, $0x11  }
0xba: {  	s0 =	sor.u32 s1, s0  }
0xbb: {  	s0 =	sadd.s32 $0x8F2B, s0  }
0xbc: {  	[sflag:s0] =	ssyncadd.remote.s32 $0x1  }
0xbd: {  	_ =	sfence.sel $0xFFFF  }
0xbe: {  	[dreg:$0x0] =	wrdreg $0xFFFFFFFF;
	(pc) =	sbr.abs _section_cstart, $3  }
0xbf: {  	[dreg:$0x1] =	wrdreg $0xFFFFFFFF  }
0xc0: {  	_ =	task.clear_ibuf [dreg:s6], $0x2FFFF;
	_ =	strace $0x9FFFFFFF  }
0xc1: {  	(tm) =	ssettm $0x7FFFFFFF  }
tec
execute0_lowered:
.L_overlay_start_1:
0x0: {  	(tag) =	ssettag $0x1  }
0x1: {  	s0 =	rddreg [dreg:$0x0]  }
0x2: {  	s2 =	srdreg.scid;
	s1 =	simm.s32 $0x0;
	s7 =	stileid.u32  }
0x3: {  	s13 =	simm.s32 $0x10080;
	s14 =	simm.s32 $0x1;
	s15 =	simm.s32 $0x11080  }
0x4: {  	s17 =	simm.s32 $0x13080;
	s18 =	simm.s32 $0x14080;
	s19 =	simm.s32 $0x16080  }
0x5: {  	s20 =	simm.s32 $0x16880;
	s21 =	simm.s32 $0x17080;
	s22 =	simm.s32 $0x17880  }
0x6: {  	s2 =	sand.u32 $0x1, s2;
	[smem:$0x7FF] =	sst s1;
	s3 =	sadd.s32 $0x200E00, s0  }
0x7: {  	s4 =	sadd.s32 $0xE00, s0;
	s7 =	sshll.u32 s7, $0x3;
	s8 =	sadd.s32 $0x202600, s0  }
0x8: {  	s9 =	sadd.s32 $0x1600, s0;
	s10 =	sadd.s32 $0x1E00, s0;
	s5 =	ssub.s32 $0x2, s2  }
0x9: {  	s11 =	sadd.s32 $0x2600, s0;
	s2 =	sshll.u32 s2, $0x7;
	s6 =	sshrl.u32 s5, $0x1  }
0xa: {  	_ =	strace $0x8000004A;
	s2 =	sor.u32 s7, s2;
	s6 =	ssub.s32 s5, s6  }
0xb: {  	s7 =	sadd.s32 $0x201E00, s0;
	[dreg:$0x2] =	wrdreg s2;
	s31 =	smax.u32 s6, $0x1  }
0xc: {  	v0 =	vimm.s32 $0x0;
	s5 =	sadd.s32 $0x201600, s0;
	s2 =	simm.s32 $0x0;
	[dreg:$0x3] =	wrdreg s31  }
.LBB2_1:
0xd: {  	[dreg:$0x4] =	wrdreg s2;
	s6 =	simm.s32 $0x0  }
.LBB2_2:
0xe: {  	s0 =	simm.s32 $0x140C0  }
0xf: {  	[tilespmem:s0+$0xFFFFFFC0] =	vst v0  }
0x10: {  	[tilespmem:s0+$0x30] =	vst v0  }
0x11: {  	[tilespmem:s0+$0x20] =	vst v0  }
0x12: {  	[tilespmem:s0+$0x10] =	vst v0  }
0x13: {  	[tilespmem:s0+$0x0] =	vst v0  }
0x14: {  	[tilespmem:s0+$0xFFFFFFF0] =	vst v0  }
0x15: {  	s2 =	simm.s32 $0x0;
	[tilespmem:s0+$0xFFFFFFE0] =	vst v0  }
.LBB2_3:
0x16: {  	s2 =	sadd.s32 $0x8, s2;
	[tilespmem:s0+$0xFFFFFFD0] =	vst v0;
	s0 =	sadd.s32 $0x80, s0  }
0x17: {  	[tilespmem:s0+$0xFFFFFFC0] =	vst v0;
	p0 =	slt.u32 s2, $0x1F8  }
0x18: {  	[tilespmem:s0+$0x30] =	vst v0  }
.Ltmp0:
0x19: {  	[tilespmem:s0+$0x20] =	vst v0;
	(pc) =	sbr.rel @p0 .LBB2_3-.Ltmp0, $4  }
0x1a: {  	[tilespmem:s0+$0x10] =	vst v0  }
0x1b: {  	[tilespmem:s0+$0x0] =	vst v0  }
0x1c: {  	[tilespmem:s0+$0xFFFFFFF0] =	vst v0  }
0x1d: {  	[tilespmem:s0+$0xFFFFFFE0] =	vst v0  }
0x1e: {  	s2 =	rddreg [dreg:$0x2]  }
0x1f: {  	[dreg:$0x5] =	wrdreg s6;
	s28 =	simm.s32 $0x0;
	s2 =	sadd.s32 s2, s6  }
0x20: {  	[tilespmem:s0+$0xFFFFFFD0] =	vst v0;
	s29 =	simm.s32 $0x0;
	[dreg:$0x6] =	wrdreg s2;
	s25 =	sshll.u32 s2, $0x10  }
.LBB2_5:
0x21: {  	s0 =	sshll.u32 s29, $0xC  }
0x22: {  	s0 =	sadd.s32 s25, s0  }
0x23: {  	s0 =	sshrl.u32 s0, $0x3  }
0x24: {  	s2 =	sadd.s32 s3, s0  }
0x25: {  	[tilespmem:s13], [sflag:$0x1] =	stream.linear.gather [hbm4b:s2+s28], $0x1000, $0x38;
	[tilespmem:$0x18080] =	vst v63  }
0x26: {  	_ =	swait.ge [sflag:s14], $0x1000  }
0x27: {  	[sflag:s14] =	ssyncset.done $0x0  }
0x28: {  	s6 =	sadd.s32 s0, s5;
	[sflag:s14] =	ssyncadd.s32 $0xFFFFF000  }
0x29: {  	[tilespmem:s15], [sflag:$0x1] =	stream.linear.gather [hbm4b:s6+s28], $0x1000, $0x38;
	[tilespmem:$0x18080] =	vst v63  }
0x2a: {  	_ =	swait.ge [sflag:s14], $0x1000  }
0x2b: {  	[sflag:s14] =	ssyncset.done $0x0  }
0x2c: {  	s12 =	sadd.s32 s0, s7;
	s6 =	simm.s32 $0x12080;
	[sflag:s14] =	ssyncadd.s32 $0xFFFFF000  }
0x2d: {  	[tilespmem:s6], [sflag:$0x1] =	stream.linear.gather [hbm4b:s12+s28], $0x1000, $0x38;
	[tilespmem:$0x18080] =	vst v63  }
0x2e: {  	_ =	swait.ge [sflag:s14], $0x1000  }
0x2f: {  	[sflag:s14] =	ssyncset.done $0x0  }
0x30: {  	s0 =	sadd.s32 s0, s8;
	[sflag:s14] =	ssyncadd.s32 $0xFFFFF000  }
0x31: {  	[tilespmem:s17], [sflag:$0x1] =	stream.linear.gather [hbm4b:s0+s28], $0x1000, $0x38;
	[tilespmem:$0x18080] =	vst v63  }
0x32: {  	_ =	swait.ge [sflag:s14], $0x1000  }
0x33: {  	[sflag:s14] =	ssyncset.done $0x0  }
0x34: {  	s16 =	simm.s32 $0x12090;
	[sflag:s14] =	ssyncadd.s32 $0xFFFFF000  }
0x35: {  	v1 =	vld [tilespmem:s16+$0xFFFFDFF0]  }
0x36: {  	v2 =	vld [tilespmem:s16+$0xFFFFE010];
	_ =	sdelay $0x3  }
0x37: {  	v1 =	vand.u32 $0x7FF, v1  }
0x38: {  	v3 =	vld [tilespmem:s16+$0xFFFFE020];
	v2 =	vand.u32 $0x7FF, v2;
	(xrf1) =	vunique.msk.u32 $0xffff, v1  }
0x39: {  	(xrf1) =	vunique.msk.u32 $0xffff, v2;
	_ =	sdelay $0x3  }
0x3a: {  	v3 =	vand.u32 $0x7FF, v3  }
0x3b: {  	(xrf1) =	vunique.msk.u32 $0xffff, v3;
	_ =	sdelay $0x1  }
0x3c: {  	v4 =	vld [tilespmem:s16+$0xFFFFE000];
	_ =	sdelay $0x4  }
0x3d: {  	v4 =	vand.u32 $0x7FF, v4  }
0x3e: {  	(xrf1) =	vunique.msk.u32 $0xffff, v4;
	_, v5, vm0 =	vpop (xrf1)  }
0x3f: {  	_, v6, vm1 =	vpop (xrf1)  }
0x40: {  	s0 =	simm.s32 $0x120D0  }
0x41: {  	v7 =	vld [tilespmem:s0+$0xFFFFE000]  }
0x42: {  	v8 =	vld [tilespmem:s0+$0xFFFFE010]  }
0x43: {  	v9 =	vld [tilespmem:s0+$0xFFFFDFF0]  }
0x44: {  	v11 =	vld [tilespmem:s0+$0xFFFFE020];
	_, v10, vm2 =	vpop (xrf1)  }
0x45: {  	[tilespmem:v2+s18+$0x0] =	vst.idx.add.s32.msk vm1, v6  }
0x46: {  	v2 =	vld [tilespmem:s16+$0xFFFFF010];
	_ =	sdelay $0x1  }
0x47: {  	v6 =	vand.u32 $0x7FF, v9  }
0x48: {  	[tilespmem:v1+s18+$0x0] =	vst.idx.add.s32.msk vm0, v5;
	v1 =	vand.u32 $0x7FF, v8;
	(xrf1) =	vunique.msk.u32 $0xffff, v6  }
0x49: {  	[tilespmem:v3+s18+$0x0] =	vst.idx.add.s32.msk vm2, v10;
	v3 =	vand.u32 $0x7FF, v11;
	(xrf1) =	vunique.msk.u32 $0xffff, v1  }
0x4a: {  	s12 =	sand.u32 $0xFC0, s28;
	v7 =	vand.u32 $0x7FF, v7;
	v5 =	vld [tilespmem:s16+$0xFFFFF020];
	(xrf1) =	vunique.msk.u32 $0xffff, v3;
	v8 =	vand.u32 $0x7FF, v2  }
0x4b: {  	_, v9, vm0 =	vpop (xrf1);
	v10 =	vld [tilespmem:s12+$0x11080];
	(xrf1) =	vunique.msk.u32 $0xffff, v7;
	v8 =	vor.u32 $0x800, v8  }
0x4c: {  	(xrf1) =	vunique.msk.u32 $0xffff, v8;
	_ =	sdelay $0x2  }
0x4d: {  	v11 =	vand.u32 $0x7FF, v5  }
0x4e: {  	v12 =	vand.u32 $0x7FF, v10;
	v11 =	vor.u32 $0x800, v11  }
0x4f: {  	[tilespmem:v4+s18+$0x0] =	vst.idx.add.s32.msk vm0, v9;
	v4 =	vor.u32 $0x800, v12;
	(xrf1) =	vunique.msk.u32 $0xffff, v11  }
0x50: {  	v9 =	vld [tilespmem:s16+$0xFFFFF000];
	(xrf1) =	vunique.msk.u32 $0xffff, v4;
	_ =	sdelay $0x3  }
0x51: {  	_, v12, vm2 =	vpop (xrf1)  }
0x52: {  	s31 =	simm.s32 $0x12110;
	v14 =	vand.u32 $0x7FF, v9;
	_, v13, vm1 =	vpop (xrf1)  }
0x53: {  	v16 =	vld [tilespmem:s31+$0xFFFFDFF0];
	v14 =	vor.u32 $0x800, v14;
	_, v15, vm3 =	vpop (xrf1)  }
0x54: {  	v17 =	vld [tilespmem:s31+$0xFFFFE010];
	(xrf1) =	vunique.msk.u32 $0xffff, v14;
	_, v18, vm0 =	vpop (xrf1)  }
0x55: {  	v2 =	vand.u32 $0x7F, v2;
	v8 =	vand.u32 $0xF80, v8;
	_, v19, vm4 =	vpop (xrf1)  }
0x56: {  	v2 =	vor.u32 v2, v8  }
0x57: {  	v20 =	vld [tilespmem:s31+$0xFFFFE020]  }
0x58: {  	v16 =	vand.u32 $0x7FF, v16;
	v8 =	vld [tilespmem:s31+$0xFFFFE000]  }
0x59: {  	(xrf1) =	vunique.msk.u32 $0xffff, v16;
	[tilespmem:v1+s18+$0x0] =	vst.idx.add.s32.msk vm1, v13;
	v1 =	vand.u32 $0x7FF, v17  }
0x5a: {  	v13 =	vld [tilespmem:s0+$0xFFFFF010];
	_, v17, vm1 =	vpop (xrf1);
	(xrf1) =	vunique.msk.u32 $0xffff, v1  }
0x5b: {  	v10 =	vand.u32 $0x7F, v10;
	v4 =	vand.u32 $0xF80, v4;
	[tilespmem:v2+s18+$0x0] =	vst.idx.add.s32.msk vm4, v19;
	_, v2, vm4 =	vpop (xrf1)  }
0x5c: {  	v4 =	vor.u32 v10, v4;
	v10 =	vld [tilespmem:s16+$0x10];
	_ =	sdelay $0x1  }
0x5d: {  	[tilespmem:v6+s18+$0x0] =	vst.idx.add.s32.msk vm2, v12  }
0x5e: {  	v11 =	vand.u32 $0xF80, v11;
	v6 =	vand.u32 $0x7FF, v20;
	[tilespmem:v3+s18+$0x0] =	vst.idx.add.s32.msk vm3, v15;
	v3 =	vand.u32 $0x7F, v5  }
0x5f: {  	v5 =	vand.u32 $0x7FF, v8;
	(xrf1) =	vunique.msk.u32 $0xffff, v6;
	v3 =	vor.u32 v3, v11;
	v8 =	vld [tilespmem:s0+$0xFFFFF020];
	v11 =	vand.u32 $0x7FF, v13  }
0x60: {  	s24 =	simm.s32 $0x40;
	(xrf1) =	vunique.msk.u32 $0xffff, v5;
	v11 =	vor.u32 $0x800, v11;
	[tilespmem:v4+s18+$0x0] =	vst.idx.add.s32.msk vm4, v2;
	v2 =	vand.u32 $0x7FF, v10  }
0x61: {  	s23 =	sand.u32 $0xFC0, s24;
	v9 =	vand.u32 $0x7F, v9;
	_, v12, vm2 =	vpop (xrf1);
	(xrf1) =	vunique.msk.u32 $0xffff, v11;
	v4 =	vand.u32 $0xF80, v14;
	v14 =	vld [tilespmem:s12+$0x12080];
	v2 =	vor.u32 $0x1000, v2  }
0x62: {  	v15 =	vld [tilespmem:s23+$0x11080];
	v4 =	vor.u32 v9, v4;
	(xrf1) =	vunique.msk.u32 $0xffff, v2;
	_ =	sdelay $0x1  }
0x63: {  	[tilespmem:v3+s18+$0x0] =	vst.idx.add.s32.msk vm1, v17;
	v3 =	vand.u32 $0x7FF, v8  }
0x64: {  	[tilespmem:v7+s18+$0x0] =	vst.idx.add.s32.msk vm0, v18;
	v3 =	vor.u32 $0x800, v3  }
0x65: {  	v7 =	vld [tilespmem:s16+$0x20];
	_, v17, vm0 =	vpop (xrf1);
	(xrf1) =	vunique.msk.u32 $0xffff, v3;
	v18 =	vand.u32 $0x7FF, v14  }
0x66: {  	v19 =	vand.u32 $0x7FF, v15;
	[tilespmem:v4+s18+$0x0] =	vst.idx.add.s32.msk vm2, v12;
	_, v4, vm1 =	vpop (xrf1);
	v12 =	vor.u32 $0x1000, v18  }
0x67: {  	v9 =	vld [tilespmem:s0+$0xFFFFF000];
	v18 =	vor.u32 $0x800, v19;
	(xrf1) =	vunique.msk.u32 $0xffff, v12  }
0x68: {  	s30 =	simm.s32 $0x12150;
	v19 =	vld [tilespmem:s16+$0x0];
	(xrf1) =	vunique.msk.u32 $0xffff, v18  }
0x69: {  	s26 =	simm.s32 $0x80;
	v22 =	vld [tilespmem:s30+$0xFFFFE010]  }
0x6a: {  	s2 =	sand.u32 $0xFC0, s26;
	s26 =	simm.s32 $0x12190;
	v25 =	vld [tilespmem:s30+$0xFFFFE020];
	v21 =	vand.u32 $0x7FF, v7  }
0x6b: {  	v28 =	vld [tilespmem:s26+$0xFFFFE010];
	v21 =	vor.u32 $0x1000, v21  }
0x6c: {  	v23 =	vand.u32 $0x7FF, v9;
	_, v24, vm2 =	vpop (xrf1);
	(xrf1) =	vunique.msk.u32 $0xffff, v21;
	[tilespmem:v1+s18+$0x0] =	vst.idx.add.s32.msk vm1, v4  }
0x6d: {  	v10 =	vand.u32 $0x7F, v10;
	v23 =	vor.u32 $0x800, v23;
	_, v26, vm3 =	vpop (xrf1);
	v1 =	vand.u32 $0x7FF, v19;
	v4 =	vld [tilespmem:s30+$0xFFFFDFF0]  }
0x6e: {  	v33 =	vld [tilespmem:s26+$0xFFFFDFF0];
	(xrf1) =	vunique.msk.u32 $0xffff, v23;
	v27 =	vor.u32 $0x1000, v1;
	v1 =	vand.u32 $0xF80, v11;
	v11 =	vand.u32 $0x7F, v13;
	_, v13, vm1 =	vpop (xrf1)  }
0x6f: {  	[tilespmem:v16+s18+$0x0] =	vst.idx.add.s32.msk vm0, v17;
	v2 =	vand.u32 $0x1780, v2;
	(xrf1) =	vunique.msk.u32 $0xffff, v27;
	v11 =	vor.u32 v11, v1;
	_, v16, vm0 =	vpop (xrf1)  }
0x70: {  	v20 =	vld [tilespmem:s30+$0xFFFFE000];
	v10 =	vor.u32 v10, v2  }
0x71: {  	v17 =	vld [tilespmem:s31+$0xFFFFF010]  }
0x72: {  	v3 =	vand.u32 $0xF80, v3;
	[tilespmem:v6+s18+$0x0] =	vst.idx.add.s32.msk vm2, v24;
	v4 =	vand.u32 $0x7FF, v4  }
0x73: {  	[tilespmem:v5+s18+$0x0] =	vst.idx.add.s32.msk vm3, v26;
	v5 =	vand.u32 $0x7F, v8;
	v8 =	vand.u32 $0x7FF, v22;
	_, v6, vm2 =	vpop (xrf1);
	(xrf1) =	vunique.msk.u32 $0xffff, v4  }
0x74: {  	v3 =	vor.u32 v5, v3;
	[tilespmem:v11+s18+$0x0] =	vst.idx.add.s32.msk vm1, v13;
	(xrf1) =	vunique.msk.u32 $0xffff, v8  }
0x75: {  	v5 =	vand.u32 $0x1780, v12;
	[tilespmem:v10+s18+$0x0] =	vst.idx.add.s32.msk vm0, v16;
	v10 =	vand.u32 $0x7F, v14;
	_, v11, vm0 =	vpop (xrf1)  }
0x76: {  	v22 =	vld [tilespmem:s31+$0xFFFFF020];
	v12 =	vand.u32 $0xF80, v18;
	_, v13, vm1 =	vpop (xrf1);
	v5 =	vor.u32 v10, v5;
	v10 =	vand.u32 $0x7F, v15  }
0x77: {  	v14 =	vld [tilespmem:s0+$0x10];
	v10 =	vor.u32 v10, v12  }
0x78: {  	v20 =	vand.u32 $0x7FF, v20;
	v18 =	vand.u32 $0x1780, v21;
	v21 =	vand.u32 $0x7FF, v25;
	v12 =	vld [tilespmem:s16+$0x1010]  }
0x79: {  	v16 =	vand.u32 $0xF80, v23;
	(xrf1) =	vunique.msk.u32 $0xffff, v21;
	v15 =	vand.u32 $0x7F, v19;
	[tilespmem:v3+s18+$0x0] =	vst.idx.add.s32.msk vm2, v6  }
0x7a: {  	v1 =	vld [tilespmem:s2+$0x11080];
	v3 =	vand.u32 $0x7F, v7;
	v7 =	vand.u32 $0x7F, v9;
	v9 =	vand.u32 $0x7FF, v17;
	_, v6, vm2 =	vpop (xrf1);
	(xrf1) =	vunique.msk.u32 $0xffff, v20  }
0x7b: {  	v19 =	vand.u32 $0x1780, v27;
	v3 =	vor.u32 v3, v18;
	v9 =	vor.u32 $0x800, v9;
	[tilespmem:v5+s18+$0x0] =	vst.idx.add.s32.msk vm0, v11  }
0x7c: {  	_, v18, vm3 =	vpop (xrf1);
	(xrf1) =	vunique.msk.u32 $0xffff, v9;
	v5 =	vor.u32 v7, v16;
	v7 =	vand.u32 $0x7FF, v14;
	[tilespmem:v10+s18+$0x0] =	vst.idx.add.s32.msk vm1, v13  }
0x7d: {  	_, v10, vm1 =	vpop (xrf1);
	v7 =	vor.u32 $0x1000, v7;
	v11 =	vand.u32 $0x7FF, v12;
	v13 =	vor.u32 v15, v19;
	v15 =	vld [tilespmem:s23+$0x12080]  }
0x7e: {  	v23 =	vld [tilespmem:s0+$0x20];
	v16 =	vand.u32 $0x7FF, v22;
	(xrf1) =	vunique.msk.u32 $0xffff, v7;
	v11 =	vor.u32 $0x1800, v11  }
0x7f: {  	v19 =	vld [tilespmem:s12+$0x13080];
	v16 =	vor.u32 $0x800, v16;
	(xrf1) =	vunique.msk.u32 $0xffff, v11  }
0x80: {  	[tilespmem:v3+s18+$0x0] =	vst.idx.add.s32.msk vm2, v6;
	(xrf1) =	vunique.msk.u32 $0xffff, v16  }
0x81: {  	v6 =	vld [tilespmem:s16+$0x1020];
	_, v3, vm0 =	vpop (xrf1)  }
0x82: {  	[tilespmem:v5+s18+$0x0] =	vst.idx.add.s32.msk vm3, v18;
	_, v18, vm2 =	vpop (xrf1);
	v5 =	vand.u32 $0x7FF, v15  }
0x83: {  	[tilespmem:v13+s18+$0x0] =	vst.idx.add.s32.msk vm1, v10;
	v10 =	vand.u32 $0x7FF, v1;
	v13 =	vor.u32 $0x1000, v5  }
0x84: {  	v5 =	vand.u32 $0x7FF, v19;
	v10 =	vor.u32 $0x800, v10;
	v25 =	vld [tilespmem:s16+$0x1000];
	(xrf1) =	vunique.msk.u32 $0xffff, v13  }
0x85: {  	v2 =	vld [tilespmem:s31+$0xFFFFF000];
	v26 =	vor.u32 $0x1800, v5;
	(xrf1) =	vunique.msk.u32 $0xffff, v10  }
0x86: {  	v27 =	vld [tilespmem:s26+$0xFFFFE000];
	v5 =	vand.u32 $0xF80, v9;
	v9 =	vand.u32 $0x1F80, v11;
	v11 =	vand.u32 $0x7F, v17;
	(xrf1) =	vunique.msk.u32 $0xffff, v26  }
0x87: {  	v24 =	vld [tilespmem:s0+$0x0];
	_, v29, vm1 =	vpop (xrf1);
	v30 =	vor.u32 v11, v5;
	v5 =	vand.u32 $0x7FF, v6  }
0x88: {  	_, v31, vm3 =	vpop (xrf1);
	[tilespmem:v8+s18+$0x0] =	vst.idx.add.s32.msk vm2, v18;
	v8 =	vand.u32 $0x7FF, v23;
	v32 =	vor.u32 $0x1800, v5  }
0x89: {  	v17 =	vld [tilespmem:s26+$0xFFFFE020];
	v8 =	vor.u32 $0x1000, v8;
	(xrf1) =	vunique.msk.u32 $0xffff, v32;
	v5 =	vand.u32 $0x7FF, v25  }
0x8a: {  	s6 =	simm.s32 $0xC0;
	[tilespmem:v4+s18+$0x0] =	vst.idx.add.s32.msk vm0, v3;
	v3 =	vand.u32 $0x7FF, v2;
	_, v34, vm2 =	vpop (xrf1);
	(xrf1) =	vunique.msk.u32 $0xffff, v8;
	v4 =	vor.u32 $0x1800, v5  }
0x8b: {  	v14 =	vand.u32 $0x7F, v14;
	s12 =	sand.u32 $0xFC0, s6;
	v7 =	vand.u32 $0x1780, v7;
	v36 =	vor.u32 $0x800, v3;
	v11 =	vld [tilespmem:s30+$0xFFFFF010];
	(xrf1) =	vunique.msk.u32 $0xffff, v4  }
0x8c: {  	v7 =	vor.u32 v14, v7;
	v18 =	vand.u32 $0x7FF, v24;
	v5 =	vld [tilespmem:s12+$0x11080];
	_, v35, vm0 =	vpop (xrf1);
	(xrf1) =	vunique.msk.u32 $0xffff, v36  }
0x8d: {  	v16 =	vand.u32 $0xF80, v16;
	v3 =	vand.u32 $0x7F, v12;
	v14 =	vor.u32 $0x1000, v18;
	[tilespmem:v21+s18+$0x0] =	vst.idx.add.s32.msk vm1, v29;
	_, v12, vm4 =	vpop (xrf1)  }
0x8e: {  	v9 =	vor.u32 v3, v9;
	v18 =	vand.u32 $0x7F, v22;
	[tilespmem:v20+s18+$0x0] =	vst.idx.add.s32.msk vm3, v31;
	(xrf1) =	vunique.msk.u32 $0xffff, v14;
	_, v20, vm1 =	vpop (xrf1)  }
0x8f: {  	v1 =	vand.u32 $0x7F, v1;
	v6 =	vand.u32 $0x7F, v6;
	v16 =	vor.u32 v18, v16;
	v3 =	vld [tilespmem:s30+$0xFFFFF000]  }
0x90: {  	v26 =	vand.u32 $0x1F80, v26;
	v22 =	vand.u32 $0xF80, v10;
	v10 =	vand.u32 $0x1780, v13;
	[tilespmem:v30+s18+$0x0] =	vst.idx.add.s32.msk vm2, v34  }
0x91: {  	v13 =	vand.u32 $0x7F, v24;
	v18 =	vand.u32 $0x7FF, v33;
	v21 =	vand.u32 $0x7FF, v28;
	v24 =	vld [tilespmem:s31+$0x10]  }
0x92: {  	[tilespmem:v7+s18+$0x0] =	vst.idx.add.s32.msk vm0, v35;
	v7 =	vand.u32 $0x1F80, v4;
	v4 =	vand.u32 $0x7F, v15;
	_, v30, vm2 =	vpop (xrf1);
	(xrf1) =	vunique.msk.u32 $0xffff, v18  }
0x93: {  	v28 =	vand.u32 $0x7F, v2;
	[tilespmem:v9+s18+$0x0] =	vst.idx.add.s32.msk vm4, v12;
	v12 =	vor.u32 v4, v10;
	v4 =	vand.u32 $0x7F, v19;
	_, v63, vm4 =	vpop (xrf1)  }
0x94: {  	v31 =	vand.u32 $0x1780, v8;
	v8 =	vand.u32 $0x1780, v14;
	[tilespmem:v16+s18+$0x0] =	vst.idx.add.s32.msk vm1, v20;
	(xrf1) =	vunique.msk.u32 $0xffff, v21;
	_, v16, vm3 =	vpop (xrf1)  }
0x95: {  	v14 =	vor.u32 v13, v8;
	v13 =	vand.u32 $0x7FF, v17;
	v9 =	vld [tilespmem:s30+$0xFFFFF020];
	v19 =	vor.u32 v4, v26  }
0x96: {  	v15 =	vand.u32 $0x7FF, v27;
	v27 =	vor.u32 v1, v22;
	v1 =	vand.u32 $0x7FF, v11;
	v2 =	vld [tilespmem:s0+$0x1010]  }
0x97: {  	v20 =	vand.u32 $0x7F, v23;
	v23 =	vor.u32 $0x800, v1;
	v1 =	vand.u32 $0x1F80, v32;
	v10 =	vld [tilespmem:s31+$0x20];
	(xrf1) =	vunique.msk.u32 $0xffff, v13;
	_, v4, vm0 =	vpop (xrf1)  }
0x98: {  	v22 =	vand.u32 $0x7F, v25;
	v8 =	vor.u32 v6, v1;
	[tilespmem:v12+s18+$0x0] =	vst.idx.add.s32.msk vm2, v30;
	_, v12, vm2 =	vpop (xrf1)  }
0x99: {  	v29 =	vand.u32 $0xF80, v36;
	v20 =	vor.u32 v20, v31;
	v6 =	vor.u32 v22, v7;
	(xrf1) =	vunique.msk.u32 $0xffff, v15;
	v1 =	vld [tilespmem:s23+$0x13080];
	_, v7, vm1 =	vpop (xrf1)  }
0x9a: {  	v28 =	vor.u32 v28, v29;
	v17 =	vand.u32 $0x7FF, v9;
	(xrf1) =	vunique.msk.u32 $0xffff, v23;
	[tilespmem:v19+s18+$0x0] =	vst.idx.add.s32.msk vm3, v16;
	_, v19, vm3 =	vpop (xrf1)  }
0x9b: {  	v26 =	vand.u32 $0xF80, v23;
	v17 =	vor.u32 $0x800, v17;
	[tilespmem:v27+s18+$0x0] =	vst.idx.add.s32.msk vm4, v63;
	v16 =	vand.u32 $0x7FF, v24  }
0x9c: {  	s24 =	simm.s32 $0x10;
	v22 =	vand.u32 $0xF80, v17;
	s23 =	simm.s32 $0x12190;
	v23 =	vld [tilespmem:s2+$0x12080];
	_, v27, vm4 =	vpop (xrf1);
	v25 =	vor.u32 $0x1000, v16;
	v16 =	vand.u32 $0x7FF, v2  }
.LBB2_6:
0x9d: {  	s24 =	sadd.s32 $0x4, s24;
	(xrf1) =	vunique.msk.u32 $0xffff, v25;
	v16 =	vor.u32 $0x1800, v16;
	[tilespmem:v8+s18+$0x0] =	vst.idx.add.s32.msk vm0, v4  }
0x9e: {  	v4 =	vand.u32 $0x7FF, v5;
	p0 =	slt.u32 s24, $0xFC;
	v8 =	vand.u32 $0x7FF, v1;
	[tilespmem:v20+s18+$0x0] =	vst.idx.add.s32.msk vm2, v12;
	(xrf1) =	vunique.msk.u32 $0xffff, v16  }
0x9f: {  	v4 =	vor.u32 $0x800, v4;
	v12 =	vand.u32 $0x1F80, v16;
	v8 =	vor.u32 $0x1800, v8;
	[tilespmem:v6+s18+$0x0] =	vst.idx.add.s32.msk vm1, v7  }
0xa0: {  	v7 =	vand.u32 $0xF80, v4;
	_, v6, vm0 =	vpop (xrf1);
	(xrf1) =	vunique.msk.u32 $0xffff, v17;
	[tilespmem:v28+s18+$0x0] =	vst.idx.add.s32.msk vm3, v19;
	v16 =	vand.u32 $0x1F80, v8  }
0xa1: {  	v17 =	vand.u32 $0x7FF, v23;
	v19 =	vld [tilespmem:s0+$0x1020]  }
0xa2: {  	_, v20, vm2 =	vpop (xrf1);
	v17 =	vor.u32 $0x1000, v17;
	[tilespmem:v14+s18+$0x0] =	vst.idx.add.s32.msk vm4, v27  }
0xa3: {  	v27 =	vand.u32 $0x1780, v17;
	v14 =	vld [tilespmem:s31+$0x0]  }
0xa4: {  	s26 =	sadd.s32 $0x40, s26;
	(xrf1) =	vunique.msk.u32 $0xffff, v17;
	v17 =	vld [tilespmem:s0+$0x1000];
	s0 =	smov.u32 s31;
	s31 =	smov.u32 s30  }
0xa5: {  	v11 =	vand.u32 $0x7F, v11;
	s6 =	sadd.s32 $0x40, s6;
	s30 =	smov.u32 s23;
	s23 =	smov.u32 s26;
	v28 =	vld [tilespmem:s26+$0xFFFFE000];
	_, v29, vm1 =	vpop (xrf1);
	(xrf1) =	vunique.msk.u32 $0xffff, v4  }
0xa6: {  	v26 =	vor.u32 v11, v26;
	v4 =	vld [tilespmem:s26+$0xFFFFE010];
	v11 =	vand.u32 $0x7FF, v19;
	(xrf1) =	vunique.msk.u32 $0xffff, v8  }
0xa7: {  	v24 =	vand.u32 $0x7F, v24;
	v31 =	vand.u32 $0x7FF, v10;
	v8 =	vld [tilespmem:s26+$0xFFFFE020];
	_, v30, vm3 =	vpop (xrf1);
	v32 =	vor.u32 $0x1800, v11  }
0xa8: {  	[tilespmem:v21+s18+$0x0] =	vst.idx.add.s32.msk vm2, v20;
	_, v20, vm2 =	vpop (xrf1);
	v11 =	vand.u32 $0x7FF, v14;
	v14 =	vand.u32 $0x7F, v14;
	v21 =	vor.u32 $0x1000, v31  }
0xa9: {  	v33 =	vand.u32 $0x7FF, v3;
	v31 =	vld [tilespmem:s26+$0xFFFFDFF0];
	v34 =	vor.u32 $0x1000, v11;
	v11 =	vand.u32 $0x7FF, v17;
	(xrf1) =	vunique.msk.u32 $0xffff, v32  }
0xaa: {  	s16 =	sand.u32 $0xFC0, s6;
	[tilespmem:v18+s18+$0x0] =	vst.idx.add.s32.msk vm0, v6;
	v6 =	vor.u32 $0x800, v33;
	(xrf1) =	vunique.msk.u32 $0xffff, v21;
	v11 =	vor.u32 $0x1800, v11  }
0xab: {  	v18 =	vand.u32 $0x1780, v25;
	v33 =	vld [tilespmem:s16+$0x11080];
	v35 =	vand.u32 $0xF80, v6;
	_, v25, vm0 =	vpop (xrf1);
	v36 =	vand.u32 $0x1F80, v11;
	(xrf1) =	vunique.msk.u32 $0xffff, v11  }
0xac: {  	v2 =	vand.u32 $0x7F, v2;
	v37 =	vand.u32 $0x1780, v21;
	v11 =	vld [tilespmem:s30+$0xFFFFF010];
	(xrf1) =	vunique.msk.u32 $0xffff, v6;
	v6 =	vor.u32 v24, v18;
	_, v21, vm4 =	vpop (xrf1)  }
0xad: {  	v2 =	vor.u32 v2, v12;
	[tilespmem:v13+s18+$0x0] =	vst.idx.add.s32.msk vm1, v29;
	v13 =	vand.u32 $0x1780, v34;
	(xrf1) =	vunique.msk.u32 $0xffff, v34  }
0xae: {  	v9 =	vand.u32 $0x7F, v9;
	[tilespmem:v15+s18+$0x0] =	vst.idx.add.s32.msk vm3, v30;
	_, v12, vm3 =	vpop (xrf1);
	v14 =	vor.u32 v14, v13  }
0xaf: {  	v22 =	vor.u32 v9, v22;
	v24 =	vld [tilespmem:s30+$0xFFFFF000]  }
0xb0: {  	[tilespmem:v26+s18+$0x0] =	vst.idx.add.s32.msk vm2, v20  }
0xb1: {  	v18 =	vand.u32 $0x7FF, v31;
	[tilespmem:v6+s18+$0x0] =	vst.idx.add.s32.msk vm0, v25  }
0xb2: {  	v13 =	vand.u32 $0x7FF, v8;
	v6 =	vand.u32 $0x7F, v23;
	(xrf1) =	vunique.msk.u32 $0xffff, v18;
	_, v8, vm1 =	vpop (xrf1);
	[tilespmem:v2+s18+$0x0] =	vst.idx.add.s32.msk vm4, v21  }
0xb3: {  	v21 =	vand.u32 $0x7FF, v4;
	v6 =	vor.u32 v6, v27;
	v9 =	vld [tilespmem:s30+$0xFFFFF020];
	_, v23, vm4 =	vpop (xrf1)  }
0xb4: {  	v1 =	vand.u32 $0x7F, v1;
	v15 =	vand.u32 $0x7FF, v28;
	(xrf1) =	vunique.msk.u32 $0xffff, v21;
	[tilespmem:v22+s18+$0x0] =	vst.idx.add.s32.msk vm3, v12;
	_, v25, vm5 =	vpop (xrf1)  }
0xb5: {  	v16 =	vor.u32 v1, v16;
	v2 =	vand.u32 $0x7F, v5;
	v27 =	vand.u32 $0x7F, v3;
	v5 =	vmovc v33;
	v3 =	vmovc v24;
	v29 =	vld [tilespmem:s31+$0x20]  }
0xb6: {  	v1 =	vand.u32 $0x7FF, v11;
	v28 =	vor.u32 v2, v7;
	v22 =	vand.u32 $0x7F, v10;
	v24 =	vld [tilespmem:s31+$0x10]  }
0xb7: {  	v30 =	vand.u32 $0x7F, v19;
	v10 =	vor.u32 $0x800, v1;
	v1 =	vand.u32 $0x1F80, v32;
	(xrf1) =	vunique.msk.u32 $0xffff, v13;
	v2 =	vld [tilespmem:s0+$0x1010];
	_, v4, vm0 =	vpop (xrf1)  }
.Ltmp1:
0xb8: {  	v20 =	vand.u32 $0x7FF, v9;
	[tilespmem:v6+s18+$0x0] =	vst.idx.add.s32.msk vm1, v8;
	_, v12, vm2 =	vpop (xrf1);
	v6 =	vand.u32 $0x7F, v17;
	v8 =	vor.u32 v30, v1;
	(pc) =	sbr.rel @p0 .LBB2_6-.Ltmp1, $4  }
0xb9: {  	(xrf1) =	vunique.msk.u32 $0xffff, v15;
	v17 =	vor.u32 $0x800, v20;
	v1 =	vld [tilespmem:s2+$0x13080];
	v20 =	vor.u32 v22, v37;
	v6 =	vor.u32 v6, v36;
	_, v7, vm1 =	vpop (xrf1);
	s2 =	smov.u32 s12;
	s12 =	smov.u32 s16  }
0xba: {  	v26 =	vand.u32 $0xF80, v10;
	v22 =	vand.u32 $0xF80, v17;
	(xrf1) =	vunique.msk.u32 $0xffff, v10;
	_, v19, vm3 =	vpop (xrf1);
	[tilespmem:v16+s18+$0x0] =	vst.idx.add.s32.msk vm5, v25  }
0xbb: {  	v10 =	vmov v29;
	[tilespmem:v28+s18+$0x0] =	vst.idx.add.s32.msk vm4, v23;
	v28 =	vor.u32 v27, v35;
	v16 =	vand.u32 $0x7FF, v24;
	_, v27, vm4 =	vpop (xrf1)  }
0xbc: {  	v23 =	vld [tilespmem:s2+$0x12080];
	v25 =	vor.u32 $0x1000, v16;
	v16 =	vand.u32 $0x7FF, v2  }
0xbd: {  	_ =	sdelay $0x2  }
0xbe: {  	(xrf1) =	vunique.msk.u32 $0xffff, v25;
	v16 =	vor.u32 $0x1800, v16  }
0xbf: {  	(xrf1) =	vunique.msk.u32 $0xffff, v16  }
0xc0: {  	[tilespmem:v20+s18+$0x0] =	vst.idx.add.s32.msk vm2, v12  }
0xc1: {  	v12 =	vld [tilespmem:s0+$0x1020];
	v51 =	vand.u32 $0x7FF, v23  }
0xc2: {  	[tilespmem:v14+s18+$0x0] =	vst.idx.add.s32.msk vm4, v27;
	v52 =	vand.u32 $0x7FF, v5;
	(xrf1) =	vunique.msk.u32 $0xffff, v17;
	v53 =	vor.u32 $0x1000, v51  }
0xc3: {  	v14 =	vld [tilespmem:s0+$0x1000];
	v54 =	vand.u32 $0x7FF, v1;
	v55 =	vor.u32 $0x800, v52;
	(xrf1) =	vunique.msk.u32 $0xffff, v53  }
0xc4: {  	[tilespmem:v28+s18+$0x0] =	vst.idx.add.s32.msk vm3, v19;
	v17 =	vor.u32 $0x1800, v54;
	_, v30, vm12 =	vpop (xrf1);
	(xrf1) =	vunique.msk.u32 $0xffff, v55  }
0xc5: {  	v29 =	vld [tilespmem:s31+$0x0];
	_, v31, vm13 =	vpop (xrf1);
	(xrf1) =	vunique.msk.u32 $0xffff, v17  }
0xc6: {  	v56 =	vand.u32 $0x7FF, v12  }
0xc7: {  	v57 =	vand.u32 $0x7FF, v10;
	v19 =	vor.u32 $0x1800, v56  }
0xc8: {  	v32 =	vor.u32 $0x1000, v57;
	v58 =	vand.u32 $0x7FF, v14;
	(xrf1) =	vunique.msk.u32 $0xffff, v19  }
0xc9: {  	v33 =	vand.u32 $0x7FF, v3;
	v11 =	vand.u32 $0x7F, v11;
	v20 =	vor.u32 $0x1800, v58;
	_, v35, vm14 =	vpop (xrf1);
	(xrf1) =	vunique.msk.u32 $0xffff, v32  }
0xca: {  	v33 =	vor.u32 $0x800, v33;
	v34 =	vand.u32 $0x7FF, v29;
	_, v36, vm5 =	vpop (xrf1);
	(xrf1) =	vunique.msk.u32 $0xffff, v20  }
0xcb: {  	v34 =	vor.u32 $0x1000, v34;
	_, v37, vm6 =	vpop (xrf1);
	(xrf1) =	vunique.msk.u32 $0xffff, v33  }
0xcc: {  	(xrf1) =	vunique.msk.u32 $0xffff, v34;
	_, v62, vm15 =	vpop (xrf1)  }
0xcd: {  	s26 =	sadd.s32 $0x40, s6;
	v63 =	vimm.s32 $0x0;
	v59 =	vor.u32 v11, v26;
	[tilespmem:v18+s18+$0x0] =	vst.idx.add.s32.msk vm12, v30;
	_, v11, vm10 =	vpop (xrf1)  }
0xce: {  	v60 =	vand.u32 $0x7F, v24;
	v61 =	vand.u32 $0x1780, v25;
	s0 =	sand.u32 $0xFC0, s26;
	[tilespmem:v21+s18+$0x0] =	vst.idx.add.s32.msk vm13, v31;
	v25 =	vsel vm10, $0xFFFFFFFF, v63  }
0xcf: {  	v9 =	vand.u32 $0x7F, v9;
	v18 =	vor.u32 v60, v61;
	v30 =	vld [tilespmem:s0+$0x11080];
	[tilespmem:$0x1FFE0] =	vst v25  }
0xd0: {  	_, v31, vm7 =	vpop (xrf1);
	v25 =	vld [tilespmem:s23+$0xFFFFF010]  }
0xd1: {  	v38 =	vor.u32 v9, v22;
	[tilespmem:v13+s18+$0x0] =	vst.idx.add.s32.msk vm14, v35;
	_, v39, vm8 =	vpop (xrf1)  }
0xd2: {  	[tilespmem:v15+s18+$0x0] =	vst.idx.add.s32.msk vm5, v36;
	_, v42, vm9 =	vpop (xrf1)  }
0xd3: {  	v44 =	vimm.s32 $0x0;
	[tilespmem:v59+s18+$0x0] =	vst.idx.add.s32.msk vm6, v37;
	_, v9, vm11 =	vpop (xrf1)  }
0xd4: {  	v41 =	vand.u32 $0x7F, v23;
	v40 =	vand.u32 $0x1780, v53;
	[tilespmem:v18+s18+$0x0] =	vst.idx.add.s32.msk vm15, v62;
	v23 =	vsel vm11, $0xFFFFFFFF, v44  }
0xd5: {  	v45 =	vand.u32 $0x7F, v5;
	v43 =	vand.u32 $0xF80, v55;
	v27 =	vld [tilespmem:s23+$0xFFFFF020];
	v18 =	vor.u32 v41, v40;
	[tilespmem:$0x1FFF0] =	vst v23  }
0xd6: {  	v22 =	vor.u32 v45, v43;
	_, v5, vm4 =	vpop (xrf1);
	[tilespmem:v38+s18+$0x0] =	vst.idx.add.s32.msk vm7, v31  }
0xd7: {  	_, v46, vm12 =	vpop (xrf1);
	v26 =	vld [tilespmem:s30+$0x10]  }
0xd8: {  	v48 =	vand.u32 $0x7F, v10;
	v47 =	vand.u32 $0x1780, v32;
	v13 =	vld [tilespmem:s31+$0x1010];
	_, v10, vm5 =	vpop (xrf1)  }
0xd9: {  	v24 =	vor.u32 v48, v47;
	v31 =	vld [tilespmem:s30+$0x20];
	_, v49, vm13 =	vpop (xrf1)  }
0xda: {  	v29 =	vand.u32 $0x7F, v29;
	v50 =	vand.u32 $0x1780, v34;
	[tilespmem:v18+s18+$0x0] =	vst.idx.add.s32.msk vm8, v39;
	_, v18, vm8 =	vpop (xrf1)  }
0xdb: {  	v51 =	vand.u32 $0xF80, v33;
	v29 =	vor.u32 v29, v50;
	v52 =	vand.u32 $0x7FF, v25;
	[tilespmem:v22+s18+$0x0] =	vst.idx.add.s32.msk vm9, v42  }
0xdc: {  	v53 =	vand.u32 $0x7F, v3;
	v32 =	vor.u32 $0x800, v52;
	v55 =	vld [tilespmem:s12+$0x12080];
	v54 =	vand.u32 $0x7FF, v26  }
0xdd: {  	v59 =	vor.u32 v53, v51;
	(xrf1) =	vunique.msk.u32 $0xffff, v32;
	v3 =	vld [tilespmem:s2+$0x13080];
	v58 =	vand.u32 $0x7FF, v13;
	v57 =	vor.u32 $0x1000, v54  }
0xde: {  	v56 =	vand.u32 $0x7FF, v27;
	[tilespmem:v24+s18+$0x0] =	vst.idx.add.s32.msk vm12, v46;
	v21 =	vor.u32 $0x1800, v58;
	(xrf1) =	vunique.msk.u32 $0xffff, v57  }
0xdf: {  	v34 =	vor.u32 $0x800, v56;
	v15 =	vld [tilespmem:s31+$0x1020];
	(xrf1) =	vunique.msk.u32 $0xffff, v21  }
0xe0: {  	[tilespmem:v29+s18+$0x0] =	vst.idx.add.s32.msk vm8, v18;
	(xrf1) =	vunique.msk.u32 $0xffff, v34  }
0xe1: {  	v60 =	vand.u32 $0x7FF, v55;
	v18 =	vld [tilespmem:s31+$0x1000]  }
0xe2: {  	v62 =	vand.u32 $0x7FF, v30;
	v61 =	vld [tilespmem:s23+$0xFFFFF000];
	v63 =	vor.u32 $0x1000, v60  }
0xe3: {  	v38 =	vor.u32 $0x800, v62;
	v44 =	vand.u32 $0x7FF, v3;
	[tilespmem:v59+s18+$0x0] =	vst.idx.add.s32.msk vm13, v49;
	(xrf1) =	vunique.msk.u32 $0xffff, v63  }
0xe4: {  	v22 =	vor.u32 $0x1800, v44;
	v36 =	vld [tilespmem:s30+$0x0];
	(xrf1) =	vunique.msk.u32 $0xffff, v38;
	v45 =	vand.u32 $0x7FF, v15  }
0xe5: {  	v46 =	vand.u32 $0x7FF, v31;
	(xrf1) =	vunique.msk.u32 $0xffff, v22;
	v23 =	vor.u32 $0x1800, v45  }
0xe6: {  	v47 =	vor.u32 $0x1000, v46;
	(xrf1) =	vunique.msk.u32 $0xffff, v23;
	v48 =	vand.u32 $0x7FF, v18  }
0xe7: {  	v39 =	vand.u32 $0x7FF, v61;
	(xrf1) =	vunique.msk.u32 $0xffff, v47;
	v24 =	vor.u32 $0x1800, v48  }
0xe8: {  	v39 =	vor.u32 $0x800, v39;
	(xrf1) =	vunique.msk.u32 $0xffff, v24  }
0xe9: {  	v40 =	vand.u32 $0x7FF, v36;
	(xrf1) =	vunique.msk.u32 $0xffff, v39  }
0xea: {  	v40 =	vor.u32 $0x1000, v40  }
0xeb: {  	_, v41, vm14 =	vpop (xrf1);
	(xrf1) =	vunique.msk.u32 $0xffff, v40  }
0xec: {  	v43 =	vand.u32 $0x7F, v25;
	v32 =	vand.u32 $0xF80, v32;
	_, v42, vm15 =	vpop (xrf1)  }
0xed: {  	v32 =	vor.u32 v43, v32;
	v26 =	vand.u32 $0x7F, v26;
	v35 =	vand.u32 $0x1780, v57;
	_, v25, vm6 =	vpop (xrf1)  }
0xee: {  	v27 =	vand.u32 $0x7F, v27;
	v26 =	vor.u32 v26, v35;
	v34 =	vand.u32 $0xF80, v34;
	_, v49, vm2 =	vpop (xrf1)  }
0xef: {  	v27 =	vor.u32 v27, v34;
	_ =	sdelay $0x1  }
0xf0: {  	_, v50, vm10 =	vpop (xrf1)  }
0xf1: {  	v51 =	vand.u32 $0x7F, v55;
	v37 =	vand.u32 $0x1780, v63;
	[tilespmem:v32+s18+$0x0] =	vst.idx.add.s32.msk vm14, v41;
	_, v52, vm11 =	vpop (xrf1)  }
0xf2: {  	v32 =	vor.u32 v51, v37;
	[tilespmem:v26+s18+$0x0] =	vst.idx.add.s32.msk vm15, v42;
	_, v26, vm7 =	vpop (xrf1)  }
0xf3: {  	v30 =	vand.u32 $0x7F, v30;
	v53 =	vand.u32 $0xF80, v38;
	[tilespmem:v27+s18+$0x0] =	vst.idx.add.s32.msk vm2, v49;
	_, v27, vm8 =	vpop (xrf1)  }
0xf4: {  	v30 =	vor.u32 v30, v53;
	v41 =	vld [tilespmem:s23+$0x10];
	_, v54, vm12 =	vpop (xrf1)  }
0xf5: {  	v31 =	vand.u32 $0x7F, v31;
	v55 =	vand.u32 $0x1780, v47;
	v42 =	vld [tilespmem:s30+$0x1010];
	_, v28, vm9 =	vpop (xrf1)  }
0xf6: {  	v29 =	vand.u32 $0x7F, v61;
	v31 =	vor.u32 v31, v55;
	v39 =	vand.u32 $0xF80, v39;
	v35 =	vld [tilespmem:s23+$0x20];
	_, v56, vm13 =	vpop (xrf1)  }
0xf7: {  	v29 =	vor.u32 v29, v39;
	[tilespmem:v32+s18+$0x0] =	vst.idx.add.s32.msk vm10, v50  }
0xf8: {  	v57 =	vand.u32 $0x7F, v36;
	v58 =	vand.u32 $0x1780, v40;
	v36 =	vld [tilespmem:s12+$0x13080];
	_, v59, vm3 =	vpop (xrf1)  }
0xf9: {  	v32 =	vor.u32 v57, v58;
	[tilespmem:v30+s18+$0x0] =	vst.idx.add.s32.msk vm11, v52  }
0xfa: {  	v30 =	vld [tilespmem:s0+$0x12080]  }
0xfb: {  	[tilespmem:v31+s18+$0x0] =	vst.idx.add.s32.msk vm12, v54  }
0xfc: {  	[tilespmem:v29+s18+$0x0] =	vst.idx.add.s32.msk vm13, v56  }
0xfd: {  	v29 =	vld [tilespmem:s30+$0x1020]  }
0xfe: {  	v60 =	vand.u32 $0x7FF, v41;
	[tilespmem:v32+s18+$0x0] =	vst.idx.add.s32.msk vm3, v59  }
0xff: {  	v61 =	vand.u32 $0x7FF, v42;
	v31 =	vor.u32 $0x1000, v60;
	v33 =	vld [tilespmem:s30+$0x1000]  }
0x100: {  	(xrf1) =	vunique.msk.u32 $0xffff, v31;
	v62 =	vand.u32 $0x7FF, v30;
	v32 =	vor.u32 $0x1800, v61;
	v63 =	vld [tilespmem:s23+$0x0]  }
0x101: {  	v48 =	vand.u32 $0x7FF, v36;
	v34 =	vor.u32 $0x1000, v62;
	(xrf1) =	vunique.msk.u32 $0xffff, v32  }
0x102: {  	v38 =	vor.u32 $0x1800, v48;
	(xrf1) =	vunique.msk.u32 $0xffff, v34;
	v49 =	vand.u32 $0x7FF, v29  }
0x103: {  	v50 =	vand.u32 $0x7FF, v35;
	(xrf1) =	vunique.msk.u32 $0xffff, v38;
	v39 =	vor.u32 $0x1800, v49  }
0x104: {  	v40 =	vor.u32 $0x1000, v50;
	v51 =	vand.u32 $0x7FF, v33;
	(xrf1) =	vunique.msk.u32 $0xffff, v39  }
0x105: {  	v44 =	vand.u32 $0x7FF, v63;
	(xrf1) =	vunique.msk.u32 $0xffff, v40;
	v43 =	vor.u32 $0x1800, v51  }
0x106: {  	v44 =	vor.u32 $0x1000, v44;
	(xrf1) =	vunique.msk.u32 $0xffff, v43  }
0x107: {  	(xrf1) =	vunique.msk.u32 $0xffff, v44;
	_ =	sdelay $0x6  }
0x108: {  	_, v45, vm14 =	vpop (xrf1)  }
0x109: {  	_, v46, vm12 =	vpop (xrf1)  }
0x10a: {  	_, v47, vm15 =	vpop (xrf1)  }
0x10b: {  	_, v48, vm11 =	vpop (xrf1)  }
0x10c: {  	v41 =	vand.u32 $0x7F, v41;
	v31 =	vand.u32 $0x1780, v31;
	_, v49, vm10 =	vpop (xrf1)  }
0x10d: {  	v30 =	vand.u32 $0x7F, v30;
	v31 =	vor.u32 v41, v31;
	v34 =	vand.u32 $0x1780, v34;
	_, v52, vm3 =	vpop (xrf1)  }
0x10e: {  	v53 =	vand.u32 $0x7F, v35;
	v30 =	vor.u32 v30, v34;
	v40 =	vand.u32 $0x1780, v40;
	_, v35, vm13 =	vpop (xrf1)  }
0x10f: {  	v37 =	vand.u32 $0x7F, v63;
	v34 =	vor.u32 v53, v40;
	v44 =	vand.u32 $0x1780, v44;
	_, v54, vm2 =	vpop (xrf1)  }
0x110: {  	[tilespmem:v8+s18+$0x0] =	vst.idx.add.s32.msk vm0, v4;
	v37 =	vor.u32 v37, v44  }
0x111: {  	[tilespmem:v6+s18+$0x0] =	vst.idx.add.s32.msk vm1, v7  }
0x112: {  	[tilespmem:v31+s18+$0x0] =	vst.idx.add.s32.msk vm14, v45  }
0x113: {  	[tilespmem:v30+s18+$0x0] =	vst.idx.add.s32.msk vm15, v47  }
0x114: {  	[tilespmem:v34+s18+$0x0] =	vst.idx.add.s32.msk vm3, v52  }
0x115: {  	[tilespmem:v37+s18+$0x0] =	vst.idx.add.s32.msk vm2, v54  }
0x116: {  	v61 =	vand.u32 $0x1F80, v17;
	v17 =	vand.u32 $0x1F80, v21;
	v21 =	vld [tilespmem:$0x1FFE0];
	_ =	sdelay $0x4  }
0x117: {  	v2 =	vand.u32 $0x7F, v2;
	v16 =	vand.u32 $0x1F80, v16;
	vm14 =	vnez.u8 v21  }
0x118: {  	v2 =	vor.u32 v2, v16  }
0x119: {  	v55 =	vld [tilespmem:s23+$0x1010]  }
0x11a: {  	v56 =	vld [tilespmem:s0+$0x13080]  }
0x11b: {  	v34 =	vld [tilespmem:s23+$0x1020]  }
0x11c: {  	v37 =	vld [tilespmem:s23+$0x1000]  }
0x11d: {  	v3 =	vand.u32 $0x7F, v3;
	v63 =	vand.u32 $0x1F80, v20;
	v20 =	vand.u32 $0x1F80, v22;
	[tilespmem:v2+s18+$0x0] =	vst.idx.add.s32.msk vm14, v11  }
0x11e: {  	v57 =	vand.u32 $0x7FF, v55;
	v2 =	vor.u32 v3, v20;
	v3 =	vand.u32 $0x1F80, v23;
	v23 =	vld [tilespmem:$0x1FFF0]  }
0x11f: {  	v40 =	vor.u32 $0x1800, v57;
	v58 =	vand.u32 $0x7FF, v56  }
0x120: {  	(xrf1) =	vunique.msk.u32 $0xffff, v40;
	v41 =	vor.u32 $0x1800, v58;
	v59 =	vand.u32 $0x7FF, v34  }
0x121: {  	(xrf1) =	vunique.msk.u32 $0xffff, v41;
	v44 =	vor.u32 $0x1800, v59;
	v60 =	vand.u32 $0x7FF, v37  }
0x122: {  	(xrf1) =	vunique.msk.u32 $0xffff, v44;
	v45 =	vor.u32 $0x1800, v60  }
0x123: {  	v1 =	vand.u32 $0x7F, v1;
	(xrf1) =	vunique.msk.u32 $0xffff, v45;
	vm15 =	vnez.u8 v23  }
0x124: {  	v12 =	vand.u32 $0x7F, v12;
	v62 =	vand.u32 $0x1F80, v19;
	v1 =	vor.u32 v1, v61  }
0x125: {  	v14 =	vand.u32 $0x7F, v14;
	v12 =	vor.u32 v12, v62  }
0x126: {  	v13 =	vand.u32 $0x7F, v13;
	v16 =	vor.u32 v14, v63  }
0x127: {  	v19 =	vor.u32 v13, v17  }
0x128: {  	v22 =	vand.u32 $0x7F, v15  }
0x129: {  	[tilespmem:v1+s18+$0x0] =	vst.idx.add.s32.msk vm15, v9;
	v1 =	vor.u32 v22, v3;
	v3 =	vand.u32 $0x1F80, v24;
	v24 =	vand.u32 $0x7F, v18  }
0x12a: {  	v50 =	vand.u32 $0x7F, v36;
	v47 =	vand.u32 $0x1F80, v38;
	[tilespmem:v12+s18+$0x0] =	vst.idx.add.s32.msk vm4, v5;
	v3 =	vor.u32 v24, v3  }
0x12b: {  	v42 =	vand.u32 $0x7F, v42;
	v32 =	vand.u32 $0x1F80, v32;
	v4 =	vor.u32 v50, v47;
	[tilespmem:v16+s18+$0x0] =	vst.idx.add.s32.msk vm5, v10  }
0x12c: {  	v51 =	vand.u32 $0x1F80, v39;
	v52 =	vand.u32 $0x7F, v29;
	v5 =	vor.u32 v42, v32;
	[tilespmem:v19+s18+$0x0] =	vst.idx.add.s32.msk vm6, v25  }
0x12d: {  	v53 =	vand.u32 $0x7F, v33;
	v6 =	vor.u32 v52, v51;
	[tilespmem:v2+s18+$0x0] =	vst.idx.add.s32.msk vm7, v26;
	v2 =	vand.u32 $0x1F80, v43  }
0x12e: {  	v54 =	vand.u32 $0x7F, v55;
	[tilespmem:v1+s18+$0x0] =	vst.idx.add.s32.msk vm8, v27;
	v1 =	vor.u32 v53, v2;
	v2 =	vand.u32 $0x1F80, v40;
	_, v55, vm8 =	vpop (xrf1)  }
0x12f: {  	v56 =	vand.u32 $0x7F, v56;
	[tilespmem:v3+s18+$0x0] =	vst.idx.add.s32.msk vm9, v28;
	v3 =	vand.u32 $0x1F80, v41;
	v2 =	vor.u32 v54, v2;
	_, v57, vm9 =	vpop (xrf1)  }
0x130: {  	v59 =	vand.u32 $0x7F, v34;
	v58 =	vand.u32 $0x1F80, v44;
	[tilespmem:v4+s18+$0x0] =	vst.idx.add.s32.msk vm11, v48;
	v3 =	vor.u32 v56, v3;
	_, v60, vm14 =	vpop (xrf1)  }
0x131: {  	s29 =	sadd.s32 $0x1, s29;
	v62 =	vand.u32 $0x7F, v37;
	v61 =	vand.u32 $0x1F80, v45;
	[tilespmem:v5+s18+$0x0] =	vst.idx.add.s32.msk vm12, v46;
	v5 =	vor.u32 v59, v58;
	_, v63, vm15 =	vpop (xrf1)  }
0x132: {  	p0 =	sne.s32 s29, $0x4;
	[tilespmem:v6+s18+$0x0] =	vst.idx.add.s32.msk vm10, v49;
	v4 =	vor.u32 v62, v61  }
.Ltmp2:
0x133: {  	[tilespmem:v1+s18+$0x0] =	vst.idx.add.s32.msk vm13, v35;
	(pc) =	sbr.rel @p0 .LBB2_5-.Ltmp2, $4  }
0x134: {  	[tilespmem:v2+s18+$0x0] =	vst.idx.add.s32.msk vm8, v55  }
0x135: {  	[tilespmem:v3+s18+$0x0] =	vst.idx.add.s32.msk vm9, v57  }
0x136: {  	[tilespmem:v5+s18+$0x0] =	vst.idx.add.s32.msk vm14, v60  }
0x137: {  	[tilespmem:v4+s18+$0x0] =	vst.idx.add.s32.msk vm15, v63  }
0x138: {  	s0 =	simm.s32 $0x0;
	s6 =	simm.s32 $0x14080  }
0x139: {  	s2 =	sand.u32 $0x7F0, s0;
	v2 =	vld [tilespmem:s6+$0x0]  }
0x13a: {  	v1 =	vld [tilespmem:s2+$0x14880]  }
0x13b: {  	v3 =	vld [tilespmem:s2+$0x15080]  }
0x13c: {  	v4 =	vld [tilespmem:s2+$0x15880];
	_ =	sdelay $0x2  }
0x13d: {  	v5 =	vadd.s32 v2, v1  }
0x13e: {  	v5 =	vadd.s32 v3, v5  }
0x13f: {  	v4 =	vadd.s32 v4, v5  }
0x140: {  	(xrf0) =	vadd.scan.msk.s32 $0xffff, v4;
	_ =	sdelay $0x5  }
0x141: {  	v4 =	vsub.s32 s0, v4;
	v63, _, _ =	vpop (xrf0)  }
0x142: {  	s16 =	simm.s32 $0x16080;
	v4 =	vadd.s32 v63, v4;
	(v2sf) =	vpush v63, $0xF  }
0x143: {  	s2 =	simm.s32 $0x16880;
	[tilespmem:s16+$0x0] =	vst v4;
	v2 =	vadd.s32 v2, v4  }
0x144: {  	s6 =	simm.s32 $0x17080;
	[tilespmem:s2+$0x0] =	vst v2;
	v1 =	vadd.s32 v1, v2  }
0x145: {  	s12 =	simm.s32 $0x17880;
	s23 =	simm.s32 $0x10;
	[tilespmem:s6+$0x0] =	vst v1;
	v1 =	vadd.s32 v3, v1  }
0x146: {  	s28 =	sand.u32 $0x7F0, s23;
	[tilespmem:s12+$0x0] =	vst v1  }
0x147: {  	s26 =	simm.s32 $0x20;
	s24 =	simm.s32 $0x14090;
	s23 =	simm.s32 $0x0;
	v1 =	vld [tilespmem:s28+$0x14880]  }
.LBB2_9:
0x148: {  	p0 =	sne.s32 s26, $0x7F0;
	v2 =	vld [tilespmem:s24+$0x0]  }
0x149: {  	v3 =	vld [tilespmem:s28+$0x15080]  }
0x14a: {  	v4 =	vld [tilespmem:s28+$0x15880];
	_ =	sdelay $0x2  }
0x14b: {  	v5 =	vadd.s32 v2, v1  }
0x14c: {  	v5 =	vadd.s32 v3, v5  }
0x14d: {  	v4 =	vadd.s32 v4, v5  }
0x14e: {  	(xrf0) =	vadd.scan.msk.s32 $0xffff, v4  }
0x14f: {  	s28 =	spop (v2sf)  }
0x150: {  	s23 =	sadd.s32 s23, s28  }
0x151: {  	v4 =	vsub.s32 s23, v4;
	_ =	sdelay $0x2  }
0x152: {  	v5, _, _ =	vpop (xrf0)  }
0x153: {  	s16 =	sadd.s32 $0x10, s16;
	v4 =	vadd.s32 v5, v4;
	(v2sf) =	vpush v5, $0xF  }
.Ltmp3:
0x154: {  	s2 =	sadd.s32 $0x10, s2;
	[tilespmem:s16+$0x0] =	vst v4;
	v2 =	vadd.s32 v2, v4;
	(pc) =	sbr.rel @p0 .LBB2_9-.Ltmp3, $4  }
0x155: {  	s6 =	sadd.s32 $0x10, s6;
	[tilespmem:s2+$0x0] =	vst v2;
	v1 =	vadd.s32 v1, v2  }
0x156: {  	s12 =	sadd.s32 $0x10, s12;
	[tilespmem:s6+$0x0] =	vst v1;
	v1 =	vadd.s32 v3, v1  }
0x157: {  	s28 =	sand.u32 $0x7F0, s26;
	[tilespmem:s12+$0x0] =	vst v1  }
0x158: {  	s24 =	sadd.s32 $0x10, s24;
	s26 =	sadd.s32 $0x10, s26;
	v1 =	vld [tilespmem:s28+$0x14880]  }
0x159: {  	v2 =	vld [tilespmem:s24+$0x0]  }
0x15a: {  	v3 =	vld [tilespmem:s28+$0x15080]  }
0x15b: {  	v4 =	vld [tilespmem:s28+$0x15880];
	_ =	sdelay $0x2  }
0x15c: {  	v5 =	vadd.s32 v2, v1  }
0x15d: {  	v5 =	vadd.s32 v3, v5  }
0x15e: {  	v4 =	vadd.s32 v4, v5  }
0x15f: {  	(xrf0) =	vadd.scan.msk.s32 $0xffff, v4;
	_ =	sdelay $0x5  }
0x160: {  	v63, _, _ =	vpop (xrf0)  }
0x161: {  	(v2sf) =	vpush v63, $0xF;
	_ =	sdelay $0x7  }
0x162: {  	s28 =	spop (v2sf)  }
0x163: {  	s23 =	sadd.s32 s23, s28  }
0x164: {  	v4 =	vsub.s32 s23, v4  }
0x165: {  	s16 =	sadd.s32 $0x10, s16;
	v4 =	vadd.s32 v63, v4  }
0x166: {  	s2 =	sadd.s32 $0x10, s2;
	[tilespmem:s16+$0x0] =	vst v4;
	v2 =	vadd.s32 v2, v4  }
0x167: {  	s29 =	sadd.s32 $0x10, s6;
	[tilespmem:s2+$0x0] =	vst v2;
	v1 =	vadd.s32 v1, v2  }
0x168: {  	s30 =	sadd.s32 $0x10, s12;
	[tilespmem:s29+$0x0] =	vst v1;
	v1 =	vadd.s32 v3, v1  }
0x169: {  	[tilespmem:s30+$0x0] =	vst v1;
	s31 =	spop (v2sf)  }
.LBB2_11:
0x16a: {  	s2 =	sshll.u32 s0, $0xC  }
0x16b: {  	s2 =	sadd.s32 s25, s2  }
0x16c: {  	s6 =	sshrl.u32 s2, $0x3  }
0x16d: {  	s2 =	sadd.s32 s3, s6  }
0x16e: {  	[tilespmem:s13], [sflag:$0x1] =	stream.linear.gather [hbm4b:s2+s1], $0x1000, $0x38;
	[tilespmem:$0x18080] =	vst v63  }
0x16f: {  	_ =	swait.ge [sflag:s14], $0x1000  }
0x170: {  	[sflag:s14] =	ssyncset.done $0x0  }
0x171: {  	s31 =	sadd.s32 s6, s5;
	[sflag:s14] =	ssyncadd.s32 $0xFFFFF000  }
0x172: {  	[tilespmem:s15], [sflag:$0x1] =	stream.linear.gather [hbm4b:s31+s1], $0x1000, $0x38;
	[tilespmem:$0x18080] =	vst v63  }
0x173: {  	_ =	swait.ge [sflag:s14], $0x1000  }
0x174: {  	[sflag:s14] =	ssyncset.done $0x0  }
0x175: {  	s12 =	sadd.s32 s6, s7;
	s2 =	simm.s32 $0x12080;
	[sflag:s14] =	ssyncadd.s32 $0xFFFFF000  }
0x176: {  	[tilespmem:s2], [sflag:$0x1] =	stream.linear.gather [hbm4b:s12+s1], $0x1000, $0x38;
	[tilespmem:$0x18080] =	vst v63  }
0x177: {  	_ =	swait.ge [sflag:s14], $0x1000  }
0x178: {  	[sflag:s14] =	ssyncset.done $0x0  }
0x179: {  	s6 =	sadd.s32 s6, s8;
	[sflag:s14] =	ssyncadd.s32 $0xFFFFF000  }
0x17a: {  	[tilespmem:s17], [sflag:$0x1] =	stream.linear.gather [hbm4b:s6+s1], $0x1000, $0x38;
	[tilespmem:$0x18080] =	vst v63  }
0x17b: {  	_ =	swait.ge [sflag:s14], $0x1000  }
0x17c: {  	[sflag:s14] =	ssyncset.done $0x0  }
0x17d: {  	s6 =	simm.s32 $0xFFFFFFF8;
	[sflag:s14] =	ssyncadd.s32 $0xFFFFF000  }
.LBB2_12:
0x17e: {  	v1 =	vld [tilespmem:s2+$0xFFFFE000];
	_ =	sdelay $0x4  }
0x17f: {  	v2 =	vand.u32 $0x7FF, v1  }
0x180: {  	(xrf1) =	vunique.msk.u32 $0xffff, v2;
	_ =	sdelay $0x6  }
0x181: {  	v3 =	vld [tilespmem:s2+$0xFFFFF000];
	_ =	sdelay $0x2  }
0x182: {  	v4 =	vld.idx.msk [tilespmem:v2+s19+$0x0], $0xffff;
	_ =	sdelay $0x1  }
0x183: {  	v5 =	vand.u32 $0x7FF, v3  }
0x184: {  	(xrf1) =	vunique.msk.u32 $0xffff, v5  }
0x185: {  	_, v6, vm0 =	vpop (xrf1)  }
0x186: {  	v4 =	vadd.s32 v4, v6  }
0x187: {  	v4 =	vadd.s32 $0xFFFFFFFF, v4;
	_ =	sdelay $0x3  }
0x188: {  	v7 =	vld [tilespmem:s2+$0x0]  }
0x189: {  	v8 =	vld [tilespmem:s2+$0x1000];
	[tilespmem:v4+s1+$0x0] =	vst.idx.msk $0xffff, v1  }
0x18a: {  	[tilespmem:v2+s19+$0x0] =	vst.idx.add.s32.msk vm0, v6  }
0x18b: {  	v1 =	vld.idx.msk [tilespmem:v5+s20+$0x0], $0xffff;
	_ =	sdelay $0x1  }
0x18c: {  	v2 =	vand.u32 $0x7FF, v7  }
0x18d: {  	(xrf1) =	vunique.msk.u32 $0xffff, v2  }
0x18e: {  	_, v42, vm13 =	vpop (xrf1)  }
0x18f: {  	v1 =	vadd.s32 v1, v42  }
0x190: {  	v1 =	vadd.s32 $0xFFFFFFFF, v1;
	_ =	sdelay $0x4  }
0x191: {  	[tilespmem:v1+s1+$0x0] =	vst.idx.msk $0xffff, v3  }
0x192: {  	[tilespmem:v5+s20+$0x0] =	vst.idx.add.s32.msk vm13, v42  }
0x193: {  	v1 =	vld.idx.msk [tilespmem:v2+s21+$0x0], $0xffff;
	_ =	sdelay $0x1  }
0x194: {  	v3 =	vand.u32 $0x7FF, v8  }
0x195: {  	(xrf1) =	vunique.msk.u32 $0xffff, v3  }
0x196: {  	_, v4, vm0 =	vpop (xrf1)  }
0x197: {  	v1 =	vadd.s32 v1, v4  }
0x198: {  	v1 =	vadd.s32 $0xFFFFFFFF, v1;
	_ =	sdelay $0x4  }
0x199: {  	[tilespmem:v1+s1+$0x0] =	vst.idx.msk $0xffff, v7  }
0x19a: {  	[tilespmem:v2+s21+$0x0] =	vst.idx.add.s32.msk vm0, v4  }
0x19b: {  	v1 =	vld.idx.msk [tilespmem:v3+s22+$0x0], $0xffff;
	_ =	sdelay $0x3  }
0x19c: {  	_, v2, vm0 =	vpop (xrf1)  }
0x19d: {  	v1 =	vadd.s32 v1, v2  }
0x19e: {  	v1 =	vadd.s32 $0xFFFFFFFF, v1;
	_ =	sdelay $0x4  }
0x19f: {  	[tilespmem:v1+s1+$0x0] =	vst.idx.msk $0xffff, v8  }
0x1a0: {  	[tilespmem:v3+s22+$0x0] =	vst.idx.add.s32.msk vm0, v2  }
0x1a1: {  	v1 =	vld [tilespmem:s2+$0xFFFFE010];
	_ =	sdelay $0x4  }
0x1a2: {  	v2 =	vand.u32 $0x7FF, v1  }
0x1a3: {  	(xrf1) =	vunique.msk.u32 $0xffff, v2;
	_ =	sdelay $0x6  }
0x1a4: {  	v3 =	vld [tilespmem:s2+$0xFFFFF010];
	_ =	sdelay $0x2  }
0x1a5: {  	v4 =	vld.idx.msk [tilespmem:v2+s19+$0x0], $0xffff;
	_ =	sdelay $0x1  }
0x1a6: {  	v43 =	vand.u32 $0x7FF, v3  }
0x1a7: {  	(xrf1) =	vunique.msk.u32 $0xffff, v43  }
0x1a8: {  	_, v44, vm14 =	vpop (xrf1)  }
0x1a9: {  	v4 =	vadd.s32 v4, v44  }
0x1aa: {  	v4 =	vadd.s32 $0xFFFFFFFF, v4;
	_ =	sdelay $0x3  }
0x1ab: {  	v7 =	vld [tilespmem:s2+$0x10]  }
0x1ac: {  	v8 =	vld [tilespmem:s2+$0x1010];
	[tilespmem:v4+s1+$0x0] =	vst.idx.msk $0xffff, v1  }
0x1ad: {  	[tilespmem:v2+s19+$0x0] =	vst.idx.add.s32.msk vm14, v44  }
0x1ae: {  	v1 =	vld.idx.msk [tilespmem:v43+s20+$0x0], $0xffff;
	_ =	sdelay $0x1  }
0x1af: {  	v2 =	vand.u32 $0x7FF, v7  }
0x1b0: {  	(xrf1) =	vunique.msk.u32 $0xffff, v2  }
0x1b1: {  	_, v45, vm15 =	vpop (xrf1)  }
0x1b2: {  	v1 =	vadd.s32 v1, v45  }
0x1b3: {  	v1 =	vadd.s32 $0xFFFFFFFF, v1;
	_ =	sdelay $0x4  }
0x1b4: {  	[tilespmem:v1+s1+$0x0] =	vst.idx.msk $0xffff, v3  }
0x1b5: {  	[tilespmem:v43+s20+$0x0] =	vst.idx.add.s32.msk vm15, v45  }
0x1b6: {  	v1 =	vld.idx.msk [tilespmem:v2+s21+$0x0], $0xffff;
	_ =	sdelay $0x1  }
0x1b7: {  	v3 =	vand.u32 $0x7FF, v8  }
0x1b8: {  	(xrf1) =	vunique.msk.u32 $0xffff, v3  }
0x1b9: {  	_, v4, vm0 =	vpop (xrf1)  }
0x1ba: {  	v1 =	vadd.s32 v1, v4  }
0x1bb: {  	v1 =	vadd.s32 $0xFFFFFFFF, v1;
	_ =	sdelay $0x4  }
0x1bc: {  	[tilespmem:v1+s1+$0x0] =	vst.idx.msk $0xffff, v7  }
0x1bd: {  	[tilespmem:v2+s21+$0x0] =	vst.idx.add.s32.msk vm0, v4  }
0x1be: {  	v1 =	vld.idx.msk [tilespmem:v3+s22+$0x0], $0xffff;
	_ =	sdelay $0x3  }
0x1bf: {  	_, v2, vm0 =	vpop (xrf1)  }
0x1c0: {  	v1 =	vadd.s32 v1, v2  }
0x1c1: {  	v1 =	vadd.s32 $0xFFFFFFFF, v1;
	_ =	sdelay $0x4  }
0x1c2: {  	[tilespmem:v1+s1+$0x0] =	vst.idx.msk $0xffff, v8  }
0x1c3: {  	[tilespmem:v3+s22+$0x0] =	vst.idx.add.s32.msk vm0, v2  }
0x1c4: {  	v1 =	vld [tilespmem:s2+$0xFFFFE020];
	_ =	sdelay $0x4  }
0x1c5: {  	v2 =	vand.u32 $0x7FF, v1  }
0x1c6: {  	(xrf1) =	vunique.msk.u32 $0xffff, v2;
	_ =	sdelay $0x6  }
0x1c7: {  	v3 =	vld [tilespmem:s2+$0xFFFFF020];
	_ =	sdelay $0x2  }
0x1c8: {  	v4 =	vld.idx.msk [tilespmem:v2+s19+$0x0], $0xffff;
	_ =	sdelay $0x1  }
0x1c9: {  	v46 =	vand.u32 $0x7FF, v3  }
0x1ca: {  	(xrf1) =	vunique.msk.u32 $0xffff, v46  }
0x1cb: {  	_, v47, vm4 =	vpop (xrf1)  }
0x1cc: {  	v4 =	vadd.s32 v4, v47  }
0x1cd: {  	v4 =	vadd.s32 $0xFFFFFFFF, v4;
	_ =	sdelay $0x3  }
0x1ce: {  	v7 =	vld [tilespmem:s2+$0x20]  }
0x1cf: {  	v8 =	vld [tilespmem:s2+$0x1020];
	[tilespmem:v4+s1+$0x0] =	vst.idx.msk $0xffff, v1  }
0x1d0: {  	[tilespmem:v2+s19+$0x0] =	vst.idx.add.s32.msk vm4, v47  }
0x1d1: {  	v1 =	vld.idx.msk [tilespmem:v46+s20+$0x0], $0xffff;
	_ =	sdelay $0x1  }
0x1d2: {  	v2 =	vand.u32 $0x7FF, v7  }
0x1d3: {  	(xrf1) =	vunique.msk.u32 $0xffff, v2  }
0x1d4: {  	_, v48, vm5 =	vpop (xrf1)  }
0x1d5: {  	v1 =	vadd.s32 v1, v48  }
0x1d6: {  	v1 =	vadd.s32 $0xFFFFFFFF, v1;
	_ =	sdelay $0x4  }
0x1d7: {  	[tilespmem:v1+s1+$0x0] =	vst.idx.msk $0xffff, v3  }
0x1d8: {  	[tilespmem:v46+s20+$0x0] =	vst.idx.add.s32.msk vm5, v48  }
0x1d9: {  	v1 =	vld.idx.msk [tilespmem:v2+s21+$0x0], $0xffff;
	_ =	sdelay $0x1  }
0x1da: {  	v3 =	vand.u32 $0x7FF, v8  }
0x1db: {  	(xrf1) =	vunique.msk.u32 $0xffff, v3  }
0x1dc: {  	_, v4, vm0 =	vpop (xrf1)  }
0x1dd: {  	v1 =	vadd.s32 v1, v4  }
0x1de: {  	v1 =	vadd.s32 $0xFFFFFFFF, v1;
	_ =	sdelay $0x4  }
0x1df: {  	[tilespmem:v1+s1+$0x0] =	vst.idx.msk $0xffff, v7  }
0x1e0: {  	[tilespmem:v2+s21+$0x0] =	vst.idx.add.s32.msk vm0, v4  }
0x1e1: {  	v1 =	vld.idx.msk [tilespmem:v3+s22+$0x0], $0xffff;
	_ =	sdelay $0x3  }
0x1e2: {  	_, v2, vm0 =	vpop (xrf1)  }
0x1e3: {  	v1 =	vadd.s32 v1, v2  }
0x1e4: {  	v1 =	vadd.s32 $0xFFFFFFFF, v1;
	_ =	sdelay $0x4  }
0x1e5: {  	[tilespmem:v1+s1+$0x0] =	vst.idx.msk $0xffff, v8  }
0x1e6: {  	[tilespmem:v3+s22+$0x0] =	vst.idx.add.s32.msk vm0, v2  }
0x1e7: {  	v1 =	vld [tilespmem:s2+$0xFFFFE030];
	_ =	sdelay $0x4  }
0x1e8: {  	v2 =	vand.u32 $0x7FF, v1  }
0x1e9: {  	(xrf1) =	vunique.msk.u32 $0xffff, v2;
	_ =	sdelay $0x6  }
0x1ea: {  	v3 =	vld [tilespmem:s2+$0xFFFFF030];
	_ =	sdelay $0x2  }
0x1eb: {  	v4 =	vld.idx.msk [tilespmem:v2+s19+$0x0], $0xffff;
	_ =	sdelay $0x1  }
0x1ec: {  	v49 =	vand.u32 $0x7FF, v3  }
0x1ed: {  	(xrf1) =	vunique.msk.u32 $0xffff, v49  }
0x1ee: {  	_, v50, vm6 =	vpop (xrf1)  }
0x1ef: {  	v4 =	vadd.s32 v4, v50  }
0x1f0: {  	v4 =	vadd.s32 $0xFFFFFFFF, v4;
	_ =	sdelay $0x3  }
0x1f1: {  	v7 =	vld [tilespmem:s2+$0x30]  }
0x1f2: {  	v8 =	vld [tilespmem:s2+$0x1030];
	[tilespmem:v4+s1+$0x0] =	vst.idx.msk $0xffff, v1  }
0x1f3: {  	[tilespmem:v2+s19+$0x0] =	vst.idx.add.s32.msk vm6, v50  }
0x1f4: {  	v1 =	vld.idx.msk [tilespmem:v49+s20+$0x0], $0xffff;
	_ =	sdelay $0x1  }
0x1f5: {  	v2 =	vand.u32 $0x7FF, v7  }
0x1f6: {  	(xrf1) =	vunique.msk.u32 $0xffff, v2  }
0x1f7: {  	_, v51, vm7 =	vpop (xrf1)  }
0x1f8: {  	v1 =	vadd.s32 v1, v51  }
0x1f9: {  	v1 =	vadd.s32 $0xFFFFFFFF, v1;
	_ =	sdelay $0x4  }
0x1fa: {  	[tilespmem:v1+s1+$0x0] =	vst.idx.msk $0xffff, v3  }
0x1fb: {  	[tilespmem:v49+s20+$0x0] =	vst.idx.add.s32.msk vm7, v51  }
0x1fc: {  	v1 =	vld.idx.msk [tilespmem:v2+s21+$0x0], $0xffff;
	_ =	sdelay $0x1  }
0x1fd: {  	v3 =	vand.u32 $0x7FF, v8  }
0x1fe: {  	(xrf1) =	vunique.msk.u32 $0xffff, v3  }
0x1ff: {  	_, v4, vm0 =	vpop (xrf1)  }
0x200: {  	v1 =	vadd.s32 v1, v4  }
0x201: {  	v1 =	vadd.s32 $0xFFFFFFFF, v1;
	_ =	sdelay $0x4  }
0x202: {  	[tilespmem:v1+s1+$0x0] =	vst.idx.msk $0xffff, v7  }
0x203: {  	[tilespmem:v2+s21+$0x0] =	vst.idx.add.s32.msk vm0, v4  }
0x204: {  	v1 =	vld.idx.msk [tilespmem:v3+s22+$0x0], $0xffff;
	_ =	sdelay $0x3  }
0x205: {  	_, v2, vm0 =	vpop (xrf1)  }
0x206: {  	v1 =	vadd.s32 v1, v2  }
0x207: {  	v1 =	vadd.s32 $0xFFFFFFFF, v1;
	_ =	sdelay $0x4  }
0x208: {  	[tilespmem:v1+s1+$0x0] =	vst.idx.msk $0xffff, v8  }
0x209: {  	[tilespmem:v3+s22+$0x0] =	vst.idx.add.s32.msk vm0, v2  }
0x20a: {  	v1 =	vld [tilespmem:s2+$0xFFFFE040];
	_ =	sdelay $0x4  }
0x20b: {  	v2 =	vand.u32 $0x7FF, v1  }
0x20c: {  	(xrf1) =	vunique.msk.u32 $0xffff, v2;
	_ =	sdelay $0x6  }
0x20d: {  	v3 =	vld [tilespmem:s2+$0xFFFFF040];
	_ =	sdelay $0x2  }
0x20e: {  	v4 =	vld.idx.msk [tilespmem:v2+s19+$0x0], $0xffff;
	_ =	sdelay $0x1  }
0x20f: {  	v52 =	vand.u32 $0x7FF, v3  }
0x210: {  	(xrf1) =	vunique.msk.u32 $0xffff, v52  }
0x211: {  	_, v53, vm8 =	vpop (xrf1)  }
0x212: {  	v4 =	vadd.s32 v4, v53  }
0x213: {  	v4 =	vadd.s32 $0xFFFFFFFF, v4;
	_ =	sdelay $0x3  }
0x214: {  	v7 =	vld [tilespmem:s2+$0x40]  }
0x215: {  	v8 =	vld [tilespmem:s2+$0x1040];
	[tilespmem:v4+s1+$0x0] =	vst.idx.msk $0xffff, v1  }
0x216: {  	[tilespmem:v2+s19+$0x0] =	vst.idx.add.s32.msk vm8, v53  }
0x217: {  	v1 =	vld.idx.msk [tilespmem:v52+s20+$0x0], $0xffff;
	_ =	sdelay $0x1  }
0x218: {  	v2 =	vand.u32 $0x7FF, v7  }
0x219: {  	(xrf1) =	vunique.msk.u32 $0xffff, v2  }
0x21a: {  	_, v54, vm9 =	vpop (xrf1)  }
0x21b: {  	v1 =	vadd.s32 v1, v54  }
0x21c: {  	v1 =	vadd.s32 $0xFFFFFFFF, v1;
	_ =	sdelay $0x4  }
0x21d: {  	[tilespmem:v1+s1+$0x0] =	vst.idx.msk $0xffff, v3  }
0x21e: {  	[tilespmem:v52+s20+$0x0] =	vst.idx.add.s32.msk vm9, v54  }
0x21f: {  	v1 =	vld.idx.msk [tilespmem:v2+s21+$0x0], $0xffff;
	_ =	sdelay $0x1  }
0x220: {  	v3 =	vand.u32 $0x7FF, v8  }
0x221: {  	(xrf1) =	vunique.msk.u32 $0xffff, v3  }
0x222: {  	_, v4, vm0 =	vpop (xrf1)  }
0x223: {  	v1 =	vadd.s32 v1, v4  }
0x224: {  	v1 =	vadd.s32 $0xFFFFFFFF, v1;
	_ =	sdelay $0x4  }
0x225: {  	[tilespmem:v1+s1+$0x0] =	vst.idx.msk $0xffff, v7  }
0x226: {  	[tilespmem:v2+s21+$0x0] =	vst.idx.add.s32.msk vm0, v4  }
0x227: {  	v1 =	vld.idx.msk [tilespmem:v3+s22+$0x0], $0xffff;
	_ =	sdelay $0x3  }
0x228: {  	_, v2, vm0 =	vpop (xrf1)  }
0x229: {  	v1 =	vadd.s32 v1, v2  }
0x22a: {  	v1 =	vadd.s32 $0xFFFFFFFF, v1;
	_ =	sdelay $0x4  }
0x22b: {  	[tilespmem:v1+s1+$0x0] =	vst.idx.msk $0xffff, v8  }
0x22c: {  	[tilespmem:v3+s22+$0x0] =	vst.idx.add.s32.msk vm0, v2  }
0x22d: {  	v1 =	vld [tilespmem:s2+$0xFFFFE050];
	_ =	sdelay $0x4  }
0x22e: {  	v2 =	vand.u32 $0x7FF, v1  }
0x22f: {  	(xrf1) =	vunique.msk.u32 $0xffff, v2;
	_ =	sdelay $0x6  }
0x230: {  	v3 =	vld [tilespmem:s2+$0xFFFFF050];
	_ =	sdelay $0x2  }
0x231: {  	v4 =	vld.idx.msk [tilespmem:v2+s19+$0x0], $0xffff;
	_ =	sdelay $0x1  }
0x232: {  	v55 =	vand.u32 $0x7FF, v3  }
0x233: {  	(xrf1) =	vunique.msk.u32 $0xffff, v55  }
0x234: {  	_, v56, vm10 =	vpop (xrf1)  }
0x235: {  	v4 =	vadd.s32 v4, v56  }
0x236: {  	v4 =	vadd.s32 $0xFFFFFFFF, v4;
	_ =	sdelay $0x3  }
0x237: {  	v7 =	vld [tilespmem:s2+$0x50]  }
0x238: {  	v8 =	vld [tilespmem:s2+$0x1050];
	[tilespmem:v4+s1+$0x0] =	vst.idx.msk $0xffff, v1  }
0x239: {  	[tilespmem:v2+s19+$0x0] =	vst.idx.add.s32.msk vm10, v56  }
0x23a: {  	v1 =	vld.idx.msk [tilespmem:v55+s20+$0x0], $0xffff;
	_ =	sdelay $0x1  }
0x23b: {  	v2 =	vand.u32 $0x7FF, v7  }
0x23c: {  	(xrf1) =	vunique.msk.u32 $0xffff, v2  }
0x23d: {  	_, v57, vm11 =	vpop (xrf1)  }
0x23e: {  	v1 =	vadd.s32 v1, v57  }
0x23f: {  	v1 =	vadd.s32 $0xFFFFFFFF, v1;
	_ =	sdelay $0x4  }
0x240: {  	[tilespmem:v1+s1+$0x0] =	vst.idx.msk $0xffff, v3  }
0x241: {  	[tilespmem:v55+s20+$0x0] =	vst.idx.add.s32.msk vm11, v57  }
0x242: {  	v1 =	vld.idx.msk [tilespmem:v2+s21+$0x0], $0xffff;
	_ =	sdelay $0x1  }
0x243: {  	v3 =	vand.u32 $0x7FF, v8  }
0x244: {  	(xrf1) =	vunique.msk.u32 $0xffff, v3  }
0x245: {  	_, v4, vm0 =	vpop (xrf1)  }
0x246: {  	v1 =	vadd.s32 v1, v4  }
0x247: {  	v1 =	vadd.s32 $0xFFFFFFFF, v1;
	_ =	sdelay $0x4  }
0x248: {  	[tilespmem:v1+s1+$0x0] =	vst.idx.msk $0xffff, v7  }
0x249: {  	[tilespmem:v2+s21+$0x0] =	vst.idx.add.s32.msk vm0, v4  }
0x24a: {  	v1 =	vld.idx.msk [tilespmem:v3+s22+$0x0], $0xffff;
	_ =	sdelay $0x3  }
0x24b: {  	_, v2, vm0 =	vpop (xrf1)  }
0x24c: {  	v1 =	vadd.s32 v1, v2  }
0x24d: {  	v1 =	vadd.s32 $0xFFFFFFFF, v1;
	_ =	sdelay $0x4  }
0x24e: {  	[tilespmem:v1+s1+$0x0] =	vst.idx.msk $0xffff, v8  }
0x24f: {  	[tilespmem:v3+s22+$0x0] =	vst.idx.add.s32.msk vm0, v2  }
0x250: {  	v1 =	vld [tilespmem:s2+$0xFFFFE060];
	_ =	sdelay $0x4  }
0x251: {  	v2 =	vand.u32 $0x7FF, v1  }
0x252: {  	(xrf1) =	vunique.msk.u32 $0xffff, v2;
	_ =	sdelay $0x6  }
0x253: {  	v3 =	vld [tilespmem:s2+$0xFFFFF060];
	_ =	sdelay $0x2  }
0x254: {  	v4 =	vld.idx.msk [tilespmem:v2+s19+$0x0], $0xffff;
	_ =	sdelay $0x1  }
0x255: {  	v58 =	vand.u32 $0x7FF, v3  }
0x256: {  	(xrf1) =	vunique.msk.u32 $0xffff, v58  }
0x257: {  	_, v59, vm12 =	vpop (xrf1)  }
0x258: {  	v4 =	vadd.s32 v4, v59  }
0x259: {  	v4 =	vadd.s32 $0xFFFFFFFF, v4;
	_ =	sdelay $0x3  }
0x25a: {  	v7 =	vld [tilespmem:s2+$0x60]  }
0x25b: {  	v8 =	vld [tilespmem:s2+$0x1060];
	[tilespmem:v4+s1+$0x0] =	vst.idx.msk $0xffff, v1  }
0x25c: {  	[tilespmem:v2+s19+$0x0] =	vst.idx.add.s32.msk vm12, v59  }
0x25d: {  	v1 =	vld.idx.msk [tilespmem:v58+s20+$0x0], $0xffff;
	_ =	sdelay $0x1  }
0x25e: {  	v2 =	vand.u32 $0x7FF, v7  }
0x25f: {  	(xrf1) =	vunique.msk.u32 $0xffff, v2  }
0x260: {  	_, v60, vm13 =	vpop (xrf1)  }
0x261: {  	v1 =	vadd.s32 v1, v60  }
0x262: {  	v1 =	vadd.s32 $0xFFFFFFFF, v1;
	_ =	sdelay $0x4  }
0x263: {  	[tilespmem:v1+s1+$0x0] =	vst.idx.msk $0xffff, v3  }
0x264: {  	[tilespmem:v58+s20+$0x0] =	vst.idx.add.s32.msk vm13, v60  }
0x265: {  	v1 =	vld.idx.msk [tilespmem:v2+s21+$0x0], $0xffff;
	_ =	sdelay $0x1  }
0x266: {  	v3 =	vand.u32 $0x7FF, v8  }
0x267: {  	(xrf1) =	vunique.msk.u32 $0xffff, v3  }
0x268: {  	_, v4, vm0 =	vpop (xrf1)  }
0x269: {  	v1 =	vadd.s32 v1, v4  }
0x26a: {  	v1 =	vadd.s32 $0xFFFFFFFF, v1;
	_ =	sdelay $0x4  }
0x26b: {  	[tilespmem:v1+s1+$0x0] =	vst.idx.msk $0xffff, v7  }
0x26c: {  	[tilespmem:v2+s21+$0x0] =	vst.idx.add.s32.msk vm0, v4  }
0x26d: {  	v1 =	vld.idx.msk [tilespmem:v3+s22+$0x0], $0xffff;
	_ =	sdelay $0x3  }
0x26e: {  	_, v2, vm0 =	vpop (xrf1)  }
0x26f: {  	v1 =	vadd.s32 v1, v2  }
0x270: {  	v1 =	vadd.s32 $0xFFFFFFFF, v1;
	_ =	sdelay $0x4  }
0x271: {  	[tilespmem:v1+s1+$0x0] =	vst.idx.msk $0xffff, v8  }
0x272: {  	[tilespmem:v3+s22+$0x0] =	vst.idx.add.s32.msk vm0, v2  }
0x273: {  	v1 =	vld [tilespmem:s2+$0xFFFFE070];
	_ =	sdelay $0x4  }
0x274: {  	v2 =	vand.u32 $0x7FF, v1  }
0x275: {  	(xrf1) =	vunique.msk.u32 $0xffff, v2;
	_ =	sdelay $0x6  }
0x276: {  	v3 =	vld [tilespmem:s2+$0xFFFFF070];
	_ =	sdelay $0x2  }
0x277: {  	v4 =	vld.idx.msk [tilespmem:v2+s19+$0x0], $0xffff;
	_ =	sdelay $0x1  }
0x278: {  	v61 =	vand.u32 $0x7FF, v3  }
0x279: {  	(xrf1) =	vunique.msk.u32 $0xffff, v61  }
0x27a: {  	_, v62, vm14 =	vpop (xrf1)  }
0x27b: {  	v4 =	vadd.s32 v4, v62  }
0x27c: {  	v4 =	vadd.s32 $0xFFFFFFFF, v4;
	_ =	sdelay $0x3  }
0x27d: {  	v7 =	vld [tilespmem:s2+$0x70]  }
0x27e: {  	v8 =	vld [tilespmem:s2+$0x1070];
	[tilespmem:v4+s1+$0x0] =	vst.idx.msk $0xffff, v1  }
0x27f: {  	[tilespmem:v2+s19+$0x0] =	vst.idx.add.s32.msk vm14, v62  }
0x280: {  	v1 =	vld.idx.msk [tilespmem:v61+s20+$0x0], $0xffff;
	_ =	sdelay $0x1  }
0x281: {  	v2 =	vand.u32 $0x7FF, v7  }
0x282: {  	(xrf1) =	vunique.msk.u32 $0xffff, v2  }
0x283: {  	_, v63, vm15 =	vpop (xrf1)  }
0x284: {  	v1 =	vadd.s32 v1, v63  }
0x285: {  	v1 =	vadd.s32 $0xFFFFFFFF, v1;
	_ =	sdelay $0x4  }
0x286: {  	[tilespmem:v1+s1+$0x0] =	vst.idx.msk $0xffff, v3  }
0x287: {  	[tilespmem:v61+s20+$0x0] =	vst.idx.add.s32.msk vm15, v63  }
0x288: {  	v1 =	vld.idx.msk [tilespmem:v2+s21+$0x0], $0xffff;
	_ =	sdelay $0x1  }
0x289: {  	v3 =	vand.u32 $0x7FF, v8  }
0x28a: {  	(xrf1) =	vunique.msk.u32 $0xffff, v3  }
0x28b: {  	_, v4, vm0 =	vpop (xrf1)  }
0x28c: {  	v1 =	vadd.s32 v1, v4  }
0x28d: {  	v1 =	vadd.s32 $0xFFFFFFFF, v1;
	_ =	sdelay $0x4  }
0x28e: {  	[tilespmem:v1+s1+$0x0] =	vst.idx.msk $0xffff, v7  }
0x28f: {  	[tilespmem:v2+s21+$0x0] =	vst.idx.add.s32.msk vm0, v4  }
0x290: {  	v1 =	vld.idx.msk [tilespmem:v3+s22+$0x0], $0xffff;
	_ =	sdelay $0x3  }
0x291: {  	_, v2, vm0 =	vpop (xrf1)  }
0x292: {  	v1 =	vadd.s32 v1, v2  }
0x293: {  	s6 =	sadd.s32 $0x8, s6;
	v1 =	vadd.s32 $0xFFFFFFFF, v1  }
0x294: {  	p0 =	slt.u32 s6, $0xF8  }
.Ltmp4:
0x295: {  	_ = 	snop;
	(pc) =	sbr.rel @p0 .LBB2_12-.Ltmp4, $3  }
0x296: {  	_ =	sdelay $0x1  }
0x297: {  	[tilespmem:v1+s1+$0x0] =	vst.idx.msk $0xffff, v8  }
0x298: {  	s2 =	sadd.s32 $0x80, s2;
	[tilespmem:v3+s22+$0x0] =	vst.idx.add.s32.msk vm0, v2  }
0x299: {  	s0 =	sadd.s32 $0x1, s0  }
0x29a: {  	p0 =	sne.s32 s0, $0x4  }
.Ltmp5:
0x29b: {  	_ = 	snop;
	(pc) =	sbr.rel @p0 .LBB2_11-.Ltmp5, $1  }
0x29c: {  	_ =	sdelay $0x3  }
0x29d: {  	s0 =	simm.s32 $0x140C0  }
0x29e: {  	[tilespmem:s0+$0xFFFFFFC0] =	vst v0  }
0x29f: {  	[tilespmem:s0+$0x30] =	vst v0  }
0x2a0: {  	[tilespmem:s0+$0x20] =	vst v0  }
0x2a1: {  	[tilespmem:s0+$0x10] =	vst v0  }
0x2a2: {  	[tilespmem:s0+$0x0] =	vst v0  }
0x2a3: {  	[tilespmem:s0+$0xFFFFFFF0] =	vst v0  }
0x2a4: {  	s6 =	simm.s32 $0x0;
	s2 =	simm.s32 $0x20;
	[tilespmem:s0+$0xFFFFFFE0] =	vst v0  }
.LBB2_15:
0x2a5: {  	s6 =	sadd.s32 $0x8, s6;
	[tilespmem:s0+$0xFFFFFFD0] =	vst v0;
	s0 =	sadd.s32 $0x80, s0  }
0x2a6: {  	[tilespmem:s0+$0xFFFFFFC0] =	vst v0;
	p0 =	slt.u32 s6, $0x1F8  }
0x2a7: {  	[tilespmem:s0+$0x30] =	vst v0  }
.Ltmp6:
0x2a8: {  	[tilespmem:s0+$0x20] =	vst v0;
	(pc) =	sbr.rel @p0 .LBB2_15-.Ltmp6, $4  }
0x2a9: {  	[tilespmem:s0+$0x10] =	vst v0  }
0x2aa: {  	[tilespmem:s0+$0x0] =	vst v0  }
0x2ab: {  	[tilespmem:s0+$0xFFFFFFF0] =	vst v0  }
0x2ac: {  	s12 =	simm.s32 $0x0;
	[tilespmem:s0+$0xFFFFFFE0] =	vst v0  }
0x2ad: {  	[tilespmem:s0+$0xFFFFFFD0] =	vst v0  }
0x2ae: {  	v1 =	vld [tilespmem:s2+$0x10]  }
0x2af: {  	v2 =	vld [tilespmem:s2+$0xFFFFFFF0]  }
0x2b0: {  	v3 =	vld [tilespmem:s2+$0x0];
	_ =	sdelay $0x1  }
0x2b1: {  	v4 =	vld [tilespmem:s2+$0xFFFFFFE0]  }
0x2b2: {  	s30 =	simm.s32 $0x60;
	v7 =	vshrl.u32 v1, $0xB  }
0x2b3: {  	s29 =	sand.u32 $0x1800, s12;
	v6 =	vld [tilespmem:s30+$0x10];
	v2 =	vshrl.u32 v2, $0xB;
	v1 =	vand.u32 $0x7FF, v7  }
0x2b4: {  	v3 =	vshrl.u32 v3, $0xB;
	v8 =	vor.u32 s29, v1;
	v1 =	vand.u32 $0x7FF, v2  }
0x2b5: {  	v5 =	vand.u32 $0x7FF, v3;
	(xrf1) =	vunique.msk.u32 $0xffff, v8;
	v1 =	vor.u32 s29, v1  }
0x2b6: {  	v10 =	vld [tilespmem:s30+$0xFFFFFFF0];
	v4 =	vshrl.u32 v4, $0xB;
	v5 =	vor.u32 s29, v5;
	(xrf1) =	vunique.msk.u32 $0xffff, v1  }
0x2b7: {  	v11 =	vld [tilespmem:s30+$0x0];
	v9 =	vand.u32 $0x7FF, v4;
	(xrf1) =	vunique.msk.u32 $0xffff, v5  }
0x2b8: {  	v12 =	vld [tilespmem:s30+$0xFFFFFFE0];
	v4 =	vand.u32 $0x7F, v4;
	v13 =	vand.u32 $0x7F, v3;
	v3 =	vshrl.u32 v6, $0xB  }
0x2b9: {  	s31 =	simm.s32 $0x8;
	v7 =	vand.u32 $0x7F, v7;
	v9 =	vor.u32 s29, v9;
	v2 =	vand.u32 $0x7F, v2  }
0x2ba: {  	s6 =	simm.s32 $0xA0;
	s0 =	sand.u32 $0x1800, s31;
	v6 =	vand.u32 $0x7FF, v3;
	v1 =	vand.u32 $0x1F80, v1;
	v5 =	vand.u32 $0x1F80, v5  }
0x2bb: {  	v6 =	vor.u32 s0, v6;
	v2 =	vor.u32 v2, v1;
	(xrf1) =	vunique.msk.u32 $0xffff, v9;
	v1 =	vor.u32 v13, v5;
	v13 =	vld [tilespmem:s6+$0x10]  }
0x2bc: {  	v8 =	vand.u32 $0x1F80, v8;
	v9 =	vand.u32 $0x1F80, v9;
	v5 =	vshrl.u32 v10, $0xB  }
0x2bd: {  	v10 =	vshrl.u32 v11, $0xB;
	v11 =	vshrl.u32 v12, $0xB;
	v4 =	vor.u32 v4, v9  }
0x2be: {  	v9 =	vand.u32 $0x7FF, v5;
	v12 =	vand.u32 $0x7F, v5;
	v5 =	vand.u32 $0x7FF, v10  }
0x2bf: {  	v14 =	vand.u32 $0x7FF, v11;
	v11 =	vand.u32 $0x7F, v11;
	v9 =	vor.u32 s0, v9  }
0x2c0: {  	(xrf1) =	vunique.msk.u32 $0xffff, v6;
	v17 =	vor.u32 s0, v14;
	v14 =	vand.u32 $0x1F80, v9;
	v13 =	vshrl.u32 v13, $0xB  }
0x2c1: {  	(xrf1) =	vunique.msk.u32 $0xffff, v9;
	v9 =	vor.u32 v12, v14;
	v14 =	vor.u32 v7, v8;
	v8 =	vand.u32 $0x7FF, v13  }
0x2c2: {  	v15 =	vor.u32 s0, v5;
	s0 =	simm.s32 $0x10;
	v5 =	vand.u32 $0x1F80, v17  }
0x2c3: {  	v16 =	vld [tilespmem:s6+$0xFFFFFFF0];
	s12 =	sand.u32 $0x1800, s0;
	v5 =	vor.u32 v11, v5;
	_, v11, vm2 =	vpop (xrf1);
	(xrf1) =	vunique.msk.u32 $0xffff, v15  }
0x2c4: {  	v20 =	vld [tilespmem:s6+$0x0];
	v10 =	vand.u32 $0x7F, v10;
	v18 =	vand.u32 $0x1F80, v15;
	_, v7, vm0 =	vpop (xrf1);
	(xrf1) =	vunique.msk.u32 $0xffff, v17;
	v17 =	vor.u32 s12, v8  }
0x2c5: {  	v12 =	vor.u32 v10, v18;
	v18 =	vld [tilespmem:s6+$0xFFFFFFE0];
	_, v8, vm1 =	vpop (xrf1);
	(xrf1) =	vunique.msk.u32 $0xffff, v17;
	_ =	sdelay $0x2  }
0x2c6: {  	v10 =	vshrl.u32 v16, $0xB  }
0x2c7: {  	s2 =	simm.s32 $0x8;
	s6 =	simm.s32 $0xE0;
	v19 =	vand.u32 $0x7FF, v10;
	v10 =	vand.u32 $0x7F, v10;
	v15 =	vshrl.u32 v20, $0xB;
	_, v16, vm3 =	vpop (xrf1)  }
.LBB2_17:
0x2c8: {  	v18 =	vshrl.u32 v18, $0xB;
	v19 =	vor.u32 s12, v19;
	v21 =	vand.u32 $0x7FF, v15;
	v22 =	vmovc v3;
	v3 =	vmovc v13  }
0x2c9: {  	v20 =	vld [tilespmem:s6+$0x10];
	s2 =	sadd.s32 $0x4, s2;
	v23 =	vmovc v2;
	v2 =	vmovc v9;
	v24 =	vmov v1;
	v1 =	vmov v12;
	v9 =	vmov v6  }
0x2ca: {  	v6 =	vmovc v17;
	p0 =	slt.u32 s2, $0xFFC;
	v12 =	vand.u32 $0x7FF, v18;
	v13 =	vor.u32 s12, v21;
	(xrf1) =	vunique.msk.u32 $0xffff, v19;
	[tilespmem:v14+s18+$0x0] =	vst.idx.add.s32.msk vm2, v11  }
0x2cb: {  	v17 =	vld [tilespmem:s6+$0xFFFFFFF0];
	v26 =	vor.u32 s12, v12;
	v12 =	vand.u32 $0x1F80, v19;
	v19 =	vand.u32 $0x1F80, v13;
	(xrf1) =	vunique.msk.u32 $0xffff, v13  }
0x2cc: {  	v15 =	vand.u32 $0x7F, v15;
	v14 =	vand.u32 $0x7F, v18;
	v21 =	vld [tilespmem:s6+$0x0];
	v13 =	vand.u32 $0x1F80, v26;
	(xrf1) =	vunique.msk.u32 $0xffff, v26  }
.Ltmp7:
0x2cd: {  	v22 =	vand.u32 $0x7F, v22;
	v18 =	vld [tilespmem:s6+$0xFFFFFFE0];
	v25 =	vor.u32 v14, v13;
	v14 =	vand.u32 $0x1F80, v9;
	_, v11, vm2 =	vpop (xrf1);
	(pc) =	sbr.rel @p0 .LBB2_17-.Ltmp7, $4  }
0x2ce: {  	s0 =	sadd.s32 $0x8, s0;
	v9 =	vor.u32 v10, v12;
	v13 =	vshrl.u32 v20, $0xB;
	v14 =	vor.u32 v22, v14;
	[tilespmem:v4+s18+$0x0] =	vst.idx.add.s32.msk vm3, v16  }
0x2cf: {  	s12 =	sand.u32 $0x1800, s0;
	v12 =	vor.u32 v15, v19;
	v4 =	vmov v5;
	v10 =	vand.u32 $0x7FF, v13;
	[tilespmem:v23+s18+$0x0] =	vst.idx.add.s32.msk vm0, v7;
	_, v7, vm0 =	vpop (xrf1)  }
0x2d0: {  	v5 =	vmov v25;
	v15 =	vshrl.u32 v17, $0xB;
	v17 =	vor.u32 s12, v10;
	[tilespmem:v24+s18+$0x0] =	vst.idx.add.s32.msk vm1, v8;
	_, v8, vm1 =	vpop (xrf1)  }
0x2d1: {  	s6 =	sadd.s32 $0x40, s6;
	v19 =	vand.u32 $0x7FF, v15;
	v10 =	vand.u32 $0x7F, v15;
	v15 =	vshrl.u32 v21, $0xB;
	(xrf1) =	vunique.msk.u32 $0xffff, v17;
	_, v16, vm3 =	vpop (xrf1)  }
0x2d2: {  	v18 =	vshrl.u32 v18, $0xB;
	v19 =	vor.u32 s12, v19;
	v20 =	vand.u32 $0x7FF, v15  }
0x2d3: {  	v21 =	vand.u32 $0x7FF, v18;
	v20 =	vor.u32 s12, v20;
	(xrf1) =	vunique.msk.u32 $0xffff, v19  }
0x2d4: {  	v21 =	vor.u32 s12, v21;
	(xrf1) =	vunique.msk.u32 $0xffff, v20  }
0x2d5: {  	(xrf1) =	vunique.msk.u32 $0xffff, v21;
	_ =	sdelay $0x6  }
0x2d6: {  	_, v22, vm4 =	vpop (xrf1);
	v6 =	vand.u32 $0x1F80, v6;
	v3 =	vand.u32 $0x7F, v3  }
0x2d7: {  	v3 =	vor.u32 v3, v6;
	_, v23, vm5 =	vpop (xrf1)  }
0x2d8: {  	_, v24, vm6 =	vpop (xrf1)  }
0x2d9: {  	[tilespmem:v14+s18+$0x0] =	vst.idx.add.s32.msk vm2, v11;
	_, v54, vm7 =	vpop (xrf1)  }
0x2da: {  	[tilespmem:v4+s18+$0x0] =	vst.idx.add.s32.msk vm3, v16;
	_, v11, vm2 =	vpop (xrf1)  }
0x2db: {  	[tilespmem:v2+s18+$0x0] =	vst.idx.add.s32.msk vm0, v7;
	v2 =	vand.u32 $0x1F80, v17;
	v55 =	vand.u32 $0x7F, v13;
	_, v4, vm3 =	vpop (xrf1)  }
0x2dc: {  	v2 =	vor.u32 v55, v2;
	[tilespmem:v3+s18+$0x0] =	vst.idx.add.s32.msk vm4, v22;
	v3 =	vand.u32 $0x1F80, v19;
	_, v56, vm14 =	vpop (xrf1)  }
0x2dd: {  	[tilespmem:v1+s18+$0x0] =	vst.idx.add.s32.msk vm1, v8;
	v57 =	vand.u32 $0x7F, v18;
	v1 =	vand.u32 $0x1F80, v21;
	v3 =	vor.u32 v10, v3;
	_, v58, vm15 =	vpop (xrf1)  }
0x2de: {  	v1 =	vor.u32 v57, v1;
	[tilespmem:v9+s18+$0x0] =	vst.idx.add.s32.msk vm5, v23  }
0x2df: {  	[tilespmem:v12+s18+$0x0] =	vst.idx.add.s32.msk vm6, v24  }
0x2e0: {  	v60 =	vand.u32 $0x7F, v15;
	v59 =	vand.u32 $0x1F80, v20;
	[tilespmem:v5+s18+$0x0] =	vst.idx.add.s32.msk vm7, v54  }
0x2e1: {  	v5 =	vor.u32 v60, v59;
	[tilespmem:v2+s18+$0x0] =	vst.idx.add.s32.msk vm2, v11  }
0x2e2: {  	[tilespmem:v3+s18+$0x0] =	vst.idx.add.s32.msk vm3, v4  }
0x2e3: {  	[tilespmem:v1+s18+$0x0] =	vst.idx.add.s32.msk vm15, v58  }
0x2e4: {  	s0 =	rddreg [dreg:$0x6]  }
0x2e5: {  	s0 =	sshll.u32 s0, $0xD  }
0x2e6: {  	[tilespmem:v5+s18+$0x0] =	vst.idx.add.s32.msk vm14, v56;
	s26 =	sadd.s32 s4, s0;
	s0 =	simm.s32 $0x0  }
0x2e7: {  	[hbm4b:s26+s0] =	stream.linear.scatter [tilespmem:s0], [sflag:$0x1], $0x10000, $0x38;
	[tilespmem:$0x18080] =	vst v63  }
0x2e8: {  	_ =	swait.ge [sflag:s14], $0x10000  }
0x2e9: {  	[sflag:s14] =	ssyncset.done $0x0  }
0x2ea: {  	s2 =	sand.u32 $0x7F0, s0;
	[sflag:s14] =	ssyncadd.s32 $0xFFFF0000  }
0x2eb: {  	s6 =	simm.s32 $0x14080;
	v1 =	vld [tilespmem:s2+$0x14880]  }
0x2ec: {  	v2 =	vld [tilespmem:s6+$0x0]  }
0x2ed: {  	v3 =	vld [tilespmem:s2+$0x15080]  }
0x2ee: {  	v61 =	vld [tilespmem:s2+$0x15880];
	_ =	sdelay $0x2  }
0x2ef: {  	v62 =	vadd.s32 v2, v1  }
0x2f0: {  	v5 =	vadd.s32 v3, v62  }
0x2f1: {  	v4 =	vadd.s32 v61, v5  }
0x2f2: {  	(xrf0) =	vadd.scan.msk.s32 $0xffff, v4;
	_ =	sdelay $0x5  }
0x2f3: {  	v4 =	vsub.s32 s0, v4;
	v63, _, _ =	vpop (xrf0)  }
0x2f4: {  	s16 =	simm.s32 $0x16080;
	v4 =	vadd.s32 v63, v4;
	(v2sf) =	vpush v63, $0xF  }
0x2f5: {  	s2 =	simm.s32 $0x16880;
	[tilespmem:s16+$0x0] =	vst v4;
	v2 =	vadd.s32 v2, v4  }
0x2f6: {  	s6 =	simm.s32 $0x17080;
	[tilespmem:s2+$0x0] =	vst v2;
	v1 =	vadd.s32 v1, v2  }
0x2f7: {  	s23 =	simm.s32 $0x10;
	s12 =	simm.s32 $0x17880;
	[tilespmem:s6+$0x0] =	vst v1;
	v1 =	vadd.s32 v3, v1  }
0x2f8: {  	s29 =	sand.u32 $0x7F0, s23;
	[tilespmem:s12+$0x0] =	vst v1  }
0x2f9: {  	s28 =	simm.s32 $0x20;
	s24 =	simm.s32 $0x14090;
	s23 =	simm.s32 $0x0;
	v1 =	vld [tilespmem:s29+$0x14880]  }
.LBB2_19:
0x2fa: {  	p0 =	sne.s32 s28, $0x7F0;
	v2 =	vld [tilespmem:s24+$0x0]  }
0x2fb: {  	v3 =	vld [tilespmem:s29+$0x15080]  }
0x2fc: {  	v4 =	vld [tilespmem:s29+$0x15880];
	_ =	sdelay $0x2  }
0x2fd: {  	v5 =	vadd.s32 v2, v1  }
0x2fe: {  	v5 =	vadd.s32 v3, v5  }
0x2ff: {  	v4 =	vadd.s32 v4, v5  }
0x300: {  	(xrf0) =	vadd.scan.msk.s32 $0xffff, v4  }
0x301: {  	s29 =	spop (v2sf)  }
0x302: {  	s23 =	sadd.s32 s23, s29  }
0x303: {  	v4 =	vsub.s32 s23, v4;
	_ =	sdelay $0x2  }
0x304: {  	v5, _, _ =	vpop (xrf0)  }
0x305: {  	s16 =	sadd.s32 $0x10, s16;
	v4 =	vadd.s32 v5, v4;
	(v2sf) =	vpush v5, $0xF  }
.Ltmp8:
0x306: {  	s2 =	sadd.s32 $0x10, s2;
	[tilespmem:s16+$0x0] =	vst v4;
	v2 =	vadd.s32 v2, v4;
	(pc) =	sbr.rel @p0 .LBB2_19-.Ltmp8, $4  }
0x307: {  	s6 =	sadd.s32 $0x10, s6;
	[tilespmem:s2+$0x0] =	vst v2;
	v1 =	vadd.s32 v1, v2  }
0x308: {  	s12 =	sadd.s32 $0x10, s12;
	[tilespmem:s6+$0x0] =	vst v1;
	v1 =	vadd.s32 v3, v1  }
0x309: {  	s29 =	sand.u32 $0x7F0, s28;
	[tilespmem:s12+$0x0] =	vst v1  }
0x30a: {  	s24 =	sadd.s32 $0x10, s24;
	s28 =	sadd.s32 $0x10, s28;
	v1 =	vld [tilespmem:s29+$0x14880]  }
0x30b: {  	v2 =	vld [tilespmem:s24+$0x0]  }
0x30c: {  	v3 =	vld [tilespmem:s29+$0x15080]  }
0x30d: {  	v4 =	vld [tilespmem:s29+$0x15880];
	_ =	sdelay $0x2  }
0x30e: {  	v5 =	vadd.s32 v2, v1  }
0x30f: {  	v5 =	vadd.s32 v3, v5  }
0x310: {  	v4 =	vadd.s32 v4, v5  }
0x311: {  	(xrf0) =	vadd.scan.msk.s32 $0xffff, v4;
	_ =	sdelay $0x5  }
0x312: {  	v63, _, _ =	vpop (xrf0)  }
0x313: {  	(v2sf) =	vpush v63, $0xF;
	_ =	sdelay $0x7  }
0x314: {  	s28 =	spop (v2sf)  }
0x315: {  	s23 =	sadd.s32 s23, s28  }
0x316: {  	v4 =	vsub.s32 s23, v4  }
0x317: {  	s16 =	sadd.s32 $0x10, s16;
	v4 =	vadd.s32 v63, v4  }
0x318: {  	s2 =	sadd.s32 $0x10, s2;
	[tilespmem:s16+$0x0] =	vst v4;
	v2 =	vadd.s32 v2, v4  }
0x319: {  	s29 =	sadd.s32 $0x10, s6;
	[tilespmem:s2+$0x0] =	vst v2;
	v1 =	vadd.s32 v1, v2  }
0x31a: {  	s30 =	sadd.s32 $0x10, s12;
	[tilespmem:s29+$0x0] =	vst v1;
	v1 =	vadd.s32 v3, v1  }
0x31b: {  	[tilespmem:s30+$0x0] =	vst v1;
	s31 =	spop (v2sf)  }
.LBB2_21:
0x31c: {  	s2 =	sshll.u32 s0, $0xC  }
0x31d: {  	s2 =	sadd.s32 s25, s2  }
0x31e: {  	s6 =	sshrl.u32 s2, $0x3  }
0x31f: {  	s2 =	sadd.s32 s4, s6  }
0x320: {  	[tilespmem:s13], [sflag:$0x1] =	stream.linear.gather [hbm4b:s2+s1], $0x1000, $0x38;
	[tilespmem:$0x18080] =	vst v63  }
0x321: {  	_ =	swait.ge [sflag:s14], $0x1000  }
0x322: {  	[sflag:s14] =	ssyncset.done $0x0  }
0x323: {  	s31 =	sadd.s32 s6, s9;
	[sflag:s14] =	ssyncadd.s32 $0xFFFFF000  }
0x324: {  	[tilespmem:s15], [sflag:$0x1] =	stream.linear.gather [hbm4b:s31+s1], $0x1000, $0x38;
	[tilespmem:$0x18080] =	vst v63  }
0x325: {  	_ =	swait.ge [sflag:s14], $0x1000  }
0x326: {  	[sflag:s14] =	ssyncset.done $0x0  }
0x327: {  	s12 =	sadd.s32 s6, s10;
	s2 =	simm.s32 $0x12080;
	[sflag:s14] =	ssyncadd.s32 $0xFFFFF000  }
0x328: {  	[tilespmem:s2], [sflag:$0x1] =	stream.linear.gather [hbm4b:s12+s1], $0x1000, $0x38;
	[tilespmem:$0x18080] =	vst v63  }
0x329: {  	_ =	swait.ge [sflag:s14], $0x1000  }
0x32a: {  	[sflag:s14] =	ssyncset.done $0x0  }
0x32b: {  	s6 =	sadd.s32 s6, s11;
	[sflag:s14] =	ssyncadd.s32 $0xFFFFF000  }
0x32c: {  	[tilespmem:s17], [sflag:$0x1] =	stream.linear.gather [hbm4b:s6+s1], $0x1000, $0x38;
	[tilespmem:$0x18080] =	vst v63  }
0x32d: {  	_ =	swait.ge [sflag:s14], $0x1000  }
0x32e: {  	[sflag:s14] =	ssyncset.done $0x0  }
0x32f: {  	s12 =	simm.s32 $0xFFFFFFF8;
	[sflag:s14] =	ssyncadd.s32 $0xFFFFF000  }
.LBB2_22:
0x330: {  	v1 =	vld [tilespmem:s2+$0xFFFFE000];
	_ =	sdelay $0x4  }
0x331: {  	v2 =	vshrl.u32 v1, $0xB  }
0x332: {  	v2 =	vand.u32 $0x7FF, v2  }
0x333: {  	(xrf1) =	vunique.msk.u32 $0xffff, v2;
	_ =	sdelay $0x5  }
0x334: {  	v3 =	vld [tilespmem:s2+$0xFFFFF000];
	_ =	sdelay $0x3  }
0x335: {  	v4 =	vld.idx.msk [tilespmem:v2+s19+$0x0], $0xffff  }
0x336: {  	v5 =	vshrl.u32 v3, $0xB  }
0x337: {  	v5 =	vand.u32 $0x7FF, v5  }
0x338: {  	(xrf1) =	vunique.msk.u32 $0xffff, v5  }
0x339: {  	_, v6, vm0 =	vpop (xrf1)  }
0x33a: {  	v4 =	vadd.s32 v4, v6  }
0x33b: {  	v4 =	vadd.s32 $0xFFFFFFFF, v4;
	_ =	sdelay $0x2  }
0x33c: {  	v7 =	vld [tilespmem:s2+$0x0];
	_ =	sdelay $0x1  }
0x33d: {  	v8 =	vld [tilespmem:s2+$0x1000];
	[tilespmem:v4+s1+$0x0] =	vst.idx.msk $0xffff, v1  }
0x33e: {  	[tilespmem:v2+s19+$0x0] =	vst.idx.add.s32.msk vm0, v6  }
0x33f: {  	v1 =	vld.idx.msk [tilespmem:v5+s20+$0x0], $0xffff  }
0x340: {  	v2 =	vshrl.u32 v7, $0xB  }
0x341: {  	v2 =	vand.u32 $0x7FF, v2  }
0x342: {  	(xrf1) =	vunique.msk.u32 $0xffff, v2  }
0x343: {  	_, v42, vm13 =	vpop (xrf1)  }
0x344: {  	v1 =	vadd.s32 v1, v42  }
0x345: {  	v1 =	vadd.s32 $0xFFFFFFFF, v1;
	_ =	sdelay $0x4  }
0x346: {  	[tilespmem:v1+s1+$0x0] =	vst.idx.msk $0xffff, v3  }
0x347: {  	[tilespmem:v5+s20+$0x0] =	vst.idx.add.s32.msk vm13, v42  }
0x348: {  	v1 =	vld.idx.msk [tilespmem:v2+s21+$0x0], $0xffff  }
0x349: {  	v3 =	vshrl.u32 v8, $0xB  }
0x34a: {  	v3 =	vand.u32 $0x7FF, v3  }
0x34b: {  	(xrf1) =	vunique.msk.u32 $0xffff, v3  }
0x34c: {  	_, v4, vm0 =	vpop (xrf1)  }
0x34d: {  	v1 =	vadd.s32 v1, v4  }
0x34e: {  	v1 =	vadd.s32 $0xFFFFFFFF, v1;
	_ =	sdelay $0x4  }
0x34f: {  	[tilespmem:v1+s1+$0x0] =	vst.idx.msk $0xffff, v7  }
0x350: {  	[tilespmem:v2+s21+$0x0] =	vst.idx.add.s32.msk vm0, v4  }
0x351: {  	v1 =	vld.idx.msk [tilespmem:v3+s22+$0x0], $0xffff;
	_ =	sdelay $0x3  }
0x352: {  	_, v2, vm0 =	vpop (xrf1)  }
0x353: {  	v1 =	vadd.s32 v1, v2  }
0x354: {  	v1 =	vadd.s32 $0xFFFFFFFF, v1;
	_ =	sdelay $0x4  }
0x355: {  	[tilespmem:v1+s1+$0x0] =	vst.idx.msk $0xffff, v8  }
0x356: {  	[tilespmem:v3+s22+$0x0] =	vst.idx.add.s32.msk vm0, v2  }
0x357: {  	v1 =	vld [tilespmem:s2+$0xFFFFE010];
	_ =	sdelay $0x4  }
0x358: {  	v2 =	vshrl.u32 v1, $0xB  }
0x359: {  	v2 =	vand.u32 $0x7FF, v2  }
0x35a: {  	(xrf1) =	vunique.msk.u32 $0xffff, v2;
	_ =	sdelay $0x5  }
0x35b: {  	v3 =	vld [tilespmem:s2+$0xFFFFF010];
	_ =	sdelay $0x3  }
0x35c: {  	v4 =	vld.idx.msk [tilespmem:v2+s19+$0x0], $0xffff  }
0x35d: {  	v43 =	vshrl.u32 v3, $0xB  }
0x35e: {  	v5 =	vand.u32 $0x7FF, v43  }
0x35f: {  	(xrf1) =	vunique.msk.u32 $0xffff, v5  }
0x360: {  	_, v44, vm14 =	vpop (xrf1)  }
0x361: {  	v4 =	vadd.s32 v4, v44  }
0x362: {  	v4 =	vadd.s32 $0xFFFFFFFF, v4;
	_ =	sdelay $0x2  }
0x363: {  	v7 =	vld [tilespmem:s2+$0x10];
	_ =	sdelay $0x1  }
0x364: {  	v8 =	vld [tilespmem:s2+$0x1010];
	[tilespmem:v4+s1+$0x0] =	vst.idx.msk $0xffff, v1  }
0x365: {  	[tilespmem:v2+s19+$0x0] =	vst.idx.add.s32.msk vm14, v44  }
0x366: {  	v1 =	vld.idx.msk [tilespmem:v5+s20+$0x0], $0xffff  }
0x367: {  	v2 =	vshrl.u32 v7, $0xB  }
0x368: {  	v2 =	vand.u32 $0x7FF, v2  }
0x369: {  	(xrf1) =	vunique.msk.u32 $0xffff, v2  }
0x36a: {  	_, v45, vm15 =	vpop (xrf1)  }
0x36b: {  	v1 =	vadd.s32 v1, v45  }
0x36c: {  	v1 =	vadd.s32 $0xFFFFFFFF, v1;
	_ =	sdelay $0x4  }
0x36d: {  	[tilespmem:v1+s1+$0x0] =	vst.idx.msk $0xffff, v3  }
0x36e: {  	[tilespmem:v5+s20+$0x0] =	vst.idx.add.s32.msk vm15, v45  }
0x36f: {  	v1 =	vld.idx.msk [tilespmem:v2+s21+$0x0], $0xffff  }
0x370: {  	v3 =	vshrl.u32 v8, $0xB  }
0x371: {  	v3 =	vand.u32 $0x7FF, v3  }
0x372: {  	(xrf1) =	vunique.msk.u32 $0xffff, v3  }
0x373: {  	_, v4, vm0 =	vpop (xrf1)  }
0x374: {  	v1 =	vadd.s32 v1, v4  }
0x375: {  	v1 =	vadd.s32 $0xFFFFFFFF, v1;
	_ =	sdelay $0x4  }
0x376: {  	[tilespmem:v1+s1+$0x0] =	vst.idx.msk $0xffff, v7  }
0x377: {  	[tilespmem:v2+s21+$0x0] =	vst.idx.add.s32.msk vm0, v4  }
0x378: {  	v1 =	vld.idx.msk [tilespmem:v3+s22+$0x0], $0xffff;
	_ =	sdelay $0x3  }
0x379: {  	_, v2, vm0 =	vpop (xrf1)  }
0x37a: {  	v1 =	vadd.s32 v1, v2  }
0x37b: {  	v1 =	vadd.s32 $0xFFFFFFFF, v1;
	_ =	sdelay $0x4  }
0x37c: {  	[tilespmem:v1+s1+$0x0] =	vst.idx.msk $0xffff, v8  }
0x37d: {  	[tilespmem:v3+s22+$0x0] =	vst.idx.add.s32.msk vm0, v2  }
0x37e: {  	v1 =	vld [tilespmem:s2+$0xFFFFE020];
	_ =	sdelay $0x4  }
0x37f: {  	v2 =	vshrl.u32 v1, $0xB  }
0x380: {  	v2 =	vand.u32 $0x7FF, v2  }
0x381: {  	(xrf1) =	vunique.msk.u32 $0xffff, v2;
	_ =	sdelay $0x5  }
0x382: {  	v3 =	vld [tilespmem:s2+$0xFFFFF020];
	_ =	sdelay $0x3  }
0x383: {  	v4 =	vld.idx.msk [tilespmem:v2+s19+$0x0], $0xffff  }
0x384: {  	v46 =	vshrl.u32 v3, $0xB  }
0x385: {  	v5 =	vand.u32 $0x7FF, v46  }
0x386: {  	(xrf1) =	vunique.msk.u32 $0xffff, v5  }
0x387: {  	_, v47, vm4 =	vpop (xrf1)  }
0x388: {  	v4 =	vadd.s32 v4, v47  }
0x389: {  	v4 =	vadd.s32 $0xFFFFFFFF, v4;
	_ =	sdelay $0x2  }
0x38a: {  	v7 =	vld [tilespmem:s2+$0x20];
	_ =	sdelay $0x1  }
0x38b: {  	v8 =	vld [tilespmem:s2+$0x1020];
	[tilespmem:v4+s1+$0x0] =	vst.idx.msk $0xffff, v1  }
0x38c: {  	[tilespmem:v2+s19+$0x0] =	vst.idx.add.s32.msk vm4, v47  }
0x38d: {  	v1 =	vld.idx.msk [tilespmem:v5+s20+$0x0], $0xffff  }
0x38e: {  	v2 =	vshrl.u32 v7, $0xB  }
0x38f: {  	v2 =	vand.u32 $0x7FF, v2  }
0x390: {  	(xrf1) =	vunique.msk.u32 $0xffff, v2  }
0x391: {  	_, v48, vm5 =	vpop (xrf1)  }
0x392: {  	v1 =	vadd.s32 v1, v48  }
0x393: {  	v1 =	vadd.s32 $0xFFFFFFFF, v1;
	_ =	sdelay $0x4  }
0x394: {  	[tilespmem:v1+s1+$0x0] =	vst.idx.msk $0xffff, v3  }
0x395: {  	[tilespmem:v5+s20+$0x0] =	vst.idx.add.s32.msk vm5, v48  }
0x396: {  	v1 =	vld.idx.msk [tilespmem:v2+s21+$0x0], $0xffff  }
0x397: {  	v3 =	vshrl.u32 v8, $0xB  }
0x398: {  	v3 =	vand.u32 $0x7FF, v3  }
0x399: {  	(xrf1) =	vunique.msk.u32 $0xffff, v3  }
0x39a: {  	_, v4, vm0 =	vpop (xrf1)  }
0x39b: {  	v1 =	vadd.s32 v1, v4  }
0x39c: {  	v1 =	vadd.s32 $0xFFFFFFFF, v1;
	_ =	sdelay $0x4  }
0x39d: {  	[tilespmem:v1+s1+$0x0] =	vst.idx.msk $0xffff, v7  }
0x39e: {  	[tilespmem:v2+s21+$0x0] =	vst.idx.add.s32.msk vm0, v4  }
0x39f: {  	v1 =	vld.idx.msk [tilespmem:v3+s22+$0x0], $0xffff;
	_ =	sdelay $0x3  }
0x3a0: {  	_, v2, vm0 =	vpop (xrf1)  }
0x3a1: {  	v1 =	vadd.s32 v1, v2  }
0x3a2: {  	v1 =	vadd.s32 $0xFFFFFFFF, v1;
	_ =	sdelay $0x4  }
0x3a3: {  	[tilespmem:v1+s1+$0x0] =	vst.idx.msk $0xffff, v8  }
0x3a4: {  	[tilespmem:v3+s22+$0x0] =	vst.idx.add.s32.msk vm0, v2  }
0x3a5: {  	v1 =	vld [tilespmem:s2+$0xFFFFE030];
	_ =	sdelay $0x4  }
0x3a6: {  	v2 =	vshrl.u32 v1, $0xB  }
0x3a7: {  	v2 =	vand.u32 $0x7FF, v2  }
0x3a8: {  	(xrf1) =	vunique.msk.u32 $0xffff, v2;
	_ =	sdelay $0x5  }
0x3a9: {  	v3 =	vld [tilespmem:s2+$0xFFFFF030];
	_ =	sdelay $0x3  }
0x3aa: {  	v4 =	vld.idx.msk [tilespmem:v2+s19+$0x0], $0xffff  }
0x3ab: {  	v49 =	vshrl.u32 v3, $0xB  }
0x3ac: {  	v5 =	vand.u32 $0x7FF, v49  }
0x3ad: {  	(xrf1) =	vunique.msk.u32 $0xffff, v5  }
0x3ae: {  	_, v50, vm6 =	vpop (xrf1)  }
0x3af: {  	v4 =	vadd.s32 v4, v50  }
0x3b0: {  	v4 =	vadd.s32 $0xFFFFFFFF, v4;
	_ =	sdelay $0x2  }
0x3b1: {  	v7 =	vld [tilespmem:s2+$0x30];
	_ =	sdelay $0x1  }
0x3b2: {  	v8 =	vld [tilespmem:s2+$0x1030];
	[tilespmem:v4+s1+$0x0] =	vst.idx.msk $0xffff, v1  }
0x3b3: {  	[tilespmem:v2+s19+$0x0] =	vst.idx.add.s32.msk vm6, v50  }
0x3b4: {  	v1 =	vld.idx.msk [tilespmem:v5+s20+$0x0], $0xffff  }
0x3b5: {  	v2 =	vshrl.u32 v7, $0xB  }
0x3b6: {  	v2 =	vand.u32 $0x7FF, v2  }
0x3b7: {  	(xrf1) =	vunique.msk.u32 $0xffff, v2  }
0x3b8: {  	_, v51, vm7 =	vpop (xrf1)  }
0x3b9: {  	v1 =	vadd.s32 v1, v51  }
0x3ba: {  	v1 =	vadd.s32 $0xFFFFFFFF, v1;
	_ =	sdelay $0x4  }
0x3bb: {  	[tilespmem:v1+s1+$0x0] =	vst.idx.msk $0xffff, v3  }
0x3bc: {  	[tilespmem:v5+s20+$0x0] =	vst.idx.add.s32.msk vm7, v51  }
0x3bd: {  	v1 =	vld.idx.msk [tilespmem:v2+s21+$0x0], $0xffff  }
0x3be: {  	v3 =	vshrl.u32 v8, $0xB  }
0x3bf: {  	v3 =	vand.u32 $0x7FF, v3  }
0x3c0: {  	(xrf1) =	vunique.msk.u32 $0xffff, v3  }
0x3c1: {  	_, v4, vm0 =	vpop (xrf1)  }
0x3c2: {  	v1 =	vadd.s32 v1, v4  }
0x3c3: {  	v1 =	vadd.s32 $0xFFFFFFFF, v1;
	_ =	sdelay $0x4  }
0x3c4: {  	[tilespmem:v1+s1+$0x0] =	vst.idx.msk $0xffff, v7  }
0x3c5: {  	[tilespmem:v2+s21+$0x0] =	vst.idx.add.s32.msk vm0, v4  }
0x3c6: {  	v1 =	vld.idx.msk [tilespmem:v3+s22+$0x0], $0xffff;
	_ =	sdelay $0x3  }
0x3c7: {  	_, v2, vm0 =	vpop (xrf1)  }
0x3c8: {  	v1 =	vadd.s32 v1, v2  }
0x3c9: {  	v1 =	vadd.s32 $0xFFFFFFFF, v1;
	_ =	sdelay $0x4  }
0x3ca: {  	[tilespmem:v1+s1+$0x0] =	vst.idx.msk $0xffff, v8  }
0x3cb: {  	[tilespmem:v3+s22+$0x0] =	vst.idx.add.s32.msk vm0, v2  }
0x3cc: {  	v1 =	vld [tilespmem:s2+$0xFFFFE040];
	_ =	sdelay $0x4  }
0x3cd: {  	v2 =	vshrl.u32 v1, $0xB  }
0x3ce: {  	v2 =	vand.u32 $0x7FF, v2  }
0x3cf: {  	(xrf1) =	vunique.msk.u32 $0xffff, v2;
	_ =	sdelay $0x5  }
0x3d0: {  	v3 =	vld [tilespmem:s2+$0xFFFFF040];
	_ =	sdelay $0x3  }
0x3d1: {  	v4 =	vld.idx.msk [tilespmem:v2+s19+$0x0], $0xffff  }
0x3d2: {  	v52 =	vshrl.u32 v3, $0xB  }
0x3d3: {  	v5 =	vand.u32 $0x7FF, v52  }
0x3d4: {  	(xrf1) =	vunique.msk.u32 $0xffff, v5  }
0x3d5: {  	_, v53, vm8 =	vpop (xrf1)  }
0x3d6: {  	v4 =	vadd.s32 v4, v53  }
0x3d7: {  	v4 =	vadd.s32 $0xFFFFFFFF, v4;
	_ =	sdelay $0x2  }
0x3d8: {  	v7 =	vld [tilespmem:s2+$0x40];
	_ =	sdelay $0x1  }
0x3d9: {  	v8 =	vld [tilespmem:s2+$0x1040];
	[tilespmem:v4+s1+$0x0] =	vst.idx.msk $0xffff, v1  }
0x3da: {  	[tilespmem:v2+s19+$0x0] =	vst.idx.add.s32.msk vm8, v53  }
0x3db: {  	v1 =	vld.idx.msk [tilespmem:v5+s20+$0x0], $0xffff  }
0x3dc: {  	v2 =	vshrl.u32 v7, $0xB  }
0x3dd: {  	v2 =	vand.u32 $0x7FF, v2  }
0x3de: {  	(xrf1) =	vunique.msk.u32 $0xffff, v2  }
0x3df: {  	_, v54, vm9 =	vpop (xrf1)  }
0x3e0: {  	v1 =	vadd.s32 v1, v54  }
0x3e1: {  	v1 =	vadd.s32 $0xFFFFFFFF, v1;
	_ =	sdelay $0x4  }
0x3e2: {  	[tilespmem:v1+s1+$0x0] =	vst.idx.msk $0xffff, v3  }
0x3e3: {  	[tilespmem:v5+s20+$0x0] =	vst.idx.add.s32.msk vm9, v54  }
0x3e4: {  	v1 =	vld.idx.msk [tilespmem:v2+s21+$0x0], $0xffff  }
0x3e5: {  	v3 =	vshrl.u32 v8, $0xB  }
0x3e6: {  	v3 =	vand.u32 $0x7FF, v3  }
0x3e7: {  	(xrf1) =	vunique.msk.u32 $0xffff, v3  }
0x3e8: {  	_, v4, vm0 =	vpop (xrf1)  }
0x3e9: {  	v1 =	vadd.s32 v1, v4  }
0x3ea: {  	v1 =	vadd.s32 $0xFFFFFFFF, v1;
	_ =	sdelay $0x4  }
0x3eb: {  	[tilespmem:v1+s1+$0x0] =	vst.idx.msk $0xffff, v7  }
0x3ec: {  	[tilespmem:v2+s21+$0x0] =	vst.idx.add.s32.msk vm0, v4  }
0x3ed: {  	v1 =	vld.idx.msk [tilespmem:v3+s22+$0x0], $0xffff;
	_ =	sdelay $0x3  }
0x3ee: {  	_, v2, vm0 =	vpop (xrf1)  }
0x3ef: {  	v1 =	vadd.s32 v1, v2  }
0x3f0: {  	v1 =	vadd.s32 $0xFFFFFFFF, v1;
	_ =	sdelay $0x4  }
0x3f1: {  	[tilespmem:v1+s1+$0x0] =	vst.idx.msk $0xffff, v8  }
0x3f2: {  	[tilespmem:v3+s22+$0x0] =	vst.idx.add.s32.msk vm0, v2  }
0x3f3: {  	v1 =	vld [tilespmem:s2+$0xFFFFE050];
	_ =	sdelay $0x4  }
0x3f4: {  	v2 =	vshrl.u32 v1, $0xB  }
0x3f5: {  	v2 =	vand.u32 $0x7FF, v2  }
0x3f6: {  	(xrf1) =	vunique.msk.u32 $0xffff, v2;
	_ =	sdelay $0x5  }
0x3f7: {  	v3 =	vld [tilespmem:s2+$0xFFFFF050];
	_ =	sdelay $0x3  }
0x3f8: {  	v4 =	vld.idx.msk [tilespmem:v2+s19+$0x0], $0xffff  }
0x3f9: {  	v55 =	vshrl.u32 v3, $0xB  }
0x3fa: {  	v5 =	vand.u32 $0x7FF, v55  }
0x3fb: {  	(xrf1) =	vunique.msk.u32 $0xffff, v5  }
0x3fc: {  	_, v56, vm10 =	vpop (xrf1)  }
0x3fd: {  	v4 =	vadd.s32 v4, v56  }
0x3fe: {  	v4 =	vadd.s32 $0xFFFFFFFF, v4;
	_ =	sdelay $0x2  }
0x3ff: {  	v7 =	vld [tilespmem:s2+$0x50];
	_ =	sdelay $0x1  }
0x400: {  	v8 =	vld [tilespmem:s2+$0x1050];
	[tilespmem:v4+s1+$0x0] =	vst.idx.msk $0xffff, v1  }
0x401: {  	[tilespmem:v2+s19+$0x0] =	vst.idx.add.s32.msk vm10, v56  }
0x402: {  	v1 =	vld.idx.msk [tilespmem:v5+s20+$0x0], $0xffff  }
0x403: {  	v2 =	vshrl.u32 v7, $0xB  }
0x404: {  	v2 =	vand.u32 $0x7FF, v2  }
0x405: {  	(xrf1) =	vunique.msk.u32 $0xffff, v2  }
0x406: {  	_, v57, vm11 =	vpop (xrf1)  }
0x407: {  	v1 =	vadd.s32 v1, v57  }
0x408: {  	v1 =	vadd.s32 $0xFFFFFFFF, v1;
	_ =	sdelay $0x4  }
0x409: {  	[tilespmem:v1+s1+$0x0] =	vst.idx.msk $0xffff, v3  }
0x40a: {  	[tilespmem:v5+s20+$0x0] =	vst.idx.add.s32.msk vm11, v57  }
0x40b: {  	v1 =	vld.idx.msk [tilespmem:v2+s21+$0x0], $0xffff  }
0x40c: {  	v3 =	vshrl.u32 v8, $0xB  }
0x40d: {  	v3 =	vand.u32 $0x7FF, v3  }
0x40e: {  	(xrf1) =	vunique.msk.u32 $0xffff, v3  }
0x40f: {  	_, v4, vm0 =	vpop (xrf1)  }
0x410: {  	v1 =	vadd.s32 v1, v4  }
0x411: {  	v1 =	vadd.s32 $0xFFFFFFFF, v1;
	_ =	sdelay $0x4  }
0x412: {  	[tilespmem:v1+s1+$0x0] =	vst.idx.msk $0xffff, v7  }
0x413: {  	[tilespmem:v2+s21+$0x0] =	vst.idx.add.s32.msk vm0, v4  }
0x414: {  	v1 =	vld.idx.msk [tilespmem:v3+s22+$0x0], $0xffff;
	_ =	sdelay $0x3  }
0x415: {  	_, v2, vm0 =	vpop (xrf1)  }
0x416: {  	v1 =	vadd.s32 v1, v2  }
0x417: {  	v1 =	vadd.s32 $0xFFFFFFFF, v1;
	_ =	sdelay $0x4  }
0x418: {  	[tilespmem:v1+s1+$0x0] =	vst.idx.msk $0xffff, v8  }
0x419: {  	[tilespmem:v3+s22+$0x0] =	vst.idx.add.s32.msk vm0, v2  }
0x41a: {  	v1 =	vld [tilespmem:s2+$0xFFFFE060];
	_ =	sdelay $0x4  }
0x41b: {  	v2 =	vshrl.u32 v1, $0xB  }
0x41c: {  	v2 =	vand.u32 $0x7FF, v2  }
0x41d: {  	(xrf1) =	vunique.msk.u32 $0xffff, v2;
	_ =	sdelay $0x5  }
0x41e: {  	v3 =	vld [tilespmem:s2+$0xFFFFF060];
	_ =	sdelay $0x3  }
0x41f: {  	v4 =	vld.idx.msk [tilespmem:v2+s19+$0x0], $0xffff  }
0x420: {  	v58 =	vshrl.u32 v3, $0xB  }
0x421: {  	v5 =	vand.u32 $0x7FF, v58  }
0x422: {  	(xrf1) =	vunique.msk.u32 $0xffff, v5  }
0x423: {  	_, v59, vm12 =	vpop (xrf1)  }
0x424: {  	v4 =	vadd.s32 v4, v59  }
0x425: {  	v4 =	vadd.s32 $0xFFFFFFFF, v4;
	_ =	sdelay $0x2  }
0x426: {  	v7 =	vld [tilespmem:s2+$0x60];
	_ =	sdelay $0x1  }
0x427: {  	v8 =	vld [tilespmem:s2+$0x1060];
	[tilespmem:v4+s1+$0x0] =	vst.idx.msk $0xffff, v1  }
0x428: {  	[tilespmem:v2+s19+$0x0] =	vst.idx.add.s32.msk vm12, v59  }
0x429: {  	v1 =	vld.idx.msk [tilespmem:v5+s20+$0x0], $0xffff  }
0x42a: {  	v2 =	vshrl.u32 v7, $0xB  }
0x42b: {  	v2 =	vand.u32 $0x7FF, v2  }
0x42c: {  	(xrf1) =	vunique.msk.u32 $0xffff, v2  }
0x42d: {  	_, v60, vm13 =	vpop (xrf1)  }
0x42e: {  	v1 =	vadd.s32 v1, v60  }
0x42f: {  	v1 =	vadd.s32 $0xFFFFFFFF, v1;
	_ =	sdelay $0x4  }
0x430: {  	[tilespmem:v1+s1+$0x0] =	vst.idx.msk $0xffff, v3  }
0x431: {  	[tilespmem:v5+s20+$0x0] =	vst.idx.add.s32.msk vm13, v60  }
0x432: {  	v1 =	vld.idx.msk [tilespmem:v2+s21+$0x0], $0xffff  }
0x433: {  	v3 =	vshrl.u32 v8, $0xB  }
0x434: {  	v3 =	vand.u32 $0x7FF, v3  }
0x435: {  	(xrf1) =	vunique.msk.u32 $0xffff, v3  }
0x436: {  	_, v4, vm0 =	vpop (xrf1)  }
0x437: {  	v1 =	vadd.s32 v1, v4  }
0x438: {  	v1 =	vadd.s32 $0xFFFFFFFF, v1;
	_ =	sdelay $0x4  }
0x439: {  	[tilespmem:v1+s1+$0x0] =	vst.idx.msk $0xffff, v7  }
0x43a: {  	[tilespmem:v2+s21+$0x0] =	vst.idx.add.s32.msk vm0, v4  }
0x43b: {  	v1 =	vld.idx.msk [tilespmem:v3+s22+$0x0], $0xffff;
	_ =	sdelay $0x3  }
0x43c: {  	_, v2, vm0 =	vpop (xrf1)  }
0x43d: {  	v1 =	vadd.s32 v1, v2  }
0x43e: {  	v1 =	vadd.s32 $0xFFFFFFFF, v1;
	_ =	sdelay $0x4  }
0x43f: {  	[tilespmem:v1+s1+$0x0] =	vst.idx.msk $0xffff, v8  }
0x440: {  	[tilespmem:v3+s22+$0x0] =	vst.idx.add.s32.msk vm0, v2  }
0x441: {  	v1 =	vld [tilespmem:s2+$0xFFFFE070];
	_ =	sdelay $0x4  }
0x442: {  	v2 =	vshrl.u32 v1, $0xB  }
0x443: {  	v2 =	vand.u32 $0x7FF, v2  }
0x444: {  	(xrf1) =	vunique.msk.u32 $0xffff, v2;
	_ =	sdelay $0x5  }
0x445: {  	v3 =	vld [tilespmem:s2+$0xFFFFF070];
	_ =	sdelay $0x3  }
0x446: {  	v4 =	vld.idx.msk [tilespmem:v2+s19+$0x0], $0xffff  }
0x447: {  	v61 =	vshrl.u32 v3, $0xB  }
0x448: {  	v5 =	vand.u32 $0x7FF, v61  }
0x449: {  	(xrf1) =	vunique.msk.u32 $0xffff, v5  }
0x44a: {  	_, v62, vm14 =	vpop (xrf1)  }
0x44b: {  	v4 =	vadd.s32 v4, v62  }
0x44c: {  	v4 =	vadd.s32 $0xFFFFFFFF, v4;
	_ =	sdelay $0x2  }
0x44d: {  	v7 =	vld [tilespmem:s2+$0x70];
	_ =	sdelay $0x1  }
0x44e: {  	v8 =	vld [tilespmem:s2+$0x1070];
	[tilespmem:v4+s1+$0x0] =	vst.idx.msk $0xffff, v1  }
0x44f: {  	[tilespmem:v2+s19+$0x0] =	vst.idx.add.s32.msk vm14, v62  }
0x450: {  	v1 =	vld.idx.msk [tilespmem:v5+s20+$0x0], $0xffff  }
0x451: {  	v2 =	vshrl.u32 v7, $0xB  }
0x452: {  	v2 =	vand.u32 $0x7FF, v2  }
0x453: {  	(xrf1) =	vunique.msk.u32 $0xffff, v2  }
0x454: {  	_, v63, vm15 =	vpop (xrf1)  }
0x455: {  	v1 =	vadd.s32 v1, v63  }
0x456: {  	v1 =	vadd.s32 $0xFFFFFFFF, v1;
	_ =	sdelay $0x4  }
0x457: {  	[tilespmem:v1+s1+$0x0] =	vst.idx.msk $0xffff, v3  }
0x458: {  	[tilespmem:v5+s20+$0x0] =	vst.idx.add.s32.msk vm15, v63  }
0x459: {  	v1 =	vld.idx.msk [tilespmem:v2+s21+$0x0], $0xffff  }
0x45a: {  	v3 =	vshrl.u32 v8, $0xB  }
0x45b: {  	v3 =	vand.u32 $0x7FF, v3  }
0x45c: {  	(xrf1) =	vunique.msk.u32 $0xffff, v3  }
0x45d: {  	_, v4, vm0 =	vpop (xrf1)  }
0x45e: {  	v1 =	vadd.s32 v1, v4  }
0x45f: {  	v1 =	vadd.s32 $0xFFFFFFFF, v1;
	_ =	sdelay $0x4  }
0x460: {  	[tilespmem:v1+s1+$0x0] =	vst.idx.msk $0xffff, v7  }
0x461: {  	[tilespmem:v2+s21+$0x0] =	vst.idx.add.s32.msk vm0, v4  }
0x462: {  	v1 =	vld.idx.msk [tilespmem:v3+s22+$0x0], $0xffff;
	_ =	sdelay $0x3  }
0x463: {  	_, v2, vm0 =	vpop (xrf1)  }
0x464: {  	v1 =	vadd.s32 v1, v2  }
0x465: {  	s12 =	sadd.s32 $0x8, s12;
	v1 =	vadd.s32 $0xFFFFFFFF, v1  }
0x466: {  	p0 =	slt.u32 s12, $0xF8  }
.Ltmp9:
0x467: {  	_ = 	snop;
	(pc) =	sbr.rel @p0 .LBB2_22-.Ltmp9, $3  }
0x468: {  	_ =	sdelay $0x1  }
0x469: {  	[tilespmem:v1+s1+$0x0] =	vst.idx.msk $0xffff, v8  }
0x46a: {  	s2 =	sadd.s32 $0x80, s2;
	[tilespmem:v3+s22+$0x0] =	vst.idx.add.s32.msk vm0, v2  }
0x46b: {  	s0 =	sadd.s32 $0x1, s0  }
0x46c: {  	p0 =	sne.s32 s0, $0x4  }
.Ltmp10:
0x46d: {  	_ = 	snop;
	(pc) =	sbr.rel @p0 .LBB2_21-.Ltmp10, $1  }
0x46e: {  	_ =	sdelay $0x3  }
0x46f: {  	s0 =	simm.s32 $0x140C0  }
0x470: {  	[tilespmem:s0+$0xFFFFFFC0] =	vst v0  }
0x471: {  	[tilespmem:s0+$0x30] =	vst v0  }
0x472: {  	[tilespmem:s0+$0x20] =	vst v0  }
0x473: {  	[tilespmem:s0+$0x10] =	vst v0  }
0x474: {  	[tilespmem:s0+$0x0] =	vst v0  }
0x475: {  	[tilespmem:s0+$0xFFFFFFF0] =	vst v0  }
0x476: {  	s2 =	simm.s32 $0x0;
	[tilespmem:s0+$0xFFFFFFE0] =	vst v0  }
.LBB2_25:
0x477: {  	s2 =	sadd.s32 $0x8, s2;
	[tilespmem:s0+$0xFFFFFFD0] =	vst v0;
	s0 =	sadd.s32 $0x80, s0  }
0x478: {  	[tilespmem:s0+$0xFFFFFFC0] =	vst v0;
	p0 =	slt.u32 s2, $0x1F8  }
0x479: {  	[tilespmem:s0+$0x30] =	vst v0  }
.Ltmp11:
0x47a: {  	[tilespmem:s0+$0x20] =	vst v0;
	(pc) =	sbr.rel @p0 .LBB2_25-.Ltmp11, $4  }
0x47b: {  	[tilespmem:s0+$0x10] =	vst v0  }
0x47c: {  	[tilespmem:s0+$0x0] =	vst v0  }
0x47d: {  	[tilespmem:s0+$0xFFFFFFF0] =	vst v0  }
0x47e: {  	s12 =	simm.s32 $0x0;
	s6 =	simm.s32 $0x20;
	[tilespmem:s0+$0xFFFFFFE0] =	vst v0  }
0x47f: {  	[tilespmem:s0+$0xFFFFFFD0] =	vst v0  }
0x480: {  	v1 =	vld [tilespmem:s6+$0x10]  }
0x481: {  	v2 =	vld [tilespmem:s6+$0xFFFFFFF0];
	_ =	sdelay $0x3  }
0x482: {  	s29 =	sand.u32 $0x1800, s12;
	v1 =	vshrl.u32 v1, $0x16  }
0x483: {  	v4 =	vshrl.u32 v2, $0x16;
	v2 =	vor.u32 s29, v1  }
0x484: {  	v3 =	vld [tilespmem:s6+$0x0];
	v1 =	vor.u32 s29, v4;
	(xrf1) =	vunique.msk.u32 $0xffff, v2  }
0x485: {  	(xrf1) =	vunique.msk.u32 $0xffff, v1  }
0x486: {  	v4 =	vld [tilespmem:s6+$0xFFFFFFE0]  }
0x487: {  	s2 =	simm.s32 $0x60  }
0x488: {  	v5 =	vld [tilespmem:s2+$0x10]  }
0x489: {  	v6 =	vld [tilespmem:s2+$0xFFFFFFF0];
	v3 =	vshrl.u32 v3, $0x16  }
0x48a: {  	v7 =	vld [tilespmem:s2+$0x0];
	v3 =	vor.u32 s29, v3  }
0x48b: {  	s30 =	simm.s32 $0xA0;
	v8 =	vld [tilespmem:s2+$0xFFFFFFE0];
	(xrf1) =	vunique.msk.u32 $0xffff, v3;
	v4 =	vshrl.u32 v4, $0x16  }
0x48c: {  	s31 =	simm.s32 $0x8;
	v9 =	vld [tilespmem:s30+$0x10];
	v4 =	vor.u32 s29, v4  }
0x48d: {  	s2 =	sand.u32 $0x1800, s31;
	v10 =	vld [tilespmem:s30+$0xFFFFFFF0];
	v5 =	vshrl.u32 v5, $0x16;
	(xrf1) =	vunique.msk.u32 $0xffff, v4  }
0x48e: {  	v6 =	vshrl.u32 v6, $0x16;
	v5 =	vor.u32 s2, v5  }
0x48f: {  	v7 =	vshrl.u32 v7, $0x16;
	v6 =	vor.u32 s2, v6;
	(xrf1) =	vunique.msk.u32 $0xffff, v5  }
0x490: {  	s0 =	simm.s32 $0x10;
	v8 =	vshrl.u32 v8, $0x16;
	v7 =	vor.u32 s2, v7;
	(xrf1) =	vunique.msk.u32 $0xffff, v6  }
0x491: {  	v9 =	vshrl.u32 v9, $0x16;
	v8 =	vor.u32 s2, v8;
	s2 =	sand.u32 $0x1800, s0;
	(xrf1) =	vunique.msk.u32 $0xffff, v7  }
0x492: {  	v15 =	vshrl.u32 v10, $0x16;
	v10 =	vor.u32 s2, v9;
	_, v12, vm1 =	vpop (xrf1);
	(xrf1) =	vunique.msk.u32 $0xffff, v8  }
0x493: {  	_, v11, vm0 =	vpop (xrf1);
	(xrf1) =	vunique.msk.u32 $0xffff, v10  }
0x494: {  	v13 =	vld [tilespmem:s30+$0x0];
	_ =	sdelay $0x1  }
0x495: {  	v14 =	vld [tilespmem:s30+$0xFFFFFFE0];
	_ =	sdelay $0x2  }
0x496: {  	s12 =	simm.s32 $0xE0;
	s6 =	simm.s32 $0x8;
	v9 =	vor.u32 s2, v15;
	v15 =	vshrl.u32 v13, $0x16;
	_, v13, vm2 =	vpop (xrf1)  }
.LBB2_27:
0x497: {  	v16 =	vld [tilespmem:s12+$0x10];
	s6 =	sadd.s32 $0x4, s6;
	(xrf1) =	vunique.msk.u32 $0xffff, v9;
	v17 =	vmovc v7;
	v7 =	vor.u32 s2, v15;
	v18 =	vmov v4;
	v4 =	vmov v8  }
0x498: {  	v15 =	vld [tilespmem:s12+$0xFFFFFFF0];
	p0 =	slt.u32 s6, $0xFFC;
	v8 =	vshrl.u32 v14, $0x16;
	(xrf1) =	vunique.msk.u32 $0xffff, v7;
	_, v19, vm3 =	vpop (xrf1)  }
0x499: {  	v20 =	vld [tilespmem:s12+$0x0];
	v8 =	vor.u32 s2, v8  }
.Ltmp12:
0x49a: {  	(xrf1) =	vunique.msk.u32 $0xffff, v8;
	[tilespmem:v2+s18+$0x0] =	vst.idx.add.s32.msk vm1, v12;
	v2 =	vmov v5;
	v5 =	vmov v10;
	(pc) =	sbr.rel @p0 .LBB2_27-.Ltmp12, $4  }
0x49b: {  	s0 =	sadd.s32 $0x8, s0;
	v14 =	vld [tilespmem:s12+$0xFFFFFFE0]  }
0x49c: {  	s2 =	sand.u32 $0x1800, s0;
	v10 =	vshrl.u32 v16, $0x16;
	_, v12, vm1 =	vpop (xrf1);
	[tilespmem:v1+s18+$0x0] =	vst.idx.add.s32.msk vm0, v11;
	v1 =	vmov v6;
	v6 =	vmov v9  }
0x49d: {  	v9 =	vshrl.u32 v15, $0x16;
	v10 =	vor.u32 s2, v10;
	_, v11, vm0 =	vpop (xrf1);
	[tilespmem:v3+s18+$0x0] =	vst.idx.add.s32.msk vm2, v13;
	v3 =	vmov v17  }
0x49e: {  	s12 =	sadd.s32 $0x40, s12;
	v9 =	vor.u32 s2, v9;
	v15 =	vshrl.u32 v20, $0x16;
	(xrf1) =	vunique.msk.u32 $0xffff, v10;
	_, v13, vm2 =	vpop (xrf1);
	[tilespmem:v18+s18+$0x0] =	vst.idx.add.s32.msk vm3, v19  }
0x49f: {  	_ = 	snop  }
0x4a0: {  	v15 =	vor.u32 s2, v15;
	(xrf1) =	vunique.msk.u32 $0xffff, v9;
	v14 =	vshrl.u32 v14, $0x16  }
0x4a1: {  	(xrf1) =	vunique.msk.u32 $0xffff, v15;
	v14 =	vor.u32 s2, v14  }
0x4a2: {  	(xrf1) =	vunique.msk.u32 $0xffff, v14;
	_ =	sdelay $0x5  }
0x4a3: {  	_, v16, vm3 =	vpop (xrf1)  }
0x4a4: {  	_, v17, vm4 =	vpop (xrf1)  }
0x4a5: {  	_, v18, vm5 =	vpop (xrf1)  }
0x4a6: {  	[tilespmem:v2+s18+$0x0] =	vst.idx.add.s32.msk vm1, v12;
	_, v2, vm1 =	vpop (xrf1)  }
0x4a7: {  	[tilespmem:v1+s18+$0x0] =	vst.idx.add.s32.msk vm0, v11;
	_, v1, vm0 =	vpop (xrf1)  }
0x4a8: {  	[tilespmem:v3+s18+$0x0] =	vst.idx.add.s32.msk vm2, v13;
	_, v3, vm2 =	vpop (xrf1)  }
0x4a9: {  	[tilespmem:v4+s18+$0x0] =	vst.idx.add.s32.msk vm3, v16;
	_, v4, vm3 =	vpop (xrf1)  }
0x4aa: {  	[tilespmem:v5+s18+$0x0] =	vst.idx.add.s32.msk vm4, v17;
	_, v5, vm4 =	vpop (xrf1)  }
0x4ab: {  	[tilespmem:v6+s18+$0x0] =	vst.idx.add.s32.msk vm5, v18;
	_, v6, vm5 =	vpop (xrf1)  }
0x4ac: {  	[tilespmem:v7+s18+$0x0] =	vst.idx.add.s32.msk vm1, v2  }
0x4ad: {  	[tilespmem:v8+s18+$0x0] =	vst.idx.add.s32.msk vm0, v1  }
0x4ae: {  	[tilespmem:v10+s18+$0x0] =	vst.idx.add.s32.msk vm2, v3  }
0x4af: {  	[tilespmem:v9+s18+$0x0] =	vst.idx.add.s32.msk vm3, v4  }
0x4b0: {  	[tilespmem:v15+s18+$0x0] =	vst.idx.add.s32.msk vm4, v5  }
0x4b1: {  	s0 =	simm.s32 $0x0;
	[tilespmem:v14+s18+$0x0] =	vst.idx.add.s32.msk vm5, v6  }
0x4b2: {  	[hbm4b:s26+s0] =	stream.linear.scatter [tilespmem:s0], [sflag:$0x1], $0x10000, $0x38;
	[tilespmem:$0x18080] =	vst v63  }
0x4b3: {  	_ =	swait.ge [sflag:s14], $0x10000  }
0x4b4: {  	[sflag:s14] =	ssyncset.done $0x0  }
0x4b5: {  	s31 =	sand.u32 $0x7F0, s0;
	[sflag:s14] =	ssyncadd.s32 $0xFFFF0000  }
0x4b6: {  	s6 =	simm.s32 $0x14080;
	v1 =	vld [tilespmem:s31+$0x14880]  }
0x4b7: {  	v2 =	vld [tilespmem:s6+$0x0]  }
0x4b8: {  	v3 =	vld [tilespmem:s31+$0x15080]  }
0x4b9: {  	v61 =	vld [tilespmem:s31+$0x15880];
	_ =	sdelay $0x2  }
0x4ba: {  	v62 =	vadd.s32 v2, v1  }
0x4bb: {  	v5 =	vadd.s32 v3, v62  }
0x4bc: {  	v4 =	vadd.s32 v61, v5  }
0x4bd: {  	(xrf0) =	vadd.scan.msk.s32 $0xffff, v4;
	_ =	sdelay $0x5  }
0x4be: {  	v4 =	vsub.s32 s0, v4;
	v63, _, _ =	vpop (xrf0)  }
0x4bf: {  	s16 =	simm.s32 $0x16080;
	v4 =	vadd.s32 v63, v4;
	(v2sf) =	vpush v63, $0xF  }
0x4c0: {  	s2 =	simm.s32 $0x16880;
	[tilespmem:s16+$0x0] =	vst v4;
	v2 =	vadd.s32 v2, v4  }
0x4c1: {  	s6 =	simm.s32 $0x17080;
	[tilespmem:s2+$0x0] =	vst v2;
	v1 =	vadd.s32 v1, v2  }
0x4c2: {  	s12 =	simm.s32 $0x17880;
	s23 =	simm.s32 $0x10;
	[tilespmem:s6+$0x0] =	vst v1;
	v1 =	vadd.s32 v3, v1  }
0x4c3: {  	s29 =	sand.u32 $0x7F0, s23;
	[tilespmem:s12+$0x0] =	vst v1  }
0x4c4: {  	s28 =	simm.s32 $0x20;
	s24 =	simm.s32 $0x14090;
	s23 =	simm.s32 $0x0;
	v1 =	vld [tilespmem:s29+$0x14880]  }
.LBB2_29:
0x4c5: {  	p0 =	sne.s32 s28, $0x7F0;
	v2 =	vld [tilespmem:s24+$0x0]  }
0x4c6: {  	v3 =	vld [tilespmem:s29+$0x15080]  }
0x4c7: {  	v4 =	vld [tilespmem:s29+$0x15880];
	_ =	sdelay $0x2  }
0x4c8: {  	v5 =	vadd.s32 v2, v1  }
0x4c9: {  	v5 =	vadd.s32 v3, v5  }
0x4ca: {  	v4 =	vadd.s32 v4, v5  }
0x4cb: {  	(xrf0) =	vadd.scan.msk.s32 $0xffff, v4  }
0x4cc: {  	s29 =	spop (v2sf)  }
0x4cd: {  	s23 =	sadd.s32 s23, s29  }
0x4ce: {  	v4 =	vsub.s32 s23, v4;
	_ =	sdelay $0x2  }
0x4cf: {  	v5, _, _ =	vpop (xrf0)  }
0x4d0: {  	s16 =	sadd.s32 $0x10, s16;
	v4 =	vadd.s32 v5, v4;
	(v2sf) =	vpush v5, $0xF  }
.Ltmp13:
0x4d1: {  	s2 =	sadd.s32 $0x10, s2;
	[tilespmem:s16+$0x0] =	vst v4;
	v2 =	vadd.s32 v2, v4;
	(pc) =	sbr.rel @p0 .LBB2_29-.Ltmp13, $4  }
0x4d2: {  	s6 =	sadd.s32 $0x10, s6;
	[tilespmem:s2+$0x0] =	vst v2;
	v1 =	vadd.s32 v1, v2  }
0x4d3: {  	s12 =	sadd.s32 $0x10, s12;
	[tilespmem:s6+$0x0] =	vst v1;
	v1 =	vadd.s32 v3, v1  }
0x4d4: {  	s29 =	sand.u32 $0x7F0, s28;
	[tilespmem:s12+$0x0] =	vst v1  }
0x4d5: {  	s24 =	sadd.s32 $0x10, s24;
	s28 =	sadd.s32 $0x10, s28;
	v1 =	vld [tilespmem:s29+$0x14880]  }
0x4d6: {  	v2 =	vld [tilespmem:s24+$0x0]  }
0x4d7: {  	v3 =	vld [tilespmem:s29+$0x15080]  }
0x4d8: {  	v4 =	vld [tilespmem:s29+$0x15880];
	_ =	sdelay $0x2  }
0x4d9: {  	v5 =	vadd.s32 v2, v1  }
0x4da: {  	v5 =	vadd.s32 v3, v5  }
0x4db: {  	v4 =	vadd.s32 v4, v5  }
0x4dc: {  	(xrf0) =	vadd.scan.msk.s32 $0xffff, v4;
	_ =	sdelay $0x5  }
0x4dd: {  	v63, _, _ =	vpop (xrf0)  }
0x4de: {  	(v2sf) =	vpush v63, $0xF;
	_ =	sdelay $0x7  }
0x4df: {  	s28 =	spop (v2sf)  }
0x4e0: {  	s23 =	sadd.s32 s23, s28  }
0x4e1: {  	v4 =	vsub.s32 s23, v4  }
0x4e2: {  	s16 =	sadd.s32 $0x10, s16;
	v4 =	vadd.s32 v63, v4  }
0x4e3: {  	s2 =	sadd.s32 $0x10, s2;
	[tilespmem:s16+$0x0] =	vst v4;
	v2 =	vadd.s32 v2, v4  }
0x4e4: {  	s29 =	sadd.s32 $0x10, s6;
	[tilespmem:s2+$0x0] =	vst v2;
	v1 =	vadd.s32 v1, v2  }
0x4e5: {  	s30 =	sadd.s32 $0x10, s12;
	[tilespmem:s29+$0x0] =	vst v1;
	v1 =	vadd.s32 v3, v1  }
0x4e6: {  	[tilespmem:s30+$0x0] =	vst v1;
	s31 =	spop (v2sf)  }
.LBB2_31:
0x4e7: {  	s2 =	sshll.u32 s0, $0xC  }
0x4e8: {  	s2 =	sadd.s32 s25, s2  }
0x4e9: {  	s6 =	sshrl.u32 s2, $0x3  }
0x4ea: {  	s2 =	sadd.s32 s4, s6  }
0x4eb: {  	[tilespmem:s13], [sflag:$0x1] =	stream.linear.gather [hbm4b:s2+s1], $0x1000, $0x38;
	[tilespmem:$0x18080] =	vst v63  }
0x4ec: {  	_ =	swait.ge [sflag:s14], $0x1000  }
0x4ed: {  	[sflag:s14] =	ssyncset.done $0x0  }
0x4ee: {  	s31 =	sadd.s32 s6, s9;
	[sflag:s14] =	ssyncadd.s32 $0xFFFFF000  }
0x4ef: {  	[tilespmem:s15], [sflag:$0x1] =	stream.linear.gather [hbm4b:s31+s1], $0x1000, $0x38;
	[tilespmem:$0x18080] =	vst v63  }
0x4f0: {  	_ =	swait.ge [sflag:s14], $0x1000  }
0x4f1: {  	[sflag:s14] =	ssyncset.done $0x0  }
0x4f2: {  	s12 =	sadd.s32 s6, s10;
	s2 =	simm.s32 $0x12080;
	[sflag:s14] =	ssyncadd.s32 $0xFFFFF000  }
0x4f3: {  	[tilespmem:s2], [sflag:$0x1] =	stream.linear.gather [hbm4b:s12+s1], $0x1000, $0x38;
	[tilespmem:$0x18080] =	vst v63  }
0x4f4: {  	_ =	swait.ge [sflag:s14], $0x1000  }
0x4f5: {  	[sflag:s14] =	ssyncset.done $0x0  }
0x4f6: {  	s6 =	sadd.s32 s6, s11;
	[sflag:s14] =	ssyncadd.s32 $0xFFFFF000  }
0x4f7: {  	[tilespmem:s17], [sflag:$0x1] =	stream.linear.gather [hbm4b:s6+s1], $0x1000, $0x38;
	[tilespmem:$0x18080] =	vst v63  }
0x4f8: {  	_ =	swait.ge [sflag:s14], $0x1000  }
0x4f9: {  	[sflag:s14] =	ssyncset.done $0x0  }
0x4fa: {  	s6 =	simm.s32 $0xFFFFFFF8;
	[sflag:s14] =	ssyncadd.s32 $0xFFFFF000  }
.LBB2_32:
0x4fb: {  	v1 =	vld [tilespmem:s2+$0xFFFFE000];
	_ =	sdelay $0x4  }
0x4fc: {  	v2 =	vshrl.u32 v1, $0x16  }
0x4fd: {  	(xrf1) =	vunique.msk.u32 $0xffff, v2;
	_ =	sdelay $0x6  }
0x4fe: {  	v3 =	vld [tilespmem:s2+$0xFFFFF000];
	_ =	sdelay $0x2  }
0x4ff: {  	v4 =	vld.idx.msk [tilespmem:v2+s19+$0x0], $0xffff;
	_ =	sdelay $0x1  }
0x500: {  	v5 =	vshrl.u32 v3, $0x16  }
0x501: {  	(xrf1) =	vunique.msk.u32 $0xffff, v5  }
0x502: {  	_, v6, vm0 =	vpop (xrf1)  }
0x503: {  	v4 =	vadd.s32 v4, v6  }
0x504: {  	v4 =	vadd.s32 $0xFFFFFFFF, v4;
	_ =	sdelay $0x3  }
0x505: {  	v7 =	vld [tilespmem:s2+$0x0]  }
0x506: {  	v8 =	vld [tilespmem:s2+$0x1000];
	[tilespmem:v4+s1+$0x0] =	vst.idx.msk $0xffff, v1  }
0x507: {  	[tilespmem:v2+s19+$0x0] =	vst.idx.add.s32.msk vm0, v6  }
0x508: {  	v1 =	vld.idx.msk [tilespmem:v5+s20+$0x0], $0xffff;
	_ =	sdelay $0x1  }
0x509: {  	v2 =	vshrl.u32 v7, $0x16  }
0x50a: {  	(xrf1) =	vunique.msk.u32 $0xffff, v2  }
0x50b: {  	_, v42, vm13 =	vpop (xrf1)  }
0x50c: {  	v1 =	vadd.s32 v1, v42  }
0x50d: {  	v1 =	vadd.s32 $0xFFFFFFFF, v1;
	_ =	sdelay $0x4  }
0x50e: {  	[tilespmem:v1+s1+$0x0] =	vst.idx.msk $0xffff, v3  }
0x50f: {  	[tilespmem:v5+s20+$0x0] =	vst.idx.add.s32.msk vm13, v42  }
0x510: {  	v1 =	vld.idx.msk [tilespmem:v2+s21+$0x0], $0xffff;
	_ =	sdelay $0x1  }
0x511: {  	v3 =	vshrl.u32 v8, $0x16  }
0x512: {  	(xrf1) =	vunique.msk.u32 $0xffff, v3  }
0x513: {  	_, v4, vm0 =	vpop (xrf1)  }
0x514: {  	v1 =	vadd.s32 v1, v4  }
0x515: {  	v1 =	vadd.s32 $0xFFFFFFFF, v1;
	_ =	sdelay $0x4  }
0x516: {  	[tilespmem:v1+s1+$0x0] =	vst.idx.msk $0xffff, v7  }
0x517: {  	[tilespmem:v2+s21+$0x0] =	vst.idx.add.s32.msk vm0, v4  }
0x518: {  	v1 =	vld.idx.msk [tilespmem:v3+s22+$0x0], $0xffff;
	_ =	sdelay $0x3  }
0x519: {  	_, v2, vm0 =	vpop (xrf1)  }
0x51a: {  	v1 =	vadd.s32 v1, v2  }
0x51b: {  	v1 =	vadd.s32 $0xFFFFFFFF, v1;
	_ =	sdelay $0x4  }
0x51c: {  	[tilespmem:v1+s1+$0x0] =	vst.idx.msk $0xffff, v8  }
0x51d: {  	[tilespmem:v3+s22+$0x0] =	vst.idx.add.s32.msk vm0, v2  }
0x51e: {  	v1 =	vld [tilespmem:s2+$0xFFFFE010];
	_ =	sdelay $0x4  }
0x51f: {  	v2 =	vshrl.u32 v1, $0x16  }
0x520: {  	(xrf1) =	vunique.msk.u32 $0xffff, v2;
	_ =	sdelay $0x6  }
0x521: {  	v3 =	vld [tilespmem:s2+$0xFFFFF010];
	_ =	sdelay $0x2  }
0x522: {  	v4 =	vld.idx.msk [tilespmem:v2+s19+$0x0], $0xffff;
	_ =	sdelay $0x1  }
0x523: {  	v43 =	vshrl.u32 v3, $0x16  }
0x524: {  	(xrf1) =	vunique.msk.u32 $0xffff, v43  }
0x525: {  	_, v44, vm14 =	vpop (xrf1)  }
0x526: {  	v4 =	vadd.s32 v4, v44  }
0x527: {  	v4 =	vadd.s32 $0xFFFFFFFF, v4;
	_ =	sdelay $0x3  }
0x528: {  	v7 =	vld [tilespmem:s2+$0x10]  }
0x529: {  	v8 =	vld [tilespmem:s2+$0x1010];
	[tilespmem:v4+s1+$0x0] =	vst.idx.msk $0xffff, v1  }
0x52a: {  	[tilespmem:v2+s19+$0x0] =	vst.idx.add.s32.msk vm14, v44  }
0x52b: {  	v1 =	vld.idx.msk [tilespmem:v43+s20+$0x0], $0xffff;
	_ =	sdelay $0x1  }
0x52c: {  	v2 =	vshrl.u32 v7, $0x16  }
0x52d: {  	(xrf1) =	vunique.msk.u32 $0xffff, v2  }
0x52e: {  	_, v45, vm15 =	vpop (xrf1)  }
0x52f: {  	v1 =	vadd.s32 v1, v45  }
0x530: {  	v1 =	vadd.s32 $0xFFFFFFFF, v1;
	_ =	sdelay $0x4  }
0x531: {  	[tilespmem:v1+s1+$0x0] =	vst.idx.msk $0xffff, v3  }
0x532: {  	[tilespmem:v43+s20+$0x0] =	vst.idx.add.s32.msk vm15, v45  }
0x533: {  	v1 =	vld.idx.msk [tilespmem:v2+s21+$0x0], $0xffff;
	_ =	sdelay $0x1  }
0x534: {  	v3 =	vshrl.u32 v8, $0x16  }
0x535: {  	(xrf1) =	vunique.msk.u32 $0xffff, v3  }
0x536: {  	_, v4, vm0 =	vpop (xrf1)  }
0x537: {  	v1 =	vadd.s32 v1, v4  }
0x538: {  	v1 =	vadd.s32 $0xFFFFFFFF, v1;
	_ =	sdelay $0x4  }
0x539: {  	[tilespmem:v1+s1+$0x0] =	vst.idx.msk $0xffff, v7  }
0x53a: {  	[tilespmem:v2+s21+$0x0] =	vst.idx.add.s32.msk vm0, v4  }
0x53b: {  	v1 =	vld.idx.msk [tilespmem:v3+s22+$0x0], $0xffff;
	_ =	sdelay $0x3  }
0x53c: {  	_, v2, vm0 =	vpop (xrf1)  }
0x53d: {  	v1 =	vadd.s32 v1, v2  }
0x53e: {  	v1 =	vadd.s32 $0xFFFFFFFF, v1;
	_ =	sdelay $0x4  }
0x53f: {  	[tilespmem:v1+s1+$0x0] =	vst.idx.msk $0xffff, v8  }
0x540: {  	[tilespmem:v3+s22+$0x0] =	vst.idx.add.s32.msk vm0, v2  }
0x541: {  	v1 =	vld [tilespmem:s2+$0xFFFFE020];
	_ =	sdelay $0x4  }
0x542: {  	v2 =	vshrl.u32 v1, $0x16  }
0x543: {  	(xrf1) =	vunique.msk.u32 $0xffff, v2;
	_ =	sdelay $0x6  }
0x544: {  	v3 =	vld [tilespmem:s2+$0xFFFFF020];
	_ =	sdelay $0x2  }
0x545: {  	v4 =	vld.idx.msk [tilespmem:v2+s19+$0x0], $0xffff;
	_ =	sdelay $0x1  }
0x546: {  	v46 =	vshrl.u32 v3, $0x16  }
0x547: {  	(xrf1) =	vunique.msk.u32 $0xffff, v46  }
0x548: {  	_, v47, vm4 =	vpop (xrf1)  }
0x549: {  	v4 =	vadd.s32 v4, v47  }
0x54a: {  	v4 =	vadd.s32 $0xFFFFFFFF, v4;
	_ =	sdelay $0x3  }
0x54b: {  	v7 =	vld [tilespmem:s2+$0x20]  }
0x54c: {  	v8 =	vld [tilespmem:s2+$0x1020];
	[tilespmem:v4+s1+$0x0] =	vst.idx.msk $0xffff, v1  }
0x54d: {  	[tilespmem:v2+s19+$0x0] =	vst.idx.add.s32.msk vm4, v47  }
0x54e: {  	v1 =	vld.idx.msk [tilespmem:v46+s20+$0x0], $0xffff;
	_ =	sdelay $0x1  }
0x54f: {  	v2 =	vshrl.u32 v7, $0x16  }
0x550: {  	(xrf1) =	vunique.msk.u32 $0xffff, v2  }
0x551: {  	_, v48, vm5 =	vpop (xrf1)  }
0x552: {  	v1 =	vadd.s32 v1, v48  }
0x553: {  	v1 =	vadd.s32 $0xFFFFFFFF, v1;
	_ =	sdelay $0x4  }
0x554: {  	[tilespmem:v1+s1+$0x0] =	vst.idx.msk $0xffff, v3  }
0x555: {  	[tilespmem:v46+s20+$0x0] =	vst.idx.add.s32.msk vm5, v48  }
0x556: {  	v1 =	vld.idx.msk [tilespmem:v2+s21+$0x0], $0xffff;
	_ =	sdelay $0x1  }
0x557: {  	v3 =	vshrl.u32 v8, $0x16  }
0x558: {  	(xrf1) =	vunique.msk.u32 $0xffff, v3  }
0x559: {  	_, v4, vm0 =	vpop (xrf1)  }
0x55a: {  	v1 =	vadd.s32 v1, v4  }
0x55b: {  	v1 =	vadd.s32 $0xFFFFFFFF, v1;
	_ =	sdelay $0x4  }
0x55c: {  	[tilespmem:v1+s1+$0x0] =	vst.idx.msk $0xffff, v7  }
0x55d: {  	[tilespmem:v2+s21+$0x0] =	vst.idx.add.s32.msk vm0, v4  }
0x55e: {  	v1 =	vld.idx.msk [tilespmem:v3+s22+$0x0], $0xffff;
	_ =	sdelay $0x3  }
0x55f: {  	_, v2, vm0 =	vpop (xrf1)  }
0x560: {  	v1 =	vadd.s32 v1, v2  }
0x561: {  	v1 =	vadd.s32 $0xFFFFFFFF, v1;
	_ =	sdelay $0x4  }
0x562: {  	[tilespmem:v1+s1+$0x0] =	vst.idx.msk $0xffff, v8  }
0x563: {  	[tilespmem:v3+s22+$0x0] =	vst.idx.add.s32.msk vm0, v2  }
0x564: {  	v1 =	vld [tilespmem:s2+$0xFFFFE030];
	_ =	sdelay $0x4  }
0x565: {  	v2 =	vshrl.u32 v1, $0x16  }
0x566: {  	(xrf1) =	vunique.msk.u32 $0xffff, v2;
	_ =	sdelay $0x6  }
0x567: {  	v3 =	vld [tilespmem:s2+$0xFFFFF030];
	_ =	sdelay $0x2  }
0x568: {  	v4 =	vld.idx.msk [tilespmem:v2+s19+$0x0], $0xffff;
	_ =	sdelay $0x1  }
0x569: {  	v49 =	vshrl.u32 v3, $0x16  }
0x56a: {  	(xrf1) =	vunique.msk.u32 $0xffff, v49  }
0x56b: {  	_, v50, vm6 =	vpop (xrf1)  }
0x56c: {  	v4 =	vadd.s32 v4, v50  }
0x56d: {  	v4 =	vadd.s32 $0xFFFFFFFF, v4;
	_ =	sdelay $0x3  }
0x56e: {  	v7 =	vld [tilespmem:s2+$0x30]  }
0x56f: {  	v8 =	vld [tilespmem:s2+$0x1030];
	[tilespmem:v4+s1+$0x0] =	vst.idx.msk $0xffff, v1  }
0x570: {  	[tilespmem:v2+s19+$0x0] =	vst.idx.add.s32.msk vm6, v50  }
0x571: {  	v1 =	vld.idx.msk [tilespmem:v49+s20+$0x0], $0xffff;
	_ =	sdelay $0x1  }
0x572: {  	v2 =	vshrl.u32 v7, $0x16  }
0x573: {  	(xrf1) =	vunique.msk.u32 $0xffff, v2  }
0x574: {  	_, v51, vm7 =	vpop (xrf1)  }
0x575: {  	v1 =	vadd.s32 v1, v51  }
0x576: {  	v1 =	vadd.s32 $0xFFFFFFFF, v1;
	_ =	sdelay $0x4  }
0x577: {  	[tilespmem:v1+s1+$0x0] =	vst.idx.msk $0xffff, v3  }
0x578: {  	[tilespmem:v49+s20+$0x0] =	vst.idx.add.s32.msk vm7, v51  }
0x579: {  	v1 =	vld.idx.msk [tilespmem:v2+s21+$0x0], $0xffff;
	_ =	sdelay $0x1  }
0x57a: {  	v3 =	vshrl.u32 v8, $0x16  }
0x57b: {  	(xrf1) =	vunique.msk.u32 $0xffff, v3  }
0x57c: {  	_, v4, vm0 =	vpop (xrf1)  }
0x57d: {  	v1 =	vadd.s32 v1, v4  }
0x57e: {  	v1 =	vadd.s32 $0xFFFFFFFF, v1;
	_ =	sdelay $0x4  }
0x57f: {  	[tilespmem:v1+s1+$0x0] =	vst.idx.msk $0xffff, v7  }
0x580: {  	[tilespmem:v2+s21+$0x0] =	vst.idx.add.s32.msk vm0, v4  }
0x581: {  	v1 =	vld.idx.msk [tilespmem:v3+s22+$0x0], $0xffff;
	_ =	sdelay $0x3  }
0x582: {  	_, v2, vm0 =	vpop (xrf1)  }
0x583: {  	v1 =	vadd.s32 v1, v2  }
0x584: {  	v1 =	vadd.s32 $0xFFFFFFFF, v1;
	_ =	sdelay $0x4  }
0x585: {  	[tilespmem:v1+s1+$0x0] =	vst.idx.msk $0xffff, v8  }
0x586: {  	[tilespmem:v3+s22+$0x0] =	vst.idx.add.s32.msk vm0, v2  }
0x587: {  	v1 =	vld [tilespmem:s2+$0xFFFFE040];
	_ =	sdelay $0x4  }
0x588: {  	v2 =	vshrl.u32 v1, $0x16  }
0x589: {  	(xrf1) =	vunique.msk.u32 $0xffff, v2;
	_ =	sdelay $0x6  }
0x58a: {  	v3 =	vld [tilespmem:s2+$0xFFFFF040];
	_ =	sdelay $0x2  }
0x58b: {  	v4 =	vld.idx.msk [tilespmem:v2+s19+$0x0], $0xffff;
	_ =	sdelay $0x1  }
0x58c: {  	v52 =	vshrl.u32 v3, $0x16  }
0x58d: {  	(xrf1) =	vunique.msk.u32 $0xffff, v52  }
0x58e: {  	_, v53, vm8 =	vpop (xrf1)  }
0x58f: {  	v4 =	vadd.s32 v4, v53  }
0x590: {  	v4 =	vadd.s32 $0xFFFFFFFF, v4;
	_ =	sdelay $0x3  }
0x591: {  	v7 =	vld [tilespmem:s2+$0x40]  }
0x592: {  	v8 =	vld [tilespmem:s2+$0x1040];
	[tilespmem:v4+s1+$0x0] =	vst.idx.msk $0xffff, v1  }
0x593: {  	[tilespmem:v2+s19+$0x0] =	vst.idx.add.s32.msk vm8, v53  }
0x594: {  	v1 =	vld.idx.msk [tilespmem:v52+s20+$0x0], $0xffff;
	_ =	sdelay $0x1  }
0x595: {  	v2 =	vshrl.u32 v7, $0x16  }
0x596: {  	(xrf1) =	vunique.msk.u32 $0xffff, v2  }
0x597: {  	_, v54, vm9 =	vpop (xrf1)  }
0x598: {  	v1 =	vadd.s32 v1, v54  }
0x599: {  	v1 =	vadd.s32 $0xFFFFFFFF, v1;
	_ =	sdelay $0x4  }
0x59a: {  	[tilespmem:v1+s1+$0x0] =	vst.idx.msk $0xffff, v3  }
0x59b: {  	[tilespmem:v52+s20+$0x0] =	vst.idx.add.s32.msk vm9, v54  }
0x59c: {  	v1 =	vld.idx.msk [tilespmem:v2+s21+$0x0], $0xffff;
	_ =	sdelay $0x1  }
0x59d: {  	v3 =	vshrl.u32 v8, $0x16  }
0x59e: {  	(xrf1) =	vunique.msk.u32 $0xffff, v3  }
0x59f: {  	_, v4, vm0 =	vpop (xrf1)  }
0x5a0: {  	v1 =	vadd.s32 v1, v4  }
0x5a1: {  	v1 =	vadd.s32 $0xFFFFFFFF, v1;
	_ =	sdelay $0x4  }
0x5a2: {  	[tilespmem:v1+s1+$0x0] =	vst.idx.msk $0xffff, v7  }
0x5a3: {  	[tilespmem:v2+s21+$0x0] =	vst.idx.add.s32.msk vm0, v4  }
0x5a4: {  	v1 =	vld.idx.msk [tilespmem:v3+s22+$0x0], $0xffff;
	_ =	sdelay $0x3  }
0x5a5: {  	_, v2, vm0 =	vpop (xrf1)  }
0x5a6: {  	v1 =	vadd.s32 v1, v2  }
0x5a7: {  	v1 =	vadd.s32 $0xFFFFFFFF, v1;
	_ =	sdelay $0x4  }
0x5a8: {  	[tilespmem:v1+s1+$0x0] =	vst.idx.msk $0xffff, v8  }
0x5a9: {  	[tilespmem:v3+s22+$0x0] =	vst.idx.add.s32.msk vm0, v2  }
0x5aa: {  	v1 =	vld [tilespmem:s2+$0xFFFFE050];
	_ =	sdelay $0x4  }
0x5ab: {  	v2 =	vshrl.u32 v1, $0x16  }
0x5ac: {  	(xrf1) =	vunique.msk.u32 $0xffff, v2;
	_ =	sdelay $0x6  }
0x5ad: {  	v3 =	vld [tilespmem:s2+$0xFFFFF050];
	_ =	sdelay $0x2  }
0x5ae: {  	v4 =	vld.idx.msk [tilespmem:v2+s19+$0x0], $0xffff;
	_ =	sdelay $0x1  }
0x5af: {  	v55 =	vshrl.u32 v3, $0x16  }
0x5b0: {  	(xrf1) =	vunique.msk.u32 $0xffff, v55  }
0x5b1: {  	_, v56, vm10 =	vpop (xrf1)  }
0x5b2: {  	v4 =	vadd.s32 v4, v56  }
0x5b3: {  	v4 =	vadd.s32 $0xFFFFFFFF, v4;
	_ =	sdelay $0x3  }
0x5b4: {  	v7 =	vld [tilespmem:s2+$0x50]  }
0x5b5: {  	v8 =	vld [tilespmem:s2+$0x1050];
	[tilespmem:v4+s1+$0x0] =	vst.idx.msk $0xffff, v1  }
0x5b6: {  	[tilespmem:v2+s19+$0x0] =	vst.idx.add.s32.msk vm10, v56  }
0x5b7: {  	v1 =	vld.idx.msk [tilespmem:v55+s20+$0x0], $0xffff;
	_ =	sdelay $0x1  }
0x5b8: {  	v2 =	vshrl.u32 v7, $0x16  }
0x5b9: {  	(xrf1) =	vunique.msk.u32 $0xffff, v2  }
0x5ba: {  	_, v57, vm11 =	vpop (xrf1)  }
0x5bb: {  	v1 =	vadd.s32 v1, v57  }
0x5bc: {  	v1 =	vadd.s32 $0xFFFFFFFF, v1;
	_ =	sdelay $0x4  }
0x5bd: {  	[tilespmem:v1+s1+$0x0] =	vst.idx.msk $0xffff, v3  }
0x5be: {  	[tilespmem:v55+s20+$0x0] =	vst.idx.add.s32.msk vm11, v57  }
0x5bf: {  	v1 =	vld.idx.msk [tilespmem:v2+s21+$0x0], $0xffff;
	_ =	sdelay $0x1  }
0x5c0: {  	v3 =	vshrl.u32 v8, $0x16  }
0x5c1: {  	(xrf1) =	vunique.msk.u32 $0xffff, v3  }
0x5c2: {  	_, v4, vm0 =	vpop (xrf1)  }
0x5c3: {  	v1 =	vadd.s32 v1, v4  }
0x5c4: {  	v1 =	vadd.s32 $0xFFFFFFFF, v1;
	_ =	sdelay $0x4  }
0x5c5: {  	[tilespmem:v1+s1+$0x0] =	vst.idx.msk $0xffff, v7  }
0x5c6: {  	[tilespmem:v2+s21+$0x0] =	vst.idx.add.s32.msk vm0, v4  }
0x5c7: {  	v1 =	vld.idx.msk [tilespmem:v3+s22+$0x0], $0xffff;
	_ =	sdelay $0x3  }
0x5c8: {  	_, v2, vm0 =	vpop (xrf1)  }
0x5c9: {  	v1 =	vadd.s32 v1, v2  }
0x5ca: {  	v1 =	vadd.s32 $0xFFFFFFFF, v1;
	_ =	sdelay $0x4  }
0x5cb: {  	[tilespmem:v1+s1+$0x0] =	vst.idx.msk $0xffff, v8  }
0x5cc: {  	[tilespmem:v3+s22+$0x0] =	vst.idx.add.s32.msk vm0, v2  }
0x5cd: {  	v1 =	vld [tilespmem:s2+$0xFFFFE060];
	_ =	sdelay $0x4  }
0x5ce: {  	v2 =	vshrl.u32 v1, $0x16  }
0x5cf: {  	(xrf1) =	vunique.msk.u32 $0xffff, v2;
	_ =	sdelay $0x6  }
0x5d0: {  	v3 =	vld [tilespmem:s2+$0xFFFFF060];
	_ =	sdelay $0x2  }
0x5d1: {  	v4 =	vld.idx.msk [tilespmem:v2+s19+$0x0], $0xffff;
	_ =	sdelay $0x1  }
0x5d2: {  	v58 =	vshrl.u32 v3, $0x16  }
0x5d3: {  	(xrf1) =	vunique.msk.u32 $0xffff, v58  }
0x5d4: {  	_, v59, vm12 =	vpop (xrf1)  }
0x5d5: {  	v4 =	vadd.s32 v4, v59  }
0x5d6: {  	v4 =	vadd.s32 $0xFFFFFFFF, v4;
	_ =	sdelay $0x3  }
0x5d7: {  	v7 =	vld [tilespmem:s2+$0x60]  }
0x5d8: {  	v8 =	vld [tilespmem:s2+$0x1060];
	[tilespmem:v4+s1+$0x0] =	vst.idx.msk $0xffff, v1  }
0x5d9: {  	[tilespmem:v2+s19+$0x0] =	vst.idx.add.s32.msk vm12, v59  }
0x5da: {  	v1 =	vld.idx.msk [tilespmem:v58+s20+$0x0], $0xffff;
	_ =	sdelay $0x1  }
0x5db: {  	v2 =	vshrl.u32 v7, $0x16  }
0x5dc: {  	(xrf1) =	vunique.msk.u32 $0xffff, v2  }
0x5dd: {  	_, v60, vm13 =	vpop (xrf1)  }
0x5de: {  	v1 =	vadd.s32 v1, v60  }
0x5df: {  	v1 =	vadd.s32 $0xFFFFFFFF, v1;
	_ =	sdelay $0x4  }
0x5e0: {  	[tilespmem:v1+s1+$0x0] =	vst.idx.msk $0xffff, v3  }
0x5e1: {  	[tilespmem:v58+s20+$0x0] =	vst.idx.add.s32.msk vm13, v60  }
0x5e2: {  	v1 =	vld.idx.msk [tilespmem:v2+s21+$0x0], $0xffff;
	_ =	sdelay $0x1  }
0x5e3: {  	v3 =	vshrl.u32 v8, $0x16  }
0x5e4: {  	(xrf1) =	vunique.msk.u32 $0xffff, v3  }
0x5e5: {  	_, v4, vm0 =	vpop (xrf1)  }
0x5e6: {  	v1 =	vadd.s32 v1, v4  }
0x5e7: {  	v1 =	vadd.s32 $0xFFFFFFFF, v1;
	_ =	sdelay $0x4  }
0x5e8: {  	[tilespmem:v1+s1+$0x0] =	vst.idx.msk $0xffff, v7  }
0x5e9: {  	[tilespmem:v2+s21+$0x0] =	vst.idx.add.s32.msk vm0, v4  }
0x5ea: {  	v1 =	vld.idx.msk [tilespmem:v3+s22+$0x0], $0xffff;
	_ =	sdelay $0x3  }
0x5eb: {  	_, v2, vm0 =	vpop (xrf1)  }
0x5ec: {  	v1 =	vadd.s32 v1, v2  }
0x5ed: {  	v1 =	vadd.s32 $0xFFFFFFFF, v1;
	_ =	sdelay $0x4  }
0x5ee: {  	[tilespmem:v1+s1+$0x0] =	vst.idx.msk $0xffff, v8  }
0x5ef: {  	[tilespmem:v3+s22+$0x0] =	vst.idx.add.s32.msk vm0, v2  }
0x5f0: {  	v1 =	vld [tilespmem:s2+$0xFFFFE070];
	_ =	sdelay $0x4  }
0x5f1: {  	v2 =	vshrl.u32 v1, $0x16  }
0x5f2: {  	(xrf1) =	vunique.msk.u32 $0xffff, v2;
	_ =	sdelay $0x6  }
0x5f3: {  	v3 =	vld [tilespmem:s2+$0xFFFFF070];
	_ =	sdelay $0x2  }
0x5f4: {  	v4 =	vld.idx.msk [tilespmem:v2+s19+$0x0], $0xffff;
	_ =	sdelay $0x1  }
0x5f5: {  	v61 =	vshrl.u32 v3, $0x16  }
0x5f6: {  	(xrf1) =	vunique.msk.u32 $0xffff, v61  }
0x5f7: {  	_, v62, vm14 =	vpop (xrf1)  }
0x5f8: {  	v4 =	vadd.s32 v4, v62  }
0x5f9: {  	v4 =	vadd.s32 $0xFFFFFFFF, v4;
	_ =	sdelay $0x3  }
0x5fa: {  	v7 =	vld [tilespmem:s2+$0x70]  }
0x5fb: {  	v8 =	vld [tilespmem:s2+$0x1070];
	[tilespmem:v4+s1+$0x0] =	vst.idx.msk $0xffff, v1  }
0x5fc: {  	[tilespmem:v2+s19+$0x0] =	vst.idx.add.s32.msk vm14, v62  }
0x5fd: {  	v1 =	vld.idx.msk [tilespmem:v61+s20+$0x0], $0xffff;
	_ =	sdelay $0x1  }
0x5fe: {  	v2 =	vshrl.u32 v7, $0x16  }
0x5ff: {  	(xrf1) =	vunique.msk.u32 $0xffff, v2  }
0x600: {  	_, v63, vm15 =	vpop (xrf1)  }
0x601: {  	v1 =	vadd.s32 v1, v63  }
0x602: {  	v1 =	vadd.s32 $0xFFFFFFFF, v1;
	_ =	sdelay $0x4  }
0x603: {  	[tilespmem:v1+s1+$0x0] =	vst.idx.msk $0xffff, v3  }
0x604: {  	[tilespmem:v61+s20+$0x0] =	vst.idx.add.s32.msk vm15, v63  }
0x605: {  	v1 =	vld.idx.msk [tilespmem:v2+s21+$0x0], $0xffff;
	_ =	sdelay $0x1  }
0x606: {  	v3 =	vshrl.u32 v8, $0x16  }
0x607: {  	(xrf1) =	vunique.msk.u32 $0xffff, v3  }
0x608: {  	_, v4, vm0 =	vpop (xrf1)  }
0x609: {  	v1 =	vadd.s32 v1, v4  }
0x60a: {  	v1 =	vadd.s32 $0xFFFFFFFF, v1;
	_ =	sdelay $0x4  }
0x60b: {  	[tilespmem:v1+s1+$0x0] =	vst.idx.msk $0xffff, v7  }
0x60c: {  	[tilespmem:v2+s21+$0x0] =	vst.idx.add.s32.msk vm0, v4  }
0x60d: {  	v1 =	vld.idx.msk [tilespmem:v3+s22+$0x0], $0xffff;
	_ =	sdelay $0x3  }
0x60e: {  	_, v2, vm0 =	vpop (xrf1)  }
0x60f: {  	v1 =	vadd.s32 v1, v2  }
0x610: {  	s6 =	sadd.s32 $0x8, s6;
	v1 =	vadd.s32 $0xFFFFFFFF, v1  }
0x611: {  	p0 =	slt.u32 s6, $0xF8  }
.Ltmp14:
0x612: {  	_ = 	snop;
	(pc) =	sbr.rel @p0 .LBB2_32-.Ltmp14, $3  }
0x613: {  	_ =	sdelay $0x1  }
0x614: {  	[tilespmem:v1+s1+$0x0] =	vst.idx.msk $0xffff, v8  }
0x615: {  	s2 =	sadd.s32 $0x80, s2;
	[tilespmem:v3+s22+$0x0] =	vst.idx.add.s32.msk vm0, v2  }
0x616: {  	s0 =	sadd.s32 $0x1, s0  }
0x617: {  	p0 =	sne.s32 s0, $0x4  }
.Ltmp15:
0x618: {  	_ = 	snop;
	(pc) =	sbr.rel @p0 .LBB2_31-.Ltmp15, $1  }
0x619: {  	_ =	sdelay $0x3  }
0x61a: {  	[hbm4b:s26+s1] =	stream.linear.scatter [tilespmem:s1], [sflag:$0x1], $0x10000, $0x38;
	[tilespmem:$0x18080] =	vst v63  }
0x61b: {  	_ =	swait.ge [sflag:s14], $0x10000  }
0x61c: {  	s6 =	rddreg [dreg:$0x5]  }
0x61d: {  	s6 =	sadd.s32 $0x1, s6  }
0x61e: {  	p0 =	sne.s32 s6, $0x8  }
.Ltmp16:
0x61f: {  	_ = 	snop;
	(pc) =	sbr.rel @p0 .LBB2_2-.Ltmp16, $3  }
0x620: {  	_ =	sdelay $0x1  }
0x621: {  	[sflag:s14] =	ssyncset.done $0x0  }
0x622: {  	[sflag:s14] =	ssyncadd.s32 $0xFFFF0000  }
0x623: {  	s2 =	rddreg [dreg:$0x4]  }
0x624: {  	s0 =	rddreg [dreg:$0x3];
	s2 =	sadd.s32 $0x1, s2  }
0x625: {  	p0 =	sne.s32 s2, s0  }
.Ltmp17:
0x626: {  	_ = 	snop;
	(pc) =	sbr.rel @p0 .LBB2_1-.Ltmp17, $1  }
0x627: {  	_ =	sdelay $0x3  }
0x628: {  	_ =	sfence.sel $0x180000  }
0x629: {  	[bflag:$0x0] =	sbarrier.arrive $0xFFFF  }
0x62a: {  	_ =	strace $0x9000004A  }
0x62b: {  	s0 =	stileid.u32;
	[bflag:$0x2] =	sbarrier.arrive $0xFFFF  }
0x62c: {  	p0 =	sne.s32 s0, $0x0;
	s0 =	rddreg [dreg:$0x1]  }
0x62d: {  	s0 =	sadd.s32 @!p0 $0x100000, s0  }
0x62e: {  	[sflag:s0] =	ssyncadd.tile.s32 @!p0 $0x1;
	_ =	shalt  }
.Lfunc_end2:
_tile_overlayer_lowered:
.L_overlay_start_2:
0x62f: {  	(tag) =	ssettag $0x2  }
0x630: {  	s0 =	rddreg [dreg:$0x0];
	s2 =	stileid.u32  }
0x631: {  	s1 =	rddreg [dreg:$0x1];
	p0 =	sne.s32 s2, $0x0  }
0x632: {  	s3 =	rddreg [dreg:$0x2];
	[bflag:$0x3] =	sbarrier.arrive $0xFFFF;
	s2 =	simm.s32 @!p0 $0x1C01  }
0x633: {  	[timem:s3], [sflag:s2] =	dma.local @!p0 [hbm:s0], s1  }
0x634: {  	s0 =	simm.s32 @!p0 $0x1  }
0x635: {  	_ =	swait.ge @!p0 [sflag:s0], s1  }
0x636: {  	s1 =	ssub.s32 @!p0 $0x0, s1;
	[sflag:s0] =	ssyncset.done @!p0 $0x0  }
0x637: {  	[sflag:s0] =	ssyncadd.s32 @!p0 s1  }
0x638: {  	[bflag:$0x3] =	sbarrier.arrive $0xFFFF  }
0x639: {  	_ =	shalt  }

// kernel: sparse-core-data-format-call.cloned.1.call-start
scs
called_computation_lowered:
.L_overlay_start_0:
0x0: {  	s1 =	sld [smem:$0x3FD9]  }
0x1: {  	s2 =	sld [smem:$0x3FFE];
	_ =	sdelay $0x1  }
0x2: {  	s3 =	srdreg.scid  }
0x3: {  	s0 =	sand.u32 $0x1, s3  }
0x4: {  	s17 =	sshll.u32 s0, $0xA;
	s1 =	sadd.s32 s2, s1  }
0x5: {  	s1 =	sadd.s32 s1, s17  }
0x6: {  	[smem:$0x3FC4] =	sst s1  }
0x7: {  	_ = 	snop  }
0x8: {  	(tm) =	ssettm $0x1  }
0x9: {  	s18 =	sld [smem:$0x3FFB];
	_ =	sdelay $0x3  }
0xa: {  	_ =	strace s18  }
0xb: {  	s1 =	sld [smem:$0x3FFC];
	_ =	sdelay $0x3  }
0xc: {  	_ =	strace s1  }
0xd: {  	s1 =	sld [smem:$0x3FFD];
	_ =	sdelay $0x3  }
0xe: {  	_ =	strace s1  }
0xf: {  	_ =	strace $0x8FFFFFFF  }
0x10: {  	s19 =	sld [smem:$0x3FDB];
	_ =	sdelay $0x1  }
0x11: {  	s20 =	simm.s32 $_scs_section_size  }
0x12: {  	s4 =	simm.s32 $_size__tile_overlayer_lowered;
	s5 =	simm.s32 $_tile_overlayer_lowered  }
0x13: {  	s23 =	simm.s32 $0x1BFF;
	s22 =	sshll.u32 s5, $0x1;
	s1 =	sadd.s32 s20, s19  }
0x14: {  	s6 =	simm.s32 $0x0;
	s21 =	sshll.u32 s4, $0x1;
	s4 =	sadd.s32 s22, s1  }
0x15: {  	[timem:s6], [sflag:s23] =	dma.local [hbm:s4], s21  }
0x16: {  	_ =	swait.ge [sflag:s23], s21  }
0x17: {  	s2 =	ssub.s32 $0x0, s21;
	[sflag:s23] =	ssyncset.done $0x0  }
0x18: {  	[sflag:s23] =	ssyncadd.s32 s2;
	_ =	sdelay $0x1  }
0x19: {  	s24 =	simm.s32 $0x1B8B  }
0x1a: {  	_ =	swait.ge [sflag:s24], $0x1  }
0x1b: {  	[sflag:s24] =	ssyncset.done $0x0  }
0x1c: {  	s26 =	simm.s32 $0x1B8E;
	s25 =	sld [smem:$0x3FFE];
	[sflag:s24] =	ssyncadd.s32 $0xFFFFFFFF  }
0x1d: {  	s27 =	simm.s32 $execute0_lowered;
	[smem:$0x3FD2] =	sst s26  }
0x1e: {  	s4 =	sshll.u32 s27, $0x1;
	_ =	strace $0x80000046;
	[dreg:$0x1] =	wrdreg $0xFFFFFFFF  }
0x1f: {  	s28 =	simm.s32 $_size_execute0_lowered;
	s1 =	sadd.s32 s1, s4;
	[dreg:$0x0] =	wrdreg $0x0  }
0x20: {  	s4 =	sshll.u32 s28, $0x1;
	[dreg:$0x2] =	wrdreg s1  }
0x21: {  	[dreg:$0x3] =	wrdreg s4  }
0x22: {  	[dreg:$0x4] =	wrdreg $0xC0  }
0x23: {  	_ =	task [dreg:s6], $0x5FFFF  }
0x24: {  	[dreg:$0x1] =	wrdreg $0xFFFFFFFF  }
0x25: {  	[dreg:$0x0] =	wrdreg $0x60  }
0x26: {  	[dreg:$0x2] =	wrdreg s25  }
0x27: {  	[dreg:$0x3] =	wrdreg $0x9  }
0x28: {  	_ =	task.clear_ibuf [dreg:s6], $0x4FFFF;
	_ =	strace $0x90000046  }
0x29: {  	s29 =	simm.s32 $0x9;
	_ =	strace $0x80000048  }
0x2a: {  	_ =	swait.ge [sflag:s29], $0x1  }
0x2b: {  	[sflag:s29] =	ssyncadd.s32 $0xFFFFFFFF  }
0x2c: {  	_ =	strace $0x90000048  }
0x2d: {  	_ =	sfence  }
0x2e: {  	s30 =	sld [smem:$0x0];
	_ =	sdelay $0x2  }
0x2f: {  	s31 =	sshll.u32 s3, $0xD;
	s3 =	sshrl.u32 s3, $0x2  }
0x30: {  	s2 =	sand.u32 $0x4000, s31;
	s1 =	sadd.s32 s3, s30  }
0x31: {  	s0 =	sor.u32 s2, s0;
	s1 =	sshll.u32 s1, $0x11  }
0x32: {  	s0 =	sor.u32 s1, s0  }
0x33: {  	s0 =	sadd.s32 $0x8F2B, s0  }
0x34: {  	[sflag:s0] =	ssyncadd.remote.s32 $0x1  }
0x35: {  	_ =	sfence.sel $0xFFFF  }
0x36: {  	[dreg:$0x0] =	wrdreg $0xFFFFFFFF;
	(pc) =	sbr.abs _section_cstart, $3  }
0x37: {  	[dreg:$0x1] =	wrdreg $0xFFFFFFFF  }
0x38: {  	_ =	task.clear_ibuf [dreg:s6], $0x2FFFF;
	_ =	strace $0x9FFFFFFF  }
0x39: {  	(tm) =	ssettm $0x7FFFFFFF  }
tec
execute0_lowered:
.L_overlay_start_1:
0x0: {  	(tag) =	ssettag $0x1  }
0x1: {  	s1 =	rddreg [dreg:$0x0]  }
0x2: {  	s0 =	rddreg [dreg:$0x1]  }
0x3: {  	_ =	strace $0x80000047;
	s4 =	srdreg.scid;
	s6 =	simm.s32 $0x2  }
0x4: {  	s11 =	simm.s32 $0x0;
	p0 =	por $0x0, $0x0;
	s7 =	simm.s32 $0x10000  }
.Ltmp0:
0x5: {  	s12 =	simm.s32 $0x0;
	s9 =	simm.s32 $0x0;
	(pc) =	sbr.rel .LBB1_1-.Ltmp0, $4  }
0x6: {  	s2 =	sadd.s32 $0xE00, s1;
	s3 =	sadd.s32 $0x200E00, s1;
	s5 =	sshll.u32 s4, $0x4  }
0x7: {  	s1 =	stileid.u32;
	s4 =	simm.s32 $0x1;
	s5 =	sand.u32 $0x10, s5  }
0x8: {  	s8 =	simm.s32 $0x0;
	[sflag:s4] =	ssyncpa.u1 $0x0;
	s5 =	sor.u32 s1, s5  }
0x9: {  	[sflag:s6] =	ssyncpa.u1 $0x0;
	s6 =	simm.s32 $0x800;
	s10 =	smov.u32 s5  }
.LBB1_7:
0xa: {  	s13 =	sadd.s32 $0x10, s9  }
0xb: {  	s11 =	sadd.s32 $0x20, s10;
	s15 =	smov.u32 s10;
	p2 =	sgt.s32 s13, $0x1FF  }
0xc: {  	p1 =	slt.u32 s8, $0x2;
	s15 =	smov.u32 @p2 s11  }
0xd: {  	s8 =	sadd.s32 $0x1, s8;
	s13 =	simm.s32 @p2 $0x0;
	p2 =	sgt.s32 s15, $0x1F  }
0xe: {  	s15 =	smov.u32 @p2 s5;
	p2 =	sne.s32 s8, $0x22  }
.Ltmp1:
0xf: {  	_ = 	snop;
	(pc) =	sbr.rel @!p2 .LBB1_8-.Ltmp1, $4  }
0x10: {  	s14 =	simm.s32 @!p1 $0x2  }
0x11: {  	s12 =	smov.u32 s10;
	_ =	swait.ge @!p1 [sflag:s14], $0x4000  }
0x12: {  	p0 =	por !p0, !p0;
	s11 =	smov.u32 s9;
	[sflag:s14] =	ssyncset.done @!p1 $0x0  }
0x13: {  	s9 =	smov.u32 s13;
	[sflag:s14] =	ssyncadd.s32 @!p1 $0xFFFFC000;
	s10 =	smov.u32 s15  }
.LBB1_1:
0x14: {  	p1 =	sgt.u32 s8, $0x1F  }
0x15: {  	s13 =	sxor.u32 @!p1 $0xFFFFFFFF, s8;
	s14 =	sshll.u32 @!p1 s10, $0x10  }
0x16: {  	s15 =	sshll.u32 @!p1 s9, $0x7;
	s13 =	sshll.u32 @!p1 s13, $0xE;
	s14 =	sadd.s32 @!p1 s2, s14  }
0x17: {  	s13 =	sand.u32 @!p1 $0x4000, s13;
	s14 =	sadd.s32 @!p1 s15, s14;
	s15 =	simm.s32 @!p1 $0x0  }
0x18: {  	[tilespmem:s13], [sflag:$0x1] =	stream.linear.gather @!p1 [hbm4b:s14+s15], $0x4000, $0x38;
	[tilespmem:$0x10000] =	vst v63  }
0x19: {  	p1 =	seq.s32 s8, $0x0  }
0x1a: {  	p2 =	seq.s32 @!p1 s8, $0x21  }
0x1b: {  	p1 =	por p1, p2  }
.Ltmp2:
0x1c: {  	_ = 	snop;
	(pc) =	sbr.rel @p1 .LBB1_7-.Ltmp2, $1  }
0x1d: {  	_ =	sdelay $0x3  }
0x1e: {  	s13 =	simm.s32 $0x1;
	_ =	swait.ge [sflag:s4], $0x4000;
	s16 =	sshll.u32 s8, $0xE  }
0x1f: {  	s13 =	simm.s32 @!p0 $0x0;
	[sflag:s4] =	ssyncset.done $0x0;
	s31 =	sand.u32 $0x4000, s16  }
0x20: {  	s16 =	simm.s32 $0x0;
	s14 =	sshll.u32 s13, $0xE;
	[sflag:s4] =	ssyncadd.s32 $0xFFFFC000  }
0x21: {  	s13 =	sor.u32 $0x8040, s14;
	s15 =	sor.u32 $0x40, s14;
	s14 =	sor.u32 $0x8000, s31  }
.LBB1_3:
0x22: {  	v0 =	vmov s15;
	_ =	sdelay $0x3  }
0x23: {  	s18 =	simm.s32 $0x0  }
0x24: {  	v6 =	vld.idx.msk [tilespmem:v0+s18+$0x30 ss:$0x1], $0xffff  }
0x25: {  	v7 =	vld.idx.msk [tilespmem:v0+s18+$0xFFFFFFC0 ss:$0x1], $0xffff  }
0x26: {  	v5 =	vld.idx.msk [tilespmem:v0+s18+$0xFFFFFFD0 ss:$0x1], $0xffff  }
0x27: {  	v4 =	vld.idx.msk [tilespmem:v0+s18+$0xFFFFFFE0 ss:$0x1], $0xffff  }
0x28: {  	v3 =	vld.idx.msk [tilespmem:v0+s18+$0xFFFFFFF0 ss:$0x1], $0xffff  }
0x29: {  	v1 =	vld.idx.msk [tilespmem:v0+s18+$0x0 ss:$0x1], $0xffff  }
0x2a: {  	v2 =	vld.idx.msk [tilespmem:v0+s18+$0x10 ss:$0x1], $0xffff;
	[tilespmem:s13+$0x30] =	vst v6  }
0x2b: {  	s17 =	simm.s32 $0x80;
	s19 =	simm.s32 $0x400;
	[tilespmem:s13+$0xFFFFFFC0] =	vst v7;
	v6 =	vld.idx.msk [tilespmem:v0+s18+$0x20 ss:$0x1], $0xffff;
	s18 =	smov.u32 s13  }
.LBB1_4:
0x2c: {  	p1 =	sne.s32 s19, $0xE00;
	v7 =	vld.idx.msk [tilespmem:v0+s17+$0x30 ss:$0x1], $0xffff;
	[tilespmem:s18+$0xFFFFFFD0] =	vst v5  }
0x2d: {  	v8 =	vld.idx.msk [tilespmem:v0+s17+$0xFFFFFFC0 ss:$0x1], $0xffff;
	[tilespmem:s18+$0xFFFFFFE0] =	vst v4  }
0x2e: {  	v5 =	vld.idx.msk [tilespmem:v0+s17+$0xFFFFFFD0 ss:$0x1], $0xffff;
	[tilespmem:s18+$0xFFFFFFF0] =	vst v3  }
.Ltmp3:
0x2f: {  	v4 =	vld.idx.msk [tilespmem:v0+s17+$0xFFFFFFE0 ss:$0x1], $0xffff;
	[tilespmem:s18+$0x0] =	vst v1;
	(pc) =	sbr.rel @p1 .LBB1_4-.Ltmp3, $4  }
0x30: {  	v3 =	vld.idx.msk [tilespmem:v0+s17+$0xFFFFFFF0 ss:$0x1], $0xffff;
	[tilespmem:s18+$0x10] =	vst v2  }
0x31: {  	v1 =	vld.idx.msk [tilespmem:v0+s17+$0x0 ss:$0x1], $0xffff;
	[tilespmem:s18+$0x20] =	vst v6;
	s18 =	sadd.s32 $0x800, s18  }
0x32: {  	v2 =	vld.idx.msk [tilespmem:v0+s17+$0x10 ss:$0x1], $0xffff;
	[tilespmem:s18+$0x30] =	vst v7  }
0x33: {  	[tilespmem:s18+$0xFFFFFFC0] =	vst v8;
	v6 =	vld.idx.msk [tilespmem:v0+s17+$0x20 ss:$0x1], $0xffff;
	s17 =	sshra.s32 s19, $0x2;
	s19 =	sadd.s32 $0x200, s19  }
0x34: {  	_ =	sdelay $0x2  }
0x35: {  	[tilespmem:s18+$0xFFFFFFD0] =	vst v5  }
0x36: {  	v56 =	vld.idx.msk [tilespmem:v0+s17+$0x30 ss:$0x1], $0xffff;
	[tilespmem:s18+$0xFFFFFFE0] =	vst v4  }
0x37: {  	v57 =	vld.idx.msk [tilespmem:v0+s17+$0xFFFFFFC0 ss:$0x1], $0xffff;
	[tilespmem:s18+$0xFFFFFFF0] =	vst v3  }
0x38: {  	v58 =	vld.idx.msk [tilespmem:v0+s17+$0xFFFFFFD0 ss:$0x1], $0xffff;
	[tilespmem:s18+$0x0] =	vst v1  }
0x39: {  	v59 =	vld.idx.msk [tilespmem:v0+s17+$0xFFFFFFE0 ss:$0x1], $0xffff;
	[tilespmem:s18+$0x10] =	vst v2  }
0x3a: {  	v60 =	vld.idx.msk [tilespmem:v0+s17+$0xFFFFFFF0 ss:$0x1], $0xffff;
	s31 =	sadd.s32 $0x800, s18;
	[tilespmem:s18+$0x20] =	vst v6  }
0x3b: {  	v61 =	vld.idx.msk [tilespmem:v0+s17+$0x0 ss:$0x1], $0xffff;
	[tilespmem:s31+$0x30] =	vst v56  }
0x3c: {  	v62 =	vld.idx.msk [tilespmem:v0+s17+$0x10 ss:$0x1], $0xffff;
	s16 =	sadd.s32 $0x1, s16;
	[tilespmem:s31+$0xFFFFFFC0] =	vst v57  }
0x3d: {  	v63 =	vld.idx.msk [tilespmem:v0+s17+$0x20 ss:$0x1], $0xffff;
	p1 =	sne.s32 s16, $0x10;
	[tilespmem:s31+$0xFFFFFFD0] =	vst v58  }
.Ltmp4:
0x3e: {  	[tilespmem:s31+$0xFFFFFFE0] =	vst v59;
	(pc) =	sbr.rel @p1 .LBB1_3-.Ltmp4, $4  }
0x3f: {  	[tilespmem:s31+$0xFFFFFFF0] =	vst v60  }
0x40: {  	[tilespmem:s31+$0x0] =	vst v61  }
0x41: {  	[tilespmem:s31+$0x10] =	vst v62  }
0x42: {  	s13 =	sadd.s32 $0x80, s13;
	s15 =	sadd.s32 $0x400, s15;
	[tilespmem:s31+$0x20] =	vst v63  }
.Ltmp5:
0x43: {  	(pc) =	sbr.rel .LBB1_7-.Ltmp5, $4  }
0x44: {  	s12 =	sshll.u32 s12, $0x10;
	s11 =	sshll.u32 s11, $0x4  }
0x45: {  	s11 =	sand.u32 $0x1FF0, s11;
	s12 =	sadd.s32 s3, s12  }
0x46: {  	s11 =	sadd.s32 s11, s12  }
0x47: {  	[hbm4b:s11+s6] =	stream.strided.scatter [tilespmem:s14], [sflag:$0x2], $0x4000, s7, s6, $0x38;
	[tilespmem:$0x10000] =	vst v63  }
.LBB1_8:
0x48: {  	_ =	sfence.sel $0x180000  }
0x49: {  	s2 =	simm.s32 $0x1;
	[bflag:$0x0] =	sbarrier.arrive $0xFFFF  }
0x4a: {  	s31 =	simm.s32 $0x2;
	[sflag:s2] =	ssyncpa.u1 $0x1  }
0x4b: {  	[sflag:s31] =	ssyncpa.u1 $0x1  }
0x4c: {  	p0 =	sne.s32 s1, $0x0;
	_ =	strace $0x90000047  }
0x4d: {  	s0 =	sadd.s32 @!p0 $0x100000, s0;
	[bflag:$0x2] =	sbarrier.arrive $0xFFFF  }
0x4e: {  	[sflag:s0] =	ssyncadd.tile.s32 @!p0 $0x1;
	_ =	shalt  }
.Lfunc_end1:
_tile_overlayer_lowered:
.L_overlay_start_2:
0x4f: {  	(tag) =	ssettag $0x2  }
0x50: {  	s0 =	rddreg [dreg:$0x0];
	s2 =	stileid.u32  }
0x51: {  	s1 =	rddreg [dreg:$0x1];
	p0 =	sne.s32 s2, $0x0  }
0x52: {  	s3 =	rddreg [dreg:$0x2];
	[bflag:$0x3] =	sbarrier.arrive $0xFFFF;
	s2 =	simm.s32 @!p0 $0x1C01  }
0x53: {  	[timem:s3], [sflag:s2] =	dma.local @!p0 [hbm:s0], s1  }
0x54: {  	s0 =	simm.s32 @!p0 $0x1  }
0x55: {  	_ =	swait.ge @!p0 [sflag:s0], s1  }
0x56: {  	s1 =	ssub.s32 @!p0 $0x0, s1;
	[sflag:s0] =	ssyncset.done @!p0 $0x0  }
0x57: {  	[sflag:s0] =	ssyncadd.s32 @!p0 s1  }
0x58: {  	[bflag:$0x3] =	sbarrier.arrive $0xFFFF  }
0x59: {  	_ =	shalt  }

</sc_bundles>
